<compile_context>
chip_gen: v7x
topology: tpu7x:2x2x1
jax: 0.10.2.dev20260603
libtpu: 0.0.44.dev20260713+nightly
codegen_flags: <defaults>
</compile_context>

<pallas_src>
import functools

import jax
import jax.numpy as jnp
from jax import lax
from jax.experimental import pallas as pl
from jax.experimental.pallas import tpu as pltpu
from jax.experimental.pallas import tpu_sc as plsc

H = 2048
W = 2048
TABLE = 10000

_info = plsc.get_sparse_core_info()
NC = _info.num_cores
NS = _info.num_subcores
L = _info.num_lanes
NW = NC * NS
ROWS_W = H // NW
BR = 8
NBLK = ROWS_W // BR
GCOLS = 2
NPOS = [(u, g) for g in range(GCOLS) for u in range(BR)]
STEPS = W // (GCOLS * L)

_mesh = plsc.VectorSubcoreMesh(core_axis_name="c", subcore_axis_name="s")


@functools.partial(
    pl.kernel,
    mesh=_mesh,
    compiler_params=pltpu.CompilerParams(needs_layout_passes=False),
    out_type=jax.ShapeDtypeStruct((H, W), jnp.float32),
    scratch_types=[
        pltpu.VMEM((TABLE,), jnp.float32),
        pltpu.VMEM((2, BR, W), jnp.int32),
        pltpu.VMEM((2, BR, W), jnp.float32),
        pltpu.SemaphoreType.DMA,
        pltpu.SemaphoreType.DMA,
        pltpu.SemaphoreType.DMA,
        pltpu.SemaphoreType.DMA,
    ],
)
def _superpixel_gather(table_hbm, segm_hbm, out_hbm, table_v, idx_v, out_v,
                       sem_i0, sem_i1, sem_o0, sem_o1):
    sem_i = (sem_i0, sem_i1)
    sem_o = (sem_o0, sem_o1)
    wid = lax.axis_index("s") * NC + lax.axis_index("c")
    row0 = wid * ROWS_W

    def start_in(bi):
        r = row0 + bi * BR
        return pltpu.async_copy(
            segm_hbm.at[pl.ds(r, BR), :], idx_v.at[bi % 2], sem_i[bi % 2])

    def start_out(bi):
        r = row0 + bi * BR
        return pltpu.async_copy(
            out_v.at[bi % 2], out_hbm.at[pl.ds(r, BR), :], sem_o[bi % 2])

    in_copy = start_in(0)
    pltpu.sync_copy(table_hbm, table_v)
    out_copies = [None, None]
    for bi in range(NBLK):
        next_in = start_in(bi + 1) if bi + 1 < NBLK else None
        in_copy.wait()
        if out_copies[bi % 2] is not None:
            out_copies[bi % 2].wait()
        ib = idx_v.at[bi % 2]
        ob = out_v.at[bi % 2]

        @plsc.parallel_loop(0, STEPS, 1, unroll=2)
        def _gather_groups(i, ib=ib, ob=ob):
            vecs = [ib[u, pl.ds((i * GCOLS + g) * L, L)] for (u, g) in NPOS]
            vals = [plsc.load_gather(table_v, [v]) for v in vecs]
            for (u, g), val in zip(NPOS, vals):
                ob[u, pl.ds((i * GCOLS + g) * L, L)] = val
        out_copies[bi % 2] = start_out(bi)
        in_copy = next_in
    out_copies[0].wait()
    out_copies[1].wait()


def kernel(input, segm_img):
    return _superpixel_gather(input, segm_img)

# --- scband reference (transcript-rebuilt; emitter-appended) ---
"""Pipeline reference for scband-superpixel2-pixel-69088843924335 (READ-ONLY COPY).

The authoritative reference and input builder live on the scoring server;
editing this copy changes nothing except your own understanding.
"""

import jax, jax.numpy as jnp
import numpy as np

H, W, K = 2048, 2048, 10000

def setup_inputs(seed: int = 0) -> dict:
    key = jax.random.key(seed)
    k1, k2 = jax.random.split(key)
    segm_img = jax.random.randint(k1, (H, W), 0, K, dtype=jnp.int32)
    inp = jax.random.normal(k2, (K,), dtype=jnp.float32)
    return {"input": inp, "segm_img": segm_img}

def reference(input, segm_img):
    # pixelmask = input[segm_img.view(-1)].view(H, W)
    flat = segm_img.reshape(-1)
    pixelmask = jnp.take(input, flat, axis=0).reshape(segm_img.shape[0], segm_img.shape[1])
    return pixelmask

if __name__ == "__main__":
    import jax
    _d = setup_inputs()
    print(jax.jit(kernel)(*tuple(_d.values())))

</pallas_src>

<mosaic_0001>
#map = affine_map<(d0, d1) -> (0)>
#map1 = affine_map<(d0, d1) -> (0, 0)>
module attributes {stable_mosaic.version = 14 : i64} {
  func.func @_superpixel_gather(%arg0: i32, %arg1: i32, %arg2: memref<10000xf32, #tpu.memory_space<hbm>>, %arg3: memref<2048x2048xi32, #tpu.memory_space<hbm>>, %arg4: memref<2048x2048xf32, #tpu.memory_space<hbm>>, %arg5: memref<10000xf32, #tpu.memory_space<vmem>>, %arg6: memref<2x8x2048xi32, #tpu.memory_space<vmem>>, %arg7: memref<2x8x2048xf32, #tpu.memory_space<vmem>>, %arg8: memref<!tpu.dma_semaphore, #tpu.memory_space<semaphore_mem>>, %arg9: memref<!tpu.dma_semaphore, #tpu.memory_space<semaphore_mem>>, %arg10: memref<!tpu.dma_semaphore, #tpu.memory_space<semaphore_mem>>, %arg11: memref<!tpu.dma_semaphore, #tpu.memory_space<semaphore_mem>>) attributes {dimension_semantics = [#tpu.dimension_semantics<core_parallel>, #tpu.dimension_semantics<subcore_parallel>], iteration_bounds = array<i64: 2, 16>, scalar_prefetch = 0 : i64, scratch_operands = 7 : i64, tpu.core_type = #tpu.core_type<sc_vector_subcore>, window_params = [{transform_indices = #map}, {transform_indices = #map1}, {transform_indices = #map1}]} {
    %mul3A = arith.constant 2 : i32
    %mul3A_0 = arith.muli %arg1, %mul3A : i32
    %add3A = arith.addi %mul3A_0, %arg0 : i32
    %mul3A_1 = arith.constant 64 : i32
    %mul3A_2 = arith.muli %add3A, %mul3A_1 : i32
    %add3A_3 = arith.constant 0 : i32
    %add3A_4 = arith.addi %mul3A_2, %add3A_3 : i32
    %dma_start3A = arith.constant 0 : i32
    %dma_start3A_5 = arith.constant 0 : i32
    %dma_start3A_6 = arith.constant 0 : i32
    %dma_start3A_7 = tpu.memref_slice %arg6[%dma_start3A, %dma_start3A_5, %dma_start3A_6] : memref<2x8x2048xi32, #tpu.memory_space<vmem>> -> memref<1x8x2048xi32, #tpu.memory_space<vmem>>
    %dma_start3A_8 = tpu.memref_squeeze %dma_start3A_7 : memref<1x8x2048xi32, #tpu.memory_space<vmem>> -> memref<8x2048xi32, #tpu.memory_space<vmem>>
    %dma_start3A_9 = arith.constant 0 : i32
    %dma_start3A_10 = tpu.memref_slice %arg3[%add3A_4, %dma_start3A_9] : memref<2048x2048xi32, #tpu.memory_space<hbm>> -> memref<8x2048xi32, #tpu.memory_space<hbm>>
    %dma_start3A_11 = arith.constant 0 : i32
    %dma_start3A_12 = arith.constant 0 : i32
    %dma_start3A_13 = tpu.memref_slice %arg6[%dma_start3A, %dma_start3A_11, %dma_start3A_12] : memref<2x8x2048xi32, #tpu.memory_space<vmem>> -> memref<1x8x2048xi32, #tpu.memory_space<vmem>>
    %dma_start3A_14 = tpu.memref_squeeze %dma_start3A_13 : memref<1x8x2048xi32, #tpu.memory_space<vmem>> -> memref<8x2048xi32, #tpu.memory_space<vmem>>
    %dma_start3A_15 = arith.constant 0 : i32
    %dma_start3A_16 = tpu.memref_slice %arg3[%add3A_4, %dma_start3A_15] : memref<2048x2048xi32, #tpu.memory_space<hbm>> -> memref<8x2048xi32, #tpu.memory_space<hbm>>
    tpu.enqueue_dma source(%dma_start3A_16 : memref<8x2048xi32, #tpu.memory_space<hbm>>) target(%dma_start3A_14 : memref<8x2048xi32, #tpu.memory_space<vmem>>) target_semaphore(%arg8 : memref<!tpu.dma_semaphore, #tpu.memory_space<semaphore_mem>>)
    "tpu.region"() ({
      %run_scoped3A = tpu.sem_alloc : memref<!tpu.dma_semaphore, #tpu.memory_space<semaphore_mem>>
      tpu.enqueue_dma source(%arg2 : memref<10000xf32, #tpu.memory_space<hbm>>) target(%arg5 : memref<10000xf32, #tpu.memory_space<vmem>>) target_semaphore(%run_scoped3A : memref<!tpu.dma_semaphore, #tpu.memory_space<semaphore_mem>>)
      tpu.wait_dma2 semaphore(%run_scoped3A : memref<!tpu.dma_semaphore, #tpu.memory_space<semaphore_mem>>) src(%arg2 : memref<10000xf32, #tpu.memory_space<hbm>>) dst(%arg5 : memref<10000xf32, #tpu.memory_space<vmem>>)
      tpu.yield
    }) : () -> ()
    %add3A_17 = arith.constant 8 : i32
    %add3A_18 = arith.addi %mul3A_2, %add3A_17 : i32
    %dma_start3A_19 = arith.constant 1 : i32
    %dma_start3A_20 = arith.constant 0 : i32
    %dma_start3A_21 = arith.constant 0 : i32
    %dma_start3A_22 = tpu.memref_slice %arg6[%dma_start3A_19, %dma_start3A_20, %dma_start3A_21] : memref<2x8x2048xi32, #tpu.memory_space<vmem>> -> memref<1x8x2048xi32, #tpu.memory_space<vmem>>
    %dma_start3A_23 = tpu.memref_squeeze %dma_start3A_22 : memref<1x8x2048xi32, #tpu.memory_space<vmem>> -> memref<8x2048xi32, #tpu.memory_space<vmem>>
    %dma_start3A_24 = arith.constant 0 : i32
    %dma_start3A_25 = tpu.memref_slice %arg3[%add3A_18, %dma_start3A_24] : memref<2048x2048xi32, #tpu.memory_space<hbm>> -> memref<8x2048xi32, #tpu.memory_space<hbm>>
    %dma_start3A_26 = arith.constant 0 : i32
    %dma_start3A_27 = arith.constant 0 : i32
    %dma_start3A_28 = tpu.memref_slice %arg6[%dma_start3A_19, %dma_start3A_26, %dma_start3A_27] : memref<2x8x2048xi32, #tpu.memory_space<vmem>> -> memref<1x8x2048xi32, #tpu.memory_space<vmem>>
    %dma_start3A_29 = tpu.memref_squeeze %dma_start3A_28 : memref<1x8x2048xi32, #tpu.memory_space<vmem>> -> memref<8x2048xi32, #tpu.memory_space<vmem>>
    %dma_start3A_30 = arith.constant 0 : i32
    %dma_start3A_31 = tpu.memref_slice %arg3[%add3A_18, %dma_start3A_30] : memref<2048x2048xi32, #tpu.memory_space<hbm>> -> memref<8x2048xi32, #tpu.memory_space<hbm>>
    tpu.enqueue_dma source(%dma_start3A_31 : memref<8x2048xi32, #tpu.memory_space<hbm>>) target(%dma_start3A_29 : memref<8x2048xi32, #tpu.memory_space<vmem>>) target_semaphore(%arg9 : memref<!tpu.dma_semaphore, #tpu.memory_space<semaphore_mem>>)
    %dma_wait3A = arith.constant 0 : i32
    %dma_wait3A_32 = arith.constant 0 : i32
    %dma_wait3A_33 = arith.constant 0 : i32
    %dma_wait3A_34 = tpu.memref_slice %arg6[%dma_wait3A, %dma_wait3A_32, %dma_wait3A_33] : memref<2x8x2048xi32, #tpu.memory_space<vmem>> -> memref<1x8x2048xi32, #tpu.memory_space<vmem>>
    %dma_wait3A_35 = tpu.memref_squeeze %dma_wait3A_34 : memref<1x8x2048xi32, #tpu.memory_space<vmem>> -> memref<8x2048xi32, #tpu.memory_space<vmem>>
    %dma_wait3A_36 = arith.constant 0 : i32
    %dma_wait3A_37 = tpu.memref_slice %arg3[%add3A_4, %dma_wait3A_36] : memref<2048x2048xi32, #tpu.memory_space<hbm>> -> memref<8x2048xi32, #tpu.memory_space<hbm>>
    %dma_wait3A_38 = arith.constant 0 : i32
    %dma_wait3A_39 = arith.constant 0 : i32
    %dma_wait3A_40 = tpu.memref_slice %arg6[%dma_wait3A, %dma_wait3A_38, %dma_wait3A_39] : memref<2x8x2048xi32, #tpu.memory_space<vmem>> -> memref<1x8x2048xi32, #tpu.memory_space<vmem>>
    %dma_wait3A_41 = tpu.memref_squeeze %dma_wait3A_40 : memref<1x8x2048xi32, #tpu.memory_space<vmem>> -> memref<8x2048xi32, #tpu.memory_space<vmem>>
    %dma_wait3A_42 = arith.constant 0 : i32
    %dma_wait3A_43 = tpu.memref_slice %arg3[%add3A_4, %dma_wait3A_42] : memref<2048x2048xi32, #tpu.memory_space<hbm>> -> memref<8x2048xi32, #tpu.memory_space<hbm>>
    tpu.wait_dma2 semaphore(%arg8 : memref<!tpu.dma_semaphore, #tpu.memory_space<semaphore_mem>>) src(%dma_wait3A_43 : memref<8x2048xi32, #tpu.memory_space<hbm>>) dst(%dma_wait3A_41 : memref<8x2048xi32, #tpu.memory_space<vmem>>)
    %parallel_loop3A = arith.constant 0 : i32
    %parallel_loop3A_44 = arith.constant 64 : i32
    %parallel_loop3A_45 = arith.constant 1 : i32
    %parallel_loop3A_46 = arith.constant 0 : i32
    %parallel_loop3A_47 = arith.constant 0 : i32
    scf.for %parallel_loop3A_488 = %parallel_loop3A to %parallel_loop3A_44 step %parallel_loop3A_45  : i32 {
      %parallel_loop3A_489 = arith.constant 2 : i32
      %parallel_loop3A_490 = arith.muli %parallel_loop3A_488, %parallel_loop3A_489 : i32
      %parallel_loop3A_491 = arith.constant 0 : i32
      %parallel_loop3A_492 = arith.addi %parallel_loop3A_490, %parallel_loop3A_491 : i32
      %parallel_loop3A_493 = arith.constant 16 : i32
      %parallel_loop3A_494 = arith.muli %parallel_loop3A_492, %parallel_loop3A_493 : i32
      %parallel_loop3A_495 = arith.constant 0 : i32
      %parallel_loop3A_496 = arith.constant 0 : i32
      %parallel_loop3A_497 = arith.constant 0 : i32
      %parallel_loop3A_498 = tpu.memref_slice %arg6[%parallel_loop3A_46, %parallel_loop3A_496, %parallel_loop3A_497] : memref<2x8x2048xi32, #tpu.memory_space<vmem>> -> memref<1x8x2048xi32, #tpu.memory_space<vmem>>
      %parallel_loop3A_499 = tpu.memref_squeeze %parallel_loop3A_498 : memref<1x8x2048xi32, #tpu.memory_space<vmem>> -> memref<8x2048xi32, #tpu.memory_space<vmem>>
      %parallel_loop3A_500 = arith.index_cast %parallel_loop3A_495 : i32 to index
      %parallel_loop3A_501 = arith.index_cast %parallel_loop3A_494 : i32 to index
      %parallel_loop3A_502 = tpu.vector_load %parallel_loop3A_499[%parallel_loop3A_500, %parallel_loop3A_501] {strides = array<i32>} : memref<8x2048xi32, #tpu.memory_space<vmem>>, vector<16xi32>,
      %parallel_loop3A_503 = arith.constant 2 : i32
      %parallel_loop3A_504 = arith.muli %parallel_loop3A_488, %parallel_loop3A_503 : i32
      %parallel_loop3A_505 = arith.constant 0 : i32
      %parallel_loop3A_506 = arith.addi %parallel_loop3A_504, %parallel_loop3A_505 : i32
      %parallel_loop3A_507 = arith.constant 16 : i32
      %parallel_loop3A_508 = arith.muli %parallel_loop3A_506, %parallel_loop3A_507 : i32
      %parallel_loop3A_509 = arith.constant 1 : i32
      %parallel_loop3A_510 = arith.constant 0 : i32
      %parallel_loop3A_511 = arith.constant 0 : i32
      %parallel_loop3A_512 = tpu.memref_slice %arg6[%parallel_loop3A_46, %parallel_loop3A_510, %parallel_loop3A_511] : memref<2x8x2048xi32, #tpu.memory_space<vmem>> -> memref<1x8x2048xi32, #tpu.memory_space<vmem>>
      %parallel_loop3A_513 = tpu.memref_squeeze %parallel_loop3A_512 : memref<1x8x2048xi32, #tpu.memory_space<vmem>> -> memref<8x2048xi32, #tpu.memory_space<vmem>>
      %parallel_loop3A_514 = arith.index_cast %parallel_loop3A_509 : i32 to index
      %parallel_loop3A_515 = arith.index_cast %parallel_loop3A_508 : i32 to index
      %parallel_loop3A_516 = tpu.vector_load %parallel_loop3A_513[%parallel_loop3A_514, %parallel_loop3A_515] {strides = array<i32>} : memref<8x2048xi32, #tpu.memory_space<vmem>>, vector<16xi32>,
      %parallel_loop3A_517 = arith.constant 2 : i32
      %parallel_loop3A_518 = arith.muli %parallel_loop3A_488, %parallel_loop3A_517 : i32
      %parallel_loop3A_519 = arith.constant 0 : i32
      %parallel_loop3A_520 = arith.addi %parallel_loop3A_518, %parallel_loop3A_519 : i32
      %parallel_loop3A_521 = arith.constant 16 : i32
      %parallel_loop3A_522 = arith.muli %parallel_loop3A_520, %parallel_loop3A_521 : i32
      %parallel_loop3A_523 = arith.constant 2 : i32
      %parallel_loop3A_524 = arith.constant 0 : i32
      %parallel_loop3A_525 = arith.constant 0 : i32
      %parallel_loop3A_526 = tpu.memref_slice %arg6[%parallel_loop3A_46, %parallel_loop3A_524, %parallel_loop3A_525] : memref<2x8x2048xi32, #tpu.memory_space<vmem>> -> memref<1x8x2048xi32, #tpu.memory_space<vmem>>
      %parallel_loop3A_527 = tpu.memref_squeeze %parallel_loop3A_526 : memref<1x8x2048xi32, #tpu.memory_space<vmem>> -> memref<8x2048xi32, #tpu.memory_space<vmem>>
      %parallel_loop3A_528 = arith.index_cast %parallel_loop3A_523 : i32 to index
      %parallel_loop3A_529 = arith.index_cast %parallel_loop3A_522 : i32 to index
      %parallel_loop3A_530 = tpu.vector_load %parallel_loop3A_527[%parallel_loop3A_528, %parallel_loop3A_529] {strides = array<i32>} : memref<8x2048xi32, #tpu.memory_space<vmem>>, vector<16xi32>,
      %parallel_loop3A_531 = arith.constant 2 : i32
      %parallel_loop3A_532 = arith.muli %parallel_loop3A_488, %parallel_loop3A_531 : i32
      %parallel_loop3A_533 = arith.constant 0 : i32
      %parallel_loop3A_534 = arith.addi %parallel_loop3A_532, %parallel_loop3A_533 : i32
      %parallel_loop3A_535 = arith.constant 16 : i32
      %parallel_loop3A_536 = arith.muli %parallel_loop3A_534, %parallel_loop3A_535 : i32
      %parallel_loop3A_537 = arith.constant 3 : i32
      %parallel_loop3A_538 = arith.constant 0 : i32
      %parallel_loop3A_539 = arith.constant 0 : i32
      %parallel_loop3A_540 = tpu.memref_slice %arg6[%parallel_loop3A_46, %parallel_loop3A_538, %parallel_loop3A_539] : memref<2x8x2048xi32, #tpu.memory_space<vmem>> -> memref<1x8x2048xi32, #tpu.memory_space<vmem>>
      %parallel_loop3A_541 = tpu.memref_squeeze %parallel_loop3A_540 : memref<1x8x2048xi32, #tpu.memory_space<vmem>> -> memref<8x2048xi32, #tpu.memory_space<vmem>>
      %parallel_loop3A_542 = arith.index_cast %parallel_loop3A_537 : i32 to index
      %parallel_loop3A_543 = arith.index_cast %parallel_loop3A_536 : i32 to index
      %parallel_loop3A_544 = tpu.vector_load %parallel_loop3A_541[%parallel_loop3A_542, %parallel_loop3A_543] {strides = array<i32>} : memref<8x2048xi32, #tpu.memory_space<vmem>>, vector<16xi32>,
      %parallel_loop3A_545 = arith.constant 2 : i32
      %parallel_loop3A_546 = arith.muli %parallel_loop3A_488, %parallel_loop3A_545 : i32
      %parallel_loop3A_547 = arith.constant 0 : i32
      %parallel_loop3A_548 = arith.addi %parallel_loop3A_546, %parallel_loop3A_547 : i32
      %parallel_loop3A_549 = arith.constant 16 : i32
      %parallel_loop3A_550 = arith.muli %parallel_loop3A_548, %parallel_loop3A_549 : i32
      %parallel_loop3A_551 = arith.constant 4 : i32
      %parallel_loop3A_552 = arith.constant 0 : i32
      %parallel_loop3A_553 = arith.constant 0 : i32
      %parallel_loop3A_554 = tpu.memref_slice %arg6[%parallel_loop3A_46, %parallel_loop3A_552, %parallel_loop3A_553] : memref<2x8x2048xi32, #tpu.memory_space<vmem>> -> memref<1x8x2048xi32, #tpu.memory_space<vmem>>
      %parallel_loop3A_555 = tpu.memref_squeeze %parallel_loop3A_554 : memref<1x8x2048xi32, #tpu.memory_space<vmem>> -> memref<8x2048xi32, #tpu.memory_space<vmem>>
      %parallel_loop3A_556 = arith.index_cast %parallel_loop3A_551 : i32 to index
      %parallel_loop3A_557 = arith.index_cast %parallel_loop3A_550 : i32 to index
      %parallel_loop3A_558 = tpu.vector_load %parallel_loop3A_555[%parallel_loop3A_556, %parallel_loop3A_557] {strides = array<i32>} : memref<8x2048xi32, #tpu.memory_space<vmem>>, vector<16xi32>,
      %parallel_loop3A_559 = arith.constant 2 : i32
      %parallel_loop3A_560 = arith.muli %parallel_loop3A_488, %parallel_loop3A_559 : i32
      %parallel_loop3A_561 = arith.constant 0 : i32
      %parallel_loop3A_562 = arith.addi %parallel_loop3A_560, %parallel_loop3A_561 : i32
      %parallel_loop3A_563 = arith.constant 16 : i32
      %parallel_loop3A_564 = arith.muli %parallel_loop3A_562, %parallel_loop3A_563 : i32
      %parallel_loop3A_565 = arith.constant 5 : i32
      %parallel_loop3A_566 = arith.constant 0 : i32
      %parallel_loop3A_567 = arith.constant 0 : i32
      %parallel_loop3A_568 = tpu.memref_slice %arg6[%parallel_loop3A_46, %parallel_loop3A_566, %parallel_loop3A_567] : memref<2x8x2048xi32, #tpu.memory_space<vmem>> -> memref<1x8x2048xi32, #tpu.memory_space<vmem>>
      %parallel_loop3A_569 = tpu.memref_squeeze %parallel_loop3A_568 : memref<1x8x2048xi32, #tpu.memory_space<vmem>> -> memref<8x2048xi32, #tpu.memory_space<vmem>>
      %parallel_loop3A_570 = arith.index_cast %parallel_loop3A_565 : i32 to index
      %parallel_loop3A_571 = arith.index_cast %parallel_loop3A_564 : i32 to index
      %parallel_loop3A_572 = tpu.vector_load %parallel_loop3A_569[%parallel_loop3A_570, %parallel_loop3A_571] {strides = array<i32>} : memref<8x2048xi32, #tpu.memory_space<vmem>>, vector<16xi32>,
      %parallel_loop3A_573 = arith.constant 2 : i32
      %parallel_loop3A_574 = arith.muli %parallel_loop3A_488, %parallel_loop3A_573 : i32
      %parallel_loop3A_575 = arith.constant 0 : i32
      %parallel_loop3A_576 = arith.addi %parallel_loop3A_574, %parallel_loop3A_575 : i32
      %parallel_loop3A_577 = arith.constant 16 : i32
      %parallel_loop3A_578 = arith.muli %parallel_loop3A_576, %parallel_loop3A_577 : i32
      %parallel_loop3A_579 = arith.constant 6 : i32
      %parallel_loop3A_580 = arith.constant 0 : i32
      %parallel_loop3A_581 = arith.constant 0 : i32
      %parallel_loop3A_582 = tpu.memref_slice %arg6[%parallel_loop3A_46, %parallel_loop3A_580, %parallel_loop3A_581] : memref<2x8x2048xi32, #tpu.memory_space<vmem>> -> memref<1x8x2048xi32, #tpu.memory_space<vmem>>
      %parallel_loop3A_583 = tpu.memref_squeeze %parallel_loop3A_582 : memref<1x8x2048xi32, #tpu.memory_space<vmem>> -> memref<8x2048xi32, #tpu.memory_space<vmem>>
      %parallel_loop3A_584 = arith.index_cast %parallel_loop3A_579 : i32 to index
      %parallel_loop3A_585 = arith.index_cast %parallel_loop3A_578 : i32 to index
      %parallel_loop3A_586 = tpu.vector_load %parallel_loop3A_583[%parallel_loop3A_584, %parallel_loop3A_585] {strides = array<i32>} : memref<8x2048xi32, #tpu.memory_space<vmem>>, vector<16xi32>,
      %parallel_loop3A_587 = arith.constant 2 : i32
      %parallel_loop3A_588 = arith.muli %parallel_loop3A_488, %parallel_loop3A_587 : i32
      %parallel_loop3A_589 = arith.constant 0 : i32
      %parallel_loop3A_590 = arith.addi %parallel_loop3A_588, %parallel_loop3A_589 : i32
      %parallel_loop3A_591 = arith.constant 16 : i32
      %parallel_loop3A_592 = arith.muli %parallel_loop3A_590, %parallel_loop3A_591 : i32
      %parallel_loop3A_593 = arith.constant 7 : i32
      %parallel_loop3A_594 = arith.constant 0 : i32
      %parallel_loop3A_595 = arith.constant 0 : i32
      %parallel_loop3A_596 = tpu.memref_slice %arg6[%parallel_loop3A_46, %parallel_loop3A_594, %parallel_loop3A_595] : memref<2x8x2048xi32, #tpu.memory_space<vmem>> -> memref<1x8x2048xi32, #tpu.memory_space<vmem>>
      %parallel_loop3A_597 = tpu.memref_squeeze %parallel_loop3A_596 : memref<1x8x2048xi32, #tpu.memory_space<vmem>> -> memref<8x2048xi32, #tpu.memory_space<vmem>>
      %parallel_loop3A_598 = arith.index_cast %parallel_loop3A_593 : i32 to index
      %parallel_loop3A_599 = arith.index_cast %parallel_loop3A_592 : i32 to index
      %parallel_loop3A_600 = tpu.vector_load %parallel_loop3A_597[%parallel_loop3A_598, %parallel_loop3A_599] {strides = array<i32>} : memref<8x2048xi32, #tpu.memory_space<vmem>>, vector<16xi32>,
      %parallel_loop3A_601 = arith.constant 2 : i32
      %parallel_loop3A_602 = arith.muli %parallel_loop3A_488, %parallel_loop3A_601 : i32
      %parallel_loop3A_603 = arith.constant 1 : i32
      %parallel_loop3A_604 = arith.addi %parallel_loop3A_602, %parallel_loop3A_603 : i32
      %parallel_loop3A_605 = arith.constant 16 : i32
      %parallel_loop3A_606 = arith.muli %parallel_loop3A_604, %parallel_loop3A_605 : i32
      %parallel_loop3A_607 = arith.constant 0 : i32
      %parallel_loop3A_608 = arith.constant 0 : i32
      %parallel_loop3A_609 = arith.constant 0 : i32
      %parallel_loop3A_610 = tpu.memref_slice %arg6[%parallel_loop3A_46, %parallel_loop3A_608, %parallel_loop3A_609] : memref<2x8x2048xi32, #tpu.memory_space<vmem>> -> memref<1x8x2048xi32, #tpu.memory_space<vmem>>
      %parallel_loop3A_611 = tpu.memref_squeeze %parallel_loop3A_610 : memref<1x8x2048xi32, #tpu.memory_space<vmem>> -> memref<8x2048xi32, #tpu.memory_space<vmem>>
      %parallel_loop3A_612 = arith.index_cast %parallel_loop3A_607 : i32 to index
      %parallel_loop3A_613 = arith.index_cast %parallel_loop3A_606 : i32 to index
      %parallel_loop3A_614 = tpu.vector_load %parallel_loop3A_611[%parallel_loop3A_612, %parallel_loop3A_613] {strides = array<i32>} : memref<8x2048xi32, #tpu.memory_space<vmem>>, vector<16xi32>,
      %parallel_loop3A_615 = arith.constant 2 : i32
      %parallel_loop3A_616 = arith.muli %parallel_loop3A_488, %parallel_loop3A_615 : i32
      %parallel_loop3A_617 = arith.constant 1 : i32
      %parallel_loop3A_618 = arith.addi %parallel_loop3A_616, %parallel_loop3A_617 : i32
      %parallel_loop3A_619 = arith.constant 16 : i32
      %parallel_loop3A_620 = arith.muli %parallel_loop3A_618, %parallel_loop3A_619 : i32
      %parallel_loop3A_621 = arith.constant 1 : i32
      %parallel_loop3A_622 = arith.constant 0 : i32
      %parallel_loop3A_623 = arith.constant 0 : i32
      %parallel_loop3A_624 = tpu.memref_slice %arg6[%parallel_loop3A_46, %parallel_loop3A_622, %parallel_loop3A_623] : memref<2x8x2048xi32, #tpu.memory_space<vmem>> -> memref<1x8x2048xi32, #tpu.memory_space<vmem>>
      %parallel_loop3A_625 = tpu.memref_squeeze %parallel_loop3A_624 : memref<1x8x2048xi32, #tpu.memory_space<vmem>> -> memref<8x2048xi32, #tpu.memory_space<vmem>>
      %parallel_loop3A_626 = arith.index_cast %parallel_loop3A_621 : i32 to index
      %parallel_loop3A_627 = arith.index_cast %parallel_loop3A_620 : i32 to index
      %parallel_loop3A_628 = tpu.vector_load %parallel_loop3A_625[%parallel_loop3A_626, %parallel_loop3A_627] {strides = array<i32>} : memref<8x2048xi32, #tpu.memory_space<vmem>>, vector<16xi32>,
      %parallel_loop3A_629 = arith.constant 2 : i32
      %parallel_loop3A_630 = arith.muli %parallel_loop3A_488, %parallel_loop3A_629 : i32
      %parallel_loop3A_631 = arith.constant 1 : i32
      %parallel_loop3A_632 = arith.addi %parallel_loop3A_630, %parallel_loop3A_631 : i32
      %parallel_loop3A_633 = arith.constant 16 : i32
      %parallel_loop3A_634 = arith.muli %parallel_loop3A_632, %parallel_loop3A_633 : i32
      %parallel_loop3A_635 = arith.constant 2 : i32
      %parallel_loop3A_636 = arith.constant 0 : i32
      %parallel_loop3A_637 = arith.constant 0 : i32
      %parallel_loop3A_638 = tpu.memref_slice %arg6[%parallel_loop3A_46, %parallel_loop3A_636, %parallel_loop3A_637] : memref<2x8x2048xi32, #tpu.memory_space<vmem>> -> memref<1x8x2048xi32, #tpu.memory_space<vmem>>
      %parallel_loop3A_639 = tpu.memref_squeeze %parallel_loop3A_638 : memref<1x8x2048xi32, #tpu.memory_space<vmem>> -> memref<8x2048xi32, #tpu.memory_space<vmem>>
      %parallel_loop3A_640 = arith.index_cast %parallel_loop3A_635 : i32 to index
      %parallel_loop3A_641 = arith.index_cast %parallel_loop3A_634 : i32 to index
      %parallel_loop3A_642 = tpu.vector_load %parallel_loop3A_639[%parallel_loop3A_640, %parallel_loop3A_641] {strides = array<i32>} : memref<8x2048xi32, #tpu.memory_space<vmem>>, vector<16xi32>,
      %parallel_loop3A_643 = arith.constant 2 : i32
      %parallel_loop3A_644 = arith.muli %parallel_loop3A_488, %parallel_loop3A_643 : i32
      %parallel_loop3A_645 = arith.constant 1 : i32
      %parallel_loop3A_646 = arith.addi %parallel_loop3A_644, %parallel_loop3A_645 : i32
      %parallel_loop3A_647 = arith.constant 16 : i32
      %parallel_loop3A_648 = arith.muli %parallel_loop3A_646, %parallel_loop3A_647 : i32
      %parallel_loop3A_649 = arith.constant 3 : i32
      %parallel_loop3A_650 = arith.constant 0 : i32
      %parallel_loop3A_651 = arith.constant 0 : i32
      %parallel_loop3A_652 = tpu.memref_slice %arg6[%parallel_loop3A_46, %parallel_loop3A_650, %parallel_loop3A_651] : memref<2x8x2048xi32, #tpu.memory_space<vmem>> -> memref<1x8x2048xi32, #tpu.memory_space<vmem>>
      %parallel_loop3A_653 = tpu.memref_squeeze %parallel_loop3A_652 : memref<1x8x2048xi32, #tpu.memory_space<vmem>> -> memref<8x2048xi32, #tpu.memory_space<vmem>>
      %parallel_loop3A_654 = arith.index_cast %parallel_loop3A_649 : i32 to index
      %parallel_loop3A_655 = arith.index_cast %parallel_loop3A_648 : i32 to index
      %parallel_loop3A_656 = tpu.vector_load %parallel_loop3A_653[%parallel_loop3A_654, %parallel_loop3A_655] {strides = array<i32>} : memref<8x2048xi32, #tpu.memory_space<vmem>>, vector<16xi32>,
      %parallel_loop3A_657 = arith.constant 2 : i32
      %parallel_loop3A_658 = arith.muli %parallel_loop3A_488, %parallel_loop3A_657 : i32
      %parallel_loop3A_659 = arith.constant 1 : i32
      %parallel_loop3A_660 = arith.addi %parallel_loop3A_658, %parallel_loop3A_659 : i32
      %parallel_loop3A_661 = arith.constant 16 : i32
      %parallel_loop3A_662 = arith.muli %parallel_loop3A_660, %parallel_loop3A_661 : i32
      %parallel_loop3A_663 = arith.constant 4 : i32
      %parallel_loop3A_664 = arith.constant 0 : i32
      %parallel_loop3A_665 = arith.constant 0 : i32
      %parallel_loop3A_666 = tpu.memref_slice %arg6[%parallel_loop3A_46, %parallel_loop3A_664, %parallel_loop3A_665] : memref<2x8x2048xi32, #tpu.memory_space<vmem>> -> memref<1x8x2048xi32, #tpu.memory_space<vmem>>
      %parallel_loop3A_667 = tpu.memref_squeeze %parallel_loop3A_666 : memref<1x8x2048xi32, #tpu.memory_space<vmem>> -> memref<8x2048xi32, #tpu.memory_space<vmem>>
      %parallel_loop3A_668 = arith.index_cast %parallel_loop3A_663 : i32 to index
      %parallel_loop3A_669 = arith.index_cast %parallel_loop3A_662 : i32 to index
      %parallel_loop3A_670 = tpu.vector_load %parallel_loop3A_667[%parallel_loop3A_668, %parallel_loop3A_669] {strides = array<i32>} : memref<8x2048xi32, #tpu.memory_space<vmem>>, vector<16xi32>,
      %parallel_loop3A_671 = arith.constant 2 : i32
      %parallel_loop3A_672 = arith.muli %parallel_loop3A_488, %parallel_loop3A_671 : i32
      %parallel_loop3A_673 = arith.constant 1 : i32
      %parallel_loop3A_674 = arith.addi %parallel_loop3A_672, %parallel_loop3A_673 : i32
      %parallel_loop3A_675 = arith.constant 16 : i32
      %parallel_loop3A_676 = arith.muli %parallel_loop3A_674, %parallel_loop3A_675 : i32
      %parallel_loop3A_677 = arith.constant 5 : i32
      %parallel_loop3A_678 = arith.constant 0 : i32
      %parallel_loop3A_679 = arith.constant 0 : i32
      %parallel_loop3A_680 = tpu.memref_slice %arg6[%parallel_loop3A_46, %parallel_loop3A_678, %parallel_loop3A_679] : memref<2x8x2048xi32, #tpu.memory_space<vmem>> -> memref<1x8x2048xi32, #tpu.memory_space<vmem>>
      %parallel_loop3A_681 = tpu.memref_squeeze %parallel_loop3A_680 : memref<1x8x2048xi32, #tpu.memory_space<vmem>> -> memref<8x2048xi32, #tpu.memory_space<vmem>>
      %parallel_loop3A_682 = arith.index_cast %parallel_loop3A_677 : i32 to index
      %parallel_loop3A_683 = arith.index_cast %parallel_loop3A_676 : i32 to index
      %parallel_loop3A_684 = tpu.vector_load %parallel_loop3A_681[%parallel_loop3A_682, %parallel_loop3A_683] {strides = array<i32>} : memref<8x2048xi32, #tpu.memory_space<vmem>>, vector<16xi32>,
      %parallel_loop3A_685 = arith.constant 2 : i32
      %parallel_loop3A_686 = arith.muli %parallel_loop3A_488, %parallel_loop3A_685 : i32
      %parallel_loop3A_687 = arith.constant 1 : i32
      %parallel_loop3A_688 = arith.addi %parallel_loop3A_686, %parallel_loop3A_687 : i32
      %parallel_loop3A_689 = arith.constant 16 : i32
      %parallel_loop3A_690 = arith.muli %parallel_loop3A_688, %parallel_loop3A_689 : i32
      %parallel_loop3A_691 = arith.constant 6 : i32
      %parallel_loop3A_692 = arith.constant 0 : i32
      %parallel_loop3A_693 = arith.constant 0 : i32
      %parallel_loop3A_694 = tpu.memref_slice %arg6[%parallel_loop3A_46, %parallel_loop3A_692, %parallel_loop3A_693] : memref<2x8x2048xi32, #tpu.memory_space<vmem>> -> memref<1x8x2048xi32, #tpu.memory_space<vmem>>
      %parallel_loop3A_695 = tpu.memref_squeeze %parallel_loop3A_694 : memref<1x8x2048xi32, #tpu.memory_space<vmem>> -> memref<8x2048xi32, #tpu.memory_space<vmem>>
      %parallel_loop3A_696 = arith.index_cast %parallel_loop3A_691 : i32 to index
      %parallel_loop3A_697 = arith.index_cast %parallel_loop3A_690 : i32 to index
      %parallel_loop3A_698 = tpu.vector_load %parallel_loop3A_695[%parallel_loop3A_696, %parallel_loop3A_697] {strides = array<i32>} : memref<8x2048xi32, #tpu.memory_space<vmem>>, vector<16xi32>,
      %parallel_loop3A_699 = arith.constant 2 : i32
      %parallel_loop3A_700 = arith.muli %parallel_loop3A_488, %parallel_loop3A_699 : i32
      %parallel_loop3A_701 = arith.constant 1 : i32
      %parallel_loop3A_702 = arith.addi %parallel_loop3A_700, %parallel_loop3A_701 : i32
      %parallel_loop3A_703 = arith.constant 16 : i32
      %parallel_loop3A_704 = arith.muli %parallel_loop3A_702, %parallel_loop3A_703 : i32
      %parallel_loop3A_705 = arith.constant 7 : i32
      %parallel_loop3A_706 = arith.constant 0 : i32
      %parallel_loop3A_707 = arith.constant 0 : i32
      %parallel_loop3A_708 = tpu.memref_slice %arg6[%parallel_loop3A_46, %parallel_loop3A_706, %parallel_loop3A_707] : memref<2x8x2048xi32, #tpu.memory_space<vmem>> -> memref<1x8x2048xi32, #tpu.memory_space<vmem>>
      %parallel_loop3A_709 = tpu.memref_squeeze %parallel_loop3A_708 : memref<1x8x2048xi32, #tpu.memory_space<vmem>> -> memref<8x2048xi32, #tpu.memory_space<vmem>>
      %parallel_loop3A_710 = arith.index_cast %parallel_loop3A_705 : i32 to index
      %parallel_loop3A_711 = arith.index_cast %parallel_loop3A_704 : i32 to index
      %parallel_loop3A_712 = tpu.vector_load %parallel_loop3A_709[%parallel_loop3A_710, %parallel_loop3A_711] {strides = array<i32>} : memref<8x2048xi32, #tpu.memory_space<vmem>>, vector<16xi32>,
      %parallel_loop3A_713 = tpu.vector_load_idx %arg5[%parallel_loop3A_502] : memref<10000xf32, #tpu.memory_space<vmem>>[vector<16xi32>], vector<16xf32>,
      %parallel_loop3A_714 = tpu.vector_load_idx %arg5[%parallel_loop3A_516] : memref<10000xf32, #tpu.memory_space<vmem>>[vector<16xi32>], vector<16xf32>,
      %parallel_loop3A_715 = tpu.vector_load_idx %arg5[%parallel_loop3A_530] : memref<10000xf32, #tpu.memory_space<vmem>>[vector<16xi32>], vector<16xf32>,
      %parallel_loop3A_716 = tpu.vector_load_idx %arg5[%parallel_loop3A_544] : memref<10000xf32, #tpu.memory_space<vmem>>[vector<16xi32>], vector<16xf32>,
      %parallel_loop3A_717 = tpu.vector_load_idx %arg5[%parallel_loop3A_558] : memref<10000xf32, #tpu.memory_space<vmem>>[vector<16xi32>], vector<16xf32>,
      %parallel_loop3A_718 = tpu.vector_load_idx %arg5[%parallel_loop3A_572] : memref<10000xf32, #tpu.memory_space<vmem>>[vector<16xi32>], vector<16xf32>,
      %parallel_loop3A_719 = tpu.vector_load_idx %arg5[%parallel_loop3A_586] : memref<10000xf32, #tpu.memory_space<vmem>>[vector<16xi32>], vector<16xf32>,
      %parallel_loop3A_720 = tpu.vector_load_idx %arg5[%parallel_loop3A_600] : memref<10000xf32, #tpu.memory_space<vmem>>[vector<16xi32>], vector<16xf32>,
      %parallel_loop3A_721 = tpu.vector_load_idx %arg5[%parallel_loop3A_614] : memref<10000xf32, #tpu.memory_space<vmem>>[vector<16xi32>], vector<16xf32>,
      %parallel_loop3A_722 = tpu.vector_load_idx %arg5[%parallel_loop3A_628] : memref<10000xf32, #tpu.memory_space<vmem>>[vector<16xi32>], vector<16xf32>,
      %parallel_loop3A_723 = tpu.vector_load_idx %arg5[%parallel_loop3A_642] : memref<10000xf32, #tpu.memory_space<vmem>>[vector<16xi32>], vector<16xf32>,
      %parallel_loop3A_724 = tpu.vector_load_idx %arg5[%parallel_loop3A_656] : memref<10000xf32, #tpu.memory_space<vmem>>[vector<16xi32>], vector<16xf32>,
      %parallel_loop3A_725 = tpu.vector_load_idx %arg5[%parallel_loop3A_670] : memref<10000xf32, #tpu.memory_space<vmem>>[vector<16xi32>], vector<16xf32>,
      %parallel_loop3A_726 = tpu.vector_load_idx %arg5[%parallel_loop3A_684] : memref<10000xf32, #tpu.memory_space<vmem>>[vector<16xi32>], vector<16xf32>,
      %parallel_loop3A_727 = tpu.vector_load_idx %arg5[%parallel_loop3A_698] : memref<10000xf32, #tpu.memory_space<vmem>>[vector<16xi32>], vector<16xf32>,
      %parallel_loop3A_728 = tpu.vector_load_idx %arg5[%parallel_loop3A_712] : memref<10000xf32, #tpu.memory_space<vmem>>[vector<16xi32>], vector<16xf32>,
      %parallel_loop3A_729 = arith.constant 2 : i32
      %parallel_loop3A_730 = arith.muli %parallel_loop3A_488, %parallel_loop3A_729 : i32
      %parallel_loop3A_731 = arith.constant 0 : i32
      %parallel_loop3A_732 = arith.addi %parallel_loop3A_730, %parallel_loop3A_731 : i32
      %parallel_loop3A_733 = arith.constant 16 : i32
      %parallel_loop3A_734 = arith.muli %parallel_loop3A_732, %parallel_loop3A_733 : i32
      %parallel_loop3A_735 = arith.constant 0 : i32
      %parallel_loop3A_736 = arith.constant 0 : i32
      %parallel_loop3A_737 = arith.constant 0 : i32
      %parallel_loop3A_738 = tpu.memref_slice %arg7[%parallel_loop3A_47, %parallel_loop3A_736, %parallel_loop3A_737] : memref<2x8x2048xf32, #tpu.memory_space<vmem>> -> memref<1x8x2048xf32, #tpu.memory_space<vmem>>
      %parallel_loop3A_739 = tpu.memref_squeeze %parallel_loop3A_738 : memref<1x8x2048xf32, #tpu.memory_space<vmem>> -> memref<8x2048xf32, #tpu.memory_space<vmem>>
      %parallel_loop3A_740 = arith.index_cast %parallel_loop3A_735 : i32 to index
      %parallel_loop3A_741 = arith.index_cast %parallel_loop3A_734 : i32 to index
      %parallel_loop3A_742 = tpu.vector_load %parallel_loop3A_739[%parallel_loop3A_740, %parallel_loop3A_741] {strides = array<i32>} : memref<8x2048xf32, #tpu.memory_space<vmem>>, vector<16xf32>,
      tpu.vector_store %parallel_loop3A_739[%parallel_loop3A_740, %parallel_loop3A_741], %parallel_loop3A_713 {strides = array<i32>} : memref<8x2048xf32, #tpu.memory_space<vmem>>, vector<16xf32>,
      %parallel_loop3A_743 = arith.constant 2 : i32
      %parallel_loop3A_744 = arith.muli %parallel_loop3A_488, %parallel_loop3A_743 : i32
      %parallel_loop3A_745 = arith.constant 0 : i32
      %parallel_loop3A_746 = arith.addi %parallel_loop3A_744, %parallel_loop3A_745 : i32
      %parallel_loop3A_747 = arith.constant 16 : i32
      %parallel_loop3A_748 = arith.muli %parallel_loop3A_746, %parallel_loop3A_747 : i32
      %parallel_loop3A_749 = arith.constant 1 : i32
      %parallel_loop3A_750 = arith.constant 0 : i32
      %parallel_loop3A_751 = arith.constant 0 : i32
      %parallel_loop3A_752 = tpu.memref_slice %arg7[%parallel_loop3A_47, %parallel_loop3A_750, %parallel_loop3A_751] : memref<2x8x2048xf32, #tpu.memory_space<vmem>> -> memref<1x8x2048xf32, #tpu.memory_space<vmem>>
      %parallel_loop3A_753 = tpu.memref_squeeze %parallel_loop3A_752 : memref<1x8x2048xf32, #tpu.memory_space<vmem>> -> memref<8x2048xf32, #tpu.memory_space<vmem>>
      %parallel_loop3A_754 = arith.index_cast %parallel_loop3A_749 : i32 to index
      %parallel_loop3A_755 = arith.index_cast %parallel_loop3A_748 : i32 to index
      %parallel_loop3A_756 = tpu.vector_load %parallel_loop3A_753[%parallel_loop3A_754, %parallel_loop3A_755] {strides = array<i32>} : memref<8x2048xf32, #tpu.memory_space<vmem>>, vector<16xf32>,
      tpu.vector_store %parallel_loop3A_753[%parallel_loop3A_754, %parallel_loop3A_755], %parallel_loop3A_714 {strides = array<i32>} : memref<8x2048xf32, #tpu.memory_space<vmem>>, vector<16xf32>,
      %parallel_loop3A_757 = arith.constant 2 : i32
      %parallel_loop3A_758 = arith.muli %parallel_loop3A_488, %parallel_loop3A_757 : i32
      %parallel_loop3A_759 = arith.constant 0 : i32
      %parallel_loop3A_760 = arith.addi %parallel_loop3A_758, %parallel_loop3A_759 : i32
      %parallel_loop3A_761 = arith.constant 16 : i32
      %parallel_loop3A_762 = arith.muli %parallel_loop3A_760, %parallel_loop3A_761 : i32
      %parallel_loop3A_763 = arith.constant 2 : i32
      %parallel_loop3A_764 = arith.constant 0 : i32
      %parallel_loop3A_765 = arith.constant 0 : i32
      %parallel_loop3A_766 = tpu.memref_slice %arg7[%parallel_loop3A_47, %parallel_loop3A_764, %parallel_loop3A_765] : memref<2x8x2048xf32, #tpu.memory_space<vmem>> -> memref<1x8x2048xf32, #tpu.memory_space<vmem>>
      %parallel_loop3A_767 = tpu.memref_squeeze %parallel_loop3A_766 : memref<1x8x2048xf32, #tpu.memory_space<vmem>> -> memref<8x2048xf32, #tpu.memory_space<vmem>>
      %parallel_loop3A_768 = arith.index_cast %parallel_loop3A_763 : i32 to index
      %parallel_loop3A_769 = arith.index_cast %parallel_loop3A_762 : i32 to index
      %parallel_loop3A_770 = tpu.vector_load %parallel_loop3A_767[%parallel_loop3A_768, %parallel_loop3A_769] {strides = array<i32>} : memref<8x2048xf32, #tpu.memory_space<vmem>>, vector<16xf32>,
      tpu.vector_store %parallel_loop3A_767[%parallel_loop3A_768, %parallel_loop3A_769], %parallel_loop3A_715 {strides = array<i32>} : memref<8x2048xf32, #tpu.memory_space<vmem>>, vector<16xf32>,
      %parallel_loop3A_771 = arith.constant 2 : i32
      %parallel_loop3A_772 = arith.muli %parallel_loop3A_488, %parallel_loop3A_771 : i32
      %parallel_loop3A_773 = arith.constant 0 : i32
      %parallel_loop3A_774 = arith.addi %parallel_loop3A_772, %parallel_loop3A_773 : i32
      %parallel_loop3A_775 = arith.constant 16 : i32
      %parallel_loop3A_776 = arith.muli %parallel_loop3A_774, %parallel_loop3A_775 : i32
      %parallel_loop3A_777 = arith.constant 3 : i32
      %parallel_loop3A_778 = arith.constant 0 : i32
      %parallel_loop3A_779 = arith.constant 0 : i32
      %parallel_loop3A_780 = tpu.memref_slice %arg7[%parallel_loop3A_47, %parallel_loop3A_778, %parallel_loop3A_779] : memref<2x8x2048xf32, #tpu.memory_space<vmem>> -> memref<1x8x2048xf32, #tpu.memory_space<vmem>>
      %parallel_loop3A_781 = tpu.memref_squeeze %parallel_loop3A_780 : memref<1x8x2048xf32, #tpu.memory_space<vmem>> -> memref<8x2048xf32, #tpu.memory_space<vmem>>
      %parallel_loop3A_782 = arith.index_cast %parallel_loop3A_777 : i32 to index
      %parallel_loop3A_783 = arith.index_cast %parallel_loop3A_776 : i32 to index
      %parallel_loop3A_784 = tpu.vector_load %parallel_loop3A_781[%parallel_loop3A_782, %parallel_loop3A_783] {strides = array<i32>} : memref<8x2048xf32, #tpu.memory_space<vmem>>, vector<16xf32>,
      tpu.vector_store %parallel_loop3A_781[%parallel_loop3A_782, %parallel_loop3A_783], %parallel_loop3A_716 {strides = array<i32>} : memref<8x2048xf32, #tpu.memory_space<vmem>>, vector<16xf32>,
      %parallel_loop3A_785 = arith.constant 2 : i32
      %parallel_loop3A_786 = arith.muli %parallel_loop3A_488, %parallel_loop3A_785 : i32
      %parallel_loop3A_787 = arith.constant 0 : i32
      %parallel_loop3A_788 = arith.addi %parallel_loop3A_786, %parallel_loop3A_787 : i32
      %parallel_loop3A_789 = arith.constant 16 : i32
      %parallel_loop3A_790 = arith.muli %parallel_loop3A_788, %parallel_loop3A_789 : i32
      %parallel_loop3A_791 = arith.constant 4 : i32
      %parallel_loop3A_792 = arith.constant 0 : i32
      %parallel_loop3A_793 = arith.constant 0 : i32
      %parallel_loop3A_794 = tpu.memref_slice %arg7[%parallel_loop3A_47, %parallel_loop3A_792, %parallel_loop3A_793] : memref<2x8x2048xf32, #tpu.memory_space<vmem>> -> memref<1x8x2048xf32, #tpu.memory_space<vmem>>
      %parallel_loop3A_795 = tpu.memref_squeeze %parallel_loop3A_794 : memref<1x8x2048xf32, #tpu.memory_space<vmem>> -> memref<8x2048xf32, #tpu.memory_space<vmem>>
      %parallel_loop3A_796 = arith.index_cast %parallel_loop3A_791 : i32 to index
      %parallel_loop3A_797 = arith.index_cast %parallel_loop3A_790 : i32 to index
      %parallel_loop3A_798 = tpu.vector_load %parallel_loop3A_795[%parallel_loop3A_796, %parallel_loop3A_797] {strides = array<i32>} : memref<8x2048xf32, #tpu.memory_space<vmem>>, vector<16xf32>,
      tpu.vector_store %parallel_loop3A_795[%parallel_loop3A_796, %parallel_loop3A_797], %parallel_loop3A_717 {strides = array<i32>} : memref<8x2048xf32, #tpu.memory_space<vmem>>, vector<16xf32>,
      %parallel_loop3A_799 = arith.constant 2 : i32
      %parallel_loop3A_800 = arith.muli %parallel_loop3A_488, %parallel_loop3A_799 : i32
      %parallel_loop3A_801 = arith.constant 0 : i32
      %parallel_loop3A_802 = arith.addi %parallel_loop3A_800, %parallel_loop3A_801 : i32
      %parallel_loop3A_803 = arith.constant 16 : i32
      %parallel_loop3A_804 = arith.muli %parallel_loop3A_802, %parallel_loop3A_803 : i32
      %parallel_loop3A_805 = arith.constant 5 : i32
      %parallel_loop3A_806 = arith.constant 0 : i32
      %parallel_loop3A_807 = arith.constant 0 : i32
      %parallel_loop3A_808 = tpu.memref_slice %arg7[%parallel_loop3A_47, %parallel_loop3A_806, %parallel_loop3A_807] : memref<2x8x2048xf32, #tpu.memory_space<vmem>> -> memref<1x8x2048xf32, #tpu.memory_space<vmem>>
      %parallel_loop3A_809 = tpu.memref_squeeze %parallel_loop3A_808 : memref<1x8x2048xf32, #tpu.memory_space<vmem>> -> memref<8x2048xf32, #tpu.memory_space<vmem>>
      %parallel_loop3A_810 = arith.index_cast %parallel_loop3A_805 : i32 to index
      %parallel_loop3A_811 = arith.index_cast %parallel_loop3A_804 : i32 to index
      %parallel_loop3A_812 = tpu.vector_load %parallel_loop3A_809[%parallel_loop3A_810, %parallel_loop3A_811] {strides = array<i32>} : memref<8x2048xf32, #tpu.memory_space<vmem>>, vector<16xf32>,
      tpu.vector_store %parallel_loop3A_809[%parallel_loop3A_810, %parallel_loop3A_811], %parallel_loop3A_718 {strides = array<i32>} : memref<8x2048xf32, #tpu.memory_space<vmem>>, vector<16xf32>,
      %parallel_loop3A_813 = arith.constant 2 : i32
      %parallel_loop3A_814 = arith.muli %parallel_loop3A_488, %parallel_loop3A_813 : i32
      %parallel_loop3A_815 = arith.constant 0 : i32
      %parallel_loop3A_816 = arith.addi %parallel_loop3A_814, %parallel_loop3A_815 : i32
      %parallel_loop3A_817 = arith.constant 16 : i32
      %parallel_loop3A_818 = arith.muli %parallel_loop3A_816, %parallel_loop3A_817 : i32
      %parallel_loop3A_819 = arith.constant 6 : i32
      %parallel_loop3A_820 = arith.constant 0 : i32
      %parallel_loop3A_821 = arith.constant 0 : i32
      %parallel_loop3A_822 = tpu.memref_slice %arg7[%parallel_loop3A_47, %parallel_loop3A_820, %parallel_loop3A_821] : memref<2x8x2048xf32, #tpu.memory_space<vmem>> -> memref<1x8x2048xf32, #tpu.memory_space<vmem>>
      %parallel_loop3A_823 = tpu.memref_squeeze %parallel_loop3A_822 : memref<1x8x2048xf32, #tpu.memory_space<vmem>> -> memref<8x2048xf32, #tpu.memory_space<vmem>>
      %parallel_loop3A_824 = arith.index_cast %parallel_loop3A_819 : i32 to index
      %parallel_loop3A_825 = arith.index_cast %parallel_loop3A_818 : i32 to index
      %parallel_loop3A_826 = tpu.vector_load %parallel_loop3A_823[%parallel_loop3A_824, %parallel_loop3A_825] {strides = array<i32>} : memref<8x2048xf32, #tpu.memory_space<vmem>>, vector<16xf32>,
      tpu.vector_store %parallel_loop3A_823[%parallel_loop3A_824, %parallel_loop3A_825], %parallel_loop3A_719 {strides = array<i32>} : memref<8x2048xf32, #tpu.memory_space<vmem>>, vector<16xf32>,
      %parallel_loop3A_827 = arith.constant 2 : i32
      %parallel_loop3A_828 = arith.muli %parallel_loop3A_488, %parallel_loop3A_827 : i32
      %parallel_loop3A_829 = arith.constant 0 : i32
      %parallel_loop3A_830 = arith.addi %parallel_loop3A_828, %parallel_loop3A_829 : i32
      %parallel_loop3A_831 = arith.constant 16 : i32
      %parallel_loop3A_832 = arith.muli %parallel_loop3A_830, %parallel_loop3A_831 : i32
      %parallel_loop3A_833 = arith.constant 7 : i32
      %parallel_loop3A_834 = arith.constant 0 : i32
      %parallel_loop3A_835 = arith.constant 0 : i32
      %parallel_loop3A_836 = tpu.memref_slice %arg7[%parallel_loop3A_47, %parallel_loop3A_834, %parallel_loop3A_835] : memref<2x8x2048xf32, #tpu.memory_space<vmem>> -> memref<1x8x2048xf32, #tpu.memory_space<vmem>>
      %parallel_loop3A_837 = tpu.memref_squeeze %parallel_loop3A_836 : memref<1x8x2048xf32, #tpu.memory_space<vmem>> -> memref<8x2048xf32, #tpu.memory_space<vmem>>
      %parallel_loop3A_838 = arith.index_cast %parallel_loop3A_833 : i32 to index
      %parallel_loop3A_839 = arith.index_cast %parallel_loop3A_832 : i32 to index
      %parallel_loop3A_840 = tpu.vector_load %parallel_loop3A_837[%parallel_loop3A_838, %parallel_loop3A_839] {strides = array<i32>} : memref<8x2048xf32, #tpu.memory_space<vmem>>, vector<16xf32>,
      tpu.vector_store %parallel_loop3A_837[%parallel_loop3A_838, %parallel_loop3A_839], %parallel_loop3A_720 {strides = array<i32>} : memref<8x2048xf32, #tpu.memory_space<vmem>>, vector<16xf32>,
      %parallel_loop3A_841 = arith.constant 2 : i32
      %parallel_loop3A_842 = arith.muli %parallel_loop3A_488, %parallel_loop3A_841 : i32
      %parallel_loop3A_843 = arith.constant 1 : i32
      %parallel_loop3A_844 = arith.addi %parallel_loop3A_842, %parallel_loop3A_843 : i32
      %parallel_loop3A_845 = arith.constant 16 : i32
      %parallel_loop3A_846 = arith.muli %parallel_loop3A_844, %parallel_loop3A_845 : i32
      %parallel_loop3A_847 = arith.constant 0 : i32
      %parallel_loop3A_848 = arith.constant 0 : i32
      %parallel_loop3A_849 = arith.constant 0 : i32
      %parallel_loop3A_850 = tpu.memref_slice %arg7[%parallel_loop3A_47, %parallel_loop3A_848, %parallel_loop3A_849] : memref<2x8x2048xf32, #tpu.memory_space<vmem>> -> memref<1x8x2048xf32, #tpu.memory_space<vmem>>
      %parallel_loop3A_851 = tpu.memref_squeeze %parallel_loop3A_850 : memref<1x8x2048xf32, #tpu.memory_space<vmem>> -> memref<8x2048xf32, #tpu.memory_space<vmem>>
      %parallel_loop3A_852 = arith.index_cast %parallel_loop3A_847 : i32 to index
      %parallel_loop3A_853 = arith.index_cast %parallel_loop3A_846 : i32 to index
      %parallel_loop3A_854 = tpu.vector_load %parallel_loop3A_851[%parallel_loop3A_852, %parallel_loop3A_853] {strides = array<i32>} : memref<8x2048xf32, #tpu.memory_space<vmem>>, vector<16xf32>,
      tpu.vector_store %parallel_loop3A_851[%parallel_loop3A_852, %parallel_loop3A_853], %parallel_loop3A_721 {strides = array<i32>} : memref<8x2048xf32, #tpu.memory_space<vmem>>, vector<16xf32>,
      %parallel_loop3A_855 = arith.constant 2 : i32
      %parallel_loop3A_856 = arith.muli %parallel_loop3A_488, %parallel_loop3A_855 : i32
      %parallel_loop3A_857 = arith.constant 1 : i32
      %parallel_loop3A_858 = arith.addi %parallel_loop3A_856, %parallel_loop3A_857 : i32
      %parallel_loop3A_859 = arith.constant 16 : i32
      %parallel_loop3A_860 = arith.muli %parallel_loop3A_858, %parallel_loop3A_859 : i32
      %parallel_loop3A_861 = arith.constant 1 : i32
      %parallel_loop3A_862 = arith.constant 0 : i32
      %parallel_loop3A_863 = arith.constant 0 : i32
      %parallel_loop3A_864 = tpu.memref_slice %arg7[%parallel_loop3A_47, %parallel_loop3A_862, %parallel_loop3A_863] : memref<2x8x2048xf32, #tpu.memory_space<vmem>> -> memref<1x8x2048xf32, #tpu.memory_space<vmem>>
      %parallel_loop3A_865 = tpu.memref_squeeze %parallel_loop3A_864 : memref<1x8x2048xf32, #tpu.memory_space<vmem>> -> memref<8x2048xf32, #tpu.memory_space<vmem>>
      %parallel_loop3A_866 = arith.index_cast %parallel_loop3A_861 : i32 to index
      %parallel_loop3A_867 = arith.index_cast %parallel_loop3A_860 : i32 to index
      %parallel_loop3A_868 = tpu.vector_load %parallel_loop3A_865[%parallel_loop3A_866, %parallel_loop3A_867] {strides = array<i32>} : memref<8x2048xf32, #tpu.memory_space<vmem>>, vector<16xf32>,
      tpu.vector_store %parallel_loop3A_865[%parallel_loop3A_866, %parallel_loop3A_867], %parallel_loop3A_722 {strides = array<i32>} : memref<8x2048xf32, #tpu.memory_space<vmem>>, vector<16xf32>,
      %parallel_loop3A_869 = arith.constant 2 : i32
      %parallel_loop3A_870 = arith.muli %parallel_loop3A_488, %parallel_loop3A_869 : i32
      %parallel_loop3A_871 = arith.constant 1 : i32
      %parallel_loop3A_872 = arith.addi %parallel_loop3A_870, %parallel_loop3A_871 : i32
      %parallel_loop3A_873 = arith.constant 16 : i32
      %parallel_loop3A_874 = arith.muli %parallel_loop3A_872, %parallel_loop3A_873 : i32
      %parallel_loop3A_875 = arith.constant 2 : i32
      %parallel_loop3A_876 = arith.constant 0 : i32
      %parallel_loop3A_877 = arith.constant 0 : i32
      %parallel_loop3A_878 = tpu.memref_slice %arg7[%parallel_loop3A_47, %parallel_loop3A_876, %parallel_loop3A_877] : memref<2x8x2048xf32, #tpu.memory_space<vmem>> -> memref<1x8x2048xf32, #tpu.memory_space<vmem>>
      %parallel_loop3A_879 = tpu.memref_squeeze %parallel_loop3A_878 : memref<1x8x2048xf32, #tpu.memory_space<vmem>> -> memref<8x2048xf32, #tpu.memory_space<vmem>>
      %parallel_loop3A_880 = arith.index_cast %parallel_loop3A_875 : i32 to index
      %parallel_loop3A_881 = arith.index_cast %parallel_loop3A_874 : i32 to index
      %parallel_loop3A_882 = tpu.vector_load %parallel_loop3A_879[%parallel_loop3A_880, %parallel_loop3A_881] {strides = array<i32>} : memref<8x2048xf32, #tpu.memory_space<vmem>>, vector<16xf32>,
      tpu.vector_store %parallel_loop3A_879[%parallel_loop3A_880, %parallel_loop3A_881], %parallel_loop3A_723 {strides = array<i32>} : memref<8x2048xf32, #tpu.memory_space<vmem>>, vector<16xf32>,
      %parallel_loop3A_883 = arith.constant 2 : i32
      %parallel_loop3A_884 = arith.muli %parallel_loop3A_488, %parallel_loop3A_883 : i32
      %parallel_loop3A_885 = arith.constant 1 : i32
      %parallel_loop3A_886 = arith.addi %parallel_loop3A_884, %parallel_loop3A_885 : i32
      %parallel_loop3A_887 = arith.constant 16 : i32
      %parallel_loop3A_888 = arith.muli %parallel_loop3A_886, %parallel_loop3A_887 : i32
      %parallel_loop3A_889 = arith.constant 3 : i32
      %parallel_loop3A_890 = arith.constant 0 : i32
      %parallel_loop3A_891 = arith.constant 0 : i32
      %parallel_loop3A_892 = tpu.memref_slice %arg7[%parallel_loop3A_47, %parallel_loop3A_890, %parallel_loop3A_891] : memref<2x8x2048xf32, #tpu.memory_space<vmem>> -> memref<1x8x2048xf32, #tpu.memory_space<vmem>>
      %parallel_loop3A_893 = tpu.memref_squeeze %parallel_loop3A_892 : memref<1x8x2048xf32, #tpu.memory_space<vmem>> -> memref<8x2048xf32, #tpu.memory_space<vmem>>
      %parallel_loop3A_894 = arith.index_cast %parallel_loop3A_889 : i32 to index
      %parallel_loop3A_895 = arith.index_cast %parallel_loop3A_888 : i32 to index
      %parallel_loop3A_896 = tpu.vector_load %parallel_loop3A_893[%parallel_loop3A_894, %parallel_loop3A_895] {strides = array<i32>} : memref<8x2048xf32, #tpu.memory_space<vmem>>, vector<16xf32>,
      tpu.vector_store %parallel_loop3A_893[%parallel_loop3A_894, %parallel_loop3A_895], %parallel_loop3A_724 {strides = array<i32>} : memref<8x2048xf32, #tpu.memory_space<vmem>>, vector<16xf32>,
      %parallel_loop3A_897 = arith.constant 2 : i32
      %parallel_loop3A_898 = arith.muli %parallel_loop3A_488, %parallel_loop3A_897 : i32
      %parallel_loop3A_899 = arith.constant 1 : i32
      %parallel_loop3A_900 = arith.addi %parallel_loop3A_898, %parallel_loop3A_899 : i32
      %parallel_loop3A_901 = arith.constant 16 : i32
      %parallel_loop3A_902 = arith.muli %parallel_loop3A_900, %parallel_loop3A_901 : i32
      %parallel_loop3A_903 = arith.constant 4 : i32
      %parallel_loop3A_904 = arith.constant 0 : i32
      %parallel_loop3A_905 = arith.constant 0 : i32
      %parallel_loop3A_906 = tpu.memref_slice %arg7[%parallel_loop3A_47, %parallel_loop3A_904, %parallel_loop3A_905] : memref<2x8x2048xf32, #tpu.memory_space<vmem>> -> memref<1x8x2048xf32, #tpu.memory_space<vmem>>
      %parallel_loop3A_907 = tpu.memref_squeeze %parallel_loop3A_906 : memref<1x8x2048xf32, #tpu.memory_space<vmem>> -> memref<8x2048xf32, #tpu.memory_space<vmem>>
      %parallel_loop3A_908 = arith.index_cast %parallel_loop3A_903 : i32 to index
      %parallel_loop3A_909 = arith.index_cast %parallel_loop3A_902 : i32 to index
      %parallel_loop3A_910 = tpu.vector_load %parallel_loop3A_907[%parallel_loop3A_908, %parallel_loop3A_909] {strides = array<i32>} : memref<8x2048xf32, #tpu.memory_space<vmem>>, vector<16xf32>,
      tpu.vector_store %parallel_loop3A_907[%parallel_loop3A_908, %parallel_loop3A_909], %parallel_loop3A_725 {strides = array<i32>} : memref<8x2048xf32, #tpu.memory_space<vmem>>, vector<16xf32>,
      %parallel_loop3A_911 = arith.constant 2 : i32
      %parallel_loop3A_912 = arith.muli %parallel_loop3A_488, %parallel_loop3A_911 : i32
      %parallel_loop3A_913 = arith.constant 1 : i32
      %parallel_loop3A_914 = arith.addi %parallel_loop3A_912, %parallel_loop3A_913 : i32
      %parallel_loop3A_915 = arith.constant 16 : i32
      %parallel_loop3A_916 = arith.muli %parallel_loop3A_914, %parallel_loop3A_915 : i32
      %parallel_loop3A_917 = arith.constant 5 : i32
      %parallel_loop3A_918 = arith.constant 0 : i32
      %parallel_loop3A_919 = arith.constant 0 : i32
      %parallel_loop3A_920 = tpu.memref_slice %arg7[%parallel_loop3A_47, %parallel_loop3A_918, %parallel_loop3A_919] : memref<2x8x2048xf32, #tpu.memory_space<vmem>> -> memref<1x8x2048xf32, #tpu.memory_space<vmem>>
      %parallel_loop3A_921 = tpu.memref_squeeze %parallel_loop3A_920 : memref<1x8x2048xf32, #tpu.memory_space<vmem>> -> memref<8x2048xf32, #tpu.memory_space<vmem>>
      %parallel_loop3A_922 = arith.index_cast %parallel_loop3A_917 : i32 to index
      %parallel_loop3A_923 = arith.index_cast %parallel_loop3A_916 : i32 to index
      %parallel_loop3A_924 = tpu.vector_load %parallel_loop3A_921[%parallel_loop3A_922, %parallel_loop3A_923] {strides = array<i32>} : memref<8x2048xf32, #tpu.memory_space<vmem>>, vector<16xf32>,
      tpu.vector_store %parallel_loop3A_921[%parallel_loop3A_922, %parallel_loop3A_923], %parallel_loop3A_726 {strides = array<i32>} : memref<8x2048xf32, #tpu.memory_space<vmem>>, vector<16xf32>,
      %parallel_loop3A_925 = arith.constant 2 : i32
      %parallel_loop3A_926 = arith.muli %parallel_loop3A_488, %parallel_loop3A_925 : i32
      %parallel_loop3A_927 = arith.constant 1 : i32
      %parallel_loop3A_928 = arith.addi %parallel_loop3A_926, %parallel_loop3A_927 : i32
      %parallel_loop3A_929 = arith.constant 16 : i32
      %parallel_loop3A_930 = arith.muli %parallel_loop3A_928, %parallel_loop3A_929 : i32
      %parallel_loop3A_931 = arith.constant 6 : i32
      %parallel_loop3A_932 = arith.constant 0 : i32
      %parallel_loop3A_933 = arith.constant 0 : i32
      %parallel_loop3A_934 = tpu.memref_slice %arg7[%parallel_loop3A_47, %parallel_loop3A_932, %parallel_loop3A_933] : memref<2x8x2048xf32, #tpu.memory_space<vmem>> -> memref<1x8x2048xf32, #tpu.memory_space<vmem>>
      %parallel_loop3A_935 = tpu.memref_squeeze %parallel_loop3A_934 : memref<1x8x2048xf32, #tpu.memory_space<vmem>> -> memref<8x2048xf32, #tpu.memory_space<vmem>>
      %parallel_loop3A_936 = arith.index_cast %parallel_loop3A_931 : i32 to index
      %parallel_loop3A_937 = arith.index_cast %parallel_loop3A_930 : i32 to index
      %parallel_loop3A_938 = tpu.vector_load %parallel_loop3A_935[%parallel_loop3A_936, %parallel_loop3A_937] {strides = array<i32>} : memref<8x2048xf32, #tpu.memory_space<vmem>>, vector<16xf32>,
      tpu.vector_store %parallel_loop3A_935[%parallel_loop3A_936, %parallel_loop3A_937], %parallel_loop3A_727 {strides = array<i32>} : memref<8x2048xf32, #tpu.memory_space<vmem>>, vector<16xf32>,
      %parallel_loop3A_939 = arith.constant 2 : i32
      %parallel_loop3A_940 = arith.muli %parallel_loop3A_488, %parallel_loop3A_939 : i32
      %parallel_loop3A_941 = arith.constant 1 : i32
      %parallel_loop3A_942 = arith.addi %parallel_loop3A_940, %parallel_loop3A_941 : i32
      %parallel_loop3A_943 = arith.constant 16 : i32
      %parallel_loop3A_944 = arith.muli %parallel_loop3A_942, %parallel_loop3A_943 : i32
      %parallel_loop3A_945 = arith.constant 7 : i32
      %parallel_loop3A_946 = arith.constant 0 : i32
      %parallel_loop3A_947 = arith.constant 0 : i32
      %parallel_loop3A_948 = tpu.memref_slice %arg7[%parallel_loop3A_47, %parallel_loop3A_946, %parallel_loop3A_947] : memref<2x8x2048xf32, #tpu.memory_space<vmem>> -> memref<1x8x2048xf32, #tpu.memory_space<vmem>>
      %parallel_loop3A_949 = tpu.memref_squeeze %parallel_loop3A_948 : memref<1x8x2048xf32, #tpu.memory_space<vmem>> -> memref<8x2048xf32, #tpu.memory_space<vmem>>
      %parallel_loop3A_950 = arith.index_cast %parallel_loop3A_945 : i32 to index
      %parallel_loop3A_951 = arith.index_cast %parallel_loop3A_944 : i32 to index
      %parallel_loop3A_952 = tpu.vector_load %parallel_loop3A_949[%parallel_loop3A_950, %parallel_loop3A_951] {strides = array<i32>} : memref<8x2048xf32, #tpu.memory_space<vmem>>, vector<16xf32>,
      tpu.vector_store %parallel_loop3A_949[%parallel_loop3A_950, %parallel_loop3A_951], %parallel_loop3A_728 {strides = array<i32>} : memref<8x2048xf32, #tpu.memory_space<vmem>>, vector<16xf32>,
    } {sc.loop_unroll_factor = 2 : i64, sc.parallel_access}
    %add3A_48 = arith.constant 0 : i32
    %add3A_49 = arith.addi %mul3A_2, %add3A_48 : i32
    %dma_start3A_50 = arith.constant 0 : i32
    %dma_start3A_51 = arith.constant 0 : i32
    %dma_start3A_52 = arith.constant 0 : i32
    %dma_start3A_53 = tpu.memref_slice %arg7[%dma_start3A_50, %dma_start3A_51, %dma_start3A_52] : memref<2x8x2048xf32, #tpu.memory_space<vmem>> -> memref<1x8x2048xf32, #tpu.memory_space<vmem>>
    %dma_start3A_54 = tpu.memref_squeeze %dma_start3A_53 : memref<1x8x2048xf32, #tpu.memory_space<vmem>> -> memref<8x2048xf32, #tpu.memory_space<vmem>>
    %dma_start3A_55 = arith.constant 0 : i32
    %dma_start3A_56 = tpu.memref_slice %arg4[%add3A_49, %dma_start3A_55] : memref<2048x2048xf32, #tpu.memory_space<hbm>> -> memref<8x2048xf32, #tpu.memory_space<hbm>>
    %dma_start3A_57 = arith.constant 0 : i32
    %dma_start3A_58 = tpu.memref_slice %arg4[%add3A_49, %dma_start3A_57] : memref<2048x2048xf32, #tpu.memory_space<hbm>> -> memref<8x2048xf32, #tpu.memory_space<hbm>>
    %dma_start3A_59 = arith.constant 0 : i32
    %dma_start3A_60 = arith.constant 0 : i32
    %dma_start3A_61 = tpu.memref_slice %arg7[%dma_start3A_50, %dma_start3A_59, %dma_start3A_60] : memref<2x8x2048xf32, #tpu.memory_space<vmem>> -> memref<1x8x2048xf32, #tpu.memory_space<vmem>>
    %dma_start3A_62 = tpu.memref_squeeze %dma_start3A_61 : memref<1x8x2048xf32, #tpu.memory_space<vmem>> -> memref<8x2048xf32, #tpu.memory_space<vmem>>
    tpu.enqueue_dma source(%dma_start3A_62 : memref<8x2048xf32, #tpu.memory_space<vmem>>) target(%dma_start3A_58 : memref<8x2048xf32, #tpu.memory_space<hbm>>) target_semaphore(%arg10 : memref<!tpu.dma_semaphore, #tpu.memory_space<semaphore_mem>>)
    %add3A_63 = arith.constant 16 : i32
    %add3A_64 = arith.addi %mul3A_2, %add3A_63 : i32
    %dma_start3A_65 = arith.constant 0 : i32
    %dma_start3A_66 = arith.constant 0 : i32
    %dma_start3A_67 = arith.constant 0 : i32
    %dma_start3A_68 = tpu.memref_slice %arg6[%dma_start3A_65, %dma_start3A_66, %dma_start3A_67] : memref<2x8x2048xi32, #tpu.memory_space<vmem>> -> memref<1x8x2048xi32, #tpu.memory_space<vmem>>
    %dma_start3A_69 = tpu.memref_squeeze %dma_start3A_68 : memref<1x8x2048xi32, #tpu.memory_space<vmem>> -> memref<8x2048xi32, #tpu.memory_space<vmem>>
    %dma_start3A_70 = arith.constant 0 : i32
    %dma_start3A_71 = tpu.memref_slice %arg3[%add3A_64, %dma_start3A_70] : memref<2048x2048xi32, #tpu.memory_space<hbm>> -> memref<8x2048xi32, #tpu.memory_space<hbm>>
    %dma_start3A_72 = arith.constant 0 : i32
    %dma_start3A_73 = arith.constant 0 : i32
    %dma_start3A_74 = tpu.memref_slice %arg6[%dma_start3A_65, %dma_start3A_72, %dma_start3A_73] : memref<2x8x2048xi32, #tpu.memory_space<vmem>> -> memref<1x8x2048xi32, #tpu.memory_space<vmem>>
    %dma_start3A_75 = tpu.memref_squeeze %dma_start3A_74 : memref<1x8x2048xi32, #tpu.memory_space<vmem>> -> memref<8x2048xi32, #tpu.memory_space<vmem>>
    %dma_start3A_76 = arith.constant 0 : i32
    %dma_start3A_77 = tpu.memref_slice %arg3[%add3A_64, %dma_start3A_76] : memref<2048x2048xi32, #tpu.memory_space<hbm>> -> memref<8x2048xi32, #tpu.memory_space<hbm>>
    tpu.enqueue_dma source(%dma_start3A_77 : memref<8x2048xi32, #tpu.memory_space<hbm>>) target(%dma_start3A_75 : memref<8x2048xi32, #tpu.memory_space<vmem>>) target_semaphore(%arg8 : memref<!tpu.dma_semaphore, #tpu.memory_space<semaphore_mem>>)
    %dma_wait3A_78 = arith.constant 1 : i32
    %dma_wait3A_79 = arith.constant 0 : i32
    %dma_wait3A_80 = arith.constant 0 : i32
    %dma_wait3A_81 = tpu.memref_slice %arg6[%dma_wait3A_78, %dma_wait3A_79, %dma_wait3A_80] : memref<2x8x2048xi32, #tpu.memory_space<vmem>> -> memref<1x8x2048xi32, #tpu.memory_space<vmem>>
    %dma_wait3A_82 = tpu.memref_squeeze %dma_wait3A_81 : memref<1x8x2048xi32, #tpu.memory_space<vmem>> -> memref<8x2048xi32, #tpu.memory_space<vmem>>
    %dma_wait3A_83 = arith.constant 0 : i32
    %dma_wait3A_84 = tpu.memref_slice %arg3[%add3A_18, %dma_wait3A_83] : memref<2048x2048xi32, #tpu.memory_space<hbm>> -> memref<8x2048xi32, #tpu.memory_space<hbm>>
    %dma_wait3A_85 = arith.constant 0 : i32
    %dma_wait3A_86 = arith.constant 0 : i32
    %dma_wait3A_87 = tpu.memref_slice %arg6[%dma_wait3A_78, %dma_wait3A_85, %dma_wait3A_86] : memref<2x8x2048xi32, #tpu.memory_space<vmem>> -> memref<1x8x2048xi32, #tpu.memory_space<vmem>>
    %dma_wait3A_88 = tpu.memref_squeeze %dma_wait3A_87 : memref<1x8x2048xi32, #tpu.memory_space<vmem>> -> memref<8x2048xi32, #tpu.memory_space<vmem>>
    %dma_wait3A_89 = arith.constant 0 : i32
    %dma_wait3A_90 = tpu.memref_slice %arg3[%add3A_18, %dma_wait3A_89] : memref<2048x2048xi32, #tpu.memory_space<hbm>> -> memref<8x2048xi32, #tpu.memory_space<hbm>>
    tpu.wait_dma2 semaphore(%arg9 : memref<!tpu.dma_semaphore, #tpu.memory_space<semaphore_mem>>) src(%dma_wait3A_90 : memref<8x2048xi32, #tpu.memory_space<hbm>>) dst(%dma_wait3A_88 : memref<8x2048xi32, #tpu.memory_space<vmem>>)
    %parallel_loop3A_91 = arith.constant 0 : i32
    %parallel_loop3A_92 = arith.constant 64 : i32
    %parallel_loop3A_93 = arith.constant 1 : i32
    %parallel_loop3A_94 = arith.constant 1 : i32
    %parallel_loop3A_95 = arith.constant 1 : i32
    scf.for %parallel_loop3A_488 = %parallel_loop3A_91 to %parallel_loop3A_92 step %parallel_loop3A_93  : i32 {
      %parallel_loop3A_489 = arith.constant 2 : i32
      %parallel_loop3A_490 = arith.muli %parallel_loop3A_488, %parallel_loop3A_489 : i32
      %parallel_loop3A_491 = arith.constant 0 : i32
      %parallel_loop3A_492 = arith.addi %parallel_loop3A_490, %parallel_loop3A_491 : i32
      %parallel_loop3A_493 = arith.constant 16 : i32
      %parallel_loop3A_494 = arith.muli %parallel_loop3A_492, %parallel_loop3A_493 : i32
      %parallel_loop3A_495 = arith.constant 0 : i32
      %parallel_loop3A_496 = arith.constant 0 : i32
      %parallel_loop3A_497 = arith.constant 0 : i32
      %parallel_loop3A_498 = tpu.memref_slice %arg6[%parallel_loop3A_94, %parallel_loop3A_496, %parallel_loop3A_497] : memref<2x8x2048xi32, #tpu.memory_space<vmem>> -> memref<1x8x2048xi32, #tpu.memory_space<vmem>>
      %parallel_loop3A_499 = tpu.memref_squeeze %parallel_loop3A_498 : memref<1x8x2048xi32, #tpu.memory_space<vmem>> -> memref<8x2048xi32, #tpu.memory_space<vmem>>
      %parallel_loop3A_500 = arith.index_cast %parallel_loop3A_495 : i32 to index
      %parallel_loop3A_501 = arith.index_cast %parallel_loop3A_494 : i32 to index
      %parallel_loop3A_502 = tpu.vector_load %parallel_loop3A_499[%parallel_loop3A_500, %parallel_loop3A_501] {strides = array<i32>} : memref<8x2048xi32, #tpu.memory_space<vmem>>, vector<16xi32>,
      %parallel_loop3A_503 = arith.constant 2 : i32
      %parallel_loop3A_504 = arith.muli %parallel_loop3A_488, %parallel_loop3A_503 : i32
      %parallel_loop3A_505 = arith.constant 0 : i32
      %parallel_loop3A_506 = arith.addi %parallel_loop3A_504, %parallel_loop3A_505 : i32
      %parallel_loop3A_507 = arith.constant 16 : i32
      %parallel_loop3A_508 = arith.muli %parallel_loop3A_506, %parallel_loop3A_507 : i32
      %parallel_loop3A_509 = arith.constant 1 : i32
      %parallel_loop3A_510 = arith.constant 0 : i32
      %parallel_loop3A_511 = arith.constant 0 : i32
      %parallel_loop3A_512 = tpu.memref_slice %arg6[%parallel_loop3A_94, %parallel_loop3A_510, %parallel_loop3A_511] : memref<2x8x2048xi32, #tpu.memory_space<vmem>> -> memref<1x8x2048xi32, #tpu.memory_space<vmem>>
      %parallel_loop3A_513 = tpu.memref_squeeze %parallel_loop3A_512 : memref<1x8x2048xi32, #tpu.memory_space<vmem>> -> memref<8x2048xi32, #tpu.memory_space<vmem>>
      %parallel_loop3A_514 = arith.index_cast %parallel_loop3A_509 : i32 to index
      %parallel_loop3A_515 = arith.index_cast %parallel_loop3A_508 : i32 to index
      %parallel_loop3A_516 = tpu.vector_load %parallel_loop3A_513[%parallel_loop3A_514, %parallel_loop3A_515] {strides = array<i32>} : memref<8x2048xi32, #tpu.memory_space<vmem>>, vector<16xi32>,
      %parallel_loop3A_517 = arith.constant 2 : i32
      %parallel_loop3A_518 = arith.muli %parallel_loop3A_488, %parallel_loop3A_517 : i32
      %parallel_loop3A_519 = arith.constant 0 : i32
      %parallel_loop3A_520 = arith.addi %parallel_loop3A_518, %parallel_loop3A_519 : i32
      %parallel_loop3A_521 = arith.constant 16 : i32
      %parallel_loop3A_522 = arith.muli %parallel_loop3A_520, %parallel_loop3A_521 : i32
      %parallel_loop3A_523 = arith.constant 2 : i32
      %parallel_loop3A_524 = arith.constant 0 : i32
      %parallel_loop3A_525 = arith.constant 0 : i32
      %parallel_loop3A_526 = tpu.memref_slice %arg6[%parallel_loop3A_94, %parallel_loop3A_524, %parallel_loop3A_525] : memref<2x8x2048xi32, #tpu.memory_space<vmem>> -> memref<1x8x2048xi32, #tpu.memory_space<vmem>>
      %parallel_loop3A_527 = tpu.memref_squeeze %parallel_loop3A_526 : memref<1x8x2048xi32, #tpu.memory_space<vmem>> -> memref<8x2048xi32, #tpu.memory_space<vmem>>
      %parallel_loop3A_528 = arith.index_cast %parallel_loop3A_523 : i32 to index
      %parallel_loop3A_529 = arith.index_cast %parallel_loop3A_522 : i32 to index
      %parallel_loop3A_530 = tpu.vector_load %parallel_loop3A_527[%parallel_loop3A_528, %parallel_loop3A_529] {strides = array<i32>} : memref<8x2048xi32, #tpu.memory_space<vmem>>, vector<16xi32>,
      %parallel_loop3A_531 = arith.constant 2 : i32
      %parallel_loop3A_532 = arith.muli %parallel_loop3A_488, %parallel_loop3A_531 : i32
      %parallel_loop3A_533 = arith.constant 0 : i32
      %parallel_loop3A_534 = arith.addi %parallel_loop3A_532, %parallel_loop3A_533 : i32
      %parallel_loop3A_535 = arith.constant 16 : i32
      %parallel_loop3A_536 = arith.muli %parallel_loop3A_534, %parallel_loop3A_535 : i32
      %parallel_loop3A_537 = arith.constant 3 : i32
      %parallel_loop3A_538 = arith.constant 0 : i32
      %parallel_loop3A_539 = arith.constant 0 : i32
      %parallel_loop3A_540 = tpu.memref_slice %arg6[%parallel_loop3A_94, %parallel_loop3A_538, %parallel_loop3A_539] : memref<2x8x2048xi32, #tpu.memory_space<vmem>> -> memref<1x8x2048xi32, #tpu.memory_space<vmem>>
      %parallel_loop3A_541 = tpu.memref_squeeze %parallel_loop3A_540 : memref<1x8x2048xi32, #tpu.memory_space<vmem>> -> memref<8x2048xi32, #tpu.memory_space<vmem>>
      %parallel_loop3A_542 = arith.index_cast %parallel_loop3A_537 : i32 to index
      %parallel_loop3A_543 = arith.index_cast %parallel_loop3A_536 : i32 to index
      %parallel_loop3A_544 = tpu.vector_load %parallel_loop3A_541[%parallel_loop3A_542, %parallel_loop3A_543] {strides = array<i32>} : memref<8x2048xi32, #tpu.memory_space<vmem>>, vector<16xi32>,
      %parallel_loop3A_545 = arith.constant 2 : i32
      %parallel_loop3A_546 = arith.muli %parallel_loop3A_488, %parallel_loop3A_545 : i32
      %parallel_loop3A_547 = arith.constant 0 : i32
      %parallel_loop3A_548 = arith.addi %parallel_loop3A_546, %parallel_loop3A_547 : i32
      %parallel_loop3A_549 = arith.constant 16 : i32
      %parallel_loop3A_550 = arith.muli %parallel_loop3A_548, %parallel_loop3A_549 : i32
      %parallel_loop3A_551 = arith.constant 4 : i32
      %parallel_loop3A_552 = arith.constant 0 : i32
      %parallel_loop3A_553 = arith.constant 0 : i32
      %parallel_loop3A_554 = tpu.memref_slice %arg6[%parallel_loop3A_94, %parallel_loop3A_552, %parallel_loop3A_553] : memref<2x8x2048xi32, #tpu.memory_space<vmem>> -> memref<1x8x2048xi32, #tpu.memory_space<vmem>>
      %parallel_loop3A_555 = tpu.memref_squeeze %parallel_loop3A_554 : memref<1x8x2048xi32, #tpu.memory_space<vmem>> -> memref<8x2048xi32, #tpu.memory_space<vmem>>
      %parallel_loop3A_556 = arith.index_cast %parallel_loop3A_551 : i32 to index
      %parallel_loop3A_557 = arith.index_cast %parallel_loop3A_550 : i32 to index
      %parallel_loop3A_558 = tpu.vector_load %parallel_loop3A_555[%parallel_loop3A_556, %parallel_loop3A_557] {strides = array<i32>} : memref<8x2048xi32, #tpu.memory_space<vmem>>, vector<16xi32>,
      %parallel_loop3A_559 = arith.constant 2 : i32
      %parallel_loop3A_560 = arith.muli %parallel_loop3A_488, %parallel_loop3A_559 : i32
      %parallel_loop3A_561 = arith.constant 0 : i32
      %parallel_loop3A_562 = arith.addi %parallel_loop3A_560, %parallel_loop3A_561 : i32
      %parallel_loop3A_563 = arith.constant 16 : i32
      %parallel_loop3A_564 = arith.muli %parallel_loop3A_562, %parallel_loop3A_563 : i32
      %parallel_loop3A_565 = arith.constant 5 : i32
      %parallel_loop3A_566 = arith.constant 0 : i32
      %parallel_loop3A_567 = arith.constant 0 : i32
      %parallel_loop3A_568 = tpu.memref_slice %arg6[%parallel_loop3A_94, %parallel_loop3A_566, %parallel_loop3A_567] : memref<2x8x2048xi32, #tpu.memory_space<vmem>> -> memref<1x8x2048xi32, #tpu.memory_space<vmem>>
      %parallel_loop3A_569 = tpu.memref_squeeze %parallel_loop3A_568 : memref<1x8x2048xi32, #tpu.memory_space<vmem>> -> memref<8x2048xi32, #tpu.memory_space<vmem>>
      %parallel_loop3A_570 = arith.index_cast %parallel_loop3A_565 : i32 to index
      %parallel_loop3A_571 = arith.index_cast %parallel_loop3A_564 : i32 to index
      %parallel_loop3A_572 = tpu.vector_load %parallel_loop3A_569[%parallel_loop3A_570, %parallel_loop3A_571] {strides = array<i32>} : memref<8x2048xi32, #tpu.memory_space<vmem>>, vector<16xi32>,
      %parallel_loop3A_573 = arith.constant 2 : i32
      %parallel_loop3A_574 = arith.muli %parallel_loop3A_488, %parallel_loop3A_573 : i32
      %parallel_loop3A_575 = arith.constant 0 : i32
      %parallel_loop3A_576 = arith.addi %parallel_loop3A_574, %parallel_loop3A_575 : i32
      %parallel_loop3A_577 = arith.constant 16 : i32
      %parallel_loop3A_578 = arith.muli %parallel_loop3A_576, %parallel_loop3A_577 : i32
      %parallel_loop3A_579 = arith.constant 6 : i32
      %parallel_loop3A_580 = arith.constant 0 : i32
      %parallel_loop3A_581 = arith.constant 0 : i32
      %parallel_loop3A_582 = tpu.memref_slice %arg6[%parallel_loop3A_94, %parallel_loop3A_580, %parallel_loop3A_581] : memref<2x8x2048xi32, #tpu.memory_space<vmem>> -> memref<1x8x2048xi32, #tpu.memory_space<vmem>>
      %parallel_loop3A_583 = tpu.memref_squeeze %parallel_loop3A_582 : memref<1x8x2048xi32, #tpu.memory_space<vmem>> -> memref<8x2048xi32, #tpu.memory_space<vmem>>
      %parallel_loop3A_584 = arith.index_cast %parallel_loop3A_579 : i32 to index
      %parallel_loop3A_585 = arith.index_cast %parallel_loop3A_578 : i32 to index
      %parallel_loop3A_586 = tpu.vector_load %parallel_loop3A_583[%parallel_loop3A_584, %parallel_loop3A_585] {strides = array<i32>} : memref<8x2048xi32, #tpu.memory_space<vmem>>, vector<16xi32>,
      %parallel_loop3A_587 = arith.constant 2 : i32
      %parallel_loop3A_588 = arith.muli %parallel_loop3A_488, %parallel_loop3A_587 : i32
      %parallel_loop3A_589 = arith.constant 0 : i32
      %parallel_loop3A_590 = arith.addi %parallel_loop3A_588, %parallel_loop3A_589 : i32
      %parallel_loop3A_591 = arith.constant 16 : i32
      %parallel_loop3A_592 = arith.muli %parallel_loop3A_590, %parallel_loop3A_591 : i32
      %parallel_loop3A_593 = arith.constant 7 : i32
      %parallel_loop3A_594 = arith.constant 0 : i32
      %parallel_loop3A_595 = arith.constant 0 : i32
      %parallel_loop3A_596 = tpu.memref_slice %arg6[%parallel_loop3A_94, %parallel_loop3A_594, %parallel_loop3A_595] : memref<2x8x2048xi32, #tpu.memory_space<vmem>> -> memref<1x8x2048xi32, #tpu.memory_space<vmem>>
      %parallel_loop3A_597 = tpu.memref_squeeze %parallel_loop3A_596 : memref<1x8x2048xi32, #tpu.memory_space<vmem>> -> memref<8x2048xi32, #tpu.memory_space<vmem>>
      %parallel_loop3A_598 = arith.index_cast %parallel_loop3A_593 : i32 to index
      %parallel_loop3A_599 = arith.index_cast %parallel_loop3A_592 : i32 to index
      %parallel_loop3A_600 = tpu.vector_load %parallel_loop3A_597[%parallel_loop3A_598, %parallel_loop3A_599] {strides = array<i32>} : memref<8x2048xi32, #tpu.memory_space<vmem>>, vector<16xi32>,
      %parallel_loop3A_601 = arith.constant 2 : i32
      %parallel_loop3A_602 = arith.muli %parallel_loop3A_488, %parallel_loop3A_601 : i32
      %parallel_loop3A_603 = arith.constant 1 : i32
      %parallel_loop3A_604 = arith.addi %parallel_loop3A_602, %parallel_loop3A_603 : i32
      %parallel_loop3A_605 = arith.constant 16 : i32
      %parallel_loop3A_606 = arith.muli %parallel_loop3A_604, %parallel_loop3A_605 : i32
      %parallel_loop3A_607 = arith.constant 0 : i32
      %parallel_loop3A_608 = arith.constant 0 : i32
      %parallel_loop3A_609 = arith.constant 0 : i32
      %parallel_loop3A_610 = tpu.memref_slice %arg6[%parallel_loop3A_94, %parallel_loop3A_608, %parallel_loop3A_609] : memref<2x8x2048xi32, #tpu.memory_space<vmem>> -> memref<1x8x2048xi32, #tpu.memory_space<vmem>>
      %parallel_loop3A_611 = tpu.memref_squeeze %parallel_loop3A_610 : memref<1x8x2048xi32, #tpu.memory_space<vmem>> -> memref<8x2048xi32, #tpu.memory_space<vmem>>
      %parallel_loop3A_612 = arith.index_cast %parallel_loop3A_607 : i32 to index
      %parallel_loop3A_613 = arith.index_cast %parallel_loop3A_606 : i32 to index
      %parallel_loop3A_614 = tpu.vector_load %parallel_loop3A_611[%parallel_loop3A_612, %parallel_loop3A_613] {strides = array<i32>} : memref<8x2048xi32, #tpu.memory_space<vmem>>, vector<16xi32>,
      %parallel_loop3A_615 = arith.constant 2 : i32
      %parallel_loop3A_616 = arith.muli %parallel_loop3A_488, %parallel_loop3A_615 : i32
      %parallel_loop3A_617 = arith.constant 1 : i32
      %parallel_loop3A_618 = arith.addi %parallel_loop3A_616, %parallel_loop3A_617 : i32
      %parallel_loop3A_619 = arith.constant 16 : i32
      %parallel_loop3A_620 = arith.muli %parallel_loop3A_618, %parallel_loop3A_619 : i32
      %parallel_loop3A_621 = arith.constant 1 : i32
      %parallel_loop3A_622 = arith.constant 0 : i32
      %parallel_loop3A_623 = arith.constant 0 : i32
      %parallel_loop3A_624 = tpu.memref_slice %arg6[%parallel_loop3A_94, %parallel_loop3A_622, %parallel_loop3A_623] : memref<2x8x2048xi32, #tpu.memory_space<vmem>> -> memref<1x8x2048xi32, #tpu.memory_space<vmem>>
      %parallel_loop3A_625 = tpu.memref_squeeze %parallel_loop3A_624 : memref<1x8x2048xi32, #tpu.memory_space<vmem>> -> memref<8x2048xi32, #tpu.memory_space<vmem>>
      %parallel_loop3A_626 = arith.index_cast %parallel_loop3A_621 : i32 to index
      %parallel_loop3A_627 = arith.index_cast %parallel_loop3A_620 : i32 to index
      %parallel_loop3A_628 = tpu.vector_load %parallel_loop3A_625[%parallel_loop3A_626, %parallel_loop3A_627] {strides = array<i32>} : memref<8x2048xi32, #tpu.memory_space<vmem>>, vector<16xi32>,
      %parallel_loop3A_629 = arith.constant 2 : i32
      %parallel_loop3A_630 = arith.muli %parallel_loop3A_488, %parallel_loop3A_629 : i32
      %parallel_loop3A_631 = arith.constant 1 : i32
      %parallel_loop3A_632 = arith.addi %parallel_loop3A_630, %parallel_loop3A_631 : i32
      %parallel_loop3A_633 = arith.constant 16 : i32
      %parallel_loop3A_634 = arith.muli %parallel_loop3A_632, %parallel_loop3A_633 : i32
      %parallel_loop3A_635 = arith.constant 2 : i32
      %parallel_loop3A_636 = arith.constant 0 : i32
      %parallel_loop3A_637 = arith.constant 0 : i32
      %parallel_loop3A_638 = tpu.memref_slice %arg6[%parallel_loop3A_94, %parallel_loop3A_636, %parallel_loop3A_637] : memref<2x8x2048xi32, #tpu.memory_space<vmem>> -> memref<1x8x2048xi32, #tpu.memory_space<vmem>>
      %parallel_loop3A_639 = tpu.memref_squeeze %parallel_loop3A_638 : memref<1x8x2048xi32, #tpu.memory_space<vmem>> -> memref<8x2048xi32, #tpu.memory_space<vmem>>
      %parallel_loop3A_640 = arith.index_cast %parallel_loop3A_635 : i32 to index
      %parallel_loop3A_641 = arith.index_cast %parallel_loop3A_634 : i32 to index
      %parallel_loop3A_642 = tpu.vector_load %parallel_loop3A_639[%parallel_loop3A_640, %parallel_loop3A_641] {strides = array<i32>} : memref<8x2048xi32, #tpu.memory_space<vmem>>, vector<16xi32>,
      %parallel_loop3A_643 = arith.constant 2 : i32
      %parallel_loop3A_644 = arith.muli %parallel_loop3A_488, %parallel_loop3A_643 : i32
      %parallel_loop3A_645 = arith.constant 1 : i32
      %parallel_loop3A_646 = arith.addi %parallel_loop3A_644, %parallel_loop3A_645 : i32
      %parallel_loop3A_647 = arith.constant 16 : i32
      %parallel_loop3A_648 = arith.muli %parallel_loop3A_646, %parallel_loop3A_647 : i32
      %parallel_loop3A_649 = arith.constant 3 : i32
      %parallel_loop3A_650 = arith.constant 0 : i32
      %parallel_loop3A_651 = arith.constant 0 : i32
      %parallel_loop3A_652 = tpu.memref_slice %arg6[%parallel_loop3A_94, %parallel_loop3A_650, %parallel_loop3A_651] : memref<2x8x2048xi32, #tpu.memory_space<vmem>> -> memref<1x8x2048xi32, #tpu.memory_space<vmem>>
      %parallel_loop3A_653 = tpu.memref_squeeze %parallel_loop3A_652 : memref<1x8x2048xi32, #tpu.memory_space<vmem>> -> memref<8x2048xi32, #tpu.memory_space<vmem>>
      %parallel_loop3A_654 = arith.index_cast %parallel_loop3A_649 : i32 to index
      %parallel_loop3A_655 = arith.index_cast %parallel_loop3A_648 : i32 to index
      %parallel_loop3A_656 = tpu.vector_load %parallel_loop3A_653[%parallel_loop3A_654, %parallel_loop3A_655] {strides = array<i32>} : memref<8x2048xi32, #tpu.memory_space<vmem>>, vector<16xi32>,
      %parallel_loop3A_657 = arith.constant 2 : i32
      %parallel_loop3A_658 = arith.muli %parallel_loop3A_488, %parallel_loop3A_657 : i32
      %parallel_loop3A_659 = arith.constant 1 : i32
      %parallel_loop3A_660 = arith.addi %parallel_loop3A_658, %parallel_loop3A_659 : i32
      %parallel_loop3A_661 = arith.constant 16 : i32
      %parallel_loop3A_662 = arith.muli %parallel_loop3A_660, %parallel_loop3A_661 : i32
      %parallel_loop3A_663 = arith.constant 4 : i32
      %parallel_loop3A_664 = arith.constant 0 : i32
      %parallel_loop3A_665 = arith.constant 0 : i32
      %parallel_loop3A_666 = tpu.memref_slice %arg6[%parallel_loop3A_94, %parallel_loop3A_664, %parallel_loop3A_665] : memref<2x8x2048xi32, #tpu.memory_space<vmem>> -> memref<1x8x2048xi32, #tpu.memory_space<vmem>>
      %parallel_loop3A_667 = tpu.memref_squeeze %parallel_loop3A_666 : memref<1x8x2048xi32, #tpu.memory_space<vmem>> -> memref<8x2048xi32, #tpu.memory_space<vmem>>
      %parallel_loop3A_668 = arith.index_cast %parallel_loop3A_663 : i32 to index
      %parallel_loop3A_669 = arith.index_cast %parallel_loop3A_662 : i32 to index
      %parallel_loop3A_670 = tpu.vector_load %parallel_loop3A_667[%parallel_loop3A_668, %parallel_loop3A_669] {strides = array<i32>} : memref<8x2048xi32, #tpu.memory_space<vmem>>, vector<16xi32>,
      %parallel_loop3A_671 = arith.constant 2 : i32
      %parallel_loop3A_672 = arith.muli %parallel_loop3A_488, %parallel_loop3A_671 : i32
      %parallel_loop3A_673 = arith.constant 1 : i32
      %parallel_loop3A_674 = arith.addi %parallel_loop3A_672, %parallel_loop3A_673 : i32
      %parallel_loop3A_675 = arith.constant 16 : i32
      %parallel_loop3A_676 = arith.muli %parallel_loop3A_674, %parallel_loop3A_675 : i32
      %parallel_loop3A_677 = arith.constant 5 : i32
      %parallel_loop3A_678 = arith.constant 0 : i32
      %parallel_loop3A_679 = arith.constant 0 : i32
      %parallel_loop3A_680 = tpu.memref_slice %arg6[%parallel_loop3A_94, %parallel_loop3A_678, %parallel_loop3A_679] : memref<2x8x2048xi32, #tpu.memory_space<vmem>> -> memref<1x8x2048xi32, #tpu.memory_space<vmem>>
      %parallel_loop3A_681 = tpu.memref_squeeze %parallel_loop3A_680 : memref<1x8x2048xi32, #tpu.memory_space<vmem>> -> memref<8x2048xi32, #tpu.memory_space<vmem>>
      %parallel_loop3A_682 = arith.index_cast %parallel_loop3A_677 : i32 to index
      %parallel_loop3A_683 = arith.index_cast %parallel_loop3A_676 : i32 to index
      %parallel_loop3A_684 = tpu.vector_load %parallel_loop3A_681[%parallel_loop3A_682, %parallel_loop3A_683] {strides = array<i32>} : memref<8x2048xi32, #tpu.memory_space<vmem>>, vector<16xi32>,
      %parallel_loop3A_685 = arith.constant 2 : i32
      %parallel_loop3A_686 = arith.muli %parallel_loop3A_488, %parallel_loop3A_685 : i32
      %parallel_loop3A_687 = arith.constant 1 : i32
      %parallel_loop3A_688 = arith.addi %parallel_loop3A_686, %parallel_loop3A_687 : i32
      %parallel_loop3A_689 = arith.constant 16 : i32
      %parallel_loop3A_690 = arith.muli %parallel_loop3A_688, %parallel_loop3A_689 : i32
      %parallel_loop3A_691 = arith.constant 6 : i32
      %parallel_loop3A_692 = arith.constant 0 : i32
      %parallel_loop3A_693 = arith.constant 0 : i32
      %parallel_loop3A_694 = tpu.memref_slice %arg6[%parallel_loop3A_94, %parallel_loop3A_692, %parallel_loop3A_693] : memref<2x8x2048xi32, #tpu.memory_space<vmem>> -> memref<1x8x2048xi32, #tpu.memory_space<vmem>>
      %parallel_loop3A_695 = tpu.memref_squeeze %parallel_loop3A_694 : memref<1x8x2048xi32, #tpu.memory_space<vmem>> -> memref<8x2048xi32, #tpu.memory_space<vmem>>
      %parallel_loop3A_696 = arith.index_cast %parallel_loop3A_691 : i32 to index
      %parallel_loop3A_697 = arith.index_cast %parallel_loop3A_690 : i32 to index
      %parallel_loop3A_698 = tpu.vector_load %parallel_loop3A_695[%parallel_loop3A_696, %parallel_loop3A_697] {strides = array<i32>} : memref<8x2048xi32, #tpu.memory_space<vmem>>, vector<16xi32>,
      %parallel_loop3A_699 = arith.constant 2 : i32
      %parallel_loop3A_700 = arith.muli %parallel_loop3A_488, %parallel_loop3A_699 : i32
      %parallel_loop3A_701 = arith.constant 1 : i32
      %parallel_loop3A_702 = arith.addi %parallel_loop3A_700, %parallel_loop3A_701 : i32
      %parallel_loop3A_703 = arith.constant 16 : i32
      %parallel_loop3A_704 = arith.muli %parallel_loop3A_702, %parallel_loop3A_703 : i32
      %parallel_loop3A_705 = arith.constant 7 : i32
      %parallel_loop3A_706 = arith.constant 0 : i32
      %parallel_loop3A_707 = arith.constant 0 : i32
      %parallel_loop3A_708 = tpu.memref_slice %arg6[%parallel_loop3A_94, %parallel_loop3A_706, %parallel_loop3A_707] : memref<2x8x2048xi32, #tpu.memory_space<vmem>> -> memref<1x8x2048xi32, #tpu.memory_space<vmem>>
      %parallel_loop3A_709 = tpu.memref_squeeze %parallel_loop3A_708 : memref<1x8x2048xi32, #tpu.memory_space<vmem>> -> memref<8x2048xi32, #tpu.memory_space<vmem>>
      %parallel_loop3A_710 = arith.index_cast %parallel_loop3A_705 : i32 to index
      %parallel_loop3A_711 = arith.index_cast %parallel_loop3A_704 : i32 to index
      %parallel_loop3A_712 = tpu.vector_load %parallel_loop3A_709[%parallel_loop3A_710, %parallel_loop3A_711] {strides = array<i32>} : memref<8x2048xi32, #tpu.memory_space<vmem>>, vector<16xi32>,
      %parallel_loop3A_713 = tpu.vector_load_idx %arg5[%parallel_loop3A_502] : memref<10000xf32, #tpu.memory_space<vmem>>[vector<16xi32>], vector<16xf32>,
      %parallel_loop3A_714 = tpu.vector_load_idx %arg5[%parallel_loop3A_516] : memref<10000xf32, #tpu.memory_space<vmem>>[vector<16xi32>], vector<16xf32>,
      %parallel_loop3A_715 = tpu.vector_load_idx %arg5[%parallel_loop3A_530] : memref<10000xf32, #tpu.memory_space<vmem>>[vector<16xi32>], vector<16xf32>,
      %parallel_loop3A_716 = tpu.vector_load_idx %arg5[%parallel_loop3A_544] : memref<10000xf32, #tpu.memory_space<vmem>>[vector<16xi32>], vector<16xf32>,
      %parallel_loop3A_717 = tpu.vector_load_idx %arg5[%parallel_loop3A_558] : memref<10000xf32, #tpu.memory_space<vmem>>[vector<16xi32>], vector<16xf32>,
      %parallel_loop3A_718 = tpu.vector_load_idx %arg5[%parallel_loop3A_572] : memref<10000xf32, #tpu.memory_space<vmem>>[vector<16xi32>], vector<16xf32>,
      %parallel_loop3A_719 = tpu.vector_load_idx %arg5[%parallel_loop3A_586] : memref<10000xf32, #tpu.memory_space<vmem>>[vector<16xi32>], vector<16xf32>,
      %parallel_loop3A_720 = tpu.vector_load_idx %arg5[%parallel_loop3A_600] : memref<10000xf32, #tpu.memory_space<vmem>>[vector<16xi32>], vector<16xf32>,
      %parallel_loop3A_721 = tpu.vector_load_idx %arg5[%parallel_loop3A_614] : memref<10000xf32, #tpu.memory_space<vmem>>[vector<16xi32>], vector<16xf32>,
      %parallel_loop3A_722 = tpu.vector_load_idx %arg5[%parallel_loop3A_628] : memref<10000xf32, #tpu.memory_space<vmem>>[vector<16xi32>], vector<16xf32>,
      %parallel_loop3A_723 = tpu.vector_load_idx %arg5[%parallel_loop3A_642] : memref<10000xf32, #tpu.memory_space<vmem>>[vector<16xi32>], vector<16xf32>,
      %parallel_loop3A_724 = tpu.vector_load_idx %arg5[%parallel_loop3A_656] : memref<10000xf32, #tpu.memory_space<vmem>>[vector<16xi32>], vector<16xf32>,
      %parallel_loop3A_725 = tpu.vector_load_idx %arg5[%parallel_loop3A_670] : memref<10000xf32, #tpu.memory_space<vmem>>[vector<16xi32>], vector<16xf32>,
      %parallel_loop3A_726 = tpu.vector_load_idx %arg5[%parallel_loop3A_684] : memref<10000xf32, #tpu.memory_space<vmem>>[vector<16xi32>], vector<16xf32>,
      %parallel_loop3A_727 = tpu.vector_load_idx %arg5[%parallel_loop3A_698] : memref<10000xf32, #tpu.memory_space<vmem>>[vector<16xi32>], vector<16xf32>,
      %parallel_loop3A_728 = tpu.vector_load_idx %arg5[%parallel_loop3A_712] : memref<10000xf32, #tpu.memory_space<vmem>>[vector<16xi32>], vector<16xf32>,
      %parallel_loop3A_729 = arith.constant 2 : i32
      %parallel_loop3A_730 = arith.muli %parallel_loop3A_488, %parallel_loop3A_729 : i32
      %parallel_loop3A_731 = arith.constant 0 : i32
      %parallel_loop3A_732 = arith.addi %parallel_loop3A_730, %parallel_loop3A_731 : i32
      %parallel_loop3A_733 = arith.constant 16 : i32
      %parallel_loop3A_734 = arith.muli %parallel_loop3A_732, %parallel_loop3A_733 : i32
      %parallel_loop3A_735 = arith.constant 0 : i32
      %parallel_loop3A_736 = arith.constant 0 : i32
      %parallel_loop3A_737 = arith.constant 0 : i32
      %parallel_loop3A_738 = tpu.memref_slice %arg7[%parallel_loop3A_95, %parallel_loop3A_736, %parallel_loop3A_737] : memref<2x8x2048xf32, #tpu.memory_space<vmem>> -> memref<1x8x2048xf32, #tpu.memory_space<vmem>>
      %parallel_loop3A_739 = tpu.memref_squeeze %parallel_loop3A_738 : memref<1x8x2048xf32, #tpu.memory_space<vmem>> -> memref<8x2048xf32, #tpu.memory_space<vmem>>
      %parallel_loop3A_740 = arith.index_cast %parallel_loop3A_735 : i32 to index
      %parallel_loop3A_741 = arith.index_cast %parallel_loop3A_734 : i32 to index
      %parallel_loop3A_742 = tpu.vector_load %parallel_loop3A_739[%parallel_loop3A_740, %parallel_loop3A_741] {strides = array<i32>} : memref<8x2048xf32, #tpu.memory_space<vmem>>, vector<16xf32>,
      tpu.vector_store %parallel_loop3A_739[%parallel_loop3A_740, %parallel_loop3A_741], %parallel_loop3A_713 {strides = array<i32>} : memref<8x2048xf32, #tpu.memory_space<vmem>>, vector<16xf32>,
      %parallel_loop3A_743 = arith.constant 2 : i32
      %parallel_loop3A_744 = arith.muli %parallel_loop3A_488, %parallel_loop3A_743 : i32
      %parallel_loop3A_745 = arith.constant 0 : i32
      %parallel_loop3A_746 = arith.addi %parallel_loop3A_744, %parallel_loop3A_745 : i32
      %parallel_loop3A_747 = arith.constant 16 : i32
      %parallel_loop3A_748 = arith.muli %parallel_loop3A_746, %parallel_loop3A_747 : i32
      %parallel_loop3A_749 = arith.constant 1 : i32
      %parallel_loop3A_750 = arith.constant 0 : i32
      %parallel_loop3A_751 = arith.constant 0 : i32
      %parallel_loop3A_752 = tpu.memref_slice %arg7[%parallel_loop3A_95, %parallel_loop3A_750, %parallel_loop3A_751] : memref<2x8x2048xf32, #tpu.memory_space<vmem>> -> memref<1x8x2048xf32, #tpu.memory_space<vmem>>
      %parallel_loop3A_753 = tpu.memref_squeeze %parallel_loop3A_752 : memref<1x8x2048xf32, #tpu.memory_space<vmem>> -> memref<8x2048xf32, #tpu.memory_space<vmem>>
      %parallel_loop3A_754 = arith.index_cast %parallel_loop3A_749 : i32 to index
      %parallel_loop3A_755 = arith.index_cast %parallel_loop3A_748 : i32 to index
      %parallel_loop3A_756 = tpu.vector_load %parallel_loop3A_753[%parallel_loop3A_754, %parallel_loop3A_755] {strides = array<i32>} : memref<8x2048xf32, #tpu.memory_space<vmem>>, vector<16xf32>,
      tpu.vector_store %parallel_loop3A_753[%parallel_loop3A_754, %parallel_loop3A_755], %parallel_loop3A_714 {strides = array<i32>} : memref<8x2048xf32, #tpu.memory_space<vmem>>, vector<16xf32>,
      %parallel_loop3A_757 = arith.constant 2 : i32
      %parallel_loop3A_758 = arith.muli %parallel_loop3A_488, %parallel_loop3A_757 : i32
      %parallel_loop3A_759 = arith.constant 0 : i32
      %parallel_loop3A_760 = arith.addi %parallel_loop3A_758, %parallel_loop3A_759 : i32
      %parallel_loop3A_761 = arith.constant 16 : i32
      %parallel_loop3A_762 = arith.muli %parallel_loop3A_760, %parallel_loop3A_761 : i32
      %parallel_loop3A_763 = arith.constant 2 : i32
      %parallel_loop3A_764 = arith.constant 0 : i32
      %parallel_loop3A_765 = arith.constant 0 : i32
      %parallel_loop3A_766 = tpu.memref_slice %arg7[%parallel_loop3A_95, %parallel_loop3A_764, %parallel_loop3A_765] : memref<2x8x2048xf32, #tpu.memory_space<vmem>> -> memref<1x8x2048xf32, #tpu.memory_space<vmem>>
      %parallel_loop3A_767 = tpu.memref_squeeze %parallel_loop3A_766 : memref<1x8x2048xf32, #tpu.memory_space<vmem>> -> memref<8x2048xf32, #tpu.memory_space<vmem>>
      %parallel_loop3A_768 = arith.index_cast %parallel_loop3A_763 : i32 to index
      %parallel_loop3A_769 = arith.index_cast %parallel_loop3A_762 : i32 to index
      %parallel_loop3A_770 = tpu.vector_load %parallel_loop3A_767[%parallel_loop3A_768, %parallel_loop3A_769] {strides = array<i32>} : memref<8x2048xf32, #tpu.memory_space<vmem>>, vector<16xf32>,
      tpu.vector_store %parallel_loop3A_767[%parallel_loop3A_768, %parallel_loop3A_769], %parallel_loop3A_715 {strides = array<i32>} : memref<8x2048xf32, #tpu.memory_space<vmem>>, vector<16xf32>,
      %parallel_loop3A_771 = arith.constant 2 : i32
      %parallel_loop3A_772 = arith.muli %parallel_loop3A_488, %parallel_loop3A_771 : i32
      %parallel_loop3A_773 = arith.constant 0 : i32
      %parallel_loop3A_774 = arith.addi %parallel_loop3A_772, %parallel_loop3A_773 : i32
      %parallel_loop3A_775 = arith.constant 16 : i32
      %parallel_loop3A_776 = arith.muli %parallel_loop3A_774, %parallel_loop3A_775 : i32
      %parallel_loop3A_777 = arith.constant 3 : i32
      %parallel_loop3A_778 = arith.constant 0 : i32
      %parallel_loop3A_779 = arith.constant 0 : i32
      %parallel_loop3A_780 = tpu.memref_slice %arg7[%parallel_loop3A_95, %parallel_loop3A_778, %parallel_loop3A_779] : memref<2x8x2048xf32, #tpu.memory_space<vmem>> -> memref<1x8x2048xf32, #tpu.memory_space<vmem>>
      %parallel_loop3A_781 = tpu.memref_squeeze %parallel_loop3A_780 : memref<1x8x2048xf32, #tpu.memory_space<vmem>> -> memref<8x2048xf32, #tpu.memory_space<vmem>>
      %parallel_loop3A_782 = arith.index_cast %parallel_loop3A_777 : i32 to index
      %parallel_loop3A_783 = arith.index_cast %parallel_loop3A_776 : i32 to index
      %parallel_loop3A_784 = tpu.vector_load %parallel_loop3A_781[%parallel_loop3A_782, %parallel_loop3A_783] {strides = array<i32>} : memref<8x2048xf32, #tpu.memory_space<vmem>>, vector<16xf32>,
      tpu.vector_store %parallel_loop3A_781[%parallel_loop3A_782, %parallel_loop3A_783], %parallel_loop3A_716 {strides = array<i32>} : memref<8x2048xf32, #tpu.memory_space<vmem>>, vector<16xf32>,
      %parallel_loop3A_785 = arith.constant 2 : i32
      %parallel_loop3A_786 = arith.muli %parallel_loop3A_488, %parallel_loop3A_785 : i32
      %parallel_loop3A_787 = arith.constant 0 : i32
      %parallel_loop3A_788 = arith.addi %parallel_loop3A_786, %parallel_loop3A_787 : i32
      %parallel_loop3A_789 = arith.constant 16 : i32
      %parallel_loop3A_790 = arith.muli %parallel_loop3A_788, %parallel_loop3A_789 : i32
      %parallel_loop3A_791 = arith.constant 4 : i32
      %parallel_loop3A_792 = arith.constant 0 : i32
      %parallel_loop3A_793 = arith.constant 0 : i32
      %parallel_loop3A_794 = tpu.memref_slice %arg7[%parallel_loop3A_95, %parallel_loop3A_792, %parallel_loop3A_793] : memref<2x8x2048xf32, #tpu.memory_space<vmem>> -> memref<1x8x2048xf32, #tpu.memory_space<vmem>>
      %parallel_loop3A_795 = tpu.memref_squeeze %parallel_loop3A_794 : memref<1x8x2048xf32, #tpu.memory_space<vmem>> -> memref<8x2048xf32, #tpu.memory_space<vmem>>
      %parallel_loop3A_796 = arith.index_cast %parallel_loop3A_791 : i32 to index
      %parallel_loop3A_797 = arith.index_cast %parallel_loop3A_790 : i32 to index
      %parallel_loop3A_798 = tpu.vector_load %parallel_loop3A_795[%parallel_loop3A_796, %parallel_loop3A_797] {strides = array<i32>} : memref<8x2048xf32, #tpu.memory_space<vmem>>, vector<16xf32>,
      tpu.vector_store %parallel_loop3A_795[%parallel_loop3A_796, %parallel_loop3A_797], %parallel_loop3A_717 {strides = array<i32>} : memref<8x2048xf32, #tpu.memory_space<vmem>>, vector<16xf32>,
      %parallel_loop3A_799 = arith.constant 2 : i32
      %parallel_loop3A_800 = arith.muli %parallel_loop3A_488, %parallel_loop3A_799 : i32
      %parallel_loop3A_801 = arith.constant 0 : i32
      %parallel_loop3A_802 = arith.addi %parallel_loop3A_800, %parallel_loop3A_801 : i32
      %parallel_loop3A_803 = arith.constant 16 : i32
      %parallel_loop3A_804 = arith.muli %parallel_loop3A_802, %parallel_loop3A_803 : i32
      %parallel_loop3A_805 = arith.constant 5 : i32
      %parallel_loop3A_806 = arith.constant 0 : i32
      %parallel_loop3A_807 = arith.constant 0 : i32
      %parallel_loop3A_808 = tpu.memref_slice %arg7[%parallel_loop3A_95, %parallel_loop3A_806, %parallel_loop3A_807] : memref<2x8x2048xf32, #tpu.memory_space<vmem>> -> memref<1x8x2048xf32, #tpu.memory_space<vmem>>
      %parallel_loop3A_809 = tpu.memref_squeeze %parallel_loop3A_808 : memref<1x8x2048xf32, #tpu.memory_space<vmem>> -> memref<8x2048xf32, #tpu.memory_space<vmem>>
      %parallel_loop3A_810 = arith.index_cast %parallel_loop3A_805 : i32 to index
      %parallel_loop3A_811 = arith.index_cast %parallel_loop3A_804 : i32 to index
      %parallel_loop3A_812 = tpu.vector_load %parallel_loop3A_809[%parallel_loop3A_810, %parallel_loop3A_811] {strides = array<i32>} : memref<8x2048xf32, #tpu.memory_space<vmem>>, vector<16xf32>,
      tpu.vector_store %parallel_loop3A_809[%parallel_loop3A_810, %parallel_loop3A_811], %parallel_loop3A_718 {strides = array<i32>} : memref<8x2048xf32, #tpu.memory_space<vmem>>, vector<16xf32>,
      %parallel_loop3A_813 = arith.constant 2 : i32
      %parallel_loop3A_814 = arith.muli %parallel_loop3A_488, %parallel_loop3A_813 : i32
      %parallel_loop3A_815 = arith.constant 0 : i32
      %parallel_loop3A_816 = arith.addi %parallel_loop3A_814, %parallel_loop3A_815 : i32
      %parallel_loop3A_817 = arith.constant 16 : i32
      %parallel_loop3A_818 = arith.muli %parallel_loop3A_816, %parallel_loop3A_817 : i32
      %parallel_loop3A_819 = arith.constant 6 : i32
      %parallel_loop3A_820 = arith.constant 0 : i32
      %parallel_loop3A_821 = arith.constant 0 : i32
      %parallel_loop3A_822 = tpu.memref_slice %arg7[%parallel_loop3A_95, %parallel_loop3A_820, %parallel_loop3A_821] : memref<2x8x2048xf32, #tpu.memory_space<vmem>> -> memref<1x8x2048xf32, #tpu.memory_space<vmem>>
      %parallel_loop3A_823 = tpu.memref_squeeze %parallel_loop3A_822 : memref<1x8x2048xf32, #tpu.memory_space<vmem>> -> memref<8x2048xf32, #tpu.memory_space<vmem>>
      %parallel_loop3A_824 = arith.index_cast %parallel_loop3A_819 : i32 to index
      %parallel_loop3A_825 = arith.index_cast %parallel_loop3A_818 : i32 to index
      %parallel_loop3A_826 = tpu.vector_load %parallel_loop3A_823[%parallel_loop3A_824, %parallel_loop3A_825] {strides = array<i32>} : memref<8x2048xf32, #tpu.memory_space<vmem>>, vector<16xf32>,
      tpu.vector_store %parallel_loop3A_823[%parallel_loop3A_824, %parallel_loop3A_825], %parallel_loop3A_719 {strides = array<i32>} : memref<8x2048xf32, #tpu.memory_space<vmem>>, vector<16xf32>,
      %parallel_loop3A_827 = arith.constant 2 : i32
      %parallel_loop3A_828 = arith.muli %parallel_loop3A_488, %parallel_loop3A_827 : i32
      %parallel_loop3A_829 = arith.constant 0 : i32
      %parallel_loop3A_830 = arith.addi %parallel_loop3A_828, %parallel_loop3A_829 : i32
      %parallel_loop3A_831 = arith.constant 16 : i32
      %parallel_loop3A_832 = arith.muli %parallel_loop3A_830, %parallel_loop3A_831 : i32
      %parallel_loop3A_833 = arith.constant 7 : i32
      %parallel_loop3A_834 = arith.constant 0 : i32
      %parallel_loop3A_835 = arith.constant 0 : i32
      %parallel_loop3A_836 = tpu.memref_slice %arg7[%parallel_loop3A_95, %parallel_loop3A_834, %parallel_loop3A_835] : memref<2x8x2048xf32, #tpu.memory_space<vmem>> -> memref<1x8x2048xf32, #tpu.memory_space<vmem>>
      %parallel_loop3A_837 = tpu.memref_squeeze %parallel_loop3A_836 : memref<1x8x2048xf32, #tpu.memory_space<vmem>> -> memref<8x2048xf32, #tpu.memory_space<vmem>>
      %parallel_loop3A_838 = arith.index_cast %parallel_loop3A_833 : i32 to index
      %parallel_loop3A_839 = arith.index_cast %parallel_loop3A_832 : i32 to index
      %parallel_loop3A_840 = tpu.vector_load %parallel_loop3A_837[%parallel_loop3A_838, %parallel_loop3A_839] {strides = array<i32>} : memref<8x2048xf32, #tpu.memory_space<vmem>>, vector<16xf32>,
      tpu.vector_store %parallel_loop3A_837[%parallel_loop3A_838, %parallel_loop3A_839], %parallel_loop3A_720 {strides = array<i32>} : memref<8x2048xf32, #tpu.memory_space<vmem>>, vector<16xf32>,
      %parallel_loop3A_841 = arith.constant 2 : i32
      %parallel_loop3A_842 = arith.muli %parallel_loop3A_488, %parallel_loop3A_841 : i32
      %parallel_loop3A_843 = arith.constant 1 : i32
      %parallel_loop3A_844 = arith.addi %parallel_loop3A_842, %parallel_loop3A_843 : i32
      %parallel_loop3A_845 = arith.constant 16 : i32
      %parallel_loop3A_846 = arith.muli %parallel_loop3A_844, %parallel_loop3A_845 : i32
      %parallel_loop3A_847 = arith.constant 0 : i32
      %parallel_loop3A_848 = arith.constant 0 : i32
      %parallel_loop3A_849 = arith.constant 0 : i32
      %parallel_loop3A_850 = tpu.memref_slice %arg7[%parallel_loop3A_95, %parallel_loop3A_848, %parallel_loop3A_849] : memref<2x8x2048xf32, #tpu.memory_space<vmem>> -> memref<1x8x2048xf32, #tpu.memory_space<vmem>>
      %parallel_loop3A_851 = tpu.memref_squeeze %parallel_loop3A_850 : memref<1x8x2048xf32, #tpu.memory_space<vmem>> -> memref<8x2048xf32, #tpu.memory_space<vmem>>
      %parallel_loop3A_852 = arith.index_cast %parallel_loop3A_847 : i32 to index
      %parallel_loop3A_853 = arith.index_cast %parallel_loop3A_846 : i32 to index
      %parallel_loop3A_854 = tpu.vector_load %parallel_loop3A_851[%parallel_loop3A_852, %parallel_loop3A_853] {strides = array<i32>} : memref<8x2048xf32, #tpu.memory_space<vmem>>, vector<16xf32>,
      tpu.vector_store %parallel_loop3A_851[%parallel_loop3A_852, %parallel_loop3A_853], %parallel_loop3A_721 {strides = array<i32>} : memref<8x2048xf32, #tpu.memory_space<vmem>>, vector<16xf32>,
      %parallel_loop3A_855 = arith.constant 2 : i32
      %parallel_loop3A_856 = arith.muli %parallel_loop3A_488, %parallel_loop3A_855 : i32
      %parallel_loop3A_857 = arith.constant 1 : i32
      %parallel_loop3A_858 = arith.addi %parallel_loop3A_856, %parallel_loop3A_857 : i32
      %parallel_loop3A_859 = arith.constant 16 : i32
      %parallel_loop3A_860 = arith.muli %parallel_loop3A_858, %parallel_loop3A_859 : i32
      %parallel_loop3A_861 = arith.constant 1 : i32
      %parallel_loop3A_862 = arith.constant 0 : i32
      %parallel_loop3A_863 = arith.constant 0 : i32
      %parallel_loop3A_864 = tpu.memref_slice %arg7[%parallel_loop3A_95, %parallel_loop3A_862, %parallel_loop3A_863] : memref<2x8x2048xf32, #tpu.memory_space<vmem>> -> memref<1x8x2048xf32, #tpu.memory_space<vmem>>
      %parallel_loop3A_865 = tpu.memref_squeeze %parallel_loop3A_864 : memref<1x8x2048xf32, #tpu.memory_space<vmem>> -> memref<8x2048xf32, #tpu.memory_space<vmem>>
      %parallel_loop3A_866 = arith.index_cast %parallel_loop3A_861 : i32 to index
      %parallel_loop3A_867 = arith.index_cast %parallel_loop3A_860 : i32 to index
      %parallel_loop3A_868 = tpu.vector_load %parallel_loop3A_865[%parallel_loop3A_866, %parallel_loop3A_867] {strides = array<i32>} : memref<8x2048xf32, #tpu.memory_space<vmem>>, vector<16xf32>,
      tpu.vector_store %parallel_loop3A_865[%parallel_loop3A_866, %parallel_loop3A_867], %parallel_loop3A_722 {strides = array<i32>} : memref<8x2048xf32, #tpu.memory_space<vmem>>, vector<16xf32>,
      %parallel_loop3A_869 = arith.constant 2 : i32
      %parallel_loop3A_870 = arith.muli %parallel_loop3A_488, %parallel_loop3A_869 : i32
      %parallel_loop3A_871 = arith.constant 1 : i32
      %parallel_loop3A_872 = arith.addi %parallel_loop3A_870, %parallel_loop3A_871 : i32
      %parallel_loop3A_873 = arith.constant 16 : i32
      %parallel_loop3A_874 = arith.muli %parallel_loop3A_872, %parallel_loop3A_873 : i32
      %parallel_loop3A_875 = arith.constant 2 : i32
      %parallel_loop3A_876 = arith.constant 0 : i32
      %parallel_loop3A_877 = arith.constant 0 : i32
      %parallel_loop3A_878 = tpu.memref_slice %arg7[%parallel_loop3A_95, %parallel_loop3A_876, %parallel_loop3A_877] : memref<2x8x2048xf32, #tpu.memory_space<vmem>> -> memref<1x8x2048xf32, #tpu.memory_space<vmem>>
      %parallel_loop3A_879 = tpu.memref_squeeze %parallel_loop3A_878 : memref<1x8x2048xf32, #tpu.memory_space<vmem>> -> memref<8x2048xf32, #tpu.memory_space<vmem>>
      %parallel_loop3A_880 = arith.index_cast %parallel_loop3A_875 : i32 to index
      %parallel_loop3A_881 = arith.index_cast %parallel_loop3A_874 : i32 to index
      %parallel_loop3A_882 = tpu.vector_load %parallel_loop3A_879[%parallel_loop3A_880, %parallel_loop3A_881] {strides = array<i32>} : memref<8x2048xf32, #tpu.memory_space<vmem>>, vector<16xf32>,
      tpu.vector_store %parallel_loop3A_879[%parallel_loop3A_880, %parallel_loop3A_881], %parallel_loop3A_723 {strides = array<i32>} : memref<8x2048xf32, #tpu.memory_space<vmem>>, vector<16xf32>,
      %parallel_loop3A_883 = arith.constant 2 : i32
      %parallel_loop3A_884 = arith.muli %parallel_loop3A_488, %parallel_loop3A_883 : i32
      %parallel_loop3A_885 = arith.constant 1 : i32
      %parallel_loop3A_886 = arith.addi %parallel_loop3A_884, %parallel_loop3A_885 : i32
      %parallel_loop3A_887 = arith.constant 16 : i32
      %parallel_loop3A_888 = arith.muli %parallel_loop3A_886, %parallel_loop3A_887 : i32
      %parallel_loop3A_889 = arith.constant 3 : i32
      %parallel_loop3A_890 = arith.constant 0 : i32
      %parallel_loop3A_891 = arith.constant 0 : i32
      %parallel_loop3A_892 = tpu.memref_slice %arg7[%parallel_loop3A_95, %parallel_loop3A_890, %parallel_loop3A_891] : memref<2x8x2048xf32, #tpu.memory_space<vmem>> -> memref<1x8x2048xf32, #tpu.memory_space<vmem>>
      %parallel_loop3A_893 = tpu.memref_squeeze %parallel_loop3A_892 : memref<1x8x2048xf32, #tpu.memory_space<vmem>> -> memref<8x2048xf32, #tpu.memory_space<vmem>>
      %parallel_loop3A_894 = arith.index_cast %parallel_loop3A_889 : i32 to index
      %parallel_loop3A_895 = arith.index_cast %parallel_loop3A_888 : i32 to index
      %parallel_loop3A_896 = tpu.vector_load %parallel_loop3A_893[%parallel_loop3A_894, %parallel_loop3A_895] {strides = array<i32>} : memref<8x2048xf32, #tpu.memory_space<vmem>>, vector<16xf32>,
      tpu.vector_store %parallel_loop3A_893[%parallel_loop3A_894, %parallel_loop3A_895], %parallel_loop3A_724 {strides = array<i32>} : memref<8x2048xf32, #tpu.memory_space<vmem>>, vector<16xf32>,
      %parallel_loop3A_897 = arith.constant 2 : i32
      %parallel_loop3A_898 = arith.muli %parallel_loop3A_488, %parallel_loop3A_897 : i32
      %parallel_loop3A_899 = arith.constant 1 : i32
      %parallel_loop3A_900 = arith.addi %parallel_loop3A_898, %parallel_loop3A_899 : i32
      %parallel_loop3A_901 = arith.constant 16 : i32
      %parallel_loop3A_902 = arith.muli %parallel_loop3A_900, %parallel_loop3A_901 : i32
      %parallel_loop3A_903 = arith.constant 4 : i32
      %parallel_loop3A_904 = arith.constant 0 : i32
      %parallel_loop3A_905 = arith.constant 0 : i32
      %parallel_loop3A_906 = tpu.memref_slice %arg7[%parallel_loop3A_95, %parallel_loop3A_904, %parallel_loop3A_905] : memref<2x8x2048xf32, #tpu.memory_space<vmem>> -> memref<1x8x2048xf32, #tpu.memory_space<vmem>>
      %parallel_loop3A_907 = tpu.memref_squeeze %parallel_loop3A_906 : memref<1x8x2048xf32, #tpu.memory_space<vmem>> -> memref<8x2048xf32, #tpu.memory_space<vmem>>
      %parallel_loop3A_908 = arith.index_cast %parallel_loop3A_903 : i32 to index
      %parallel_loop3A_909 = arith.index_cast %parallel_loop3A_902 : i32 to index
      %parallel_loop3A_910 = tpu.vector_load %parallel_loop3A_907[%parallel_loop3A_908, %parallel_loop3A_909] {strides = array<i32>} : memref<8x2048xf32, #tpu.memory_space<vmem>>, vector<16xf32>,
      tpu.vector_store %parallel_loop3A_907[%parallel_loop3A_908, %parallel_loop3A_909], %parallel_loop3A_725 {strides = array<i32>} : memref<8x2048xf32, #tpu.memory_space<vmem>>, vector<16xf32>,
      %parallel_loop3A_911 = arith.constant 2 : i32
      %parallel_loop3A_912 = arith.muli %parallel_loop3A_488, %parallel_loop3A_911 : i32
      %parallel_loop3A_913 = arith.constant 1 : i32
      %parallel_loop3A_914 = arith.addi %parallel_loop3A_912, %parallel_loop3A_913 : i32
      %parallel_loop3A_915 = arith.constant 16 : i32
      %parallel_loop3A_916 = arith.muli %parallel_loop3A_914, %parallel_loop3A_915 : i32
      %parallel_loop3A_917 = arith.constant 5 : i32
      %parallel_loop3A_918 = arith.constant 0 : i32
      %parallel_loop3A_919 = arith.constant 0 : i32
      %parallel_loop3A_920 = tpu.memref_slice %arg7[%parallel_loop3A_95, %parallel_loop3A_918, %parallel_loop3A_919] : memref<2x8x2048xf32, #tpu.memory_space<vmem>> -> memref<1x8x2048xf32, #tpu.memory_space<vmem>>
      %parallel_loop3A_921 = tpu.memref_squeeze %parallel_loop3A_920 : memref<1x8x2048xf32, #tpu.memory_space<vmem>> -> memref<8x2048xf32, #tpu.memory_space<vmem>>
      %parallel_loop3A_922 = arith.index_cast %parallel_loop3A_917 : i32 to index
      %parallel_loop3A_923 = arith.index_cast %parallel_loop3A_916 : i32 to index
      %parallel_loop3A_924 = tpu.vector_load %parallel_loop3A_921[%parallel_loop3A_922, %parallel_loop3A_923] {strides = array<i32>} : memref<8x2048xf32, #tpu.memory_space<vmem>>, vector<16xf32>,
      tpu.vector_store %parallel_loop3A_921[%parallel_loop3A_922, %parallel_loop3A_923], %parallel_loop3A_726 {strides = array<i32>} : memref<8x2048xf32, #tpu.memory_space<vmem>>, vector<16xf32>,
      %parallel_loop3A_925 = arith.constant 2 : i32
      %parallel_loop3A_926 = arith.muli %parallel_loop3A_488, %parallel_loop3A_925 : i32
      %parallel_loop3A_927 = arith.constant 1 : i32
      %parallel_loop3A_928 = arith.addi %parallel_loop3A_926, %parallel_loop3A_927 : i32
      %parallel_loop3A_929 = arith.constant 16 : i32
      %parallel_loop3A_930 = arith.muli %parallel_loop3A_928, %parallel_loop3A_929 : i32
      %parallel_loop3A_931 = arith.constant 6 : i32
      %parallel_loop3A_932 = arith.constant 0 : i32
      %parallel_loop3A_933 = arith.constant 0 : i32
      %parallel_loop3A_934 = tpu.memref_slice %arg7[%parallel_loop3A_95, %parallel_loop3A_932, %parallel_loop3A_933] : memref<2x8x2048xf32, #tpu.memory_space<vmem>> -> memref<1x8x2048xf32, #tpu.memory_space<vmem>>
      %parallel_loop3A_935 = tpu.memref_squeeze %parallel_loop3A_934 : memref<1x8x2048xf32, #tpu.memory_space<vmem>> -> memref<8x2048xf32, #tpu.memory_space<vmem>>
      %parallel_loop3A_936 = arith.index_cast %parallel_loop3A_931 : i32 to index
      %parallel_loop3A_937 = arith.index_cast %parallel_loop3A_930 : i32 to index
      %parallel_loop3A_938 = tpu.vector_load %parallel_loop3A_935[%parallel_loop3A_936, %parallel_loop3A_937] {strides = array<i32>} : memref<8x2048xf32, #tpu.memory_space<vmem>>, vector<16xf32>,
      tpu.vector_store %parallel_loop3A_935[%parallel_loop3A_936, %parallel_loop3A_937], %parallel_loop3A_727 {strides = array<i32>} : memref<8x2048xf32, #tpu.memory_space<vmem>>, vector<16xf32>,
      %parallel_loop3A_939 = arith.constant 2 : i32
      %parallel_loop3A_940 = arith.muli %parallel_loop3A_488, %parallel_loop3A_939 : i32
      %parallel_loop3A_941 = arith.constant 1 : i32
      %parallel_loop3A_942 = arith.addi %parallel_loop3A_940, %parallel_loop3A_941 : i32
      %parallel_loop3A_943 = arith.constant 16 : i32
      %parallel_loop3A_944 = arith.muli %parallel_loop3A_942, %parallel_loop3A_943 : i32
      %parallel_loop3A_945 = arith.constant 7 : i32
      %parallel_loop3A_946 = arith.constant 0 : i32
      %parallel_loop3A_947 = arith.constant 0 : i32
      %parallel_loop3A_948 = tpu.memref_slice %arg7[%parallel_loop3A_95, %parallel_loop3A_946, %parallel_loop3A_947] : memref<2x8x2048xf32, #tpu.memory_space<vmem>> -> memref<1x8x2048xf32, #tpu.memory_space<vmem>>
      %parallel_loop3A_949 = tpu.memref_squeeze %parallel_loop3A_948 : memref<1x8x2048xf32, #tpu.memory_space<vmem>> -> memref<8x2048xf32, #tpu.memory_space<vmem>>
      %parallel_loop3A_950 = arith.index_cast %parallel_loop3A_945 : i32 to index
      %parallel_loop3A_951 = arith.index_cast %parallel_loop3A_944 : i32 to index
      %parallel_loop3A_952 = tpu.vector_load %parallel_loop3A_949[%parallel_loop3A_950, %parallel_loop3A_951] {strides = array<i32>} : memref<8x2048xf32, #tpu.memory_space<vmem>>, vector<16xf32>,
      tpu.vector_store %parallel_loop3A_949[%parallel_loop3A_950, %parallel_loop3A_951], %parallel_loop3A_728 {strides = array<i32>} : memref<8x2048xf32, #tpu.memory_space<vmem>>, vector<16xf32>,
    } {sc.loop_unroll_factor = 2 : i64, sc.parallel_access}
    %add3A_96 = arith.constant 8 : i32
    %add3A_97 = arith.addi %mul3A_2, %add3A_96 : i32
    %dma_start3A_98 = arith.constant 1 : i32
    %dma_start3A_99 = arith.constant 0 : i32
    %dma_start3A_100 = arith.constant 0 : i32
    %dma_start3A_101 = tpu.memref_slice %arg7[%dma_start3A_98, %dma_start3A_99, %dma_start3A_100] : memref<2x8x2048xf32, #tpu.memory_space<vmem>> -> memref<1x8x2048xf32, #tpu.memory_space<vmem>>
    %dma_start3A_102 = tpu.memref_squeeze %dma_start3A_101 : memref<1x8x2048xf32, #tpu.memory_space<vmem>> -> memref<8x2048xf32, #tpu.memory_space<vmem>>
    %dma_start3A_103 = arith.constant 0 : i32
    %dma_start3A_104 = tpu.memref_slice %arg4[%add3A_97, %dma_start3A_103] : memref<2048x2048xf32, #tpu.memory_space<hbm>> -> memref<8x2048xf32, #tpu.memory_space<hbm>>
    %dma_start3A_105 = arith.constant 0 : i32
    %dma_start3A_106 = tpu.memref_slice %arg4[%add3A_97, %dma_start3A_105] : memref<2048x2048xf32, #tpu.memory_space<hbm>> -> memref<8x2048xf32, #tpu.memory_space<hbm>>
    %dma_start3A_107 = arith.constant 0 : i32
    %dma_start3A_108 = arith.constant 0 : i32
    %dma_start3A_109 = tpu.memref_slice %arg7[%dma_start3A_98, %dma_start3A_107, %dma_start3A_108] : memref<2x8x2048xf32, #tpu.memory_space<vmem>> -> memref<1x8x2048xf32, #tpu.memory_space<vmem>>
    %dma_start3A_110 = tpu.memref_squeeze %dma_start3A_109 : memref<1x8x2048xf32, #tpu.memory_space<vmem>> -> memref<8x2048xf32, #tpu.memory_space<vmem>>
    tpu.enqueue_dma source(%dma_start3A_110 : memref<8x2048xf32, #tpu.memory_space<vmem>>) target(%dma_start3A_106 : memref<8x2048xf32, #tpu.memory_space<hbm>>) target_semaphore(%arg11 : memref<!tpu.dma_semaphore, #tpu.memory_space<semaphore_mem>>)
    %add3A_111 = arith.constant 24 : i32
    %add3A_112 = arith.addi %mul3A_2, %add3A_111 : i32
    %dma_start3A_113 = arith.constant 1 : i32
    %dma_start3A_114 = arith.constant 0 : i32
    %dma_start3A_115 = arith.constant 0 : i32
    %dma_start3A_116 = tpu.memref_slice %arg6[%dma_start3A_113, %dma_start3A_114, %dma_start3A_115] : memref<2x8x2048xi32, #tpu.memory_space<vmem>> -> memref<1x8x2048xi32, #tpu.memory_space<vmem>>
    %dma_start3A_117 = tpu.memref_squeeze %dma_start3A_116 : memref<1x8x2048xi32, #tpu.memory_space<vmem>> -> memref<8x2048xi32, #tpu.memory_space<vmem>>
    %dma_start3A_118 = arith.constant 0 : i32
    %dma_start3A_119 = tpu.memref_slice %arg3[%add3A_112, %dma_start3A_118] : memref<2048x2048xi32, #tpu.memory_space<hbm>> -> memref<8x2048xi32, #tpu.memory_space<hbm>>
    %dma_start3A_120 = arith.constant 0 : i32
    %dma_start3A_121 = arith.constant 0 : i32
    %dma_start3A_122 = tpu.memref_slice %arg6[%dma_start3A_113, %dma_start3A_120, %dma_start3A_121] : memref<2x8x2048xi32, #tpu.memory_space<vmem>> -> memref<1x8x2048xi32, #tpu.memory_space<vmem>>
    %dma_start3A_123 = tpu.memref_squeeze %dma_start3A_122 : memref<1x8x2048xi32, #tpu.memory_space<vmem>> -> memref<8x2048xi32, #tpu.memory_space<vmem>>
    %dma_start3A_124 = arith.constant 0 : i32
    %dma_start3A_125 = tpu.memref_slice %arg3[%add3A_112, %dma_start3A_124] : memref<2048x2048xi32, #tpu.memory_space<hbm>> -> memref<8x2048xi32, #tpu.memory_space<hbm>>
    tpu.enqueue_dma source(%dma_start3A_125 : memref<8x2048xi32, #tpu.memory_space<hbm>>) target(%dma_start3A_123 : memref<8x2048xi32, #tpu.memory_space<vmem>>) target_semaphore(%arg9 : memref<!tpu.dma_semaphore, #tpu.memory_space<semaphore_mem>>)
    %dma_wait3A_126 = arith.constant 0 : i32
    %dma_wait3A_127 = arith.constant 0 : i32
    %dma_wait3A_128 = arith.constant 0 : i32
    %dma_wait3A_129 = tpu.memref_slice %arg6[%dma_wait3A_126, %dma_wait3A_127, %dma_wait3A_128] : memref<2x8x2048xi32, #tpu.memory_space<vmem>> -> memref<1x8x2048xi32, #tpu.memory_space<vmem>>
    %dma_wait3A_130 = tpu.memref_squeeze %dma_wait3A_129 : memref<1x8x2048xi32, #tpu.memory_space<vmem>> -> memref<8x2048xi32, #tpu.memory_space<vmem>>
    %dma_wait3A_131 = arith.constant 0 : i32
    %dma_wait3A_132 = tpu.memref_slice %arg3[%add3A_64, %dma_wait3A_131] : memref<2048x2048xi32, #tpu.memory_space<hbm>> -> memref<8x2048xi32, #tpu.memory_space<hbm>>
    %dma_wait3A_133 = arith.constant 0 : i32
    %dma_wait3A_134 = arith.constant 0 : i32
    %dma_wait3A_135 = tpu.memref_slice %arg6[%dma_wait3A_126, %dma_wait3A_133, %dma_wait3A_134] : memref<2x8x2048xi32, #tpu.memory_space<vmem>> -> memref<1x8x2048xi32, #tpu.memory_space<vmem>>
    %dma_wait3A_136 = tpu.memref_squeeze %dma_wait3A_135 : memref<1x8x2048xi32, #tpu.memory_space<vmem>> -> memref<8x2048xi32, #tpu.memory_space<vmem>>
    %dma_wait3A_137 = arith.constant 0 : i32
    %dma_wait3A_138 = tpu.memref_slice %arg3[%add3A_64, %dma_wait3A_137] : memref<2048x2048xi32, #tpu.memory_space<hbm>> -> memref<8x2048xi32, #tpu.memory_space<hbm>>
    tpu.wait_dma2 semaphore(%arg8 : memref<!tpu.dma_semaphore, #tpu.memory_space<semaphore_mem>>) src(%dma_wait3A_138 : memref<8x2048xi32, #tpu.memory_space<hbm>>) dst(%dma_wait3A_136 : memref<8x2048xi32, #tpu.memory_space<vmem>>)
    %dma_wait3A_139 = arith.constant 0 : i32
    %dma_wait3A_140 = arith.constant 0 : i32
    %dma_wait3A_141 = arith.constant 0 : i32
    %dma_wait3A_142 = tpu.memref_slice %arg7[%dma_wait3A_139, %dma_wait3A_140, %dma_wait3A_141] : memref<2x8x2048xf32, #tpu.memory_space<vmem>> -> memref<1x8x2048xf32, #tpu.memory_space<vmem>>
    %dma_wait3A_143 = tpu.memref_squeeze %dma_wait3A_142 : memref<1x8x2048xf32, #tpu.memory_space<vmem>> -> memref<8x2048xf32, #tpu.memory_space<vmem>>
    %dma_wait3A_144 = arith.constant 0 : i32
    %dma_wait3A_145 = tpu.memref_slice %arg4[%add3A_49, %dma_wait3A_144] : memref<2048x2048xf32, #tpu.memory_space<hbm>> -> memref<8x2048xf32, #tpu.memory_space<hbm>>
    %dma_wait3A_146 = arith.constant 0 : i32
    %dma_wait3A_147 = tpu.memref_slice %arg4[%add3A_49, %dma_wait3A_146] : memref<2048x2048xf32, #tpu.memory_space<hbm>> -> memref<8x2048xf32, #tpu.memory_space<hbm>>
    %dma_wait3A_148 = arith.constant 0 : i32
    %dma_wait3A_149 = arith.constant 0 : i32
    %dma_wait3A_150 = tpu.memref_slice %arg7[%dma_wait3A_139, %dma_wait3A_148, %dma_wait3A_149] : memref<2x8x2048xf32, #tpu.memory_space<vmem>> -> memref<1x8x2048xf32, #tpu.memory_space<vmem>>
    %dma_wait3A_151 = tpu.memref_squeeze %dma_wait3A_150 : memref<1x8x2048xf32, #tpu.memory_space<vmem>> -> memref<8x2048xf32, #tpu.memory_space<vmem>>
    tpu.wait_dma2 semaphore(%arg10 : memref<!tpu.dma_semaphore, #tpu.memory_space<semaphore_mem>>) src(%dma_wait3A_151 : memref<8x2048xf32, #tpu.memory_space<vmem>>) dst(%dma_wait3A_147 : memref<8x2048xf32, #tpu.memory_space<hbm>>)
    %parallel_loop3A_152 = arith.constant 0 : i32
    %parallel_loop3A_153 = arith.constant 64 : i32
    %parallel_loop3A_154 = arith.constant 1 : i32
    %parallel_loop3A_155 = arith.constant 0 : i32
    %parallel_loop3A_156 = arith.constant 0 : i32
    scf.for %parallel_loop3A_488 = %parallel_loop3A_152 to %parallel_loop3A_153 step %parallel_loop3A_154  : i32 {
      %parallel_loop3A_489 = arith.constant 2 : i32
      %parallel_loop3A_490 = arith.muli %parallel_loop3A_488, %parallel_loop3A_489 : i32
      %parallel_loop3A_491 = arith.constant 0 : i32
      %parallel_loop3A_492 = arith.addi %parallel_loop3A_490, %parallel_loop3A_491 : i32
      %parallel_loop3A_493 = arith.constant 16 : i32
      %parallel_loop3A_494 = arith.muli %parallel_loop3A_492, %parallel_loop3A_493 : i32
      %parallel_loop3A_495 = arith.constant 0 : i32
      %parallel_loop3A_496 = arith.constant 0 : i32
      %parallel_loop3A_497 = arith.constant 0 : i32
      %parallel_loop3A_498 = tpu.memref_slice %arg6[%parallel_loop3A_155, %parallel_loop3A_496, %parallel_loop3A_497] : memref<2x8x2048xi32, #tpu.memory_space<vmem>> -> memref<1x8x2048xi32, #tpu.memory_space<vmem>>
      %parallel_loop3A_499 = tpu.memref_squeeze %parallel_loop3A_498 : memref<1x8x2048xi32, #tpu.memory_space<vmem>> -> memref<8x2048xi32, #tpu.memory_space<vmem>>
      %parallel_loop3A_500 = arith.index_cast %parallel_loop3A_495 : i32 to index
      %parallel_loop3A_501 = arith.index_cast %parallel_loop3A_494 : i32 to index
      %parallel_loop3A_502 = tpu.vector_load %parallel_loop3A_499[%parallel_loop3A_500, %parallel_loop3A_501] {strides = array<i32>} : memref<8x2048xi32, #tpu.memory_space<vmem>>, vector<16xi32>,
      %parallel_loop3A_503 = arith.constant 2 : i32
      %parallel_loop3A_504 = arith.muli %parallel_loop3A_488, %parallel_loop3A_503 : i32
      %parallel_loop3A_505 = arith.constant 0 : i32
      %parallel_loop3A_506 = arith.addi %parallel_loop3A_504, %parallel_loop3A_505 : i32
      %parallel_loop3A_507 = arith.constant 16 : i32
      %parallel_loop3A_508 = arith.muli %parallel_loop3A_506, %parallel_loop3A_507 : i32
      %parallel_loop3A_509 = arith.constant 1 : i32
      %parallel_loop3A_510 = arith.constant 0 : i32
      %parallel_loop3A_511 = arith.constant 0 : i32
      %parallel_loop3A_512 = tpu.memref_slice %arg6[%parallel_loop3A_155, %parallel_loop3A_510, %parallel_loop3A_511] : memref<2x8x2048xi32, #tpu.memory_space<vmem>> -> memref<1x8x2048xi32, #tpu.memory_space<vmem>>
      %parallel_loop3A_513 = tpu.memref_squeeze %parallel_loop3A_512 : memref<1x8x2048xi32, #tpu.memory_space<vmem>> -> memref<8x2048xi32, #tpu.memory_space<vmem>>
      %parallel_loop3A_514 = arith.index_cast %parallel_loop3A_509 : i32 to index
      %parallel_loop3A_515 = arith.index_cast %parallel_loop3A_508 : i32 to index
      %parallel_loop3A_516 = tpu.vector_load %parallel_loop3A_513[%parallel_loop3A_514, %parallel_loop3A_515] {strides = array<i32>} : memref<8x2048xi32, #tpu.memory_space<vmem>>, vector<16xi32>,
      %parallel_loop3A_517 = arith.constant 2 : i32
      %parallel_loop3A_518 = arith.muli %parallel_loop3A_488, %parallel_loop3A_517 : i32
      %parallel_loop3A_519 = arith.constant 0 : i32
      %parallel_loop3A_520 = arith.addi %parallel_loop3A_518, %parallel_loop3A_519 : i32
      %parallel_loop3A_521 = arith.constant 16 : i32
      %parallel_loop3A_522 = arith.muli %parallel_loop3A_520, %parallel_loop3A_521 : i32
      %parallel_loop3A_523 = arith.constant 2 : i32
      %parallel_loop3A_524 = arith.constant 0 : i32
      %parallel_loop3A_525 = arith.constant 0 : i32
      %parallel_loop3A_526 = tpu.memref_slice %arg6[%parallel_loop3A_155, %parallel_loop3A_524, %parallel_loop3A_525] : memref<2x8x2048xi32, #tpu.memory_space<vmem>> -> memref<1x8x2048xi32, #tpu.memory_space<vmem>>
      %parallel_loop3A_527 = tpu.memref_squeeze %parallel_loop3A_526 : memref<1x8x2048xi32, #tpu.memory_space<vmem>> -> memref<8x2048xi32, #tpu.memory_space<vmem>>
      %parallel_loop3A_528 = arith.index_cast %parallel_loop3A_523 : i32 to index
      %parallel_loop3A_529 = arith.index_cast %parallel_loop3A_522 : i32 to index
      %parallel_loop3A_530 = tpu.vector_load %parallel_loop3A_527[%parallel_loop3A_528, %parallel_loop3A_529] {strides = array<i32>} : memref<8x2048xi32, #tpu.memory_space<vmem>>, vector<16xi32>,
      %parallel_loop3A_531 = arith.constant 2 : i32
      %parallel_loop3A_532 = arith.muli %parallel_loop3A_488, %parallel_loop3A_531 : i32
      %parallel_loop3A_533 = arith.constant 0 : i32
      %parallel_loop3A_534 = arith.addi %parallel_loop3A_532, %parallel_loop3A_533 : i32
      %parallel_loop3A_535 = arith.constant 16 : i32
      %parallel_loop3A_536 = arith.muli %parallel_loop3A_534, %parallel_loop3A_535 : i32
      %parallel_loop3A_537 = arith.constant 3 : i32
      %parallel_loop3A_538 = arith.constant 0 : i32
      %parallel_loop3A_539 = arith.constant 0 : i32
      %parallel_loop3A_540 = tpu.memref_slice %arg6[%parallel_loop3A_155, %parallel_loop3A_538, %parallel_loop3A_539] : memref<2x8x2048xi32, #tpu.memory_space<vmem>> -> memref<1x8x2048xi32, #tpu.memory_space<vmem>>
      %parallel_loop3A_541 = tpu.memref_squeeze %parallel_loop3A_540 : memref<1x8x2048xi32, #tpu.memory_space<vmem>> -> memref<8x2048xi32, #tpu.memory_space<vmem>>
      %parallel_loop3A_542 = arith.index_cast %parallel_loop3A_537 : i32 to index
      %parallel_loop3A_543 = arith.index_cast %parallel_loop3A_536 : i32 to index
      %parallel_loop3A_544 = tpu.vector_load %parallel_loop3A_541[%parallel_loop3A_542, %parallel_loop3A_543] {strides = array<i32>} : memref<8x2048xi32, #tpu.memory_space<vmem>>, vector<16xi32>,
      %parallel_loop3A_545 = arith.constant 2 : i32
      %parallel_loop3A_546 = arith.muli %parallel_loop3A_488, %parallel_loop3A_545 : i32
      %parallel_loop3A_547 = arith.constant 0 : i32
      %parallel_loop3A_548 = arith.addi %parallel_loop3A_546, %parallel_loop3A_547 : i32
      %parallel_loop3A_549 = arith.constant 16 : i32
      %parallel_loop3A_550 = arith.muli %parallel_loop3A_548, %parallel_loop3A_549 : i32
      %parallel_loop3A_551 = arith.constant 4 : i32
      %parallel_loop3A_552 = arith.constant 0 : i32
      %parallel_loop3A_553 = arith.constant 0 : i32
      %parallel_loop3A_554 = tpu.memref_slice %arg6[%parallel_loop3A_155, %parallel_loop3A_552, %parallel_loop3A_553] : memref<2x8x2048xi32, #tpu.memory_space<vmem>> -> memref<1x8x2048xi32, #tpu.memory_space<vmem>>
      %parallel_loop3A_555 = tpu.memref_squeeze %parallel_loop3A_554 : memref<1x8x2048xi32, #tpu.memory_space<vmem>> -> memref<8x2048xi32, #tpu.memory_space<vmem>>
      %parallel_loop3A_556 = arith.index_cast %parallel_loop3A_551 : i32 to index
      %parallel_loop3A_557 = arith.index_cast %parallel_loop3A_550 : i32 to index
      %parallel_loop3A_558 = tpu.vector_load %parallel_loop3A_555[%parallel_loop3A_556, %parallel_loop3A_557] {strides = array<i32>} : memref<8x2048xi32, #tpu.memory_space<vmem>>, vector<16xi32>,
      %parallel_loop3A_559 = arith.constant 2 : i32
      %parallel_loop3A_560 = arith.muli %parallel_loop3A_488, %parallel_loop3A_559 : i32
      %parallel_loop3A_561 = arith.constant 0 : i32
      %parallel_loop3A_562 = arith.addi %parallel_loop3A_560, %parallel_loop3A_561 : i32
      %parallel_loop3A_563 = arith.constant 16 : i32
      %parallel_loop3A_564 = arith.muli %parallel_loop3A_562, %parallel_loop3A_563 : i32
      %parallel_loop3A_565 = arith.constant 5 : i32
      %parallel_loop3A_566 = arith.constant 0 : i32
      %parallel_loop3A_567 = arith.constant 0 : i32
      %parallel_loop3A_568 = tpu.memref_slice %arg6[%parallel_loop3A_155, %parallel_loop3A_566, %parallel_loop3A_567] : memref<2x8x2048xi32, #tpu.memory_space<vmem>> -> memref<1x8x2048xi32, #tpu.memory_space<vmem>>
      %parallel_loop3A_569 = tpu.memref_squeeze %parallel_loop3A_568 : memref<1x8x2048xi32, #tpu.memory_space<vmem>> -> memref<8x2048xi32, #tpu.memory_space<vmem>>
      %parallel_loop3A_570 = arith.index_cast %parallel_loop3A_565 : i32 to index
      %parallel_loop3A_571 = arith.index_cast %parallel_loop3A_564 : i32 to index
      %parallel_loop3A_572 = tpu.vector_load %parallel_loop3A_569[%parallel_loop3A_570, %parallel_loop3A_571] {strides = array<i32>} : memref<8x2048xi32, #tpu.memory_space<vmem>>, vector<16xi32>,
      %parallel_loop3A_573 = arith.constant 2 : i32
      %parallel_loop3A_574 = arith.muli %parallel_loop3A_488, %parallel_loop3A_573 : i32
      %parallel_loop3A_575 = arith.constant 0 : i32
      %parallel_loop3A_576 = arith.addi %parallel_loop3A_574, %parallel_loop3A_575 : i32
      %parallel_loop3A_577 = arith.constant 16 : i32
      %parallel_loop3A_578 = arith.muli %parallel_loop3A_576, %parallel_loop3A_577 : i32
      %parallel_loop3A_579 = arith.constant 6 : i32
      %parallel_loop3A_580 = arith.constant 0 : i32
      %parallel_loop3A_581 = arith.constant 0 : i32
      %parallel_loop3A_582 = tpu.memref_slice %arg6[%parallel_loop3A_155, %parallel_loop3A_580, %parallel_loop3A_581] : memref<2x8x2048xi32, #tpu.memory_space<vmem>> -> memref<1x8x2048xi32, #tpu.memory_space<vmem>>
      %parallel_loop3A_583 = tpu.memref_squeeze %parallel_loop3A_582 : memref<1x8x2048xi32, #tpu.memory_space<vmem>> -> memref<8x2048xi32, #tpu.memory_space<vmem>>
      %parallel_loop3A_584 = arith.index_cast %parallel_loop3A_579 : i32 to index
      %parallel_loop3A_585 = arith.index_cast %parallel_loop3A_578 : i32 to index
      %parallel_loop3A_586 = tpu.vector_load %parallel_loop3A_583[%parallel_loop3A_584, %parallel_loop3A_585] {strides = array<i32>} : memref<8x2048xi32, #tpu.memory_space<vmem>>, vector<16xi32>,
      %parallel_loop3A_587 = arith.constant 2 : i32
      %parallel_loop3A_588 = arith.muli %parallel_loop3A_488, %parallel_loop3A_587 : i32
      %parallel_loop3A_589 = arith.constant 0 : i32
      %parallel_loop3A_590 = arith.addi %parallel_loop3A_588, %parallel_loop3A_589 : i32
      %parallel_loop3A_591 = arith.constant 16 : i32
      %parallel_loop3A_592 = arith.muli %parallel_loop3A_590, %parallel_loop3A_591 : i32
      %parallel_loop3A_593 = arith.constant 7 : i32
      %parallel_loop3A_594 = arith.constant 0 : i32
      %parallel_loop3A_595 = arith.constant 0 : i32
      %parallel_loop3A_596 = tpu.memref_slice %arg6[%parallel_loop3A_155, %parallel_loop3A_594, %parallel_loop3A_595] : memref<2x8x2048xi32, #tpu.memory_space<vmem>> -> memref<1x8x2048xi32, #tpu.memory_space<vmem>>
      %parallel_loop3A_597 = tpu.memref_squeeze %parallel_loop3A_596 : memref<1x8x2048xi32, #tpu.memory_space<vmem>> -> memref<8x2048xi32, #tpu.memory_space<vmem>>
      %parallel_loop3A_598 = arith.index_cast %parallel_loop3A_593 : i32 to index
      %parallel_loop3A_599 = arith.index_cast %parallel_loop3A_592 : i32 to index
      %parallel_loop3A_600 = tpu.vector_load %parallel_loop3A_597[%parallel_loop3A_598, %parallel_loop3A_599] {strides = array<i32>} : memref<8x2048xi32, #tpu.memory_space<vmem>>, vector<16xi32>,
      %parallel_loop3A_601 = arith.constant 2 : i32
      %parallel_loop3A_602 = arith.muli %parallel_loop3A_488, %parallel_loop3A_601 : i32
      %parallel_loop3A_603 = arith.constant 1 : i32
      %parallel_loop3A_604 = arith.addi %parallel_loop3A_602, %parallel_loop3A_603 : i32
      %parallel_loop3A_605 = arith.constant 16 : i32
      %parallel_loop3A_606 = arith.muli %parallel_loop3A_604, %parallel_loop3A_605 : i32
      %parallel_loop3A_607 = arith.constant 0 : i32
      %parallel_loop3A_608 = arith.constant 0 : i32
      %parallel_loop3A_609 = arith.constant 0 : i32
      %parallel_loop3A_610 = tpu.memref_slice %arg6[%parallel_loop3A_155, %parallel_loop3A_608, %parallel_loop3A_609] : memref<2x8x2048xi32, #tpu.memory_space<vmem>> -> memref<1x8x2048xi32, #tpu.memory_space<vmem>>
      %parallel_loop3A_611 = tpu.memref_squeeze %parallel_loop3A_610 : memref<1x8x2048xi32, #tpu.memory_space<vmem>> -> memref<8x2048xi32, #tpu.memory_space<vmem>>
      %parallel_loop3A_612 = arith.index_cast %parallel_loop3A_607 : i32 to index
      %parallel_loop3A_613 = arith.index_cast %parallel_loop3A_606 : i32 to index
      %parallel_loop3A_614 = tpu.vector_load %parallel_loop3A_611[%parallel_loop3A_612, %parallel_loop3A_613] {strides = array<i32>} : memref<8x2048xi32, #tpu.memory_space<vmem>>, vector<16xi32>,
      %parallel_loop3A_615 = arith.constant 2 : i32
      %parallel_loop3A_616 = arith.muli %parallel_loop3A_488, %parallel_loop3A_615 : i32
      %parallel_loop3A_617 = arith.constant 1 : i32
      %parallel_loop3A_618 = arith.addi %parallel_loop3A_616, %parallel_loop3A_617 : i32
      %parallel_loop3A_619 = arith.constant 16 : i32
      %parallel_loop3A_620 = arith.muli %parallel_loop3A_618, %parallel_loop3A_619 : i32
      %parallel_loop3A_621 = arith.constant 1 : i32
      %parallel_loop3A_622 = arith.constant 0 : i32
      %parallel_loop3A_623 = arith.constant 0 : i32
      %parallel_loop3A_624 = tpu.memref_slice %arg6[%parallel_loop3A_155, %parallel_loop3A_622, %parallel_loop3A_623] : memref<2x8x2048xi32, #tpu.memory_space<vmem>> -> memref<1x8x2048xi32, #tpu.memory_space<vmem>>
      %parallel_loop3A_625 = tpu.memref_squeeze %parallel_loop3A_624 : memref<1x8x2048xi32, #tpu.memory_space<vmem>> -> memref<8x2048xi32, #tpu.memory_space<vmem>>
      %parallel_loop3A_626 = arith.index_cast %parallel_loop3A_621 : i32 to index
      %parallel_loop3A_627 = arith.index_cast %parallel_loop3A_620 : i32 to index
      %parallel_loop3A_628 = tpu.vector_load %parallel_loop3A_625[%parallel_loop3A_626, %parallel_loop3A_627] {strides = array<i32>} : memref<8x2048xi32, #tpu.memory_space<vmem>>, vector<16xi32>,
      %parallel_loop3A_629 = arith.constant 2 : i32
      %parallel_loop3A_630 = arith.muli %parallel_loop3A_488, %parallel_loop3A_629 : i32
      %parallel_loop3A_631 = arith.constant 1 : i32
      %parallel_loop3A_632 = arith.addi %parallel_loop3A_630, %parallel_loop3A_631 : i32
      %parallel_loop3A_633 = arith.constant 16 : i32
      %parallel_loop3A_634 = arith.muli %parallel_loop3A_632, %parallel_loop3A_633 : i32
      %parallel_loop3A_635 = arith.constant 2 : i32
      %parallel_loop3A_636 = arith.constant 0 : i32
      %parallel_loop3A_637 = arith.constant 0 : i32
      %parallel_loop3A_638 = tpu.memref_slice %arg6[%parallel_loop3A_155, %parallel_loop3A_636, %parallel_loop3A_637] : memref<2x8x2048xi32, #tpu.memory_space<vmem>> -> memref<1x8x2048xi32, #tpu.memory_space<vmem>>
      %parallel_loop3A_639 = tpu.memref_squeeze %parallel_loop3A_638 : memref<1x8x2048xi32, #tpu.memory_space<vmem>> -> memref<8x2048xi32, #tpu.memory_space<vmem>>
      %parallel_loop3A_640 = arith.index_cast %parallel_loop3A_635 : i32 to index
      %parallel_loop3A_641 = arith.index_cast %parallel_loop3A_634 : i32 to index
      %parallel_loop3A_642 = tpu.vector_load %parallel_loop3A_639[%parallel_loop3A_640, %parallel_loop3A_641] {strides = array<i32>} : memref<8x2048xi32, #tpu.memory_space<vmem>>, vector<16xi32>,
      %parallel_loop3A_643 = arith.constant 2 : i32
      %parallel_loop3A_644 = arith.muli %parallel_loop3A_488, %parallel_loop3A_643 : i32
      %parallel_loop3A_645 = arith.constant 1 : i32
      %parallel_loop3A_646 = arith.addi %parallel_loop3A_644, %parallel_loop3A_645 : i32
      %parallel_loop3A_647 = arith.constant 16 : i32
      %parallel_loop3A_648 = arith.muli %parallel_loop3A_646, %parallel_loop3A_647 : i32
      %parallel_loop3A_649 = arith.constant 3 : i32
      %parallel_loop3A_650 = arith.constant 0 : i32
      %parallel_loop3A_651 = arith.constant 0 : i32
      %parallel_loop3A_652 = tpu.memref_slice %arg6[%parallel_loop3A_155, %parallel_loop3A_650, %parallel_loop3A_651] : memref<2x8x2048xi32, #tpu.memory_space<vmem>> -> memref<1x8x2048xi32, #tpu.memory_space<vmem>>
      %parallel_loop3A_653 = tpu.memref_squeeze %parallel_loop3A_652 : memref<1x8x2048xi32, #tpu.memory_space<vmem>> -> memref<8x2048xi32, #tpu.memory_space<vmem>>
      %parallel_loop3A_654 = arith.index_cast %parallel_loop3A_649 : i32 to index
      %parallel_loop3A_655 = arith.index_cast %parallel_loop3A_648 : i32 to index
      %parallel_loop3A_656 = tpu.vector_load %parallel_loop3A_653[%parallel_loop3A_654, %parallel_loop3A_655] {strides = array<i32>} : memref<8x2048xi32, #tpu.memory_space<vmem>>, vector<16xi32>,
      %parallel_loop3A_657 = arith.constant 2 : i32
      %parallel_loop3A_658 = arith.muli %parallel_loop3A_488, %parallel_loop3A_657 : i32
      %parallel_loop3A_659 = arith.constant 1 : i32
      %parallel_loop3A_660 = arith.addi %parallel_loop3A_658, %parallel_loop3A_659 : i32
      %parallel_loop3A_661 = arith.constant 16 : i32
      %parallel_loop3A_662 = arith.muli %parallel_loop3A_660, %parallel_loop3A_661 : i32
      %parallel_loop3A_663 = arith.constant 4 : i32
      %parallel_loop3A_664 = arith.constant 0 : i32
      %parallel_loop3A_665 = arith.constant 0 : i32
      %parallel_loop3A_666 = tpu.memref_slice %arg6[%parallel_loop3A_155, %parallel_loop3A_664, %parallel_loop3A_665] : memref<2x8x2048xi32, #tpu.memory_space<vmem>> -> memref<1x8x2048xi32, #tpu.memory_space<vmem>>
      %parallel_loop3A_667 = tpu.memref_squeeze %parallel_loop3A_666 : memref<1x8x2048xi32, #tpu.memory_space<vmem>> -> memref<8x2048xi32, #tpu.memory_space<vmem>>
      %parallel_loop3A_668 = arith.index_cast %parallel_loop3A_663 : i32 to index
      %parallel_loop3A_669 = arith.index_cast %parallel_loop3A_662 : i32 to index
      %parallel_loop3A_670 = tpu.vector_load %parallel_loop3A_667[%parallel_loop3A_668, %parallel_loop3A_669] {strides = array<i32>} : memref<8x2048xi32, #tpu.memory_space<vmem>>, vector<16xi32>,
      %parallel_loop3A_671 = arith.constant 2 : i32
      %parallel_loop3A_672 = arith.muli %parallel_loop3A_488, %parallel_loop3A_671 : i32
      %parallel_loop3A_673 = arith.constant 1 : i32
      %parallel_loop3A_674 = arith.addi %parallel_loop3A_672, %parallel_loop3A_673 : i32
      %parallel_loop3A_675 = arith.constant 16 : i32
      %parallel_loop3A_676 = arith.muli %parallel_loop3A_674, %parallel_loop3A_675 : i32
      %parallel_loop3A_677 = arith.constant 5 : i32
      %parallel_loop3A_678 = arith.constant 0 : i32
      %parallel_loop3A_679 = arith.constant 0 : i32
      %parallel_loop3A_680 = tpu.memref_slice %arg6[%parallel_loop3A_155, %parallel_loop3A_678, %parallel_loop3A_679] : memref<2x8x2048xi32, #tpu.memory_space<vmem>> -> memref<1x8x2048xi32, #tpu.memory_space<vmem>>
      %parallel_loop3A_681 = tpu.memref_squeeze %parallel_loop3A_680 : memref<1x8x2048xi32, #tpu.memory_space<vmem>> -> memref<8x2048xi32, #tpu.memory_space<vmem>>
      %parallel_loop3A_682 = arith.index_cast %parallel_loop3A_677 : i32 to index
      %parallel_loop3A_683 = arith.index_cast %parallel_loop3A_676 : i32 to index
      %parallel_loop3A_684 = tpu.vector_load %parallel_loop3A_681[%parallel_loop3A_682, %parallel_loop3A_683] {strides = array<i32>} : memref<8x2048xi32, #tpu.memory_space<vmem>>, vector<16xi32>,
      %parallel_loop3A_685 = arith.constant 2 : i32
      %parallel_loop3A_686 = arith.muli %parallel_loop3A_488, %parallel_loop3A_685 : i32
      %parallel_loop3A_687 = arith.constant 1 : i32
      %parallel_loop3A_688 = arith.addi %parallel_loop3A_686, %parallel_loop3A_687 : i32
      %parallel_loop3A_689 = arith.constant 16 : i32
      %parallel_loop3A_690 = arith.muli %parallel_loop3A_688, %parallel_loop3A_689 : i32
      %parallel_loop3A_691 = arith.constant 6 : i32
      %parallel_loop3A_692 = arith.constant 0 : i32
      %parallel_loop3A_693 = arith.constant 0 : i32
      %parallel_loop3A_694 = tpu.memref_slice %arg6[%parallel_loop3A_155, %parallel_loop3A_692, %parallel_loop3A_693] : memref<2x8x2048xi32, #tpu.memory_space<vmem>> -> memref<1x8x2048xi32, #tpu.memory_space<vmem>>
      %parallel_loop3A_695 = tpu.memref_squeeze %parallel_loop3A_694 : memref<1x8x2048xi32, #tpu.memory_space<vmem>> -> memref<8x2048xi32, #tpu.memory_space<vmem>>
      %parallel_loop3A_696 = arith.index_cast %parallel_loop3A_691 : i32 to index
      %parallel_loop3A_697 = arith.index_cast %parallel_loop3A_690 : i32 to index
      %parallel_loop3A_698 = tpu.vector_load %parallel_loop3A_695[%parallel_loop3A_696, %parallel_loop3A_697] {strides = array<i32>} : memref<8x2048xi32, #tpu.memory_space<vmem>>, vector<16xi32>,
      %parallel_loop3A_699 = arith.constant 2 : i32
      %parallel_loop3A_700 = arith.muli %parallel_loop3A_488, %parallel_loop3A_699 : i32
      %parallel_loop3A_701 = arith.constant 1 : i32
      %parallel_loop3A_702 = arith.addi %parallel_loop3A_700, %parallel_loop3A_701 : i32
      %parallel_loop3A_703 = arith.constant 16 : i32
      %parallel_loop3A_704 = arith.muli %parallel_loop3A_702, %parallel_loop3A_703 : i32
      %parallel_loop3A_705 = arith.constant 7 : i32
      %parallel_loop3A_706 = arith.constant 0 : i32
      %parallel_loop3A_707 = arith.constant 0 : i32
      %parallel_loop3A_708 = tpu.memref_slice %arg6[%parallel_loop3A_155, %parallel_loop3A_706, %parallel_loop3A_707] : memref<2x8x2048xi32, #tpu.memory_space<vmem>> -> memref<1x8x2048xi32, #tpu.memory_space<vmem>>
      %parallel_loop3A_709 = tpu.memref_squeeze %parallel_loop3A_708 : memref<1x8x2048xi32, #tpu.memory_space<vmem>> -> memref<8x2048xi32, #tpu.memory_space<vmem>>
      %parallel_loop3A_710 = arith.index_cast %parallel_loop3A_705 : i32 to index
      %parallel_loop3A_711 = arith.index_cast %parallel_loop3A_704 : i32 to index
      %parallel_loop3A_712 = tpu.vector_load %parallel_loop3A_709[%parallel_loop3A_710, %parallel_loop3A_711] {strides = array<i32>} : memref<8x2048xi32, #tpu.memory_space<vmem>>, vector<16xi32>,
      %parallel_loop3A_713 = tpu.vector_load_idx %arg5[%parallel_loop3A_502] : memref<10000xf32, #tpu.memory_space<vmem>>[vector<16xi32>], vector<16xf32>,
      %parallel_loop3A_714 = tpu.vector_load_idx %arg5[%parallel_loop3A_516] : memref<10000xf32, #tpu.memory_space<vmem>>[vector<16xi32>], vector<16xf32>,
      %parallel_loop3A_715 = tpu.vector_load_idx %arg5[%parallel_loop3A_530] : memref<10000xf32, #tpu.memory_space<vmem>>[vector<16xi32>], vector<16xf32>,
      %parallel_loop3A_716 = tpu.vector_load_idx %arg5[%parallel_loop3A_544] : memref<10000xf32, #tpu.memory_space<vmem>>[vector<16xi32>], vector<16xf32>,
      %parallel_loop3A_717 = tpu.vector_load_idx %arg5[%parallel_loop3A_558] : memref<10000xf32, #tpu.memory_space<vmem>>[vector<16xi32>], vector<16xf32>,
      %parallel_loop3A_718 = tpu.vector_load_idx %arg5[%parallel_loop3A_572] : memref<10000xf32, #tpu.memory_space<vmem>>[vector<16xi32>], vector<16xf32>,
      %parallel_loop3A_719 = tpu.vector_load_idx %arg5[%parallel_loop3A_586] : memref<10000xf32, #tpu.memory_space<vmem>>[vector<16xi32>], vector<16xf32>,
      %parallel_loop3A_720 = tpu.vector_load_idx %arg5[%parallel_loop3A_600] : memref<10000xf32, #tpu.memory_space<vmem>>[vector<16xi32>], vector<16xf32>,
      %parallel_loop3A_721 = tpu.vector_load_idx %arg5[%parallel_loop3A_614] : memref<10000xf32, #tpu.memory_space<vmem>>[vector<16xi32>], vector<16xf32>,
      %parallel_loop3A_722 = tpu.vector_load_idx %arg5[%parallel_loop3A_628] : memref<10000xf32, #tpu.memory_space<vmem>>[vector<16xi32>], vector<16xf32>,
      %parallel_loop3A_723 = tpu.vector_load_idx %arg5[%parallel_loop3A_642] : memref<10000xf32, #tpu.memory_space<vmem>>[vector<16xi32>], vector<16xf32>,
      %parallel_loop3A_724 = tpu.vector_load_idx %arg5[%parallel_loop3A_656] : memref<10000xf32, #tpu.memory_space<vmem>>[vector<16xi32>], vector<16xf32>,
      %parallel_loop3A_725 = tpu.vector_load_idx %arg5[%parallel_loop3A_670] : memref<10000xf32, #tpu.memory_space<vmem>>[vector<16xi32>], vector<16xf32>,
      %parallel_loop3A_726 = tpu.vector_load_idx %arg5[%parallel_loop3A_684] : memref<10000xf32, #tpu.memory_space<vmem>>[vector<16xi32>], vector<16xf32>,
      %parallel_loop3A_727 = tpu.vector_load_idx %arg5[%parallel_loop3A_698] : memref<10000xf32, #tpu.memory_space<vmem>>[vector<16xi32>], vector<16xf32>,
      %parallel_loop3A_728 = tpu.vector_load_idx %arg5[%parallel_loop3A_712] : memref<10000xf32, #tpu.memory_space<vmem>>[vector<16xi32>], vector<16xf32>,
      %parallel_loop3A_729 = arith.constant 2 : i32
      %parallel_loop3A_730 = arith.muli %parallel_loop3A_488, %parallel_loop3A_729 : i32
      %parallel_loop3A_731 = arith.constant 0 : i32
      %parallel_loop3A_732 = arith.addi %parallel_loop3A_730, %parallel_loop3A_731 : i32
      %parallel_loop3A_733 = arith.constant 16 : i32
      %parallel_loop3A_734 = arith.muli %parallel_loop3A_732, %parallel_loop3A_733 : i32
      %parallel_loop3A_735 = arith.constant 0 : i32
      %parallel_loop3A_736 = arith.constant 0 : i32
      %parallel_loop3A_737 = arith.constant 0 : i32
      %parallel_loop3A_738 = tpu.memref_slice %arg7[%parallel_loop3A_156, %parallel_loop3A_736, %parallel_loop3A_737] : memref<2x8x2048xf32, #tpu.memory_space<vmem>> -> memref<1x8x2048xf32, #tpu.memory_space<vmem>>
      %parallel_loop3A_739 = tpu.memref_squeeze %parallel_loop3A_738 : memref<1x8x2048xf32, #tpu.memory_space<vmem>> -> memref<8x2048xf32, #tpu.memory_space<vmem>>
      %parallel_loop3A_740 = arith.index_cast %parallel_loop3A_735 : i32 to index
      %parallel_loop3A_741 = arith.index_cast %parallel_loop3A_734 : i32 to index
      %parallel_loop3A_742 = tpu.vector_load %parallel_loop3A_739[%parallel_loop3A_740, %parallel_loop3A_741] {strides = array<i32>} : memref<8x2048xf32, #tpu.memory_space<vmem>>, vector<16xf32>,
      tpu.vector_store %parallel_loop3A_739[%parallel_loop3A_740, %parallel_loop3A_741], %parallel_loop3A_713 {strides = array<i32>} : memref<8x2048xf32, #tpu.memory_space<vmem>>, vector<16xf32>,
      %parallel_loop3A_743 = arith.constant 2 : i32
      %parallel_loop3A_744 = arith.muli %parallel_loop3A_488, %parallel_loop3A_743 : i32
      %parallel_loop3A_745 = arith.constant 0 : i32
      %parallel_loop3A_746 = arith.addi %parallel_loop3A_744, %parallel_loop3A_745 : i32
      %parallel_loop3A_747 = arith.constant 16 : i32
      %parallel_loop3A_748 = arith.muli %parallel_loop3A_746, %parallel_loop3A_747 : i32
      %parallel_loop3A_749 = arith.constant 1 : i32
      %parallel_loop3A_750 = arith.constant 0 : i32
      %parallel_loop3A_751 = arith.constant 0 : i32
      %parallel_loop3A_752 = tpu.memref_slice %arg7[%parallel_loop3A_156, %parallel_loop3A_750, %parallel_loop3A_751] : memref<2x8x2048xf32, #tpu.memory_space<vmem>> -> memref<1x8x2048xf32, #tpu.memory_space<vmem>>
      %parallel_loop3A_753 = tpu.memref_squeeze %parallel_loop3A_752 : memref<1x8x2048xf32, #tpu.memory_space<vmem>> -> memref<8x2048xf32, #tpu.memory_space<vmem>>
      %parallel_loop3A_754 = arith.index_cast %parallel_loop3A_749 : i32 to index
      %parallel_loop3A_755 = arith.index_cast %parallel_loop3A_748 : i32 to index
      %parallel_loop3A_756 = tpu.vector_load %parallel_loop3A_753[%parallel_loop3A_754, %parallel_loop3A_755] {strides = array<i32>} : memref<8x2048xf32, #tpu.memory_space<vmem>>, vector<16xf32>,
      tpu.vector_store %parallel_loop3A_753[%parallel_loop3A_754, %parallel_loop3A_755], %parallel_loop3A_714 {strides = array<i32>} : memref<8x2048xf32, #tpu.memory_space<vmem>>, vector<16xf32>,
      %parallel_loop3A_757 = arith.constant 2 : i32
      %parallel_loop3A_758 = arith.muli %parallel_loop3A_488, %parallel_loop3A_757 : i32
      %parallel_loop3A_759 = arith.constant 0 : i32
      %parallel_loop3A_760 = arith.addi %parallel_loop3A_758, %parallel_loop3A_759 : i32
      %parallel_loop3A_761 = arith.constant 16 : i32
      %parallel_loop3A_762 = arith.muli %parallel_loop3A_760, %parallel_loop3A_761 : i32
      %parallel_loop3A_763 = arith.constant 2 : i32
      %parallel_loop3A_764 = arith.constant 0 : i32
      %parallel_loop3A_765 = arith.constant 0 : i32
      %parallel_loop3A_766 = tpu.memref_slice %arg7[%parallel_loop3A_156, %parallel_loop3A_764, %parallel_loop3A_765] : memref<2x8x2048xf32, #tpu.memory_space<vmem>> -> memref<1x8x2048xf32, #tpu.memory_space<vmem>>
      %parallel_loop3A_767 = tpu.memref_squeeze %parallel_loop3A_766 : memref<1x8x2048xf32, #tpu.memory_space<vmem>> -> memref<8x2048xf32, #tpu.memory_space<vmem>>
      %parallel_loop3A_768 = arith.index_cast %parallel_loop3A_763 : i32 to index
      %parallel_loop3A_769 = arith.index_cast %parallel_loop3A_762 : i32 to index
      %parallel_loop3A_770 = tpu.vector_load %parallel_loop3A_767[%parallel_loop3A_768, %parallel_loop3A_769] {strides = array<i32>} : memref<8x2048xf32, #tpu.memory_space<vmem>>, vector<16xf32>,
      tpu.vector_store %parallel_loop3A_767[%parallel_loop3A_768, %parallel_loop3A_769], %parallel_loop3A_715 {strides = array<i32>} : memref<8x2048xf32, #tpu.memory_space<vmem>>, vector<16xf32>,
      %parallel_loop3A_771 = arith.constant 2 : i32
      %parallel_loop3A_772 = arith.muli %parallel_loop3A_488, %parallel_loop3A_771 : i32
      %parallel_loop3A_773 = arith.constant 0 : i32
      %parallel_loop3A_774 = arith.addi %parallel_loop3A_772, %parallel_loop3A_773 : i32
      %parallel_loop3A_775 = arith.constant 16 : i32
      %parallel_loop3A_776 = arith.muli %parallel_loop3A_774, %parallel_loop3A_775 : i32
      %parallel_loop3A_777 = arith.constant 3 : i32
      %parallel_loop3A_778 = arith.constant 0 : i32
      %parallel_loop3A_779 = arith.constant 0 : i32
      %parallel_loop3A_780 = tpu.memref_slice %arg7[%parallel_loop3A_156, %parallel_loop3A_778, %parallel_loop3A_779] : memref<2x8x2048xf32, #tpu.memory_space<vmem>> -> memref<1x8x2048xf32, #tpu.memory_space<vmem>>
      %parallel_loop3A_781 = tpu.memref_squeeze %parallel_loop3A_780 : memref<1x8x2048xf32, #tpu.memory_space<vmem>> -> memref<8x2048xf32, #tpu.memory_space<vmem>>
      %parallel_loop3A_782 = arith.index_cast %parallel_loop3A_777 : i32 to index
      %parallel_loop3A_783 = arith.index_cast %parallel_loop3A_776 : i32 to index
      %parallel_loop3A_784 = tpu.vector_load %parallel_loop3A_781[%parallel_loop3A_782, %parallel_loop3A_783] {strides = array<i32>} : memref<8x2048xf32, #tpu.memory_space<vmem>>, vector<16xf32>,
      tpu.vector_store %parallel_loop3A_781[%parallel_loop3A_782, %parallel_loop3A_783], %parallel_loop3A_716 {strides = array<i32>} : memref<8x2048xf32, #tpu.memory_space<vmem>>, vector<16xf32>,
      %parallel_loop3A_785 = arith.constant 2 : i32
      %parallel_loop3A_786 = arith.muli %parallel_loop3A_488, %parallel_loop3A_785 : i32
      %parallel_loop3A_787 = arith.constant 0 : i32
      %parallel_loop3A_788 = arith.addi %parallel_loop3A_786, %parallel_loop3A_787 : i32
      %parallel_loop3A_789 = arith.constant 16 : i32
      %parallel_loop3A_790 = arith.muli %parallel_loop3A_788, %parallel_loop3A_789 : i32
      %parallel_loop3A_791 = arith.constant 4 : i32
      %parallel_loop3A_792 = arith.constant 0 : i32
      %parallel_loop3A_793 = arith.constant 0 : i32
      %parallel_loop3A_794 = tpu.memref_slice %arg7[%parallel_loop3A_156, %parallel_loop3A_792, %parallel_loop3A_793] : memref<2x8x2048xf32, #tpu.memory_space<vmem>> -> memref<1x8x2048xf32, #tpu.memory_space<vmem>>
      %parallel_loop3A_795 = tpu.memref_squeeze %parallel_loop3A_794 : memref<1x8x2048xf32, #tpu.memory_space<vmem>> -> memref<8x2048xf32, #tpu.memory_space<vmem>>
      %parallel_loop3A_796 = arith.index_cast %parallel_loop3A_791 : i32 to index
      %parallel_loop3A_797 = arith.index_cast %parallel_loop3A_790 : i32 to index
      %parallel_loop3A_798 = tpu.vector_load %parallel_loop3A_795[%parallel_loop3A_796, %parallel_loop3A_797] {strides = array<i32>} : memref<8x2048xf32, #tpu.memory_space<vmem>>, vector<16xf32>,
      tpu.vector_store %parallel_loop3A_795[%parallel_loop3A_796, %parallel_loop3A_797], %parallel_loop3A_717 {strides = array<i32>} : memref<8x2048xf32, #tpu.memory_space<vmem>>, vector<16xf32>,
      %parallel_loop3A_799 = arith.constant 2 : i32
      %parallel_loop3A_800 = arith.muli %parallel_loop3A_488, %parallel_loop3A_799 : i32
      %parallel_loop3A_801 = arith.constant 0 : i32
      %parallel_loop3A_802 = arith.addi %parallel_loop3A_800, %parallel_loop3A_801 : i32
      %parallel_loop3A_803 = arith.constant 16 : i32
      %parallel_loop3A_804 = arith.muli %parallel_loop3A_802, %parallel_loop3A_803 : i32
      %parallel_loop3A_805 = arith.constant 5 : i32
      %parallel_loop3A_806 = arith.constant 0 : i32
      %parallel_loop3A_807 = arith.constant 0 : i32
      %parallel_loop3A_808 = tpu.memref_slice %arg7[%parallel_loop3A_156, %parallel_loop3A_806, %parallel_loop3A_807] : memref<2x8x2048xf32, #tpu.memory_space<vmem>> -> memref<1x8x2048xf32, #tpu.memory_space<vmem>>
      %parallel_loop3A_809 = tpu.memref_squeeze %parallel_loop3A_808 : memref<1x8x2048xf32, #tpu.memory_space<vmem>> -> memref<8x2048xf32, #tpu.memory_space<vmem>>
      %parallel_loop3A_810 = arith.index_cast %parallel_loop3A_805 : i32 to index
      %parallel_loop3A_811 = arith.index_cast %parallel_loop3A_804 : i32 to index
      %parallel_loop3A_812 = tpu.vector_load %parallel_loop3A_809[%parallel_loop3A_810, %parallel_loop3A_811] {strides = array<i32>} : memref<8x2048xf32, #tpu.memory_space<vmem>>, vector<16xf32>,
      tpu.vector_store %parallel_loop3A_809[%parallel_loop3A_810, %parallel_loop3A_811], %parallel_loop3A_718 {strides = array<i32>} : memref<8x2048xf32, #tpu.memory_space<vmem>>, vector<16xf32>,
      %parallel_loop3A_813 = arith.constant 2 : i32
      %parallel_loop3A_814 = arith.muli %parallel_loop3A_488, %parallel_loop3A_813 : i32
      %parallel_loop3A_815 = arith.constant 0 : i32
      %parallel_loop3A_816 = arith.addi %parallel_loop3A_814, %parallel_loop3A_815 : i32
      %parallel_loop3A_817 = arith.constant 16 : i32
      %parallel_loop3A_818 = arith.muli %parallel_loop3A_816, %parallel_loop3A_817 : i32
      %parallel_loop3A_819 = arith.constant 6 : i32
      %parallel_loop3A_820 = arith.constant 0 : i32
      %parallel_loop3A_821 = arith.constant 0 : i32
      %parallel_loop3A_822 = tpu.memref_slice %arg7[%parallel_loop3A_156, %parallel_loop3A_820, %parallel_loop3A_821] : memref<2x8x2048xf32, #tpu.memory_space<vmem>> -> memref<1x8x2048xf32, #tpu.memory_space<vmem>>
      %parallel_loop3A_823 = tpu.memref_squeeze %parallel_loop3A_822 : memref<1x8x2048xf32, #tpu.memory_space<vmem>> -> memref<8x2048xf32, #tpu.memory_space<vmem>>
      %parallel_loop3A_824 = arith.index_cast %parallel_loop3A_819 : i32 to index
      %parallel_loop3A_825 = arith.index_cast %parallel_loop3A_818 : i32 to index
      %parallel_loop3A_826 = tpu.vector_load %parallel_loop3A_823[%parallel_loop3A_824, %parallel_loop3A_825] {strides = array<i32>} : memref<8x2048xf32, #tpu.memory_space<vmem>>, vector<16xf32>,
      tpu.vector_store %parallel_loop3A_823[%parallel_loop3A_824, %parallel_loop3A_825], %parallel_loop3A_719 {strides = array<i32>} : memref<8x2048xf32, #tpu.memory_space<vmem>>, vector<16xf32>,
      %parallel_loop3A_827 = arith.constant 2 : i32
      %parallel_loop3A_828 = arith.muli %parallel_loop3A_488, %parallel_loop3A_827 : i32
      %parallel_loop3A_829 = arith.constant 0 : i32
      %parallel_loop3A_830 = arith.addi %parallel_loop3A_828, %parallel_loop3A_829 : i32
      %parallel_loop3A_831 = arith.constant 16 : i32
      %parallel_loop3A_832 = arith.muli %parallel_loop3A_830, %parallel_loop3A_831 : i32
      %parallel_loop3A_833 = arith.constant 7 : i32
      %parallel_loop3A_834 = arith.constant 0 : i32
      %parallel_loop3A_835 = arith.constant 0 : i32
      %parallel_loop3A_836 = tpu.memref_slice %arg7[%parallel_loop3A_156, %parallel_loop3A_834, %parallel_loop3A_835] : memref<2x8x2048xf32, #tpu.memory_space<vmem>> -> memref<1x8x2048xf32, #tpu.memory_space<vmem>>
      %parallel_loop3A_837 = tpu.memref_squeeze %parallel_loop3A_836 : memref<1x8x2048xf32, #tpu.memory_space<vmem>> -> memref<8x2048xf32, #tpu.memory_space<vmem>>
      %parallel_loop3A_838 = arith.index_cast %parallel_loop3A_833 : i32 to index
      %parallel_loop3A_839 = arith.index_cast %parallel_loop3A_832 : i32 to index
      %parallel_loop3A_840 = tpu.vector_load %parallel_loop3A_837[%parallel_loop3A_838, %parallel_loop3A_839] {strides = array<i32>} : memref<8x2048xf32, #tpu.memory_space<vmem>>, vector<16xf32>,
      tpu.vector_store %parallel_loop3A_837[%parallel_loop3A_838, %parallel_loop3A_839], %parallel_loop3A_720 {strides = array<i32>} : memref<8x2048xf32, #tpu.memory_space<vmem>>, vector<16xf32>,
      %parallel_loop3A_841 = arith.constant 2 : i32
      %parallel_loop3A_842 = arith.muli %parallel_loop3A_488, %parallel_loop3A_841 : i32
      %parallel_loop3A_843 = arith.constant 1 : i32
      %parallel_loop3A_844 = arith.addi %parallel_loop3A_842, %parallel_loop3A_843 : i32
      %parallel_loop3A_845 = arith.constant 16 : i32
      %parallel_loop3A_846 = arith.muli %parallel_loop3A_844, %parallel_loop3A_845 : i32
      %parallel_loop3A_847 = arith.constant 0 : i32
      %parallel_loop3A_848 = arith.constant 0 : i32
      %parallel_loop3A_849 = arith.constant 0 : i32
      %parallel_loop3A_850 = tpu.memref_slice %arg7[%parallel_loop3A_156, %parallel_loop3A_848, %parallel_loop3A_849] : memref<2x8x2048xf32, #tpu.memory_space<vmem>> -> memref<1x8x2048xf32, #tpu.memory_space<vmem>>
      %parallel_loop3A_851 = tpu.memref_squeeze %parallel_loop3A_850 : memref<1x8x2048xf32, #tpu.memory_space<vmem>> -> memref<8x2048xf32, #tpu.memory_space<vmem>>
      %parallel_loop3A_852 = arith.index_cast %parallel_loop3A_847 : i32 to index
      %parallel_loop3A_853 = arith.index_cast %parallel_loop3A_846 : i32 to index
      %parallel_loop3A_854 = tpu.vector_load %parallel_loop3A_851[%parallel_loop3A_852, %parallel_loop3A_853] {strides = array<i32>} : memref<8x2048xf32, #tpu.memory_space<vmem>>, vector<16xf32>,
      tpu.vector_store %parallel_loop3A_851[%parallel_loop3A_852, %parallel_loop3A_853], %parallel_loop3A_721 {strides = array<i32>} : memref<8x2048xf32, #tpu.memory_space<vmem>>, vector<16xf32>,
      %parallel_loop3A_855 = arith.constant 2 : i32
      %parallel_loop3A_856 = arith.muli %parallel_loop3A_488, %parallel_loop3A_855 : i32
      %parallel_loop3A_857 = arith.constant 1 : i32
      %parallel_loop3A_858 = arith.addi %parallel_loop3A_856, %parallel_loop3A_857 : i32
      %parallel_loop3A_859 = arith.constant 16 : i32
      %parallel_loop3A_860 = arith.muli %parallel_loop3A_858, %parallel_loop3A_859 : i32
      %parallel_loop3A_861 = arith.constant 1 : i32
      %parallel_loop3A_862 = arith.constant 0 : i32
      %parallel_loop3A_863 = arith.constant 0 : i32
      %parallel_loop3A_864 = tpu.memref_slice %arg7[%parallel_loop3A_156, %parallel_loop3A_862, %parallel_loop3A_863] : memref<2x8x2048xf32, #tpu.memory_space<vmem>> -> memref<1x8x2048xf32, #tpu.memory_space<vmem>>
      %parallel_loop3A_865 = tpu.memref_squeeze %parallel_loop3A_864 : memref<1x8x2048xf32, #tpu.memory_space<vmem>> -> memref<8x2048xf32, #tpu.memory_space<vmem>>
      %parallel_loop3A_866 = arith.index_cast %parallel_loop3A_861 : i32 to index
      %parallel_loop3A_867 = arith.index_cast %parallel_loop3A_860 : i32 to index
      %parallel_loop3A_868 = tpu.vector_load %parallel_loop3A_865[%parallel_loop3A_866, %parallel_loop3A_867] {strides = array<i32>} : memref<8x2048xf32, #tpu.memory_space<vmem>>, vector<16xf32>,
      tpu.vector_store %parallel_loop3A_865[%parallel_loop3A_866, %parallel_loop3A_867], %parallel_loop3A_722 {strides = array<i32>} : memref<8x2048xf32, #tpu.memory_space<vmem>>, vector<16xf32>,
      %parallel_loop3A_869 = arith.constant 2 : i32
      %parallel_loop3A_870 = arith.muli %parallel_loop3A_488, %parallel_loop3A_869 : i32
      %parallel_loop3A_871 = arith.constant 1 : i32
      %parallel_loop3A_872 = arith.addi %parallel_loop3A_870, %parallel_loop3A_871 : i32
      %parallel_loop3A_873 = arith.constant 16 : i32
      %parallel_loop3A_874 = arith.muli %parallel_loop3A_872, %parallel_loop3A_873 : i32
      %parallel_loop3A_875 = arith.constant 2 : i32
      %parallel_loop3A_876 = arith.constant 0 : i32
      %parallel_loop3A_877 = arith.constant 0 : i32
      %parallel_loop3A_878 = tpu.memref_slice %arg7[%parallel_loop3A_156, %parallel_loop3A_876, %parallel_loop3A_877] : memref<2x8x2048xf32, #tpu.memory_space<vmem>> -> memref<1x8x2048xf32, #tpu.memory_space<vmem>>
      %parallel_loop3A_879 = tpu.memref_squeeze %parallel_loop3A_878 : memref<1x8x2048xf32, #tpu.memory_space<vmem>> -> memref<8x2048xf32, #tpu.memory_space<vmem>>
      %parallel_loop3A_880 = arith.index_cast %parallel_loop3A_875 : i32 to index
      %parallel_loop3A_881 = arith.index_cast %parallel_loop3A_874 : i32 to index
      %parallel_loop3A_882 = tpu.vector_load %parallel_loop3A_879[%parallel_loop3A_880, %parallel_loop3A_881] {strides = array<i32>} : memref<8x2048xf32, #tpu.memory_space<vmem>>, vector<16xf32>,
      tpu.vector_store %parallel_loop3A_879[%parallel_loop3A_880, %parallel_loop3A_881], %parallel_loop3A_723 {strides = array<i32>} : memref<8x2048xf32, #tpu.memory_space<vmem>>, vector<16xf32>,
      %parallel_loop3A_883 = arith.constant 2 : i32
      %parallel_loop3A_884 = arith.muli %parallel_loop3A_488, %parallel_loop3A_883 : i32
      %parallel_loop3A_885 = arith.constant 1 : i32
      %parallel_loop3A_886 = arith.addi %parallel_loop3A_884, %parallel_loop3A_885 : i32
      %parallel_loop3A_887 = arith.constant 16 : i32
      %parallel_loop3A_888 = arith.muli %parallel_loop3A_886, %parallel_loop3A_887 : i32
      %parallel_loop3A_889 = arith.constant 3 : i32
      %parallel_loop3A_890 = arith.constant 0 : i32
      %parallel_loop3A_891 = arith.constant 0 : i32
      %parallel_loop3A_892 = tpu.memref_slice %arg7[%parallel_loop3A_156, %parallel_loop3A_890, %parallel_loop3A_891] : memref<2x8x2048xf32, #tpu.memory_space<vmem>> -> memref<1x8x2048xf32, #tpu.memory_space<vmem>>
      %parallel_loop3A_893 = tpu.memref_squeeze %parallel_loop3A_892 : memref<1x8x2048xf32, #tpu.memory_space<vmem>> -> memref<8x2048xf32, #tpu.memory_space<vmem>>
      %parallel_loop3A_894 = arith.index_cast %parallel_loop3A_889 : i32 to index
      %parallel_loop3A_895 = arith.index_cast %parallel_loop3A_888 : i32 to index
      %parallel_loop3A_896 = tpu.vector_load %parallel_loop3A_893[%parallel_loop3A_894, %parallel_loop3A_895] {strides = array<i32>} : memref<8x2048xf32, #tpu.memory_space<vmem>>, vector<16xf32>,
      tpu.vector_store %parallel_loop3A_893[%parallel_loop3A_894, %parallel_loop3A_895], %parallel_loop3A_724 {strides = array<i32>} : memref<8x2048xf32, #tpu.memory_space<vmem>>, vector<16xf32>,
      %parallel_loop3A_897 = arith.constant 2 : i32
      %parallel_loop3A_898 = arith.muli %parallel_loop3A_488, %parallel_loop3A_897 : i32
      %parallel_loop3A_899 = arith.constant 1 : i32
      %parallel_loop3A_900 = arith.addi %parallel_loop3A_898, %parallel_loop3A_899 : i32
      %parallel_loop3A_901 = arith.constant 16 : i32
      %parallel_loop3A_902 = arith.muli %parallel_loop3A_900, %parallel_loop3A_901 : i32
      %parallel_loop3A_903 = arith.constant 4 : i32
      %parallel_loop3A_904 = arith.constant 0 : i32
      %parallel_loop3A_905 = arith.constant 0 : i32
      %parallel_loop3A_906 = tpu.memref_slice %arg7[%parallel_loop3A_156, %parallel_loop3A_904, %parallel_loop3A_905] : memref<2x8x2048xf32, #tpu.memory_space<vmem>> -> memref<1x8x2048xf32, #tpu.memory_space<vmem>>
      %parallel_loop3A_907 = tpu.memref_squeeze %parallel_loop3A_906 : memref<1x8x2048xf32, #tpu.memory_space<vmem>> -> memref<8x2048xf32, #tpu.memory_space<vmem>>
      %parallel_loop3A_908 = arith.index_cast %parallel_loop3A_903 : i32 to index
      %parallel_loop3A_909 = arith.index_cast %parallel_loop3A_902 : i32 to index
      %parallel_loop3A_910 = tpu.vector_load %parallel_loop3A_907[%parallel_loop3A_908, %parallel_loop3A_909] {strides = array<i32>} : memref<8x2048xf32, #tpu.memory_space<vmem>>, vector<16xf32>,
      tpu.vector_store %parallel_loop3A_907[%parallel_loop3A_908, %parallel_loop3A_909], %parallel_loop3A_725 {strides = array<i32>} : memref<8x2048xf32, #tpu.memory_space<vmem>>, vector<16xf32>,
      %parallel_loop3A_911 = arith.constant 2 : i32
      %parallel_loop3A_912 = arith.muli %parallel_loop3A_488, %parallel_loop3A_911 : i32
      %parallel_loop3A_913 = arith.constant 1 : i32
      %parallel_loop3A_914 = arith.addi %parallel_loop3A_912, %parallel_loop3A_913 : i32
      %parallel_loop3A_915 = arith.constant 16 : i32
      %parallel_loop3A_916 = arith.muli %parallel_loop3A_914, %parallel_loop3A_915 : i32
      %parallel_loop3A_917 = arith.constant 5 : i32
      %parallel_loop3A_918 = arith.constant 0 : i32
      %parallel_loop3A_919 = arith.constant 0 : i32
      %parallel_loop3A_920 = tpu.memref_slice %arg7[%parallel_loop3A_156, %parallel_loop3A_918, %parallel_loop3A_919] : memref<2x8x2048xf32, #tpu.memory_space<vmem>> -> memref<1x8x2048xf32, #tpu.memory_space<vmem>>
      %parallel_loop3A_921 = tpu.memref_squeeze %parallel_loop3A_920 : memref<1x8x2048xf32, #tpu.memory_space<vmem>> -> memref<8x2048xf32, #tpu.memory_space<vmem>>
      %parallel_loop3A_922 = arith.index_cast %parallel_loop3A_917 : i32 to index
      %parallel_loop3A_923 = arith.index_cast %parallel_loop3A_916 : i32 to index
      %parallel_loop3A_924 = tpu.vector_load %parallel_loop3A_921[%parallel_loop3A_922, %parallel_loop3A_923] {strides = array<i32>} : memref<8x2048xf32, #tpu.memory_space<vmem>>, vector<16xf32>,
      tpu.vector_store %parallel_loop3A_921[%parallel_loop3A_922, %parallel_loop3A_923], %parallel_loop3A_726 {strides = array<i32>} : memref<8x2048xf32, #tpu.memory_space<vmem>>, vector<16xf32>,
      %parallel_loop3A_925 = arith.constant 2 : i32
      %parallel_loop3A_926 = arith.muli %parallel_loop3A_488, %parallel_loop3A_925 : i32
      %parallel_loop3A_927 = arith.constant 1 : i32
      %parallel_loop3A_928 = arith.addi %parallel_loop3A_926, %parallel_loop3A_927 : i32
      %parallel_loop3A_929 = arith.constant 16 : i32
      %parallel_loop3A_930 = arith.muli %parallel_loop3A_928, %parallel_loop3A_929 : i32
      %parallel_loop3A_931 = arith.constant 6 : i32
      %parallel_loop3A_932 = arith.constant 0 : i32
      %parallel_loop3A_933 = arith.constant 0 : i32
      %parallel_loop3A_934 = tpu.memref_slice %arg7[%parallel_loop3A_156, %parallel_loop3A_932, %parallel_loop3A_933] : memref<2x8x2048xf32, #tpu.memory_space<vmem>> -> memref<1x8x2048xf32, #tpu.memory_space<vmem>>
      %parallel_loop3A_935 = tpu.memref_squeeze %parallel_loop3A_934 : memref<1x8x2048xf32, #tpu.memory_space<vmem>> -> memref<8x2048xf32, #tpu.memory_space<vmem>>
      %parallel_loop3A_936 = arith.index_cast %parallel_loop3A_931 : i32 to index
      %parallel_loop3A_937 = arith.index_cast %parallel_loop3A_930 : i32 to index
      %parallel_loop3A_938 = tpu.vector_load %parallel_loop3A_935[%parallel_loop3A_936, %parallel_loop3A_937] {strides = array<i32>} : memref<8x2048xf32, #tpu.memory_space<vmem>>, vector<16xf32>,
      tpu.vector_store %parallel_loop3A_935[%parallel_loop3A_936, %parallel_loop3A_937], %parallel_loop3A_727 {strides = array<i32>} : memref<8x2048xf32, #tpu.memory_space<vmem>>, vector<16xf32>,
      %parallel_loop3A_939 = arith.constant 2 : i32
      %parallel_loop3A_940 = arith.muli %parallel_loop3A_488, %parallel_loop3A_939 : i32
      %parallel_loop3A_941 = arith.constant 1 : i32
      %parallel_loop3A_942 = arith.addi %parallel_loop3A_940, %parallel_loop3A_941 : i32
      %parallel_loop3A_943 = arith.constant 16 : i32
      %parallel_loop3A_944 = arith.muli %parallel_loop3A_942, %parallel_loop3A_943 : i32
      %parallel_loop3A_945 = arith.constant 7 : i32
      %parallel_loop3A_946 = arith.constant 0 : i32
      %parallel_loop3A_947 = arith.constant 0 : i32
      %parallel_loop3A_948 = tpu.memref_slice %arg7[%parallel_loop3A_156, %parallel_loop3A_946, %parallel_loop3A_947] : memref<2x8x2048xf32, #tpu.memory_space<vmem>> -> memref<1x8x2048xf32, #tpu.memory_space<vmem>>
      %parallel_loop3A_949 = tpu.memref_squeeze %parallel_loop3A_948 : memref<1x8x2048xf32, #tpu.memory_space<vmem>> -> memref<8x2048xf32, #tpu.memory_space<vmem>>
      %parallel_loop3A_950 = arith.index_cast %parallel_loop3A_945 : i32 to index
      %parallel_loop3A_951 = arith.index_cast %parallel_loop3A_944 : i32 to index
      %parallel_loop3A_952 = tpu.vector_load %parallel_loop3A_949[%parallel_loop3A_950, %parallel_loop3A_951] {strides = array<i32>} : memref<8x2048xf32, #tpu.memory_space<vmem>>, vector<16xf32>,
      tpu.vector_store %parallel_loop3A_949[%parallel_loop3A_950, %parallel_loop3A_951], %parallel_loop3A_728 {strides = array<i32>} : memref<8x2048xf32, #tpu.memory_space<vmem>>, vector<16xf32>,
    } {sc.loop_unroll_factor = 2 : i64, sc.parallel_access}
    %add3A_157 = arith.constant 16 : i32
    %add3A_158 = arith.addi %mul3A_2, %add3A_157 : i32
    %dma_start3A_159 = arith.constant 0 : i32
    %dma_start3A_160 = arith.constant 0 : i32
    %dma_start3A_161 = arith.constant 0 : i32
    %dma_start3A_162 = tpu.memref_slice %arg7[%dma_start3A_159, %dma_start3A_160, %dma_start3A_161] : memref<2x8x2048xf32, #tpu.memory_space<vmem>> -> memref<1x8x2048xf32, #tpu.memory_space<vmem>>
    %dma_start3A_163 = tpu.memref_squeeze %dma_start3A_162 : memref<1x8x2048xf32, #tpu.memory_space<vmem>> -> memref<8x2048xf32, #tpu.memory_space<vmem>>
    %dma_start3A_164 = arith.constant 0 : i32
    %dma_start3A_165 = tpu.memref_slice %arg4[%add3A_158, %dma_start3A_164] : memref<2048x2048xf32, #tpu.memory_space<hbm>> -> memref<8x2048xf32, #tpu.memory_space<hbm>>
    %dma_start3A_166 = arith.constant 0 : i32
    %dma_start3A_167 = tpu.memref_slice %arg4[%add3A_158, %dma_start3A_166] : memref<2048x2048xf32, #tpu.memory_space<hbm>> -> memref<8x2048xf32, #tpu.memory_space<hbm>>
    %dma_start3A_168 = arith.constant 0 : i32
    %dma_start3A_169 = arith.constant 0 : i32
    %dma_start3A_170 = tpu.memref_slice %arg7[%dma_start3A_159, %dma_start3A_168, %dma_start3A_169] : memref<2x8x2048xf32, #tpu.memory_space<vmem>> -> memref<1x8x2048xf32, #tpu.memory_space<vmem>>
    %dma_start3A_171 = tpu.memref_squeeze %dma_start3A_170 : memref<1x8x2048xf32, #tpu.memory_space<vmem>> -> memref<8x2048xf32, #tpu.memory_space<vmem>>
    tpu.enqueue_dma source(%dma_start3A_171 : memref<8x2048xf32, #tpu.memory_space<vmem>>) target(%dma_start3A_167 : memref<8x2048xf32, #tpu.memory_space<hbm>>) target_semaphore(%arg10 : memref<!tpu.dma_semaphore, #tpu.memory_space<semaphore_mem>>)
    %add3A_172 = arith.constant 32 : i32
    %add3A_173 = arith.addi %mul3A_2, %add3A_172 : i32
    %dma_start3A_174 = arith.constant 0 : i32
    %dma_start3A_175 = arith.constant 0 : i32
    %dma_start3A_176 = arith.constant 0 : i32
    %dma_start3A_177 = tpu.memref_slice %arg6[%dma_start3A_174, %dma_start3A_175, %dma_start3A_176] : memref<2x8x2048xi32, #tpu.memory_space<vmem>> -> memref<1x8x2048xi32, #tpu.memory_space<vmem>>
    %dma_start3A_178 = tpu.memref_squeeze %dma_start3A_177 : memref<1x8x2048xi32, #tpu.memory_space<vmem>> -> memref<8x2048xi32, #tpu.memory_space<vmem>>
    %dma_start3A_179 = arith.constant 0 : i32
    %dma_start3A_180 = tpu.memref_slice %arg3[%add3A_173, %dma_start3A_179] : memref<2048x2048xi32, #tpu.memory_space<hbm>> -> memref<8x2048xi32, #tpu.memory_space<hbm>>
    %dma_start3A_181 = arith.constant 0 : i32
    %dma_start3A_182 = arith.constant 0 : i32
    %dma_start3A_183 = tpu.memref_slice %arg6[%dma_start3A_174, %dma_start3A_181, %dma_start3A_182] : memref<2x8x2048xi32, #tpu.memory_space<vmem>> -> memref<1x8x2048xi32, #tpu.memory_space<vmem>>
    %dma_start3A_184 = tpu.memref_squeeze %dma_start3A_183 : memref<1x8x2048xi32, #tpu.memory_space<vmem>> -> memref<8x2048xi32, #tpu.memory_space<vmem>>
    %dma_start3A_185 = arith.constant 0 : i32
    %dma_start3A_186 = tpu.memref_slice %arg3[%add3A_173, %dma_start3A_185] : memref<2048x2048xi32, #tpu.memory_space<hbm>> -> memref<8x2048xi32, #tpu.memory_space<hbm>>
    tpu.enqueue_dma source(%dma_start3A_186 : memref<8x2048xi32, #tpu.memory_space<hbm>>) target(%dma_start3A_184 : memref<8x2048xi32, #tpu.memory_space<vmem>>) target_semaphore(%arg8 : memref<!tpu.dma_semaphore, #tpu.memory_space<semaphore_mem>>)
    %dma_wait3A_187 = arith.constant 1 : i32
    %dma_wait3A_188 = arith.constant 0 : i32
    %dma_wait3A_189 = arith.constant 0 : i32
    %dma_wait3A_190 = tpu.memref_slice %arg6[%dma_wait3A_187, %dma_wait3A_188, %dma_wait3A_189] : memref<2x8x2048xi32, #tpu.memory_space<vmem>> -> memref<1x8x2048xi32, #tpu.memory_space<vmem>>
    %dma_wait3A_191 = tpu.memref_squeeze %dma_wait3A_190 : memref<1x8x2048xi32, #tpu.memory_space<vmem>> -> memref<8x2048xi32, #tpu.memory_space<vmem>>
    %dma_wait3A_192 = arith.constant 0 : i32
    %dma_wait3A_193 = tpu.memref_slice %arg3[%add3A_112, %dma_wait3A_192] : memref<2048x2048xi32, #tpu.memory_space<hbm>> -> memref<8x2048xi32, #tpu.memory_space<hbm>>
    %dma_wait3A_194 = arith.constant 0 : i32
    %dma_wait3A_195 = arith.constant 0 : i32
    %dma_wait3A_196 = tpu.memref_slice %arg6[%dma_wait3A_187, %dma_wait3A_194, %dma_wait3A_195] : memref<2x8x2048xi32, #tpu.memory_space<vmem>> -> memref<1x8x2048xi32, #tpu.memory_space<vmem>>
    %dma_wait3A_197 = tpu.memref_squeeze %dma_wait3A_196 : memref<1x8x2048xi32, #tpu.memory_space<vmem>> -> memref<8x2048xi32, #tpu.memory_space<vmem>>
    %dma_wait3A_198 = arith.constant 0 : i32
    %dma_wait3A_199 = tpu.memref_slice %arg3[%add3A_112, %dma_wait3A_198] : memref<2048x2048xi32, #tpu.memory_space<hbm>> -> memref<8x2048xi32, #tpu.memory_space<hbm>>
    tpu.wait_dma2 semaphore(%arg9 : memref<!tpu.dma_semaphore, #tpu.memory_space<semaphore_mem>>) src(%dma_wait3A_199 : memref<8x2048xi32, #tpu.memory_space<hbm>>) dst(%dma_wait3A_197 : memref<8x2048xi32, #tpu.memory_space<vmem>>)
    %dma_wait3A_200 = arith.constant 1 : i32
    %dma_wait3A_201 = arith.constant 0 : i32
    %dma_wait3A_202 = arith.constant 0 : i32
    %dma_wait3A_203 = tpu.memref_slice %arg7[%dma_wait3A_200, %dma_wait3A_201, %dma_wait3A_202] : memref<2x8x2048xf32, #tpu.memory_space<vmem>> -> memref<1x8x2048xf32, #tpu.memory_space<vmem>>
    %dma_wait3A_204 = tpu.memref_squeeze %dma_wait3A_203 : memref<1x8x2048xf32, #tpu.memory_space<vmem>> -> memref<8x2048xf32, #tpu.memory_space<vmem>>
    %dma_wait3A_205 = arith.constant 0 : i32
    %dma_wait3A_206 = tpu.memref_slice %arg4[%add3A_97, %dma_wait3A_205] : memref<2048x2048xf32, #tpu.memory_space<hbm>> -> memref<8x2048xf32, #tpu.memory_space<hbm>>
    %dma_wait3A_207 = arith.constant 0 : i32
    %dma_wait3A_208 = tpu.memref_slice %arg4[%add3A_97, %dma_wait3A_207] : memref<2048x2048xf32, #tpu.memory_space<hbm>> -> memref<8x2048xf32, #tpu.memory_space<hbm>>
    %dma_wait3A_209 = arith.constant 0 : i32
    %dma_wait3A_210 = arith.constant 0 : i32
    %dma_wait3A_211 = tpu.memref_slice %arg7[%dma_wait3A_200, %dma_wait3A_209, %dma_wait3A_210] : memref<2x8x2048xf32, #tpu.memory_space<vmem>> -> memref<1x8x2048xf32, #tpu.memory_space<vmem>>
    %dma_wait3A_212 = tpu.memref_squeeze %dma_wait3A_211 : memref<1x8x2048xf32, #tpu.memory_space<vmem>> -> memref<8x2048xf32, #tpu.memory_space<vmem>>
    tpu.wait_dma2 semaphore(%arg11 : memref<!tpu.dma_semaphore, #tpu.memory_space<semaphore_mem>>) src(%dma_wait3A_212 : memref<8x2048xf32, #tpu.memory_space<vmem>>) dst(%dma_wait3A_208 : memref<8x2048xf32, #tpu.memory_space<hbm>>)
    %parallel_loop3A_213 = arith.constant 0 : i32
    %parallel_loop3A_214 = arith.constant 64 : i32
    %parallel_loop3A_215 = arith.constant 1 : i32
    %parallel_loop3A_216 = arith.constant 1 : i32
    %parallel_loop3A_217 = arith.constant 1 : i32
    scf.for %parallel_loop3A_488 = %parallel_loop3A_213 to %parallel_loop3A_214 step %parallel_loop3A_215  : i32 {
      %parallel_loop3A_489 = arith.constant 2 : i32
      %parallel_loop3A_490 = arith.muli %parallel_loop3A_488, %parallel_loop3A_489 : i32
      %parallel_loop3A_491 = arith.constant 0 : i32
      %parallel_loop3A_492 = arith.addi %parallel_loop3A_490, %parallel_loop3A_491 : i32
      %parallel_loop3A_493 = arith.constant 16 : i32
      %parallel_loop3A_494 = arith.muli %parallel_loop3A_492, %parallel_loop3A_493 : i32
      %parallel_loop3A_495 = arith.constant 0 : i32
      %parallel_loop3A_496 = arith.constant 0 : i32
      %parallel_loop3A_497 = arith.constant 0 : i32
      %parallel_loop3A_498 = tpu.memref_slice %arg6[%parallel_loop3A_216, %parallel_loop3A_496, %parallel_loop3A_497] : memref<2x8x2048xi32, #tpu.memory_space<vmem>> -> memref<1x8x2048xi32, #tpu.memory_space<vmem>>
      %parallel_loop3A_499 = tpu.memref_squeeze %parallel_loop3A_498 : memref<1x8x2048xi32, #tpu.memory_space<vmem>> -> memref<8x2048xi32, #tpu.memory_space<vmem>>
      %parallel_loop3A_500 = arith.index_cast %parallel_loop3A_495 : i32 to index
      %parallel_loop3A_501 = arith.index_cast %parallel_loop3A_494 : i32 to index
      %parallel_loop3A_502 = tpu.vector_load %parallel_loop3A_499[%parallel_loop3A_500, %parallel_loop3A_501] {strides = array<i32>} : memref<8x2048xi32, #tpu.memory_space<vmem>>, vector<16xi32>,
      %parallel_loop3A_503 = arith.constant 2 : i32
      %parallel_loop3A_504 = arith.muli %parallel_loop3A_488, %parallel_loop3A_503 : i32
      %parallel_loop3A_505 = arith.constant 0 : i32
      %parallel_loop3A_506 = arith.addi %parallel_loop3A_504, %parallel_loop3A_505 : i32
      %parallel_loop3A_507 = arith.constant 16 : i32
      %parallel_loop3A_508 = arith.muli %parallel_loop3A_506, %parallel_loop3A_507 : i32
      %parallel_loop3A_509 = arith.constant 1 : i32
      %parallel_loop3A_510 = arith.constant 0 : i32
      %parallel_loop3A_511 = arith.constant 0 : i32
      %parallel_loop3A_512 = tpu.memref_slice %arg6[%parallel_loop3A_216, %parallel_loop3A_510, %parallel_loop3A_511] : memref<2x8x2048xi32, #tpu.memory_space<vmem>> -> memref<1x8x2048xi32, #tpu.memory_space<vmem>>
      %parallel_loop3A_513 = tpu.memref_squeeze %parallel_loop3A_512 : memref<1x8x2048xi32, #tpu.memory_space<vmem>> -> memref<8x2048xi32, #tpu.memory_space<vmem>>
      %parallel_loop3A_514 = arith.index_cast %parallel_loop3A_509 : i32 to index
      %parallel_loop3A_515 = arith.index_cast %parallel_loop3A_508 : i32 to index
      %parallel_loop3A_516 = tpu.vector_load %parallel_loop3A_513[%parallel_loop3A_514, %parallel_loop3A_515] {strides = array<i32>} : memref<8x2048xi32, #tpu.memory_space<vmem>>, vector<16xi32>,
      %parallel_loop3A_517 = arith.constant 2 : i32
      %parallel_loop3A_518 = arith.muli %parallel_loop3A_488, %parallel_loop3A_517 : i32
      %parallel_loop3A_519 = arith.constant 0 : i32
      %parallel_loop3A_520 = arith.addi %parallel_loop3A_518, %parallel_loop3A_519 : i32
      %parallel_loop3A_521 = arith.constant 16 : i32
      %parallel_loop3A_522 = arith.muli %parallel_loop3A_520, %parallel_loop3A_521 : i32
      %parallel_loop3A_523 = arith.constant 2 : i32
      %parallel_loop3A_524 = arith.constant 0 : i32
      %parallel_loop3A_525 = arith.constant 0 : i32
      %parallel_loop3A_526 = tpu.memref_slice %arg6[%parallel_loop3A_216, %parallel_loop3A_524, %parallel_loop3A_525] : memref<2x8x2048xi32, #tpu.memory_space<vmem>> -> memref<1x8x2048xi32, #tpu.memory_space<vmem>>
      %parallel_loop3A_527 = tpu.memref_squeeze %parallel_loop3A_526 : memref<1x8x2048xi32, #tpu.memory_space<vmem>> -> memref<8x2048xi32, #tpu.memory_space<vmem>>
      %parallel_loop3A_528 = arith.index_cast %parallel_loop3A_523 : i32 to index
      %parallel_loop3A_529 = arith.index_cast %parallel_loop3A_522 : i32 to index
      %parallel_loop3A_530 = tpu.vector_load %parallel_loop3A_527[%parallel_loop3A_528, %parallel_loop3A_529] {strides = array<i32>} : memref<8x2048xi32, #tpu.memory_space<vmem>>, vector<16xi32>,
      %parallel_loop3A_531 = arith.constant 2 : i32
      %parallel_loop3A_532 = arith.muli %parallel_loop3A_488, %parallel_loop3A_531 : i32
      %parallel_loop3A_533 = arith.constant 0 : i32
      %parallel_loop3A_534 = arith.addi %parallel_loop3A_532, %parallel_loop3A_533 : i32
      %parallel_loop3A_535 = arith.constant 16 : i32
      %parallel_loop3A_536 = arith.muli %parallel_loop3A_534, %parallel_loop3A_535 : i32
      %parallel_loop3A_537 = arith.constant 3 : i32
      %parallel_loop3A_538 = arith.constant 0 : i32
      %parallel_loop3A_539 = arith.constant 0 : i32
      %parallel_loop3A_540 = tpu.memref_slice %arg6[%parallel_loop3A_216, %parallel_loop3A_538, %parallel_loop3A_539] : memref<2x8x2048xi32, #tpu.memory_space<vmem>> -> memref<1x8x2048xi32, #tpu.memory_space<vmem>>
      %parallel_loop3A_541 = tpu.memref_squeeze %parallel_loop3A_540 : memref<1x8x2048xi32, #tpu.memory_space<vmem>> -> memref<8x2048xi32, #tpu.memory_space<vmem>>
      %parallel_loop3A_542 = arith.index_cast %parallel_loop3A_537 : i32 to index
      %parallel_loop3A_543 = arith.index_cast %parallel_loop3A_536 : i32 to index
      %parallel_loop3A_544 = tpu.vector_load %parallel_loop3A_541[%parallel_loop3A_542, %parallel_loop3A_543] {strides = array<i32>} : memref<8x2048xi32, #tpu.memory_space<vmem>>, vector<16xi32>,
      %parallel_loop3A_545 = arith.constant 2 : i32
      %parallel_loop3A_546 = arith.muli %parallel_loop3A_488, %parallel_loop3A_545 : i32
      %parallel_loop3A_547 = arith.constant 0 : i32
      %parallel_loop3A_548 = arith.addi %parallel_loop3A_546, %parallel_loop3A_547 : i32
      %parallel_loop3A_549 = arith.constant 16 : i32
      %parallel_loop3A_550 = arith.muli %parallel_loop3A_548, %parallel_loop3A_549 : i32
      %parallel_loop3A_551 = arith.constant 4 : i32
      %parallel_loop3A_552 = arith.constant 0 : i32
      %parallel_loop3A_553 = arith.constant 0 : i32
      %parallel_loop3A_554 = tpu.memref_slice %arg6[%parallel_loop3A_216, %parallel_loop3A_552, %parallel_loop3A_553] : memref<2x8x2048xi32, #tpu.memory_space<vmem>> -> memref<1x8x2048xi32, #tpu.memory_space<vmem>>
      %parallel_loop3A_555 = tpu.memref_squeeze %parallel_loop3A_554 : memref<1x8x2048xi32, #tpu.memory_space<vmem>> -> memref<8x2048xi32, #tpu.memory_space<vmem>>
      %parallel_loop3A_556 = arith.index_cast %parallel_loop3A_551 : i32 to index
      %parallel_loop3A_557 = arith.index_cast %parallel_loop3A_550 : i32 to index
      %parallel_loop3A_558 = tpu.vector_load %parallel_loop3A_555[%parallel_loop3A_556, %parallel_loop3A_557] {strides = array<i32>} : memref<8x2048xi32, #tpu.memory_space<vmem>>, vector<16xi32>,
      %parallel_loop3A_559 = arith.constant 2 : i32
      %parallel_loop3A_560 = arith.muli %parallel_loop3A_488, %parallel_loop3A_559 : i32
      %parallel_loop3A_561 = arith.constant 0 : i32
      %parallel_loop3A_562 = arith.addi %parallel_loop3A_560, %parallel_loop3A_561 : i32
      %parallel_loop3A_563 = arith.constant 16 : i32
      %parallel_loop3A_564 = arith.muli %parallel_loop3A_562, %parallel_loop3A_563 : i32
      %parallel_loop3A_565 = arith.constant 5 : i32
      %parallel_loop3A_566 = arith.constant 0 : i32
      %parallel_loop3A_567 = arith.constant 0 : i32
      %parallel_loop3A_568 = tpu.memref_slice %arg6[%parallel_loop3A_216, %parallel_loop3A_566, %parallel_loop3A_567] : memref<2x8x2048xi32, #tpu.memory_space<vmem>> -> memref<1x8x2048xi32, #tpu.memory_space<vmem>>
      %parallel_loop3A_569 = tpu.memref_squeeze %parallel_loop3A_568 : memref<1x8x2048xi32, #tpu.memory_space<vmem>> -> memref<8x2048xi32, #tpu.memory_space<vmem>>
      %parallel_loop3A_570 = arith.index_cast %parallel_loop3A_565 : i32 to index
      %parallel_loop3A_571 = arith.index_cast %parallel_loop3A_564 : i32 to index
      %parallel_loop3A_572 = tpu.vector_load %parallel_loop3A_569[%parallel_loop3A_570, %parallel_loop3A_571] {strides = array<i32>} : memref<8x2048xi32, #tpu.memory_space<vmem>>, vector<16xi32>,
      %parallel_loop3A_573 = arith.constant 2 : i32
      %parallel_loop3A_574 = arith.muli %parallel_loop3A_488, %parallel_loop3A_573 : i32
      %parallel_loop3A_575 = arith.constant 0 : i32
      %parallel_loop3A_576 = arith.addi %parallel_loop3A_574, %parallel_loop3A_575 : i32
      %parallel_loop3A_577 = arith.constant 16 : i32
      %parallel_loop3A_578 = arith.muli %parallel_loop3A_576, %parallel_loop3A_577 : i32
      %parallel_loop3A_579 = arith.constant 6 : i32
      %parallel_loop3A_580 = arith.constant 0 : i32
      %parallel_loop3A_581 = arith.constant 0 : i32
      %parallel_loop3A_582 = tpu.memref_slice %arg6[%parallel_loop3A_216, %parallel_loop3A_580, %parallel_loop3A_581] : memref<2x8x2048xi32, #tpu.memory_space<vmem>> -> memref<1x8x2048xi32, #tpu.memory_space<vmem>>
      %parallel_loop3A_583 = tpu.memref_squeeze %parallel_loop3A_582 : memref<1x8x2048xi32, #tpu.memory_space<vmem>> -> memref<8x2048xi32, #tpu.memory_space<vmem>>
      %parallel_loop3A_584 = arith.index_cast %parallel_loop3A_579 : i32 to index
      %parallel_loop3A_585 = arith.index_cast %parallel_loop3A_578 : i32 to index
      %parallel_loop3A_586 = tpu.vector_load %parallel_loop3A_583[%parallel_loop3A_584, %parallel_loop3A_585] {strides = array<i32>} : memref<8x2048xi32, #tpu.memory_space<vmem>>, vector<16xi32>,
      %parallel_loop3A_587 = arith.constant 2 : i32
      %parallel_loop3A_588 = arith.muli %parallel_loop3A_488, %parallel_loop3A_587 : i32
      %parallel_loop3A_589 = arith.constant 0 : i32
      %parallel_loop3A_590 = arith.addi %parallel_loop3A_588, %parallel_loop3A_589 : i32
      %parallel_loop3A_591 = arith.constant 16 : i32
      %parallel_loop3A_592 = arith.muli %parallel_loop3A_590, %parallel_loop3A_591 : i32
      %parallel_loop3A_593 = arith.constant 7 : i32
      %parallel_loop3A_594 = arith.constant 0 : i32
      %parallel_loop3A_595 = arith.constant 0 : i32
      %parallel_loop3A_596 = tpu.memref_slice %arg6[%parallel_loop3A_216, %parallel_loop3A_594, %parallel_loop3A_595] : memref<2x8x2048xi32, #tpu.memory_space<vmem>> -> memref<1x8x2048xi32, #tpu.memory_space<vmem>>
      %parallel_loop3A_597 = tpu.memref_squeeze %parallel_loop3A_596 : memref<1x8x2048xi32, #tpu.memory_space<vmem>> -> memref<8x2048xi32, #tpu.memory_space<vmem>>
      %parallel_loop3A_598 = arith.index_cast %parallel_loop3A_593 : i32 to index
      %parallel_loop3A_599 = arith.index_cast %parallel_loop3A_592 : i32 to index
      %parallel_loop3A_600 = tpu.vector_load %parallel_loop3A_597[%parallel_loop3A_598, %parallel_loop3A_599] {strides = array<i32>} : memref<8x2048xi32, #tpu.memory_space<vmem>>, vector<16xi32>,
      %parallel_loop3A_601 = arith.constant 2 : i32
      %parallel_loop3A_602 = arith.muli %parallel_loop3A_488, %parallel_loop3A_601 : i32
      %parallel_loop3A_603 = arith.constant 1 : i32
      %parallel_loop3A_604 = arith.addi %parallel_loop3A_602, %parallel_loop3A_603 : i32
      %parallel_loop3A_605 = arith.constant 16 : i32
      %parallel_loop3A_606 = arith.muli %parallel_loop3A_604, %parallel_loop3A_605 : i32
      %parallel_loop3A_607 = arith.constant 0 : i32
      %parallel_loop3A_608 = arith.constant 0 : i32
      %parallel_loop3A_609 = arith.constant 0 : i32
      %parallel_loop3A_610 = tpu.memref_slice %arg6[%parallel_loop3A_216, %parallel_loop3A_608, %parallel_loop3A_609] : memref<2x8x2048xi32, #tpu.memory_space<vmem>> -> memref<1x8x2048xi32, #tpu.memory_space<vmem>>
      %parallel_loop3A_611 = tpu.memref_squeeze %parallel_loop3A_610 : memref<1x8x2048xi32, #tpu.memory_space<vmem>> -> memref<8x2048xi32, #tpu.memory_space<vmem>>
      %parallel_loop3A_612 = arith.index_cast %parallel_loop3A_607 : i32 to index
      %parallel_loop3A_613 = arith.index_cast %parallel_loop3A_606 : i32 to index
      %parallel_loop3A_614 = tpu.vector_load %parallel_loop3A_611[%parallel_loop3A_612, %parallel_loop3A_613] {strides = array<i32>} : memref<8x2048xi32, #tpu.memory_space<vmem>>, vector<16xi32>,
      %parallel_loop3A_615 = arith.constant 2 : i32
      %parallel_loop3A_616 = arith.muli %parallel_loop3A_488, %parallel_loop3A_615 : i32
      %parallel_loop3A_617 = arith.constant 1 : i32
      %parallel_loop3A_618 = arith.addi %parallel_loop3A_616, %parallel_loop3A_617 : i32
      %parallel_loop3A_619 = arith.constant 16 : i32
      %parallel_loop3A_620 = arith.muli %parallel_loop3A_618, %parallel_loop3A_619 : i32
      %parallel_loop3A_621 = arith.constant 1 : i32
      %parallel_loop3A_622 = arith.constant 0 : i32
      %parallel_loop3A_623 = arith.constant 0 : i32
      %parallel_loop3A_624 = tpu.memref_slice %arg6[%parallel_loop3A_216, %parallel_loop3A_622, %parallel_loop3A_623] : memref<2x8x2048xi32, #tpu.memory_space<vmem>> -> memref<1x8x2048xi32, #tpu.memory_space<vmem>>
      %parallel_loop3A_625 = tpu.memref_squeeze %parallel_loop3A_624 : memref<1x8x2048xi32, #tpu.memory_space<vmem>> -> memref<8x2048xi32, #tpu.memory_space<vmem>>
      %parallel_loop3A_626 = arith.index_cast %parallel_loop3A_621 : i32 to index
      %parallel_loop3A_627 = arith.index_cast %parallel_loop3A_620 : i32 to index
      %parallel_loop3A_628 = tpu.vector_load %parallel_loop3A_625[%parallel_loop3A_626, %parallel_loop3A_627] {strides = array<i32>} : memref<8x2048xi32, #tpu.memory_space<vmem>>, vector<16xi32>,
      %parallel_loop3A_629 = arith.constant 2 : i32
      %parallel_loop3A_630 = arith.muli %parallel_loop3A_488, %parallel_loop3A_629 : i32
      %parallel_loop3A_631 = arith.constant 1 : i32
      %parallel_loop3A_632 = arith.addi %parallel_loop3A_630, %parallel_loop3A_631 : i32
      %parallel_loop3A_633 = arith.constant 16 : i32
      %parallel_loop3A_634 = arith.muli %parallel_loop3A_632, %parallel_loop3A_633 : i32
      %parallel_loop3A_635 = arith.constant 2 : i32
      %parallel_loop3A_636 = arith.constant 0 : i32
      %parallel_loop3A_637 = arith.constant 0 : i32
      %parallel_loop3A_638 = tpu.memref_slice %arg6[%parallel_loop3A_216, %parallel_loop3A_636, %parallel_loop3A_637] : memref<2x8x2048xi32, #tpu.memory_space<vmem>> -> memref<1x8x2048xi32, #tpu.memory_space<vmem>>
      %parallel_loop3A_639 = tpu.memref_squeeze %parallel_loop3A_638 : memref<1x8x2048xi32, #tpu.memory_space<vmem>> -> memref<8x2048xi32, #tpu.memory_space<vmem>>
      %parallel_loop3A_640 = arith.index_cast %parallel_loop3A_635 : i32 to index
      %parallel_loop3A_641 = arith.index_cast %parallel_loop3A_634 : i32 to index
      %parallel_loop3A_642 = tpu.vector_load %parallel_loop3A_639[%parallel_loop3A_640, %parallel_loop3A_641] {strides = array<i32>} : memref<8x2048xi32, #tpu.memory_space<vmem>>, vector<16xi32>,
      %parallel_loop3A_643 = arith.constant 2 : i32
      %parallel_loop3A_644 = arith.muli %parallel_loop3A_488, %parallel_loop3A_643 : i32
      %parallel_loop3A_645 = arith.constant 1 : i32
      %parallel_loop3A_646 = arith.addi %parallel_loop3A_644, %parallel_loop3A_645 : i32
      %parallel_loop3A_647 = arith.constant 16 : i32
      %parallel_loop3A_648 = arith.muli %parallel_loop3A_646, %parallel_loop3A_647 : i32
      %parallel_loop3A_649 = arith.constant 3 : i32
      %parallel_loop3A_650 = arith.constant 0 : i32
      %parallel_loop3A_651 = arith.constant 0 : i32
      %parallel_loop3A_652 = tpu.memref_slice %arg6[%parallel_loop3A_216, %parallel_loop3A_650, %parallel_loop3A_651] : memref<2x8x2048xi32, #tpu.memory_space<vmem>> -> memref<1x8x2048xi32, #tpu.memory_space<vmem>>
      %parallel_loop3A_653 = tpu.memref_squeeze %parallel_loop3A_652 : memref<1x8x2048xi32, #tpu.memory_space<vmem>> -> memref<8x2048xi32, #tpu.memory_space<vmem>>
      %parallel_loop3A_654 = arith.index_cast %parallel_loop3A_649 : i32 to index
      %parallel_loop3A_655 = arith.index_cast %parallel_loop3A_648 : i32 to index
      %parallel_loop3A_656 = tpu.vector_load %parallel_loop3A_653[%parallel_loop3A_654, %parallel_loop3A_655] {strides = array<i32>} : memref<8x2048xi32, #tpu.memory_space<vmem>>, vector<16xi32>,
      %parallel_loop3A_657 = arith.constant 2 : i32
      %parallel_loop3A_658 = arith.muli %parallel_loop3A_488, %parallel_loop3A_657 : i32
      %parallel_loop3A_659 = arith.constant 1 : i32
      %parallel_loop3A_660 = arith.addi %parallel_loop3A_658, %parallel_loop3A_659 : i32
      %parallel_loop3A_661 = arith.constant 16 : i32
      %parallel_loop3A_662 = arith.muli %parallel_loop3A_660, %parallel_loop3A_661 : i32
      %parallel_loop3A_663 = arith.constant 4 : i32
      %parallel_loop3A_664 = arith.constant 0 : i32
      %parallel_loop3A_665 = arith.constant 0 : i32
      %parallel_loop3A_666 = tpu.memref_slice %arg6[%parallel_loop3A_216, %parallel_loop3A_664, %parallel_loop3A_665] : memref<2x8x2048xi32, #tpu.memory_space<vmem>> -> memref<1x8x2048xi32, #tpu.memory_space<vmem>>
      %parallel_loop3A_667 = tpu.memref_squeeze %parallel_loop3A_666 : memref<1x8x2048xi32, #tpu.memory_space<vmem>> -> memref<8x2048xi32, #tpu.memory_space<vmem>>
      %parallel_loop3A_668 = arith.index_cast %parallel_loop3A_663 : i32 to index
      %parallel_loop3A_669 = arith.index_cast %parallel_loop3A_662 : i32 to index
      %parallel_loop3A_670 = tpu.vector_load %parallel_loop3A_667[%parallel_loop3A_668, %parallel_loop3A_669] {strides = array<i32>} : memref<8x2048xi32, #tpu.memory_space<vmem>>, vector<16xi32>,
      %parallel_loop3A_671 = arith.constant 2 : i32
      %parallel_loop3A_672 = arith.muli %parallel_loop3A_488, %parallel_loop3A_671 : i32
      %parallel_loop3A_673 = arith.constant 1 : i32
      %parallel_loop3A_674 = arith.addi %parallel_loop3A_672, %parallel_loop3A_673 : i32
      %parallel_loop3A_675 = arith.constant 16 : i32
      %parallel_loop3A_676 = arith.muli %parallel_loop3A_674, %parallel_loop3A_675 : i32
      %parallel_loop3A_677 = arith.constant 5 : i32
      %parallel_loop3A_678 = arith.constant 0 : i32
      %parallel_loop3A_679 = arith.constant 0 : i32
      %parallel_loop3A_680 = tpu.memref_slice %arg6[%parallel_loop3A_216, %parallel_loop3A_678, %parallel_loop3A_679] : memref<2x8x2048xi32, #tpu.memory_space<vmem>> -> memref<1x8x2048xi32, #tpu.memory_space<vmem>>
      %parallel_loop3A_681 = tpu.memref_squeeze %parallel_loop3A_680 : memref<1x8x2048xi32, #tpu.memory_space<vmem>> -> memref<8x2048xi32, #tpu.memory_space<vmem>>
      %parallel_loop3A_682 = arith.index_cast %parallel_loop3A_677 : i32 to index
      %parallel_loop3A_683 = arith.index_cast %parallel_loop3A_676 : i32 to index
      %parallel_loop3A_684 = tpu.vector_load %parallel_loop3A_681[%parallel_loop3A_682, %parallel_loop3A_683] {strides = array<i32>} : memref<8x2048xi32, #tpu.memory_space<vmem>>, vector<16xi32>,
      %parallel_loop3A_685 = arith.constant 2 : i32
      %parallel_loop3A_686 = arith.muli %parallel_loop3A_488, %parallel_loop3A_685 : i32
      %parallel_loop3A_687 = arith.constant 1 : i32
      %parallel_loop3A_688 = arith.addi %parallel_loop3A_686, %parallel_loop3A_687 : i32
      %parallel_loop3A_689 = arith.constant 16 : i32
      %parallel_loop3A_690 = arith.muli %parallel_loop3A_688, %parallel_loop3A_689 : i32
      %parallel_loop3A_691 = arith.constant 6 : i32
      %parallel_loop3A_692 = arith.constant 0 : i32
      %parallel_loop3A_693 = arith.constant 0 : i32
      %parallel_loop3A_694 = tpu.memref_slice %arg6[%parallel_loop3A_216, %parallel_loop3A_692, %parallel_loop3A_693] : memref<2x8x2048xi32, #tpu.memory_space<vmem>> -> memref<1x8x2048xi32, #tpu.memory_space<vmem>>
      %parallel_loop3A_695 = tpu.memref_squeeze %parallel_loop3A_694 : memref<1x8x2048xi32, #tpu.memory_space<vmem>> -> memref<8x2048xi32, #tpu.memory_space<vmem>>
      %parallel_loop3A_696 = arith.index_cast %parallel_loop3A_691 : i32 to index
      %parallel_loop3A_697 = arith.index_cast %parallel_loop3A_690 : i32 to index
      %parallel_loop3A_698 = tpu.vector_load %parallel_loop3A_695[%parallel_loop3A_696, %parallel_loop3A_697] {strides = array<i32>} : memref<8x2048xi32, #tpu.memory_space<vmem>>, vector<16xi32>,
      %parallel_loop3A_699 = arith.constant 2 : i32
      %parallel_loop3A_700 = arith.muli %parallel_loop3A_488, %parallel_loop3A_699 : i32
      %parallel_loop3A_701 = arith.constant 1 : i32
      %parallel_loop3A_702 = arith.addi %parallel_loop3A_700, %parallel_loop3A_701 : i32
      %parallel_loop3A_703 = arith.constant 16 : i32
      %parallel_loop3A_704 = arith.muli %parallel_loop3A_702, %parallel_loop3A_703 : i32
      %parallel_loop3A_705 = arith.constant 7 : i32
      %parallel_loop3A_706 = arith.constant 0 : i32
      %parallel_loop3A_707 = arith.constant 0 : i32
      %parallel_loop3A_708 = tpu.memref_slice %arg6[%parallel_loop3A_216, %parallel_loop3A_706, %parallel_loop3A_707] : memref<2x8x2048xi32, #tpu.memory_space<vmem>> -> memref<1x8x2048xi32, #tpu.memory_space<vmem>>
      %parallel_loop3A_709 = tpu.memref_squeeze %parallel_loop3A_708 : memref<1x8x2048xi32, #tpu.memory_space<vmem>> -> memref<8x2048xi32, #tpu.memory_space<vmem>>
      %parallel_loop3A_710 = arith.index_cast %parallel_loop3A_705 : i32 to index
      %parallel_loop3A_711 = arith.index_cast %parallel_loop3A_704 : i32 to index
      %parallel_loop3A_712 = tpu.vector_load %parallel_loop3A_709[%parallel_loop3A_710, %parallel_loop3A_711] {strides = array<i32>} : memref<8x2048xi32, #tpu.memory_space<vmem>>, vector<16xi32>,
      %parallel_loop3A_713 = tpu.vector_load_idx %arg5[%parallel_loop3A_502] : memref<10000xf32, #tpu.memory_space<vmem>>[vector<16xi32>], vector<16xf32>,
      %parallel_loop3A_714 = tpu.vector_load_idx %arg5[%parallel_loop3A_516] : memref<10000xf32, #tpu.memory_space<vmem>>[vector<16xi32>], vector<16xf32>,
      %parallel_loop3A_715 = tpu.vector_load_idx %arg5[%parallel_loop3A_530] : memref<10000xf32, #tpu.memory_space<vmem>>[vector<16xi32>], vector<16xf32>,
      %parallel_loop3A_716 = tpu.vector_load_idx %arg5[%parallel_loop3A_544] : memref<10000xf32, #tpu.memory_space<vmem>>[vector<16xi32>], vector<16xf32>,
      %parallel_loop3A_717 = tpu.vector_load_idx %arg5[%parallel_loop3A_558] : memref<10000xf32, #tpu.memory_space<vmem>>[vector<16xi32>], vector<16xf32>,
      %parallel_loop3A_718 = tpu.vector_load_idx %arg5[%parallel_loop3A_572] : memref<10000xf32, #tpu.memory_space<vmem>>[vector<16xi32>], vector<16xf32>,
      %parallel_loop3A_719 = tpu.vector_load_idx %arg5[%parallel_loop3A_586] : memref<10000xf32, #tpu.memory_space<vmem>>[vector<16xi32>], vector<16xf32>,
      %parallel_loop3A_720 = tpu.vector_load_idx %arg5[%parallel_loop3A_600] : memref<10000xf32, #tpu.memory_space<vmem>>[vector<16xi32>], vector<16xf32>,
      %parallel_loop3A_721 = tpu.vector_load_idx %arg5[%parallel_loop3A_614] : memref<10000xf32, #tpu.memory_space<vmem>>[vector<16xi32>], vector<16xf32>,
      %parallel_loop3A_722 = tpu.vector_load_idx %arg5[%parallel_loop3A_628] : memref<10000xf32, #tpu.memory_space<vmem>>[vector<16xi32>], vector<16xf32>,
      %parallel_loop3A_723 = tpu.vector_load_idx %arg5[%parallel_loop3A_642] : memref<10000xf32, #tpu.memory_space<vmem>>[vector<16xi32>], vector<16xf32>,
      %parallel_loop3A_724 = tpu.vector_load_idx %arg5[%parallel_loop3A_656] : memref<10000xf32, #tpu.memory_space<vmem>>[vector<16xi32>], vector<16xf32>,
      %parallel_loop3A_725 = tpu.vector_load_idx %arg5[%parallel_loop3A_670] : memref<10000xf32, #tpu.memory_space<vmem>>[vector<16xi32>], vector<16xf32>,
      %parallel_loop3A_726 = tpu.vector_load_idx %arg5[%parallel_loop3A_684] : memref<10000xf32, #tpu.memory_space<vmem>>[vector<16xi32>], vector<16xf32>,
      %parallel_loop3A_727 = tpu.vector_load_idx %arg5[%parallel_loop3A_698] : memref<10000xf32, #tpu.memory_space<vmem>>[vector<16xi32>], vector<16xf32>,
      %parallel_loop3A_728 = tpu.vector_load_idx %arg5[%parallel_loop3A_712] : memref<10000xf32, #tpu.memory_space<vmem>>[vector<16xi32>], vector<16xf32>,
      %parallel_loop3A_729 = arith.constant 2 : i32
      %parallel_loop3A_730 = arith.muli %parallel_loop3A_488, %parallel_loop3A_729 : i32
      %parallel_loop3A_731 = arith.constant 0 : i32
      %parallel_loop3A_732 = arith.addi %parallel_loop3A_730, %parallel_loop3A_731 : i32
      %parallel_loop3A_733 = arith.constant 16 : i32
      %parallel_loop3A_734 = arith.muli %parallel_loop3A_732, %parallel_loop3A_733 : i32
      %parallel_loop3A_735 = arith.constant 0 : i32
      %parallel_loop3A_736 = arith.constant 0 : i32
      %parallel_loop3A_737 = arith.constant 0 : i32
      %parallel_loop3A_738 = tpu.memref_slice %arg7[%parallel_loop3A_217, %parallel_loop3A_736, %parallel_loop3A_737] : memref<2x8x2048xf32, #tpu.memory_space<vmem>> -> memref<1x8x2048xf32, #tpu.memory_space<vmem>>
      %parallel_loop3A_739 = tpu.memref_squeeze %parallel_loop3A_738 : memref<1x8x2048xf32, #tpu.memory_space<vmem>> -> memref<8x2048xf32, #tpu.memory_space<vmem>>
      %parallel_loop3A_740 = arith.index_cast %parallel_loop3A_735 : i32 to index
      %parallel_loop3A_741 = arith.index_cast %parallel_loop3A_734 : i32 to index
      %parallel_loop3A_742 = tpu.vector_load %parallel_loop3A_739[%parallel_loop3A_740, %parallel_loop3A_741] {strides = array<i32>} : memref<8x2048xf32, #tpu.memory_space<vmem>>, vector<16xf32>,
      tpu.vector_store %parallel_loop3A_739[%parallel_loop3A_740, %parallel_loop3A_741], %parallel_loop3A_713 {strides = array<i32>} : memref<8x2048xf32, #tpu.memory_space<vmem>>, vector<16xf32>,
      %parallel_loop3A_743 = arith.constant 2 : i32
      %parallel_loop3A_744 = arith.muli %parallel_loop3A_488, %parallel_loop3A_743 : i32
      %parallel_loop3A_745 = arith.constant 0 : i32
      %parallel_loop3A_746 = arith.addi %parallel_loop3A_744, %parallel_loop3A_745 : i32
      %parallel_loop3A_747 = arith.constant 16 : i32
      %parallel_loop3A_748 = arith.muli %parallel_loop3A_746, %parallel_loop3A_747 : i32
      %parallel_loop3A_749 = arith.constant 1 : i32
      %parallel_loop3A_750 = arith.constant 0 : i32
      %parallel_loop3A_751 = arith.constant 0 : i32
      %parallel_loop3A_752 = tpu.memref_slice %arg7[%parallel_loop3A_217, %parallel_loop3A_750, %parallel_loop3A_751] : memref<2x8x2048xf32, #tpu.memory_space<vmem>> -> memref<1x8x2048xf32, #tpu.memory_space<vmem>>
      %parallel_loop3A_753 = tpu.memref_squeeze %parallel_loop3A_752 : memref<1x8x2048xf32, #tpu.memory_space<vmem>> -> memref<8x2048xf32, #tpu.memory_space<vmem>>
      %parallel_loop3A_754 = arith.index_cast %parallel_loop3A_749 : i32 to index
      %parallel_loop3A_755 = arith.index_cast %parallel_loop3A_748 : i32 to index
      %parallel_loop3A_756 = tpu.vector_load %parallel_loop3A_753[%parallel_loop3A_754, %parallel_loop3A_755] {strides = array<i32>} : memref<8x2048xf32, #tpu.memory_space<vmem>>, vector<16xf32>,
      tpu.vector_store %parallel_loop3A_753[%parallel_loop3A_754, %parallel_loop3A_755], %parallel_loop3A_714 {strides = array<i32>} : memref<8x2048xf32, #tpu.memory_space<vmem>>, vector<16xf32>,
      %parallel_loop3A_757 = arith.constant 2 : i32
      %parallel_loop3A_758 = arith.muli %parallel_loop3A_488, %parallel_loop3A_757 : i32
      %parallel_loop3A_759 = arith.constant 0 : i32
      %parallel_loop3A_760 = arith.addi %parallel_loop3A_758, %parallel_loop3A_759 : i32
      %parallel_loop3A_761 = arith.constant 16 : i32
      %parallel_loop3A_762 = arith.muli %parallel_loop3A_760, %parallel_loop3A_761 : i32
      %parallel_loop3A_763 = arith.constant 2 : i32
      %parallel_loop3A_764 = arith.constant 0 : i32
      %parallel_loop3A_765 = arith.constant 0 : i32
      %parallel_loop3A_766 = tpu.memref_slice %arg7[%parallel_loop3A_217, %parallel_loop3A_764, %parallel_loop3A_765] : memref<2x8x2048xf32, #tpu.memory_space<vmem>> -> memref<1x8x2048xf32, #tpu.memory_space<vmem>>
      %parallel_loop3A_767 = tpu.memref_squeeze %parallel_loop3A_766 : memref<1x8x2048xf32, #tpu.memory_space<vmem>> -> memref<8x2048xf32, #tpu.memory_space<vmem>>
      %parallel_loop3A_768 = arith.index_cast %parallel_loop3A_763 : i32 to index
      %parallel_loop3A_769 = arith.index_cast %parallel_loop3A_762 : i32 to index
      %parallel_loop3A_770 = tpu.vector_load %parallel_loop3A_767[%parallel_loop3A_768, %parallel_loop3A_769] {strides = array<i32>} : memref<8x2048xf32, #tpu.memory_space<vmem>>, vector<16xf32>,
      tpu.vector_store %parallel_loop3A_767[%parallel_loop3A_768, %parallel_loop3A_769], %parallel_loop3A_715 {strides = array<i32>} : memref<8x2048xf32, #tpu.memory_space<vmem>>, vector<16xf32>,
      %parallel_loop3A_771 = arith.constant 2 : i32
      %parallel_loop3A_772 = arith.muli %parallel_loop3A_488, %parallel_loop3A_771 : i32
      %parallel_loop3A_773 = arith.constant 0 : i32
      %parallel_loop3A_774 = arith.addi %parallel_loop3A_772, %parallel_loop3A_773 : i32
      %parallel_loop3A_775 = arith.constant 16 : i32
      %parallel_loop3A_776 = arith.muli %parallel_loop3A_774, %parallel_loop3A_775 : i32
      %parallel_loop3A_777 = arith.constant 3 : i32
      %parallel_loop3A_778 = arith.constant 0 : i32
      %parallel_loop3A_779 = arith.constant 0 : i32
      %parallel_loop3A_780 = tpu.memref_slice %arg7[%parallel_loop3A_217, %parallel_loop3A_778, %parallel_loop3A_779] : memref<2x8x2048xf32, #tpu.memory_space<vmem>> -> memref<1x8x2048xf32, #tpu.memory_space<vmem>>
      %parallel_loop3A_781 = tpu.memref_squeeze %parallel_loop3A_780 : memref<1x8x2048xf32, #tpu.memory_space<vmem>> -> memref<8x2048xf32, #tpu.memory_space<vmem>>
      %parallel_loop3A_782 = arith.index_cast %parallel_loop3A_777 : i32 to index
      %parallel_loop3A_783 = arith.index_cast %parallel_loop3A_776 : i32 to index
      %parallel_loop3A_784 = tpu.vector_load %parallel_loop3A_781[%parallel_loop3A_782, %parallel_loop3A_783] {strides = array<i32>} : memref<8x2048xf32, #tpu.memory_space<vmem>>, vector<16xf32>,
      tpu.vector_store %parallel_loop3A_781[%parallel_loop3A_782, %parallel_loop3A_783], %parallel_loop3A_716 {strides = array<i32>} : memref<8x2048xf32, #tpu.memory_space<vmem>>, vector<16xf32>,
      %parallel_loop3A_785 = arith.constant 2 : i32
      %parallel_loop3A_786 = arith.muli %parallel_loop3A_488, %parallel_loop3A_785 : i32
      %parallel_loop3A_787 = arith.constant 0 : i32
      %parallel_loop3A_788 = arith.addi %parallel_loop3A_786, %parallel_loop3A_787 : i32
      %parallel_loop3A_789 = arith.constant 16 : i32
      %parallel_loop3A_790 = arith.muli %parallel_loop3A_788, %parallel_loop3A_789 : i32
      %parallel_loop3A_791 = arith.constant 4 : i32
      %parallel_loop3A_792 = arith.constant 0 : i32
      %parallel_loop3A_793 = arith.constant 0 : i32
      %parallel_loop3A_794 = tpu.memref_slice %arg7[%parallel_loop3A_217, %parallel_loop3A_792, %parallel_loop3A_793] : memref<2x8x2048xf32, #tpu.memory_space<vmem>> -> memref<1x8x2048xf32, #tpu.memory_space<vmem>>
      %parallel_loop3A_795 = tpu.memref_squeeze %parallel_loop3A_794 : memref<1x8x2048xf32, #tpu.memory_space<vmem>> -> memref<8x2048xf32, #tpu.memory_space<vmem>>
      %parallel_loop3A_796 = arith.index_cast %parallel_loop3A_791 : i32 to index
      %parallel_loop3A_797 = arith.index_cast %parallel_loop3A_790 : i32 to index
      %parallel_loop3A_798 = tpu.vector_load %parallel_loop3A_795[%parallel_loop3A_796, %parallel_loop3A_797] {strides = array<i32>} : memref<8x2048xf32, #tpu.memory_space<vmem>>, vector<16xf32>,
      tpu.vector_store %parallel_loop3A_795[%parallel_loop3A_796, %parallel_loop3A_797], %parallel_loop3A_717 {strides = array<i32>} : memref<8x2048xf32, #tpu.memory_space<vmem>>, vector<16xf32>,
      %parallel_loop3A_799 = arith.constant 2 : i32
      %parallel_loop3A_800 = arith.muli %parallel_loop3A_488, %parallel_loop3A_799 : i32
      %parallel_loop3A_801 = arith.constant 0 : i32
      %parallel_loop3A_802 = arith.addi %parallel_loop3A_800, %parallel_loop3A_801 : i32
      %parallel_loop3A_803 = arith.constant 16 : i32
      %parallel_loop3A_804 = arith.muli %parallel_loop3A_802, %parallel_loop3A_803 : i32
      %parallel_loop3A_805 = arith.constant 5 : i32
      %parallel_loop3A_806 = arith.constant 0 : i32
      %parallel_loop3A_807 = arith.constant 0 : i32
      %parallel_loop3A_808 = tpu.memref_slice %arg7[%parallel_loop3A_217, %parallel_loop3A_806, %parallel_loop3A_807] : memref<2x8x2048xf32, #tpu.memory_space<vmem>> -> memref<1x8x2048xf32, #tpu.memory_space<vmem>>
      %parallel_loop3A_809 = tpu.memref_squeeze %parallel_loop3A_808 : memref<1x8x2048xf32, #tpu.memory_space<vmem>> -> memref<8x2048xf32, #tpu.memory_space<vmem>>
      %parallel_loop3A_810 = arith.index_cast %parallel_loop3A_805 : i32 to index
      %parallel_loop3A_811 = arith.index_cast %parallel_loop3A_804 : i32 to index
      %parallel_loop3A_812 = tpu.vector_load %parallel_loop3A_809[%parallel_loop3A_810, %parallel_loop3A_811] {strides = array<i32>} : memref<8x2048xf32, #tpu.memory_space<vmem>>, vector<16xf32>,
      tpu.vector_store %parallel_loop3A_809[%parallel_loop3A_810, %parallel_loop3A_811], %parallel_loop3A_718 {strides = array<i32>} : memref<8x2048xf32, #tpu.memory_space<vmem>>, vector<16xf32>,
      %parallel_loop3A_813 = arith.constant 2 : i32
      %parallel_loop3A_814 = arith.muli %parallel_loop3A_488, %parallel_loop3A_813 : i32
      %parallel_loop3A_815 = arith.constant 0 : i32
      %parallel_loop3A_816 = arith.addi %parallel_loop3A_814, %parallel_loop3A_815 : i32
      %parallel_loop3A_817 = arith.constant 16 : i32
      %parallel_loop3A_818 = arith.muli %parallel_loop3A_816, %parallel_loop3A_817 : i32
      %parallel_loop3A_819 = arith.constant 6 : i32
      %parallel_loop3A_820 = arith.constant 0 : i32
      %parallel_loop3A_821 = arith.constant 0 : i32
      %parallel_loop3A_822 = tpu.memref_slice %arg7[%parallel_loop3A_217, %parallel_loop3A_820, %parallel_loop3A_821] : memref<2x8x2048xf32, #tpu.memory_space<vmem>> -> memref<1x8x2048xf32, #tpu.memory_space<vmem>>
      %parallel_loop3A_823 = tpu.memref_squeeze %parallel_loop3A_822 : memref<1x8x2048xf32, #tpu.memory_space<vmem>> -> memref<8x2048xf32, #tpu.memory_space<vmem>>
      %parallel_loop3A_824 = arith.index_cast %parallel_loop3A_819 : i32 to index
      %parallel_loop3A_825 = arith.index_cast %parallel_loop3A_818 : i32 to index
      %parallel_loop3A_826 = tpu.vector_load %parallel_loop3A_823[%parallel_loop3A_824, %parallel_loop3A_825] {strides = array<i32>} : memref<8x2048xf32, #tpu.memory_space<vmem>>, vector<16xf32>,
      tpu.vector_store %parallel_loop3A_823[%parallel_loop3A_824, %parallel_loop3A_825], %parallel_loop3A_719 {strides = array<i32>} : memref<8x2048xf32, #tpu.memory_space<vmem>>, vector<16xf32>,
      %parallel_loop3A_827 = arith.constant 2 : i32
      %parallel_loop3A_828 = arith.muli %parallel_loop3A_488, %parallel_loop3A_827 : i32
      %parallel_loop3A_829 = arith.constant 0 : i32
      %parallel_loop3A_830 = arith.addi %parallel_loop3A_828, %parallel_loop3A_829 : i32
      %parallel_loop3A_831 = arith.constant 16 : i32
      %parallel_loop3A_832 = arith.muli %parallel_loop3A_830, %parallel_loop3A_831 : i32
      %parallel_loop3A_833 = arith.constant 7 : i32
      %parallel_loop3A_834 = arith.constant 0 : i32
      %parallel_loop3A_835 = arith.constant 0 : i32
      %parallel_loop3A_836 = tpu.memref_slice %arg7[%parallel_loop3A_217, %parallel_loop3A_834, %parallel_loop3A_835] : memref<2x8x2048xf32, #tpu.memory_space<vmem>> -> memref<1x8x2048xf32, #tpu.memory_space<vmem>>
      %parallel_loop3A_837 = tpu.memref_squeeze %parallel_loop3A_836 : memref<1x8x2048xf32, #tpu.memory_space<vmem>> -> memref<8x2048xf32, #tpu.memory_space<vmem>>
      %parallel_loop3A_838 = arith.index_cast %parallel_loop3A_833 : i32 to index
      %parallel_loop3A_839 = arith.index_cast %parallel_loop3A_832 : i32 to index
      %parallel_loop3A_840 = tpu.vector_load %parallel_loop3A_837[%parallel_loop3A_838, %parallel_loop3A_839] {strides = array<i32>} : memref<8x2048xf32, #tpu.memory_space<vmem>>, vector<16xf32>,
      tpu.vector_store %parallel_loop3A_837[%parallel_loop3A_838, %parallel_loop3A_839], %parallel_loop3A_720 {strides = array<i32>} : memref<8x2048xf32, #tpu.memory_space<vmem>>, vector<16xf32>,
      %parallel_loop3A_841 = arith.constant 2 : i32
      %parallel_loop3A_842 = arith.muli %parallel_loop3A_488, %parallel_loop3A_841 : i32
      %parallel_loop3A_843 = arith.constant 1 : i32
      %parallel_loop3A_844 = arith.addi %parallel_loop3A_842, %parallel_loop3A_843 : i32
      %parallel_loop3A_845 = arith.constant 16 : i32
      %parallel_loop3A_846 = arith.muli %parallel_loop3A_844, %parallel_loop3A_845 : i32
      %parallel_loop3A_847 = arith.constant 0 : i32
      %parallel_loop3A_848 = arith.constant 0 : i32
      %parallel_loop3A_849 = arith.constant 0 : i32
      %parallel_loop3A_850 = tpu.memref_slice %arg7[%parallel_loop3A_217, %parallel_loop3A_848, %parallel_loop3A_849] : memref<2x8x2048xf32, #tpu.memory_space<vmem>> -> memref<1x8x2048xf32, #tpu.memory_space<vmem>>
      %parallel_loop3A_851 = tpu.memref_squeeze %parallel_loop3A_850 : memref<1x8x2048xf32, #tpu.memory_space<vmem>> -> memref<8x2048xf32, #tpu.memory_space<vmem>>
      %parallel_loop3A_852 = arith.index_cast %parallel_loop3A_847 : i32 to index
      %parallel_loop3A_853 = arith.index_cast %parallel_loop3A_846 : i32 to index
      %parallel_loop3A_854 = tpu.vector_load %parallel_loop3A_851[%parallel_loop3A_852, %parallel_loop3A_853] {strides = array<i32>} : memref<8x2048xf32, #tpu.memory_space<vmem>>, vector<16xf32>,
      tpu.vector_store %parallel_loop3A_851[%parallel_loop3A_852, %parallel_loop3A_853], %parallel_loop3A_721 {strides = array<i32>} : memref<8x2048xf32, #tpu.memory_space<vmem>>, vector<16xf32>,
      %parallel_loop3A_855 = arith.constant 2 : i32
      %parallel_loop3A_856 = arith.muli %parallel_loop3A_488, %parallel_loop3A_855 : i32
      %parallel_loop3A_857 = arith.constant 1 : i32
      %parallel_loop3A_858 = arith.addi %parallel_loop3A_856, %parallel_loop3A_857 : i32
      %parallel_loop3A_859 = arith.constant 16 : i32
      %parallel_loop3A_860 = arith.muli %parallel_loop3A_858, %parallel_loop3A_859 : i32
      %parallel_loop3A_861 = arith.constant 1 : i32
      %parallel_loop3A_862 = arith.constant 0 : i32
      %parallel_loop3A_863 = arith.constant 0 : i32
      %parallel_loop3A_864 = tpu.memref_slice %arg7[%parallel_loop3A_217, %parallel_loop3A_862, %parallel_loop3A_863] : memref<2x8x2048xf32, #tpu.memory_space<vmem>> -> memref<1x8x2048xf32, #tpu.memory_space<vmem>>
      %parallel_loop3A_865 = tpu.memref_squeeze %parallel_loop3A_864 : memref<1x8x2048xf32, #tpu.memory_space<vmem>> -> memref<8x2048xf32, #tpu.memory_space<vmem>>
      %parallel_loop3A_866 = arith.index_cast %parallel_loop3A_861 : i32 to index
      %parallel_loop3A_867 = arith.index_cast %parallel_loop3A_860 : i32 to index
      %parallel_loop3A_868 = tpu.vector_load %parallel_loop3A_865[%parallel_loop3A_866, %parallel_loop3A_867] {strides = array<i32>} : memref<8x2048xf32, #tpu.memory_space<vmem>>, vector<16xf32>,
      tpu.vector_store %parallel_loop3A_865[%parallel_loop3A_866, %parallel_loop3A_867], %parallel_loop3A_722 {strides = array<i32>} : memref<8x2048xf32, #tpu.memory_space<vmem>>, vector<16xf32>,
      %parallel_loop3A_869 = arith.constant 2 : i32
      %parallel_loop3A_870 = arith.muli %parallel_loop3A_488, %parallel_loop3A_869 : i32
      %parallel_loop3A_871 = arith.constant 1 : i32
      %parallel_loop3A_872 = arith.addi %parallel_loop3A_870, %parallel_loop3A_871 : i32
      %parallel_loop3A_873 = arith.constant 16 : i32
      %parallel_loop3A_874 = arith.muli %parallel_loop3A_872, %parallel_loop3A_873 : i32
      %parallel_loop3A_875 = arith.constant 2 : i32
      %parallel_loop3A_876 = arith.constant 0 : i32
      %parallel_loop3A_877 = arith.constant 0 : i32
      %parallel_loop3A_878 = tpu.memref_slice %arg7[%parallel_loop3A_217, %parallel_loop3A_876, %parallel_loop3A_877] : memref<2x8x2048xf32, #tpu.memory_space<vmem>> -> memref<1x8x2048xf32, #tpu.memory_space<vmem>>
      %parallel_loop3A_879 = tpu.memref_squeeze %parallel_loop3A_878 : memref<1x8x2048xf32, #tpu.memory_space<vmem>> -> memref<8x2048xf32, #tpu.memory_space<vmem>>
      %parallel_loop3A_880 = arith.index_cast %parallel_loop3A_875 : i32 to index
      %parallel_loop3A_881 = arith.index_cast %parallel_loop3A_874 : i32 to index
      %parallel_loop3A_882 = tpu.vector_load %parallel_loop3A_879[%parallel_loop3A_880, %parallel_loop3A_881] {strides = array<i32>} : memref<8x2048xf32, #tpu.memory_space<vmem>>, vector<16xf32>,
      tpu.vector_store %parallel_loop3A_879[%parallel_loop3A_880, %parallel_loop3A_881], %parallel_loop3A_723 {strides = array<i32>} : memref<8x2048xf32, #tpu.memory_space<vmem>>, vector<16xf32>,
      %parallel_loop3A_883 = arith.constant 2 : i32
      %parallel_loop3A_884 = arith.muli %parallel_loop3A_488, %parallel_loop3A_883 : i32
      %parallel_loop3A_885 = arith.constant 1 : i32
      %parallel_loop3A_886 = arith.addi %parallel_loop3A_884, %parallel_loop3A_885 : i32
      %parallel_loop3A_887 = arith.constant 16 : i32
      %parallel_loop3A_888 = arith.muli %parallel_loop3A_886, %parallel_loop3A_887 : i32
      %parallel_loop3A_889 = arith.constant 3 : i32
      %parallel_loop3A_890 = arith.constant 0 : i32
      %parallel_loop3A_891 = arith.constant 0 : i32
      %parallel_loop3A_892 = tpu.memref_slice %arg7[%parallel_loop3A_217, %parallel_loop3A_890, %parallel_loop3A_891] : memref<2x8x2048xf32, #tpu.memory_space<vmem>> -> memref<1x8x2048xf32, #tpu.memory_space<vmem>>
      %parallel_loop3A_893 = tpu.memref_squeeze %parallel_loop3A_892 : memref<1x8x2048xf32, #tpu.memory_space<vmem>> -> memref<8x2048xf32, #tpu.memory_space<vmem>>
      %parallel_loop3A_894 = arith.index_cast %parallel_loop3A_889 : i32 to index
      %parallel_loop3A_895 = arith.index_cast %parallel_loop3A_888 : i32 to index
      %parallel_loop3A_896 = tpu.vector_load %parallel_loop3A_893[%parallel_loop3A_894, %parallel_loop3A_895] {strides = array<i32>} : memref<8x2048xf32, #tpu.memory_space<vmem>>, vector<16xf32>,
      tpu.vector_store %parallel_loop3A_893[%parallel_loop3A_894, %parallel_loop3A_895], %parallel_loop3A_724 {strides = array<i32>} : memref<8x2048xf32, #tpu.memory_space<vmem>>, vector<16xf32>,
      %parallel_loop3A_897 = arith.constant 2 : i32
      %parallel_loop3A_898 = arith.muli %parallel_loop3A_488, %parallel_loop3A_897 : i32
      %parallel_loop3A_899 = arith.constant 1 : i32
      %parallel_loop3A_900 = arith.addi %parallel_loop3A_898, %parallel_loop3A_899 : i32
      %parallel_loop3A_901 = arith.constant 16 : i32
      %parallel_loop3A_902 = arith.muli %parallel_loop3A_900, %parallel_loop3A_901 : i32
      %parallel_loop3A_903 = arith.constant 4 : i32
      %parallel_loop3A_904 = arith.constant 0 : i32
      %parallel_loop3A_905 = arith.constant 0 : i32
      %parallel_loop3A_906 = tpu.memref_slice %arg7[%parallel_loop3A_217, %parallel_loop3A_904, %parallel_loop3A_905] : memref<2x8x2048xf32, #tpu.memory_space<vmem>> -> memref<1x8x2048xf32, #tpu.memory_space<vmem>>
      %parallel_loop3A_907 = tpu.memref_squeeze %parallel_loop3A_906 : memref<1x8x2048xf32, #tpu.memory_space<vmem>> -> memref<8x2048xf32, #tpu.memory_space<vmem>>
      %parallel_loop3A_908 = arith.index_cast %parallel_loop3A_903 : i32 to index
      %parallel_loop3A_909 = arith.index_cast %parallel_loop3A_902 : i32 to index
      %parallel_loop3A_910 = tpu.vector_load %parallel_loop3A_907[%parallel_loop3A_908, %parallel_loop3A_909] {strides = array<i32>} : memref<8x2048xf32, #tpu.memory_space<vmem>>, vector<16xf32>,
      tpu.vector_store %parallel_loop3A_907[%parallel_loop3A_908, %parallel_loop3A_909], %parallel_loop3A_725 {strides = array<i32>} : memref<8x2048xf32, #tpu.memory_space<vmem>>, vector<16xf32>,
      %parallel_loop3A_911 = arith.constant 2 : i32
      %parallel_loop3A_912 = arith.muli %parallel_loop3A_488, %parallel_loop3A_911 : i32
      %parallel_loop3A_913 = arith.constant 1 : i32
      %parallel_loop3A_914 = arith.addi %parallel_loop3A_912, %parallel_loop3A_913 : i32
      %parallel_loop3A_915 = arith.constant 16 : i32
      %parallel_loop3A_916 = arith.muli %parallel_loop3A_914, %parallel_loop3A_915 : i32
      %parallel_loop3A_917 = arith.constant 5 : i32
      %parallel_loop3A_918 = arith.constant 0 : i32
      %parallel_loop3A_919 = arith.constant 0 : i32
      %parallel_loop3A_920 = tpu.memref_slice %arg7[%parallel_loop3A_217, %parallel_loop3A_918, %parallel_loop3A_919] : memref<2x8x2048xf32, #tpu.memory_space<vmem>> -> memref<1x8x2048xf32, #tpu.memory_space<vmem>>
      %parallel_loop3A_921 = tpu.memref_squeeze %parallel_loop3A_920 : memref<1x8x2048xf32, #tpu.memory_space<vmem>> -> memref<8x2048xf32, #tpu.memory_space<vmem>>
      %parallel_loop3A_922 = arith.index_cast %parallel_loop3A_917 : i32 to index
      %parallel_loop3A_923 = arith.index_cast %parallel_loop3A_916 : i32 to index
      %parallel_loop3A_924 = tpu.vector_load %parallel_loop3A_921[%parallel_loop3A_922, %parallel_loop3A_923] {strides = array<i32>} : memref<8x2048xf32, #tpu.memory_space<vmem>>, vector<16xf32>,
      tpu.vector_store %parallel_loop3A_921[%parallel_loop3A_922, %parallel_loop3A_923], %parallel_loop3A_726 {strides = array<i32>} : memref<8x2048xf32, #tpu.memory_space<vmem>>, vector<16xf32>,
      %parallel_loop3A_925 = arith.constant 2 : i32
      %parallel_loop3A_926 = arith.muli %parallel_loop3A_488, %parallel_loop3A_925 : i32
      %parallel_loop3A_927 = arith.constant 1 : i32
      %parallel_loop3A_928 = arith.addi %parallel_loop3A_926, %parallel_loop3A_927 : i32
      %parallel_loop3A_929 = arith.constant 16 : i32
      %parallel_loop3A_930 = arith.muli %parallel_loop3A_928, %parallel_loop3A_929 : i32
      %parallel_loop3A_931 = arith.constant 6 : i32
      %parallel_loop3A_932 = arith.constant 0 : i32
      %parallel_loop3A_933 = arith.constant 0 : i32
      %parallel_loop3A_934 = tpu.memref_slice %arg7[%parallel_loop3A_217, %parallel_loop3A_932, %parallel_loop3A_933] : memref<2x8x2048xf32, #tpu.memory_space<vmem>> -> memref<1x8x2048xf32, #tpu.memory_space<vmem>>
      %parallel_loop3A_935 = tpu.memref_squeeze %parallel_loop3A_934 : memref<1x8x2048xf32, #tpu.memory_space<vmem>> -> memref<8x2048xf32, #tpu.memory_space<vmem>>
      %parallel_loop3A_936 = arith.index_cast %parallel_loop3A_931 : i32 to index
      %parallel_loop3A_937 = arith.index_cast %parallel_loop3A_930 : i32 to index
      %parallel_loop3A_938 = tpu.vector_load %parallel_loop3A_935[%parallel_loop3A_936, %parallel_loop3A_937] {strides = array<i32>} : memref<8x2048xf32, #tpu.memory_space<vmem>>, vector<16xf32>,
      tpu.vector_store %parallel_loop3A_935[%parallel_loop3A_936, %parallel_loop3A_937], %parallel_loop3A_727 {strides = array<i32>} : memref<8x2048xf32, #tpu.memory_space<vmem>>, vector<16xf32>,
      %parallel_loop3A_939 = arith.constant 2 : i32
      %parallel_loop3A_940 = arith.muli %parallel_loop3A_488, %parallel_loop3A_939 : i32
      %parallel_loop3A_941 = arith.constant 1 : i32
      %parallel_loop3A_942 = arith.addi %parallel_loop3A_940, %parallel_loop3A_941 : i32
      %parallel_loop3A_943 = arith.constant 16 : i32
      %parallel_loop3A_944 = arith.muli %parallel_loop3A_942, %parallel_loop3A_943 : i32
      %parallel_loop3A_945 = arith.constant 7 : i32
      %parallel_loop3A_946 = arith.constant 0 : i32
      %parallel_loop3A_947 = arith.constant 0 : i32
      %parallel_loop3A_948 = tpu.memref_slice %arg7[%parallel_loop3A_217, %parallel_loop3A_946, %parallel_loop3A_947] : memref<2x8x2048xf32, #tpu.memory_space<vmem>> -> memref<1x8x2048xf32, #tpu.memory_space<vmem>>
      %parallel_loop3A_949 = tpu.memref_squeeze %parallel_loop3A_948 : memref<1x8x2048xf32, #tpu.memory_space<vmem>> -> memref<8x2048xf32, #tpu.memory_space<vmem>>
      %parallel_loop3A_950 = arith.index_cast %parallel_loop3A_945 : i32 to index
      %parallel_loop3A_951 = arith.index_cast %parallel_loop3A_944 : i32 to index
      %parallel_loop3A_952 = tpu.vector_load %parallel_loop3A_949[%parallel_loop3A_950, %parallel_loop3A_951] {strides = array<i32>} : memref<8x2048xf32, #tpu.memory_space<vmem>>, vector<16xf32>,
      tpu.vector_store %parallel_loop3A_949[%parallel_loop3A_950, %parallel_loop3A_951], %parallel_loop3A_728 {strides = array<i32>} : memref<8x2048xf32, #tpu.memory_space<vmem>>, vector<16xf32>,
    } {sc.loop_unroll_factor = 2 : i64, sc.parallel_access}
    %add3A_218 = arith.constant 24 : i32
    %add3A_219 = arith.addi %mul3A_2, %add3A_218 : i32
    %dma_start3A_220 = arith.constant 1 : i32
    %dma_start3A_221 = arith.constant 0 : i32
    %dma_start3A_222 = arith.constant 0 : i32
    %dma_start3A_223 = tpu.memref_slice %arg7[%dma_start3A_220, %dma_start3A_221, %dma_start3A_222] : memref<2x8x2048xf32, #tpu.memory_space<vmem>> -> memref<1x8x2048xf32, #tpu.memory_space<vmem>>
    %dma_start3A_224 = tpu.memref_squeeze %dma_start3A_223 : memref<1x8x2048xf32, #tpu.memory_space<vmem>> -> memref<8x2048xf32, #tpu.memory_space<vmem>>
    %dma_start3A_225 = arith.constant 0 : i32
    %dma_start3A_226 = tpu.memref_slice %arg4[%add3A_219, %dma_start3A_225] : memref<2048x2048xf32, #tpu.memory_space<hbm>> -> memref<8x2048xf32, #tpu.memory_space<hbm>>
    %dma_start3A_227 = arith.constant 0 : i32
    %dma_start3A_228 = tpu.memref_slice %arg4[%add3A_219, %dma_start3A_227] : memref<2048x2048xf32, #tpu.memory_space<hbm>> -> memref<8x2048xf32, #tpu.memory_space<hbm>>
    %dma_start3A_229 = arith.constant 0 : i32
    %dma_start3A_230 = arith.constant 0 : i32
    %dma_start3A_231 = tpu.memref_slice %arg7[%dma_start3A_220, %dma_start3A_229, %dma_start3A_230] : memref<2x8x2048xf32, #tpu.memory_space<vmem>> -> memref<1x8x2048xf32, #tpu.memory_space<vmem>>
    %dma_start3A_232 = tpu.memref_squeeze %dma_start3A_231 : memref<1x8x2048xf32, #tpu.memory_space<vmem>> -> memref<8x2048xf32, #tpu.memory_space<vmem>>
    tpu.enqueue_dma source(%dma_start3A_232 : memref<8x2048xf32, #tpu.memory_space<vmem>>) target(%dma_start3A_228 : memref<8x2048xf32, #tpu.memory_space<hbm>>) target_semaphore(%arg11 : memref<!tpu.dma_semaphore, #tpu.memory_space<semaphore_mem>>)
    %add3A_233 = arith.constant 40 : i32
    %add3A_234 = arith.addi %mul3A_2, %add3A_233 : i32
    %dma_start3A_235 = arith.constant 1 : i32
    %dma_start3A_236 = arith.constant 0 : i32
    %dma_start3A_237 = arith.constant 0 : i32
    %dma_start3A_238 = tpu.memref_slice %arg6[%dma_start3A_235, %dma_start3A_236, %dma_start3A_237] : memref<2x8x2048xi32, #tpu.memory_space<vmem>> -> memref<1x8x2048xi32, #tpu.memory_space<vmem>>
    %dma_start3A_239 = tpu.memref_squeeze %dma_start3A_238 : memref<1x8x2048xi32, #tpu.memory_space<vmem>> -> memref<8x2048xi32, #tpu.memory_space<vmem>>
    %dma_start3A_240 = arith.constant 0 : i32
    %dma_start3A_241 = tpu.memref_slice %arg3[%add3A_234, %dma_start3A_240] : memref<2048x2048xi32, #tpu.memory_space<hbm>> -> memref<8x2048xi32, #tpu.memory_space<hbm>>
    %dma_start3A_242 = arith.constant 0 : i32
    %dma_start3A_243 = arith.constant 0 : i32
    %dma_start3A_244 = tpu.memref_slice %arg6[%dma_start3A_235, %dma_start3A_242, %dma_start3A_243] : memref<2x8x2048xi32, #tpu.memory_space<vmem>> -> memref<1x8x2048xi32, #tpu.memory_space<vmem>>
    %dma_start3A_245 = tpu.memref_squeeze %dma_start3A_244 : memref<1x8x2048xi32, #tpu.memory_space<vmem>> -> memref<8x2048xi32, #tpu.memory_space<vmem>>
    %dma_start3A_246 = arith.constant 0 : i32
    %dma_start3A_247 = tpu.memref_slice %arg3[%add3A_234, %dma_start3A_246] : memref<2048x2048xi32, #tpu.memory_space<hbm>> -> memref<8x2048xi32, #tpu.memory_space<hbm>>
    tpu.enqueue_dma source(%dma_start3A_247 : memref<8x2048xi32, #tpu.memory_space<hbm>>) target(%dma_start3A_245 : memref<8x2048xi32, #tpu.memory_space<vmem>>) target_semaphore(%arg9 : memref<!tpu.dma_semaphore, #tpu.memory_space<semaphore_mem>>)
    %dma_wait3A_248 = arith.constant 0 : i32
    %dma_wait3A_249 = arith.constant 0 : i32
    %dma_wait3A_250 = arith.constant 0 : i32
    %dma_wait3A_251 = tpu.memref_slice %arg6[%dma_wait3A_248, %dma_wait3A_249, %dma_wait3A_250] : memref<2x8x2048xi32, #tpu.memory_space<vmem>> -> memref<1x8x2048xi32, #tpu.memory_space<vmem>>
    %dma_wait3A_252 = tpu.memref_squeeze %dma_wait3A_251 : memref<1x8x2048xi32, #tpu.memory_space<vmem>> -> memref<8x2048xi32, #tpu.memory_space<vmem>>
    %dma_wait3A_253 = arith.constant 0 : i32
    %dma_wait3A_254 = tpu.memref_slice %arg3[%add3A_173, %dma_wait3A_253] : memref<2048x2048xi32, #tpu.memory_space<hbm>> -> memref<8x2048xi32, #tpu.memory_space<hbm>>
    %dma_wait3A_255 = arith.constant 0 : i32
    %dma_wait3A_256 = arith.constant 0 : i32
    %dma_wait3A_257 = tpu.memref_slice %arg6[%dma_wait3A_248, %dma_wait3A_255, %dma_wait3A_256] : memref<2x8x2048xi32, #tpu.memory_space<vmem>> -> memref<1x8x2048xi32, #tpu.memory_space<vmem>>
    %dma_wait3A_258 = tpu.memref_squeeze %dma_wait3A_257 : memref<1x8x2048xi32, #tpu.memory_space<vmem>> -> memref<8x2048xi32, #tpu.memory_space<vmem>>
    %dma_wait3A_259 = arith.constant 0 : i32
    %dma_wait3A_260 = tpu.memref_slice %arg3[%add3A_173, %dma_wait3A_259] : memref<2048x2048xi32, #tpu.memory_space<hbm>> -> memref<8x2048xi32, #tpu.memory_space<hbm>>
    tpu.wait_dma2 semaphore(%arg8 : memref<!tpu.dma_semaphore, #tpu.memory_space<semaphore_mem>>) src(%dma_wait3A_260 : memref<8x2048xi32, #tpu.memory_space<hbm>>) dst(%dma_wait3A_258 : memref<8x2048xi32, #tpu.memory_space<vmem>>)
    %dma_wait3A_261 = arith.constant 0 : i32
    %dma_wait3A_262 = arith.constant 0 : i32
    %dma_wait3A_263 = arith.constant 0 : i32
    %dma_wait3A_264 = tpu.memref_slice %arg7[%dma_wait3A_261, %dma_wait3A_262, %dma_wait3A_263] : memref<2x8x2048xf32, #tpu.memory_space<vmem>> -> memref<1x8x2048xf32, #tpu.memory_space<vmem>>
    %dma_wait3A_265 = tpu.memref_squeeze %dma_wait3A_264 : memref<1x8x2048xf32, #tpu.memory_space<vmem>> -> memref<8x2048xf32, #tpu.memory_space<vmem>>
    %dma_wait3A_266 = arith.constant 0 : i32
    %dma_wait3A_267 = tpu.memref_slice %arg4[%add3A_158, %dma_wait3A_266] : memref<2048x2048xf32, #tpu.memory_space<hbm>> -> memref<8x2048xf32, #tpu.memory_space<hbm>>
    %dma_wait3A_268 = arith.constant 0 : i32
    %dma_wait3A_269 = tpu.memref_slice %arg4[%add3A_158, %dma_wait3A_268] : memref<2048x2048xf32, #tpu.memory_space<hbm>> -> memref<8x2048xf32, #tpu.memory_space<hbm>>
    %dma_wait3A_270 = arith.constant 0 : i32
    %dma_wait3A_271 = arith.constant 0 : i32
    %dma_wait3A_272 = tpu.memref_slice %arg7[%dma_wait3A_261, %dma_wait3A_270, %dma_wait3A_271] : memref<2x8x2048xf32, #tpu.memory_space<vmem>> -> memref<1x8x2048xf32, #tpu.memory_space<vmem>>
    %dma_wait3A_273 = tpu.memref_squeeze %dma_wait3A_272 : memref<1x8x2048xf32, #tpu.memory_space<vmem>> -> memref<8x2048xf32, #tpu.memory_space<vmem>>
    tpu.wait_dma2 semaphore(%arg10 : memref<!tpu.dma_semaphore, #tpu.memory_space<semaphore_mem>>) src(%dma_wait3A_273 : memref<8x2048xf32, #tpu.memory_space<vmem>>) dst(%dma_wait3A_269 : memref<8x2048xf32, #tpu.memory_space<hbm>>)
    %parallel_loop3A_274 = arith.constant 0 : i32
    %parallel_loop3A_275 = arith.constant 64 : i32
    %parallel_loop3A_276 = arith.constant 1 : i32
    %parallel_loop3A_277 = arith.constant 0 : i32
    %parallel_loop3A_278 = arith.constant 0 : i32
    scf.for %parallel_loop3A_488 = %parallel_loop3A_274 to %parallel_loop3A_275 step %parallel_loop3A_276  : i32 {
      %parallel_loop3A_489 = arith.constant 2 : i32
      %parallel_loop3A_490 = arith.muli %parallel_loop3A_488, %parallel_loop3A_489 : i32
      %parallel_loop3A_491 = arith.constant 0 : i32
      %parallel_loop3A_492 = arith.addi %parallel_loop3A_490, %parallel_loop3A_491 : i32
      %parallel_loop3A_493 = arith.constant 16 : i32
      %parallel_loop3A_494 = arith.muli %parallel_loop3A_492, %parallel_loop3A_493 : i32
      %parallel_loop3A_495 = arith.constant 0 : i32
      %parallel_loop3A_496 = arith.constant 0 : i32
      %parallel_loop3A_497 = arith.constant 0 : i32
      %parallel_loop3A_498 = tpu.memref_slice %arg6[%parallel_loop3A_277, %parallel_loop3A_496, %parallel_loop3A_497] : memref<2x8x2048xi32, #tpu.memory_space<vmem>> -> memref<1x8x2048xi32, #tpu.memory_space<vmem>>
      %parallel_loop3A_499 = tpu.memref_squeeze %parallel_loop3A_498 : memref<1x8x2048xi32, #tpu.memory_space<vmem>> -> memref<8x2048xi32, #tpu.memory_space<vmem>>
      %parallel_loop3A_500 = arith.index_cast %parallel_loop3A_495 : i32 to index
      %parallel_loop3A_501 = arith.index_cast %parallel_loop3A_494 : i32 to index
      %parallel_loop3A_502 = tpu.vector_load %parallel_loop3A_499[%parallel_loop3A_500, %parallel_loop3A_501] {strides = array<i32>} : memref<8x2048xi32, #tpu.memory_space<vmem>>, vector<16xi32>,
      %parallel_loop3A_503 = arith.constant 2 : i32
      %parallel_loop3A_504 = arith.muli %parallel_loop3A_488, %parallel_loop3A_503 : i32
      %parallel_loop3A_505 = arith.constant 0 : i32
      %parallel_loop3A_506 = arith.addi %parallel_loop3A_504, %parallel_loop3A_505 : i32
      %parallel_loop3A_507 = arith.constant 16 : i32
      %parallel_loop3A_508 = arith.muli %parallel_loop3A_506, %parallel_loop3A_507 : i32
      %parallel_loop3A_509 = arith.constant 1 : i32
      %parallel_loop3A_510 = arith.constant 0 : i32
      %parallel_loop3A_511 = arith.constant 0 : i32
      %parallel_loop3A_512 = tpu.memref_slice %arg6[%parallel_loop3A_277, %parallel_loop3A_510, %parallel_loop3A_511] : memref<2x8x2048xi32, #tpu.memory_space<vmem>> -> memref<1x8x2048xi32, #tpu.memory_space<vmem>>
      %parallel_loop3A_513 = tpu.memref_squeeze %parallel_loop3A_512 : memref<1x8x2048xi32, #tpu.memory_space<vmem>> -> memref<8x2048xi32, #tpu.memory_space<vmem>>
      %parallel_loop3A_514 = arith.index_cast %parallel_loop3A_509 : i32 to index
      %parallel_loop3A_515 = arith.index_cast %parallel_loop3A_508 : i32 to index
      %parallel_loop3A_516 = tpu.vector_load %parallel_loop3A_513[%parallel_loop3A_514, %parallel_loop3A_515] {strides = array<i32>} : memref<8x2048xi32, #tpu.memory_space<vmem>>, vector<16xi32>,
      %parallel_loop3A_517 = arith.constant 2 : i32
      %parallel_loop3A_518 = arith.muli %parallel_loop3A_488, %parallel_loop3A_517 : i32
      %parallel_loop3A_519 = arith.constant 0 : i32
      %parallel_loop3A_520 = arith.addi %parallel_loop3A_518, %parallel_loop3A_519 : i32
      %parallel_loop3A_521 = arith.constant 16 : i32
      %parallel_loop3A_522 = arith.muli %parallel_loop3A_520, %parallel_loop3A_521 : i32
      %parallel_loop3A_523 = arith.constant 2 : i32
      %parallel_loop3A_524 = arith.constant 0 : i32
      %parallel_loop3A_525 = arith.constant 0 : i32
      %parallel_loop3A_526 = tpu.memref_slice %arg6[%parallel_loop3A_277, %parallel_loop3A_524, %parallel_loop3A_525] : memref<2x8x2048xi32, #tpu.memory_space<vmem>> -> memref<1x8x2048xi32, #tpu.memory_space<vmem>>
      %parallel_loop3A_527 = tpu.memref_squeeze %parallel_loop3A_526 : memref<1x8x2048xi32, #tpu.memory_space<vmem>> -> memref<8x2048xi32, #tpu.memory_space<vmem>>
      %parallel_loop3A_528 = arith.index_cast %parallel_loop3A_523 : i32 to index
      %parallel_loop3A_529 = arith.index_cast %parallel_loop3A_522 : i32 to index
      %parallel_loop3A_530 = tpu.vector_load %parallel_loop3A_527[%parallel_loop3A_528, %parallel_loop3A_529] {strides = array<i32>} : memref<8x2048xi32, #tpu.memory_space<vmem>>, vector<16xi32>,
      %parallel_loop3A_531 = arith.constant 2 : i32
      %parallel_loop3A_532 = arith.muli %parallel_loop3A_488, %parallel_loop3A_531 : i32
      %parallel_loop3A_533 = arith.constant 0 : i32
      %parallel_loop3A_534 = arith.addi %parallel_loop3A_532, %parallel_loop3A_533 : i32
      %parallel_loop3A_535 = arith.constant 16 : i32
      %parallel_loop3A_536 = arith.muli %parallel_loop3A_534, %parallel_loop3A_535 : i32
      %parallel_loop3A_537 = arith.constant 3 : i32
      %parallel_loop3A_538 = arith.constant 0 : i32
      %parallel_loop3A_539 = arith.constant 0 : i32
      %parallel_loop3A_540 = tpu.memref_slice %arg6[%parallel_loop3A_277, %parallel_loop3A_538, %parallel_loop3A_539] : memref<2x8x2048xi32, #tpu.memory_space<vmem>> -> memref<1x8x2048xi32, #tpu.memory_space<vmem>>
      %parallel_loop3A_541 = tpu.memref_squeeze %parallel_loop3A_540 : memref<1x8x2048xi32, #tpu.memory_space<vmem>> -> memref<8x2048xi32, #tpu.memory_space<vmem>>
      %parallel_loop3A_542 = arith.index_cast %parallel_loop3A_537 : i32 to index
      %parallel_loop3A_543 = arith.index_cast %parallel_loop3A_536 : i32 to index
      %parallel_loop3A_544 = tpu.vector_load %parallel_loop3A_541[%parallel_loop3A_542, %parallel_loop3A_543] {strides = array<i32>} : memref<8x2048xi32, #tpu.memory_space<vmem>>, vector<16xi32>,
      %parallel_loop3A_545 = arith.constant 2 : i32
      %parallel_loop3A_546 = arith.muli %parallel_loop3A_488, %parallel_loop3A_545 : i32
      %parallel_loop3A_547 = arith.constant 0 : i32
      %parallel_loop3A_548 = arith.addi %parallel_loop3A_546, %parallel_loop3A_547 : i32
      %parallel_loop3A_549 = arith.constant 16 : i32
      %parallel_loop3A_550 = arith.muli %parallel_loop3A_548, %parallel_loop3A_549 : i32
      %parallel_loop3A_551 = arith.constant 4 : i32
      %parallel_loop3A_552 = arith.constant 0 : i32
      %parallel_loop3A_553 = arith.constant 0 : i32
      %parallel_loop3A_554 = tpu.memref_slice %arg6[%parallel_loop3A_277, %parallel_loop3A_552, %parallel_loop3A_553] : memref<2x8x2048xi32, #tpu.memory_space<vmem>> -> memref<1x8x2048xi32, #tpu.memory_space<vmem>>
      %parallel_loop3A_555 = tpu.memref_squeeze %parallel_loop3A_554 : memref<1x8x2048xi32, #tpu.memory_space<vmem>> -> memref<8x2048xi32, #tpu.memory_space<vmem>>
      %parallel_loop3A_556 = arith.index_cast %parallel_loop3A_551 : i32 to index
      %parallel_loop3A_557 = arith.index_cast %parallel_loop3A_550 : i32 to index
      %parallel_loop3A_558 = tpu.vector_load %parallel_loop3A_555[%parallel_loop3A_556, %parallel_loop3A_557] {strides = array<i32>} : memref<8x2048xi32, #tpu.memory_space<vmem>>, vector<16xi32>,
      %parallel_loop3A_559 = arith.constant 2 : i32
      %parallel_loop3A_560 = arith.muli %parallel_loop3A_488, %parallel_loop3A_559 : i32
      %parallel_loop3A_561 = arith.constant 0 : i32
      %parallel_loop3A_562 = arith.addi %parallel_loop3A_560, %parallel_loop3A_561 : i32
      %parallel_loop3A_563 = arith.constant 16 : i32
      %parallel_loop3A_564 = arith.muli %parallel_loop3A_562, %parallel_loop3A_563 : i32
      %parallel_loop3A_565 = arith.constant 5 : i32
      %parallel_loop3A_566 = arith.constant 0 : i32
      %parallel_loop3A_567 = arith.constant 0 : i32
      %parallel_loop3A_568 = tpu.memref_slice %arg6[%parallel_loop3A_277, %parallel_loop3A_566, %parallel_loop3A_567] : memref<2x8x2048xi32, #tpu.memory_space<vmem>> -> memref<1x8x2048xi32, #tpu.memory_space<vmem>>
      %parallel_loop3A_569 = tpu.memref_squeeze %parallel_loop3A_568 : memref<1x8x2048xi32, #tpu.memory_space<vmem>> -> memref<8x2048xi32, #tpu.memory_space<vmem>>
      %parallel_loop3A_570 = arith.index_cast %parallel_loop3A_565 : i32 to index
      %parallel_loop3A_571 = arith.index_cast %parallel_loop3A_564 : i32 to index
      %parallel_loop3A_572 = tpu.vector_load %parallel_loop3A_569[%parallel_loop3A_570, %parallel_loop3A_571] {strides = array<i32>} : memref<8x2048xi32, #tpu.memory_space<vmem>>, vector<16xi32>,
      %parallel_loop3A_573 = arith.constant 2 : i32
      %parallel_loop3A_574 = arith.muli %parallel_loop3A_488, %parallel_loop3A_573 : i32
      %parallel_loop3A_575 = arith.constant 0 : i32
      %parallel_loop3A_576 = arith.addi %parallel_loop3A_574, %parallel_loop3A_575 : i32
      %parallel_loop3A_577 = arith.constant 16 : i32
      %parallel_loop3A_578 = arith.muli %parallel_loop3A_576, %parallel_loop3A_577 : i32
      %parallel_loop3A_579 = arith.constant 6 : i32
      %parallel_loop3A_580 = arith.constant 0 : i32
      %parallel_loop3A_581 = arith.constant 0 : i32
      %parallel_loop3A_582 = tpu.memref_slice %arg6[%parallel_loop3A_277, %parallel_loop3A_580, %parallel_loop3A_581] : memref<2x8x2048xi32, #tpu.memory_space<vmem>> -> memref<1x8x2048xi32, #tpu.memory_space<vmem>>
      %parallel_loop3A_583 = tpu.memref_squeeze %parallel_loop3A_582 : memref<1x8x2048xi32, #tpu.memory_space<vmem>> -> memref<8x2048xi32, #tpu.memory_space<vmem>>
      %parallel_loop3A_584 = arith.index_cast %parallel_loop3A_579 : i32 to index
      %parallel_loop3A_585 = arith.index_cast %parallel_loop3A_578 : i32 to index
      %parallel_loop3A_586 = tpu.vector_load %parallel_loop3A_583[%parallel_loop3A_584, %parallel_loop3A_585] {strides = array<i32>} : memref<8x2048xi32, #tpu.memory_space<vmem>>, vector<16xi32>,
      %parallel_loop3A_587 = arith.constant 2 : i32
      %parallel_loop3A_588 = arith.muli %parallel_loop3A_488, %parallel_loop3A_587 : i32
      %parallel_loop3A_589 = arith.constant 0 : i32
      %parallel_loop3A_590 = arith.addi %parallel_loop3A_588, %parallel_loop3A_589 : i32
      %parallel_loop3A_591 = arith.constant 16 : i32
      %parallel_loop3A_592 = arith.muli %parallel_loop3A_590, %parallel_loop3A_591 : i32
      %parallel_loop3A_593 = arith.constant 7 : i32
      %parallel_loop3A_594 = arith.constant 0 : i32
      %parallel_loop3A_595 = arith.constant 0 : i32
      %parallel_loop3A_596 = tpu.memref_slice %arg6[%parallel_loop3A_277, %parallel_loop3A_594, %parallel_loop3A_595] : memref<2x8x2048xi32, #tpu.memory_space<vmem>> -> memref<1x8x2048xi32, #tpu.memory_space<vmem>>
      %parallel_loop3A_597 = tpu.memref_squeeze %parallel_loop3A_596 : memref<1x8x2048xi32, #tpu.memory_space<vmem>> -> memref<8x2048xi32, #tpu.memory_space<vmem>>
      %parallel_loop3A_598 = arith.index_cast %parallel_loop3A_593 : i32 to index
      %parallel_loop3A_599 = arith.index_cast %parallel_loop3A_592 : i32 to index
      %parallel_loop3A_600 = tpu.vector_load %parallel_loop3A_597[%parallel_loop3A_598, %parallel_loop3A_599] {strides = array<i32>} : memref<8x2048xi32, #tpu.memory_space<vmem>>, vector<16xi32>,
      %parallel_loop3A_601 = arith.constant 2 : i32
      %parallel_loop3A_602 = arith.muli %parallel_loop3A_488, %parallel_loop3A_601 : i32
      %parallel_loop3A_603 = arith.constant 1 : i32
      %parallel_loop3A_604 = arith.addi %parallel_loop3A_602, %parallel_loop3A_603 : i32
      %parallel_loop3A_605 = arith.constant 16 : i32
      %parallel_loop3A_606 = arith.muli %parallel_loop3A_604, %parallel_loop3A_605 : i32
      %parallel_loop3A_607 = arith.constant 0 : i32
      %parallel_loop3A_608 = arith.constant 0 : i32
      %parallel_loop3A_609 = arith.constant 0 : i32
      %parallel_loop3A_610 = tpu.memref_slice %arg6[%parallel_loop3A_277, %parallel_loop3A_608, %parallel_loop3A_609] : memref<2x8x2048xi32, #tpu.memory_space<vmem>> -> memref<1x8x2048xi32, #tpu.memory_space<vmem>>
      %parallel_loop3A_611 = tpu.memref_squeeze %parallel_loop3A_610 : memref<1x8x2048xi32, #tpu.memory_space<vmem>> -> memref<8x2048xi32, #tpu.memory_space<vmem>>
      %parallel_loop3A_612 = arith.index_cast %parallel_loop3A_607 : i32 to index
      %parallel_loop3A_613 = arith.index_cast %parallel_loop3A_606 : i32 to index
      %parallel_loop3A_614 = tpu.vector_load %parallel_loop3A_611[%parallel_loop3A_612, %parallel_loop3A_613] {strides = array<i32>} : memref<8x2048xi32, #tpu.memory_space<vmem>>, vector<16xi32>,
      %parallel_loop3A_615 = arith.constant 2 : i32
      %parallel_loop3A_616 = arith.muli %parallel_loop3A_488, %parallel_loop3A_615 : i32
      %parallel_loop3A_617 = arith.constant 1 : i32
      %parallel_loop3A_618 = arith.addi %parallel_loop3A_616, %parallel_loop3A_617 : i32
      %parallel_loop3A_619 = arith.constant 16 : i32
      %parallel_loop3A_620 = arith.muli %parallel_loop3A_618, %parallel_loop3A_619 : i32
      %parallel_loop3A_621 = arith.constant 1 : i32
      %parallel_loop3A_622 = arith.constant 0 : i32
      %parallel_loop3A_623 = arith.constant 0 : i32
      %parallel_loop3A_624 = tpu.memref_slice %arg6[%parallel_loop3A_277, %parallel_loop3A_622, %parallel_loop3A_623] : memref<2x8x2048xi32, #tpu.memory_space<vmem>> -> memref<1x8x2048xi32, #tpu.memory_space<vmem>>
      %parallel_loop3A_625 = tpu.memref_squeeze %parallel_loop3A_624 : memref<1x8x2048xi32, #tpu.memory_space<vmem>> -> memref<8x2048xi32, #tpu.memory_space<vmem>>
      %parallel_loop3A_626 = arith.index_cast %parallel_loop3A_621 : i32 to index
      %parallel_loop3A_627 = arith.index_cast %parallel_loop3A_620 : i32 to index
      %parallel_loop3A_628 = tpu.vector_load %parallel_loop3A_625[%parallel_loop3A_626, %parallel_loop3A_627] {strides = array<i32>} : memref<8x2048xi32, #tpu.memory_space<vmem>>, vector<16xi32>,
      %parallel_loop3A_629 = arith.constant 2 : i32
      %parallel_loop3A_630 = arith.muli %parallel_loop3A_488, %parallel_loop3A_629 : i32
      %parallel_loop3A_631 = arith.constant 1 : i32
      %parallel_loop3A_632 = arith.addi %parallel_loop3A_630, %parallel_loop3A_631 : i32
      %parallel_loop3A_633 = arith.constant 16 : i32
      %parallel_loop3A_634 = arith.muli %parallel_loop3A_632, %parallel_loop3A_633 : i32
      %parallel_loop3A_635 = arith.constant 2 : i32
      %parallel_loop3A_636 = arith.constant 0 : i32
      %parallel_loop3A_637 = arith.constant 0 : i32
      %parallel_loop3A_638 = tpu.memref_slice %arg6[%parallel_loop3A_277, %parallel_loop3A_636, %parallel_loop3A_637] : memref<2x8x2048xi32, #tpu.memory_space<vmem>> -> memref<1x8x2048xi32, #tpu.memory_space<vmem>>
      %parallel_loop3A_639 = tpu.memref_squeeze %parallel_loop3A_638 : memref<1x8x2048xi32, #tpu.memory_space<vmem>> -> memref<8x2048xi32, #tpu.memory_space<vmem>>
      %parallel_loop3A_640 = arith.index_cast %parallel_loop3A_635 : i32 to index
      %parallel_loop3A_641 = arith.index_cast %parallel_loop3A_634 : i32 to index
      %parallel_loop3A_642 = tpu.vector_load %parallel_loop3A_639[%parallel_loop3A_640, %parallel_loop3A_641] {strides = array<i32>} : memref<8x2048xi32, #tpu.memory_space<vmem>>, vector<16xi32>,
      %parallel_loop3A_643 = arith.constant 2 : i32
      %parallel_loop3A_644 = arith.muli %parallel_loop3A_488, %parallel_loop3A_643 : i32
      %parallel_loop3A_645 = arith.constant 1 : i32
      %parallel_loop3A_646 = arith.addi %parallel_loop3A_644, %parallel_loop3A_645 : i32
      %parallel_loop3A_647 = arith.constant 16 : i32
      %parallel_loop3A_648 = arith.muli %parallel_loop3A_646, %parallel_loop3A_647 : i32
      %parallel_loop3A_649 = arith.constant 3 : i32
      %parallel_loop3A_650 = arith.constant 0 : i32
      %parallel_loop3A_651 = arith.constant 0 : i32
      %parallel_loop3A_652 = tpu.memref_slice %arg6[%parallel_loop3A_277, %parallel_loop3A_650, %parallel_loop3A_651] : memref<2x8x2048xi32, #tpu.memory_space<vmem>> -> memref<1x8x2048xi32, #tpu.memory_space<vmem>>
      %parallel_loop3A_653 = tpu.memref_squeeze %parallel_loop3A_652 : memref<1x8x2048xi32, #tpu.memory_space<vmem>> -> memref<8x2048xi32, #tpu.memory_space<vmem>>
      %parallel_loop3A_654 = arith.index_cast %parallel_loop3A_649 : i32 to index
      %parallel_loop3A_655 = arith.index_cast %parallel_loop3A_648 : i32 to index
      %parallel_loop3A_656 = tpu.vector_load %parallel_loop3A_653[%parallel_loop3A_654, %parallel_loop3A_655] {strides = array<i32>} : memref<8x2048xi32, #tpu.memory_space<vmem>>, vector<16xi32>,
      %parallel_loop3A_657 = arith.constant 2 : i32
      %parallel_loop3A_658 = arith.muli %parallel_loop3A_488, %parallel_loop3A_657 : i32
      %parallel_loop3A_659 = arith.constant 1 : i32
      %parallel_loop3A_660 = arith.addi %parallel_loop3A_658, %parallel_loop3A_659 : i32
      %parallel_loop3A_661 = arith.constant 16 : i32
      %parallel_loop3A_662 = arith.muli %parallel_loop3A_660, %parallel_loop3A_661 : i32
      %parallel_loop3A_663 = arith.constant 4 : i32
      %parallel_loop3A_664 = arith.constant 0 : i32
      %parallel_loop3A_665 = arith.constant 0 : i32
      %parallel_loop3A_666 = tpu.memref_slice %arg6[%parallel_loop3A_277, %parallel_loop3A_664, %parallel_loop3A_665] : memref<2x8x2048xi32, #tpu.memory_space<vmem>> -> memref<1x8x2048xi32, #tpu.memory_space<vmem>>
      %parallel_loop3A_667 = tpu.memref_squeeze %parallel_loop3A_666 : memref<1x8x2048xi32, #tpu.memory_space<vmem>> -> memref<8x2048xi32, #tpu.memory_space<vmem>>
      %parallel_loop3A_668 = arith.index_cast %parallel_loop3A_663 : i32 to index
      %parallel_loop3A_669 = arith.index_cast %parallel_loop3A_662 : i32 to index
      %parallel_loop3A_670 = tpu.vector_load %parallel_loop3A_667[%parallel_loop3A_668, %parallel_loop3A_669] {strides = array<i32>} : memref<8x2048xi32, #tpu.memory_space<vmem>>, vector<16xi32>,
      %parallel_loop3A_671 = arith.constant 2 : i32
      %parallel_loop3A_672 = arith.muli %parallel_loop3A_488, %parallel_loop3A_671 : i32
      %parallel_loop3A_673 = arith.constant 1 : i32
      %parallel_loop3A_674 = arith.addi %parallel_loop3A_672, %parallel_loop3A_673 : i32
      %parallel_loop3A_675 = arith.constant 16 : i32
      %parallel_loop3A_676 = arith.muli %parallel_loop3A_674, %parallel_loop3A_675 : i32
      %parallel_loop3A_677 = arith.constant 5 : i32
      %parallel_loop3A_678 = arith.constant 0 : i32
      %parallel_loop3A_679 = arith.constant 0 : i32
      %parallel_loop3A_680 = tpu.memref_slice %arg6[%parallel_loop3A_277, %parallel_loop3A_678, %parallel_loop3A_679] : memref<2x8x2048xi32, #tpu.memory_space<vmem>> -> memref<1x8x2048xi32, #tpu.memory_space<vmem>>
      %parallel_loop3A_681 = tpu.memref_squeeze %parallel_loop3A_680 : memref<1x8x2048xi32, #tpu.memory_space<vmem>> -> memref<8x2048xi32, #tpu.memory_space<vmem>>
      %parallel_loop3A_682 = arith.index_cast %parallel_loop3A_677 : i32 to index
      %parallel_loop3A_683 = arith.index_cast %parallel_loop3A_676 : i32 to index
      %parallel_loop3A_684 = tpu.vector_load %parallel_loop3A_681[%parallel_loop3A_682, %parallel_loop3A_683] {strides = array<i32>} : memref<8x2048xi32, #tpu.memory_space<vmem>>, vector<16xi32>,
      %parallel_loop3A_685 = arith.constant 2 : i32
      %parallel_loop3A_686 = arith.muli %parallel_loop3A_488, %parallel_loop3A_685 : i32
      %parallel_loop3A_687 = arith.constant 1 : i32
      %parallel_loop3A_688 = arith.addi %parallel_loop3A_686, %parallel_loop3A_687 : i32
      %parallel_loop3A_689 = arith.constant 16 : i32
      %parallel_loop3A_690 = arith.muli %parallel_loop3A_688, %parallel_loop3A_689 : i32
      %parallel_loop3A_691 = arith.constant 6 : i32
      %parallel_loop3A_692 = arith.constant 0 : i32
      %parallel_loop3A_693 = arith.constant 0 : i32
      %parallel_loop3A_694 = tpu.memref_slice %arg6[%parallel_loop3A_277, %parallel_loop3A_692, %parallel_loop3A_693] : memref<2x8x2048xi32, #tpu.memory_space<vmem>> -> memref<1x8x2048xi32, #tpu.memory_space<vmem>>
      %parallel_loop3A_695 = tpu.memref_squeeze %parallel_loop3A_694 : memref<1x8x2048xi32, #tpu.memory_space<vmem>> -> memref<8x2048xi32, #tpu.memory_space<vmem>>
      %parallel_loop3A_696 = arith.index_cast %parallel_loop3A_691 : i32 to index
      %parallel_loop3A_697 = arith.index_cast %parallel_loop3A_690 : i32 to index
      %parallel_loop3A_698 = tpu.vector_load %parallel_loop3A_695[%parallel_loop3A_696, %parallel_loop3A_697] {strides = array<i32>} : memref<8x2048xi32, #tpu.memory_space<vmem>>, vector<16xi32>,
      %parallel_loop3A_699 = arith.constant 2 : i32
      %parallel_loop3A_700 = arith.muli %parallel_loop3A_488, %parallel_loop3A_699 : i32
      %parallel_loop3A_701 = arith.constant 1 : i32
      %parallel_loop3A_702 = arith.addi %parallel_loop3A_700, %parallel_loop3A_701 : i32
      %parallel_loop3A_703 = arith.constant 16 : i32
      %parallel_loop3A_704 = arith.muli %parallel_loop3A_702, %parallel_loop3A_703 : i32
      %parallel_loop3A_705 = arith.constant 7 : i32
      %parallel_loop3A_706 = arith.constant 0 : i32
      %parallel_loop3A_707 = arith.constant 0 : i32
      %parallel_loop3A_708 = tpu.memref_slice %arg6[%parallel_loop3A_277, %parallel_loop3A_706, %parallel_loop3A_707] : memref<2x8x2048xi32, #tpu.memory_space<vmem>> -> memref<1x8x2048xi32, #tpu.memory_space<vmem>>
      %parallel_loop3A_709 = tpu.memref_squeeze %parallel_loop3A_708 : memref<1x8x2048xi32, #tpu.memory_space<vmem>> -> memref<8x2048xi32, #tpu.memory_space<vmem>>
      %parallel_loop3A_710 = arith.index_cast %parallel_loop3A_705 : i32 to index
      %parallel_loop3A_711 = arith.index_cast %parallel_loop3A_704 : i32 to index
      %parallel_loop3A_712 = tpu.vector_load %parallel_loop3A_709[%parallel_loop3A_710, %parallel_loop3A_711] {strides = array<i32>} : memref<8x2048xi32, #tpu.memory_space<vmem>>, vector<16xi32>,
      %parallel_loop3A_713 = tpu.vector_load_idx %arg5[%parallel_loop3A_502] : memref<10000xf32, #tpu.memory_space<vmem>>[vector<16xi32>], vector<16xf32>,
      %parallel_loop3A_714 = tpu.vector_load_idx %arg5[%parallel_loop3A_516] : memref<10000xf32, #tpu.memory_space<vmem>>[vector<16xi32>], vector<16xf32>,
      %parallel_loop3A_715 = tpu.vector_load_idx %arg5[%parallel_loop3A_530] : memref<10000xf32, #tpu.memory_space<vmem>>[vector<16xi32>], vector<16xf32>,
      %parallel_loop3A_716 = tpu.vector_load_idx %arg5[%parallel_loop3A_544] : memref<10000xf32, #tpu.memory_space<vmem>>[vector<16xi32>], vector<16xf32>,
      %parallel_loop3A_717 = tpu.vector_load_idx %arg5[%parallel_loop3A_558] : memref<10000xf32, #tpu.memory_space<vmem>>[vector<16xi32>], vector<16xf32>,
      %parallel_loop3A_718 = tpu.vector_load_idx %arg5[%parallel_loop3A_572] : memref<10000xf32, #tpu.memory_space<vmem>>[vector<16xi32>], vector<16xf32>,
      %parallel_loop3A_719 = tpu.vector_load_idx %arg5[%parallel_loop3A_586] : memref<10000xf32, #tpu.memory_space<vmem>>[vector<16xi32>], vector<16xf32>,
      %parallel_loop3A_720 = tpu.vector_load_idx %arg5[%parallel_loop3A_600] : memref<10000xf32, #tpu.memory_space<vmem>>[vector<16xi32>], vector<16xf32>,
      %parallel_loop3A_721 = tpu.vector_load_idx %arg5[%parallel_loop3A_614] : memref<10000xf32, #tpu.memory_space<vmem>>[vector<16xi32>], vector<16xf32>,
      %parallel_loop3A_722 = tpu.vector_load_idx %arg5[%parallel_loop3A_628] : memref<10000xf32, #tpu.memory_space<vmem>>[vector<16xi32>], vector<16xf32>,
      %parallel_loop3A_723 = tpu.vector_load_idx %arg5[%parallel_loop3A_642] : memref<10000xf32, #tpu.memory_space<vmem>>[vector<16xi32>], vector<16xf32>,
      %parallel_loop3A_724 = tpu.vector_load_idx %arg5[%parallel_loop3A_656] : memref<10000xf32, #tpu.memory_space<vmem>>[vector<16xi32>], vector<16xf32>,
      %parallel_loop3A_725 = tpu.vector_load_idx %arg5[%parallel_loop3A_670] : memref<10000xf32, #tpu.memory_space<vmem>>[vector<16xi32>], vector<16xf32>,
      %parallel_loop3A_726 = tpu.vector_load_idx %arg5[%parallel_loop3A_684] : memref<10000xf32, #tpu.memory_space<vmem>>[vector<16xi32>], vector<16xf32>,
      %parallel_loop3A_727 = tpu.vector_load_idx %arg5[%parallel_loop3A_698] : memref<10000xf32, #tpu.memory_space<vmem>>[vector<16xi32>], vector<16xf32>,
      %parallel_loop3A_728 = tpu.vector_load_idx %arg5[%parallel_loop3A_712] : memref<10000xf32, #tpu.memory_space<vmem>>[vector<16xi32>], vector<16xf32>,
      %parallel_loop3A_729 = arith.constant 2 : i32
      %parallel_loop3A_730 = arith.muli %parallel_loop3A_488, %parallel_loop3A_729 : i32
      %parallel_loop3A_731 = arith.constant 0 : i32
      %parallel_loop3A_732 = arith.addi %parallel_loop3A_730, %parallel_loop3A_731 : i32
      %parallel_loop3A_733 = arith.constant 16 : i32
      %parallel_loop3A_734 = arith.muli %parallel_loop3A_732, %parallel_loop3A_733 : i32
      %parallel_loop3A_735 = arith.constant 0 : i32
      %parallel_loop3A_736 = arith.constant 0 : i32
      %parallel_loop3A_737 = arith.constant 0 : i32
      %parallel_loop3A_738 = tpu.memref_slice %arg7[%parallel_loop3A_278, %parallel_loop3A_736, %parallel_loop3A_737] : memref<2x8x2048xf32, #tpu.memory_space<vmem>> -> memref<1x8x2048xf32, #tpu.memory_space<vmem>>
      %parallel_loop3A_739 = tpu.memref_squeeze %parallel_loop3A_738 : memref<1x8x2048xf32, #tpu.memory_space<vmem>> -> memref<8x2048xf32, #tpu.memory_space<vmem>>
      %parallel_loop3A_740 = arith.index_cast %parallel_loop3A_735 : i32 to index
      %parallel_loop3A_741 = arith.index_cast %parallel_loop3A_734 : i32 to index
      %parallel_loop3A_742 = tpu.vector_load %parallel_loop3A_739[%parallel_loop3A_740, %parallel_loop3A_741] {strides = array<i32>} : memref<8x2048xf32, #tpu.memory_space<vmem>>, vector<16xf32>,
      tpu.vector_store %parallel_loop3A_739[%parallel_loop3A_740, %parallel_loop3A_741], %parallel_loop3A_713 {strides = array<i32>} : memref<8x2048xf32, #tpu.memory_space<vmem>>, vector<16xf32>,
      %parallel_loop3A_743 = arith.constant 2 : i32
      %parallel_loop3A_744 = arith.muli %parallel_loop3A_488, %parallel_loop3A_743 : i32
      %parallel_loop3A_745 = arith.constant 0 : i32
      %parallel_loop3A_746 = arith.addi %parallel_loop3A_744, %parallel_loop3A_745 : i32
      %parallel_loop3A_747 = arith.constant 16 : i32
      %parallel_loop3A_748 = arith.muli %parallel_loop3A_746, %parallel_loop3A_747 : i32
      %parallel_loop3A_749 = arith.constant 1 : i32
      %parallel_loop3A_750 = arith.constant 0 : i32
      %parallel_loop3A_751 = arith.constant 0 : i32
      %parallel_loop3A_752 = tpu.memref_slice %arg7[%parallel_loop3A_278, %parallel_loop3A_750, %parallel_loop3A_751] : memref<2x8x2048xf32, #tpu.memory_space<vmem>> -> memref<1x8x2048xf32, #tpu.memory_space<vmem>>
      %parallel_loop3A_753 = tpu.memref_squeeze %parallel_loop3A_752 : memref<1x8x2048xf32, #tpu.memory_space<vmem>> -> memref<8x2048xf32, #tpu.memory_space<vmem>>
      %parallel_loop3A_754 = arith.index_cast %parallel_loop3A_749 : i32 to index
      %parallel_loop3A_755 = arith.index_cast %parallel_loop3A_748 : i32 to index
      %parallel_loop3A_756 = tpu.vector_load %parallel_loop3A_753[%parallel_loop3A_754, %parallel_loop3A_755] {strides = array<i32>} : memref<8x2048xf32, #tpu.memory_space<vmem>>, vector<16xf32>,
      tpu.vector_store %parallel_loop3A_753[%parallel_loop3A_754, %parallel_loop3A_755], %parallel_loop3A_714 {strides = array<i32>} : memref<8x2048xf32, #tpu.memory_space<vmem>>, vector<16xf32>,
      %parallel_loop3A_757 = arith.constant 2 : i32
      %parallel_loop3A_758 = arith.muli %parallel_loop3A_488, %parallel_loop3A_757 : i32
      %parallel_loop3A_759 = arith.constant 0 : i32
      %parallel_loop3A_760 = arith.addi %parallel_loop3A_758, %parallel_loop3A_759 : i32
      %parallel_loop3A_761 = arith.constant 16 : i32
      %parallel_loop3A_762 = arith.muli %parallel_loop3A_760, %parallel_loop3A_761 : i32
      %parallel_loop3A_763 = arith.constant 2 : i32
      %parallel_loop3A_764 = arith.constant 0 : i32
      %parallel_loop3A_765 = arith.constant 0 : i32
      %parallel_loop3A_766 = tpu.memref_slice %arg7[%parallel_loop3A_278, %parallel_loop3A_764, %parallel_loop3A_765] : memref<2x8x2048xf32, #tpu.memory_space<vmem>> -> memref<1x8x2048xf32, #tpu.memory_space<vmem>>
      %parallel_loop3A_767 = tpu.memref_squeeze %parallel_loop3A_766 : memref<1x8x2048xf32, #tpu.memory_space<vmem>> -> memref<8x2048xf32, #tpu.memory_space<vmem>>
      %parallel_loop3A_768 = arith.index_cast %parallel_loop3A_763 : i32 to index
      %parallel_loop3A_769 = arith.index_cast %parallel_loop3A_762 : i32 to index
      %parallel_loop3A_770 = tpu.vector_load %parallel_loop3A_767[%parallel_loop3A_768, %parallel_loop3A_769] {strides = array<i32>} : memref<8x2048xf32, #tpu.memory_space<vmem>>, vector<16xf32>,
      tpu.vector_store %parallel_loop3A_767[%parallel_loop3A_768, %parallel_loop3A_769], %parallel_loop3A_715 {strides = array<i32>} : memref<8x2048xf32, #tpu.memory_space<vmem>>, vector<16xf32>,
      %parallel_loop3A_771 = arith.constant 2 : i32
      %parallel_loop3A_772 = arith.muli %parallel_loop3A_488, %parallel_loop3A_771 : i32
      %parallel_loop3A_773 = arith.constant 0 : i32
      %parallel_loop3A_774 = arith.addi %parallel_loop3A_772, %parallel_loop3A_773 : i32
      %parallel_loop3A_775 = arith.constant 16 : i32
      %parallel_loop3A_776 = arith.muli %parallel_loop3A_774, %parallel_loop3A_775 : i32
      %parallel_loop3A_777 = arith.constant 3 : i32
      %parallel_loop3A_778 = arith.constant 0 : i32
      %parallel_loop3A_779 = arith.constant 0 : i32
      %parallel_loop3A_780 = tpu.memref_slice %arg7[%parallel_loop3A_278, %parallel_loop3A_778, %parallel_loop3A_779] : memref<2x8x2048xf32, #tpu.memory_space<vmem>> -> memref<1x8x2048xf32, #tpu.memory_space<vmem>>
      %parallel_loop3A_781 = tpu.memref_squeeze %parallel_loop3A_780 : memref<1x8x2048xf32, #tpu.memory_space<vmem>> -> memref<8x2048xf32, #tpu.memory_space<vmem>>
      %parallel_loop3A_782 = arith.index_cast %parallel_loop3A_777 : i32 to index
      %parallel_loop3A_783 = arith.index_cast %parallel_loop3A_776 : i32 to index
      %parallel_loop3A_784 = tpu.vector_load %parallel_loop3A_781[%parallel_loop3A_782, %parallel_loop3A_783] {strides = array<i32>} : memref<8x2048xf32, #tpu.memory_space<vmem>>, vector<16xf32>,
      tpu.vector_store %parallel_loop3A_781[%parallel_loop3A_782, %parallel_loop3A_783], %parallel_loop3A_716 {strides = array<i32>} : memref<8x2048xf32, #tpu.memory_space<vmem>>, vector<16xf32>,
      %parallel_loop3A_785 = arith.constant 2 : i32
      %parallel_loop3A_786 = arith.muli %parallel_loop3A_488, %parallel_loop3A_785 : i32
      %parallel_loop3A_787 = arith.constant 0 : i32
      %parallel_loop3A_788 = arith.addi %parallel_loop3A_786, %parallel_loop3A_787 : i32
      %parallel_loop3A_789 = arith.constant 16 : i32
      %parallel_loop3A_790 = arith.muli %parallel_loop3A_788, %parallel_loop3A_789 : i32
      %parallel_loop3A_791 = arith.constant 4 : i32
      %parallel_loop3A_792 = arith.constant 0 : i32
      %parallel_loop3A_793 = arith.constant 0 : i32
      %parallel_loop3A_794 = tpu.memref_slice %arg7[%parallel_loop3A_278, %parallel_loop3A_792, %parallel_loop3A_793] : memref<2x8x2048xf32, #tpu.memory_space<vmem>> -> memref<1x8x2048xf32, #tpu.memory_space<vmem>>
      %parallel_loop3A_795 = tpu.memref_squeeze %parallel_loop3A_794 : memref<1x8x2048xf32, #tpu.memory_space<vmem>> -> memref<8x2048xf32, #tpu.memory_space<vmem>>
      %parallel_loop3A_796 = arith.index_cast %parallel_loop3A_791 : i32 to index
      %parallel_loop3A_797 = arith.index_cast %parallel_loop3A_790 : i32 to index
      %parallel_loop3A_798 = tpu.vector_load %parallel_loop3A_795[%parallel_loop3A_796, %parallel_loop3A_797] {strides = array<i32>} : memref<8x2048xf32, #tpu.memory_space<vmem>>, vector<16xf32>,
      tpu.vector_store %parallel_loop3A_795[%parallel_loop3A_796, %parallel_loop3A_797], %parallel_loop3A_717 {strides = array<i32>} : memref<8x2048xf32, #tpu.memory_space<vmem>>, vector<16xf32>,
      %parallel_loop3A_799 = arith.constant 2 : i32
      %parallel_loop3A_800 = arith.muli %parallel_loop3A_488, %parallel_loop3A_799 : i32
      %parallel_loop3A_801 = arith.constant 0 : i32
      %parallel_loop3A_802 = arith.addi %parallel_loop3A_800, %parallel_loop3A_801 : i32
      %parallel_loop3A_803 = arith.constant 16 : i32
      %parallel_loop3A_804 = arith.muli %parallel_loop3A_802, %parallel_loop3A_803 : i32
      %parallel_loop3A_805 = arith.constant 5 : i32
      %parallel_loop3A_806 = arith.constant 0 : i32
      %parallel_loop3A_807 = arith.constant 0 : i32
      %parallel_loop3A_808 = tpu.memref_slice %arg7[%parallel_loop3A_278, %parallel_loop3A_806, %parallel_loop3A_807] : memref<2x8x2048xf32, #tpu.memory_space<vmem>> -> memref<1x8x2048xf32, #tpu.memory_space<vmem>>
      %parallel_loop3A_809 = tpu.memref_squeeze %parallel_loop3A_808 : memref<1x8x2048xf32, #tpu.memory_space<vmem>> -> memref<8x2048xf32, #tpu.memory_space<vmem>>
      %parallel_loop3A_810 = arith.index_cast %parallel_loop3A_805 : i32 to index
      %parallel_loop3A_811 = arith.index_cast %parallel_loop3A_804 : i32 to index
      %parallel_loop3A_812 = tpu.vector_load %parallel_loop3A_809[%parallel_loop3A_810, %parallel_loop3A_811] {strides = array<i32>} : memref<8x2048xf32, #tpu.memory_space<vmem>>, vector<16xf32>,
      tpu.vector_store %parallel_loop3A_809[%parallel_loop3A_810, %parallel_loop3A_811], %parallel_loop3A_718 {strides = array<i32>} : memref<8x2048xf32, #tpu.memory_space<vmem>>, vector<16xf32>,
      %parallel_loop3A_813 = arith.constant 2 : i32
      %parallel_loop3A_814 = arith.muli %parallel_loop3A_488, %parallel_loop3A_813 : i32
      %parallel_loop3A_815 = arith.constant 0 : i32
      %parallel_loop3A_816 = arith.addi %parallel_loop3A_814, %parallel_loop3A_815 : i32
      %parallel_loop3A_817 = arith.constant 16 : i32
      %parallel_loop3A_818 = arith.muli %parallel_loop3A_816, %parallel_loop3A_817 : i32
      %parallel_loop3A_819 = arith.constant 6 : i32
      %parallel_loop3A_820 = arith.constant 0 : i32
      %parallel_loop3A_821 = arith.constant 0 : i32
      %parallel_loop3A_822 = tpu.memref_slice %arg7[%parallel_loop3A_278, %parallel_loop3A_820, %parallel_loop3A_821] : memref<2x8x2048xf32, #tpu.memory_space<vmem>> -> memref<1x8x2048xf32, #tpu.memory_space<vmem>>
      %parallel_loop3A_823 = tpu.memref_squeeze %parallel_loop3A_822 : memref<1x8x2048xf32, #tpu.memory_space<vmem>> -> memref<8x2048xf32, #tpu.memory_space<vmem>>
      %parallel_loop3A_824 = arith.index_cast %parallel_loop3A_819 : i32 to index
      %parallel_loop3A_825 = arith.index_cast %parallel_loop3A_818 : i32 to index
      %parallel_loop3A_826 = tpu.vector_load %parallel_loop3A_823[%parallel_loop3A_824, %parallel_loop3A_825] {strides = array<i32>} : memref<8x2048xf32, #tpu.memory_space<vmem>>, vector<16xf32>,
      tpu.vector_store %parallel_loop3A_823[%parallel_loop3A_824, %parallel_loop3A_825], %parallel_loop3A_719 {strides = array<i32>} : memref<8x2048xf32, #tpu.memory_space<vmem>>, vector<16xf32>,
      %parallel_loop3A_827 = arith.constant 2 : i32
      %parallel_loop3A_828 = arith.muli %parallel_loop3A_488, %parallel_loop3A_827 : i32
      %parallel_loop3A_829 = arith.constant 0 : i32
      %parallel_loop3A_830 = arith.addi %parallel_loop3A_828, %parallel_loop3A_829 : i32
      %parallel_loop3A_831 = arith.constant 16 : i32
      %parallel_loop3A_832 = arith.muli %parallel_loop3A_830, %parallel_loop3A_831 : i32
      %parallel_loop3A_833 = arith.constant 7 : i32
      %parallel_loop3A_834 = arith.constant 0 : i32
      %parallel_loop3A_835 = arith.constant 0 : i32
      %parallel_loop3A_836 = tpu.memref_slice %arg7[%parallel_loop3A_278, %parallel_loop3A_834, %parallel_loop3A_835] : memref<2x8x2048xf32, #tpu.memory_space<vmem>> -> memref<1x8x2048xf32, #tpu.memory_space<vmem>>
      %parallel_loop3A_837 = tpu.memref_squeeze %parallel_loop3A_836 : memref<1x8x2048xf32, #tpu.memory_space<vmem>> -> memref<8x2048xf32, #tpu.memory_space<vmem>>
      %parallel_loop3A_838 = arith.index_cast %parallel_loop3A_833 : i32 to index
      %parallel_loop3A_839 = arith.index_cast %parallel_loop3A_832 : i32 to index
      %parallel_loop3A_840 = tpu.vector_load %parallel_loop3A_837[%parallel_loop3A_838, %parallel_loop3A_839] {strides = array<i32>} : memref<8x2048xf32, #tpu.memory_space<vmem>>, vector<16xf32>,
      tpu.vector_store %parallel_loop3A_837[%parallel_loop3A_838, %parallel_loop3A_839], %parallel_loop3A_720 {strides = array<i32>} : memref<8x2048xf32, #tpu.memory_space<vmem>>, vector<16xf32>,
      %parallel_loop3A_841 = arith.constant 2 : i32
      %parallel_loop3A_842 = arith.muli %parallel_loop3A_488, %parallel_loop3A_841 : i32
      %parallel_loop3A_843 = arith.constant 1 : i32
      %parallel_loop3A_844 = arith.addi %parallel_loop3A_842, %parallel_loop3A_843 : i32
      %parallel_loop3A_845 = arith.constant 16 : i32
      %parallel_loop3A_846 = arith.muli %parallel_loop3A_844, %parallel_loop3A_845 : i32
      %parallel_loop3A_847 = arith.constant 0 : i32
      %parallel_loop3A_848 = arith.constant 0 : i32
      %parallel_loop3A_849 = arith.constant 0 : i32
      %parallel_loop3A_850 = tpu.memref_slice %arg7[%parallel_loop3A_278, %parallel_loop3A_848, %parallel_loop3A_849] : memref<2x8x2048xf32, #tpu.memory_space<vmem>> -> memref<1x8x2048xf32, #tpu.memory_space<vmem>>
      %parallel_loop3A_851 = tpu.memref_squeeze %parallel_loop3A_850 : memref<1x8x2048xf32, #tpu.memory_space<vmem>> -> memref<8x2048xf32, #tpu.memory_space<vmem>>
      %parallel_loop3A_852 = arith.index_cast %parallel_loop3A_847 : i32 to index
      %parallel_loop3A_853 = arith.index_cast %parallel_loop3A_846 : i32 to index
      %parallel_loop3A_854 = tpu.vector_load %parallel_loop3A_851[%parallel_loop3A_852, %parallel_loop3A_853] {strides = array<i32>} : memref<8x2048xf32, #tpu.memory_space<vmem>>, vector<16xf32>,
      tpu.vector_store %parallel_loop3A_851[%parallel_loop3A_852, %parallel_loop3A_853], %parallel_loop3A_721 {strides = array<i32>} : memref<8x2048xf32, #tpu.memory_space<vmem>>, vector<16xf32>,
      %parallel_loop3A_855 = arith.constant 2 : i32
      %parallel_loop3A_856 = arith.muli %parallel_loop3A_488, %parallel_loop3A_855 : i32
      %parallel_loop3A_857 = arith.constant 1 : i32
      %parallel_loop3A_858 = arith.addi %parallel_loop3A_856, %parallel_loop3A_857 : i32
      %parallel_loop3A_859 = arith.constant 16 : i32
      %parallel_loop3A_860 = arith.muli %parallel_loop3A_858, %parallel_loop3A_859 : i32
      %parallel_loop3A_861 = arith.constant 1 : i32
      %parallel_loop3A_862 = arith.constant 0 : i32
      %parallel_loop3A_863 = arith.constant 0 : i32
      %parallel_loop3A_864 = tpu.memref_slice %arg7[%parallel_loop3A_278, %parallel_loop3A_862, %parallel_loop3A_863] : memref<2x8x2048xf32, #tpu.memory_space<vmem>> -> memref<1x8x2048xf32, #tpu.memory_space<vmem>>
      %parallel_loop3A_865 = tpu.memref_squeeze %parallel_loop3A_864 : memref<1x8x2048xf32, #tpu.memory_space<vmem>> -> memref<8x2048xf32, #tpu.memory_space<vmem>>
      %parallel_loop3A_866 = arith.index_cast %parallel_loop3A_861 : i32 to index
      %parallel_loop3A_867 = arith.index_cast %parallel_loop3A_860 : i32 to index
      %parallel_loop3A_868 = tpu.vector_load %parallel_loop3A_865[%parallel_loop3A_866, %parallel_loop3A_867] {strides = array<i32>} : memref<8x2048xf32, #tpu.memory_space<vmem>>, vector<16xf32>,
      tpu.vector_store %parallel_loop3A_865[%parallel_loop3A_866, %parallel_loop3A_867], %parallel_loop3A_722 {strides = array<i32>} : memref<8x2048xf32, #tpu.memory_space<vmem>>, vector<16xf32>,
      %parallel_loop3A_869 = arith.constant 2 : i32
      %parallel_loop3A_870 = arith.muli %parallel_loop3A_488, %parallel_loop3A_869 : i32
      %parallel_loop3A_871 = arith.constant 1 : i32
      %parallel_loop3A_872 = arith.addi %parallel_loop3A_870, %parallel_loop3A_871 : i32
      %parallel_loop3A_873 = arith.constant 16 : i32
      %parallel_loop3A_874 = arith.muli %parallel_loop3A_872, %parallel_loop3A_873 : i32
      %parallel_loop3A_875 = arith.constant 2 : i32
      %parallel_loop3A_876 = arith.constant 0 : i32
      %parallel_loop3A_877 = arith.constant 0 : i32
      %parallel_loop3A_878 = tpu.memref_slice %arg7[%parallel_loop3A_278, %parallel_loop3A_876, %parallel_loop3A_877] : memref<2x8x2048xf32, #tpu.memory_space<vmem>> -> memref<1x8x2048xf32, #tpu.memory_space<vmem>>
      %parallel_loop3A_879 = tpu.memref_squeeze %parallel_loop3A_878 : memref<1x8x2048xf32, #tpu.memory_space<vmem>> -> memref<8x2048xf32, #tpu.memory_space<vmem>>
      %parallel_loop3A_880 = arith.index_cast %parallel_loop3A_875 : i32 to index
      %parallel_loop3A_881 = arith.index_cast %parallel_loop3A_874 : i32 to index
      %parallel_loop3A_882 = tpu.vector_load %parallel_loop3A_879[%parallel_loop3A_880, %parallel_loop3A_881] {strides = array<i32>} : memref<8x2048xf32, #tpu.memory_space<vmem>>, vector<16xf32>,
      tpu.vector_store %parallel_loop3A_879[%parallel_loop3A_880, %parallel_loop3A_881], %parallel_loop3A_723 {strides = array<i32>} : memref<8x2048xf32, #tpu.memory_space<vmem>>, vector<16xf32>,
      %parallel_loop3A_883 = arith.constant 2 : i32
      %parallel_loop3A_884 = arith.muli %parallel_loop3A_488, %parallel_loop3A_883 : i32
      %parallel_loop3A_885 = arith.constant 1 : i32
      %parallel_loop3A_886 = arith.addi %parallel_loop3A_884, %parallel_loop3A_885 : i32
      %parallel_loop3A_887 = arith.constant 16 : i32
      %parallel_loop3A_888 = arith.muli %parallel_loop3A_886, %parallel_loop3A_887 : i32
      %parallel_loop3A_889 = arith.constant 3 : i32
      %parallel_loop3A_890 = arith.constant 0 : i32
      %parallel_loop3A_891 = arith.constant 0 : i32
      %parallel_loop3A_892 = tpu.memref_slice %arg7[%parallel_loop3A_278, %parallel_loop3A_890, %parallel_loop3A_891] : memref<2x8x2048xf32, #tpu.memory_space<vmem>> -> memref<1x8x2048xf32, #tpu.memory_space<vmem>>
      %parallel_loop3A_893 = tpu.memref_squeeze %parallel_loop3A_892 : memref<1x8x2048xf32, #tpu.memory_space<vmem>> -> memref<8x2048xf32, #tpu.memory_space<vmem>>
      %parallel_loop3A_894 = arith.index_cast %parallel_loop3A_889 : i32 to index
      %parallel_loop3A_895 = arith.index_cast %parallel_loop3A_888 : i32 to index
      %parallel_loop3A_896 = tpu.vector_load %parallel_loop3A_893[%parallel_loop3A_894, %parallel_loop3A_895] {strides = array<i32>} : memref<8x2048xf32, #tpu.memory_space<vmem>>, vector<16xf32>,
      tpu.vector_store %parallel_loop3A_893[%parallel_loop3A_894, %parallel_loop3A_895], %parallel_loop3A_724 {strides = array<i32>} : memref<8x2048xf32, #tpu.memory_space<vmem>>, vector<16xf32>,
      %parallel_loop3A_897 = arith.constant 2 : i32
      %parallel_loop3A_898 = arith.muli %parallel_loop3A_488, %parallel_loop3A_897 : i32
      %parallel_loop3A_899 = arith.constant 1 : i32
      %parallel_loop3A_900 = arith.addi %parallel_loop3A_898, %parallel_loop3A_899 : i32
      %parallel_loop3A_901 = arith.constant 16 : i32
      %parallel_loop3A_902 = arith.muli %parallel_loop3A_900, %parallel_loop3A_901 : i32
      %parallel_loop3A_903 = arith.constant 4 : i32
      %parallel_loop3A_904 = arith.constant 0 : i32
      %parallel_loop3A_905 = arith.constant 0 : i32
      %parallel_loop3A_906 = tpu.memref_slice %arg7[%parallel_loop3A_278, %parallel_loop3A_904, %parallel_loop3A_905] : memref<2x8x2048xf32, #tpu.memory_space<vmem>> -> memref<1x8x2048xf32, #tpu.memory_space<vmem>>
      %parallel_loop3A_907 = tpu.memref_squeeze %parallel_loop3A_906 : memref<1x8x2048xf32, #tpu.memory_space<vmem>> -> memref<8x2048xf32, #tpu.memory_space<vmem>>
      %parallel_loop3A_908 = arith.index_cast %parallel_loop3A_903 : i32 to index
      %parallel_loop3A_909 = arith.index_cast %parallel_loop3A_902 : i32 to index
      %parallel_loop3A_910 = tpu.vector_load %parallel_loop3A_907[%parallel_loop3A_908, %parallel_loop3A_909] {strides = array<i32>} : memref<8x2048xf32, #tpu.memory_space<vmem>>, vector<16xf32>,
      tpu.vector_store %parallel_loop3A_907[%parallel_loop3A_908, %parallel_loop3A_909], %parallel_loop3A_725 {strides = array<i32>} : memref<8x2048xf32, #tpu.memory_space<vmem>>, vector<16xf32>,
      %parallel_loop3A_911 = arith.constant 2 : i32
      %parallel_loop3A_912 = arith.muli %parallel_loop3A_488, %parallel_loop3A_911 : i32
      %parallel_loop3A_913 = arith.constant 1 : i32
      %parallel_loop3A_914 = arith.addi %parallel_loop3A_912, %parallel_loop3A_913 : i32
      %parallel_loop3A_915 = arith.constant 16 : i32
      %parallel_loop3A_916 = arith.muli %parallel_loop3A_914, %parallel_loop3A_915 : i32
      %parallel_loop3A_917 = arith.constant 5 : i32
      %parallel_loop3A_918 = arith.constant 0 : i32
      %parallel_loop3A_919 = arith.constant 0 : i32
      %parallel_loop3A_920 = tpu.memref_slice %arg7[%parallel_loop3A_278, %parallel_loop3A_918, %parallel_loop3A_919] : memref<2x8x2048xf32, #tpu.memory_space<vmem>> -> memref<1x8x2048xf32, #tpu.memory_space<vmem>>
      %parallel_loop3A_921 = tpu.memref_squeeze %parallel_loop3A_920 : memref<1x8x2048xf32, #tpu.memory_space<vmem>> -> memref<8x2048xf32, #tpu.memory_space<vmem>>
      %parallel_loop3A_922 = arith.index_cast %parallel_loop3A_917 : i32 to index
      %parallel_loop3A_923 = arith.index_cast %parallel_loop3A_916 : i32 to index
      %parallel_loop3A_924 = tpu.vector_load %parallel_loop3A_921[%parallel_loop3A_922, %parallel_loop3A_923] {strides = array<i32>} : memref<8x2048xf32, #tpu.memory_space<vmem>>, vector<16xf32>,
      tpu.vector_store %parallel_loop3A_921[%parallel_loop3A_922, %parallel_loop3A_923], %parallel_loop3A_726 {strides = array<i32>} : memref<8x2048xf32, #tpu.memory_space<vmem>>, vector<16xf32>,
      %parallel_loop3A_925 = arith.constant 2 : i32
      %parallel_loop3A_926 = arith.muli %parallel_loop3A_488, %parallel_loop3A_925 : i32
      %parallel_loop3A_927 = arith.constant 1 : i32
      %parallel_loop3A_928 = arith.addi %parallel_loop3A_926, %parallel_loop3A_927 : i32
      %parallel_loop3A_929 = arith.constant 16 : i32
      %parallel_loop3A_930 = arith.muli %parallel_loop3A_928, %parallel_loop3A_929 : i32
      %parallel_loop3A_931 = arith.constant 6 : i32
      %parallel_loop3A_932 = arith.constant 0 : i32
      %parallel_loop3A_933 = arith.constant 0 : i32
      %parallel_loop3A_934 = tpu.memref_slice %arg7[%parallel_loop3A_278, %parallel_loop3A_932, %parallel_loop3A_933] : memref<2x8x2048xf32, #tpu.memory_space<vmem>> -> memref<1x8x2048xf32, #tpu.memory_space<vmem>>
      %parallel_loop3A_935 = tpu.memref_squeeze %parallel_loop3A_934 : memref<1x8x2048xf32, #tpu.memory_space<vmem>> -> memref<8x2048xf32, #tpu.memory_space<vmem>>
      %parallel_loop3A_936 = arith.index_cast %parallel_loop3A_931 : i32 to index
      %parallel_loop3A_937 = arith.index_cast %parallel_loop3A_930 : i32 to index
      %parallel_loop3A_938 = tpu.vector_load %parallel_loop3A_935[%parallel_loop3A_936, %parallel_loop3A_937] {strides = array<i32>} : memref<8x2048xf32, #tpu.memory_space<vmem>>, vector<16xf32>,
      tpu.vector_store %parallel_loop3A_935[%parallel_loop3A_936, %parallel_loop3A_937], %parallel_loop3A_727 {strides = array<i32>} : memref<8x2048xf32, #tpu.memory_space<vmem>>, vector<16xf32>,
      %parallel_loop3A_939 = arith.constant 2 : i32
      %parallel_loop3A_940 = arith.muli %parallel_loop3A_488, %parallel_loop3A_939 : i32
      %parallel_loop3A_941 = arith.constant 1 : i32
      %parallel_loop3A_942 = arith.addi %parallel_loop3A_940, %parallel_loop3A_941 : i32
      %parallel_loop3A_943 = arith.constant 16 : i32
      %parallel_loop3A_944 = arith.muli %parallel_loop3A_942, %parallel_loop3A_943 : i32
      %parallel_loop3A_945 = arith.constant 7 : i32
      %parallel_loop3A_946 = arith.constant 0 : i32
      %parallel_loop3A_947 = arith.constant 0 : i32
      %parallel_loop3A_948 = tpu.memref_slice %arg7[%parallel_loop3A_278, %parallel_loop3A_946, %parallel_loop3A_947] : memref<2x8x2048xf32, #tpu.memory_space<vmem>> -> memref<1x8x2048xf32, #tpu.memory_space<vmem>>
      %parallel_loop3A_949 = tpu.memref_squeeze %parallel_loop3A_948 : memref<1x8x2048xf32, #tpu.memory_space<vmem>> -> memref<8x2048xf32, #tpu.memory_space<vmem>>
      %parallel_loop3A_950 = arith.index_cast %parallel_loop3A_945 : i32 to index
      %parallel_loop3A_951 = arith.index_cast %parallel_loop3A_944 : i32 to index
      %parallel_loop3A_952 = tpu.vector_load %parallel_loop3A_949[%parallel_loop3A_950, %parallel_loop3A_951] {strides = array<i32>} : memref<8x2048xf32, #tpu.memory_space<vmem>>, vector<16xf32>,
      tpu.vector_store %parallel_loop3A_949[%parallel_loop3A_950, %parallel_loop3A_951], %parallel_loop3A_728 {strides = array<i32>} : memref<8x2048xf32, #tpu.memory_space<vmem>>, vector<16xf32>,
    } {sc.loop_unroll_factor = 2 : i64, sc.parallel_access}
    %add3A_279 = arith.constant 32 : i32
    %add3A_280 = arith.addi %mul3A_2, %add3A_279 : i32
    %dma_start3A_281 = arith.constant 0 : i32
    %dma_start3A_282 = arith.constant 0 : i32
    %dma_start3A_283 = arith.constant 0 : i32
    %dma_start3A_284 = tpu.memref_slice %arg7[%dma_start3A_281, %dma_start3A_282, %dma_start3A_283] : memref<2x8x2048xf32, #tpu.memory_space<vmem>> -> memref<1x8x2048xf32, #tpu.memory_space<vmem>>
    %dma_start3A_285 = tpu.memref_squeeze %dma_start3A_284 : memref<1x8x2048xf32, #tpu.memory_space<vmem>> -> memref<8x2048xf32, #tpu.memory_space<vmem>>
    %dma_start3A_286 = arith.constant 0 : i32
    %dma_start3A_287 = tpu.memref_slice %arg4[%add3A_280, %dma_start3A_286] : memref<2048x2048xf32, #tpu.memory_space<hbm>> -> memref<8x2048xf32, #tpu.memory_space<hbm>>
    %dma_start3A_288 = arith.constant 0 : i32
    %dma_start3A_289 = tpu.memref_slice %arg4[%add3A_280, %dma_start3A_288] : memref<2048x2048xf32, #tpu.memory_space<hbm>> -> memref<8x2048xf32, #tpu.memory_space<hbm>>
    %dma_start3A_290 = arith.constant 0 : i32
    %dma_start3A_291 = arith.constant 0 : i32
    %dma_start3A_292 = tpu.memref_slice %arg7[%dma_start3A_281, %dma_start3A_290, %dma_start3A_291] : memref<2x8x2048xf32, #tpu.memory_space<vmem>> -> memref<1x8x2048xf32, #tpu.memory_space<vmem>>
    %dma_start3A_293 = tpu.memref_squeeze %dma_start3A_292 : memref<1x8x2048xf32, #tpu.memory_space<vmem>> -> memref<8x2048xf32, #tpu.memory_space<vmem>>
    tpu.enqueue_dma source(%dma_start3A_293 : memref<8x2048xf32, #tpu.memory_space<vmem>>) target(%dma_start3A_289 : memref<8x2048xf32, #tpu.memory_space<hbm>>) target_semaphore(%arg10 : memref<!tpu.dma_semaphore, #tpu.memory_space<semaphore_mem>>)
    %add3A_294 = arith.constant 48 : i32
    %add3A_295 = arith.addi %mul3A_2, %add3A_294 : i32
    %dma_start3A_296 = arith.constant 0 : i32
    %dma_start3A_297 = arith.constant 0 : i32
    %dma_start3A_298 = arith.constant 0 : i32
    %dma_start3A_299 = tpu.memref_slice %arg6[%dma_start3A_296, %dma_start3A_297, %dma_start3A_298] : memref<2x8x2048xi32, #tpu.memory_space<vmem>> -> memref<1x8x2048xi32, #tpu.memory_space<vmem>>
    %dma_start3A_300 = tpu.memref_squeeze %dma_start3A_299 : memref<1x8x2048xi32, #tpu.memory_space<vmem>> -> memref<8x2048xi32, #tpu.memory_space<vmem>>
    %dma_start3A_301 = arith.constant 0 : i32
    %dma_start3A_302 = tpu.memref_slice %arg3[%add3A_295, %dma_start3A_301] : memref<2048x2048xi32, #tpu.memory_space<hbm>> -> memref<8x2048xi32, #tpu.memory_space<hbm>>
    %dma_start3A_303 = arith.constant 0 : i32
    %dma_start3A_304 = arith.constant 0 : i32
    %dma_start3A_305 = tpu.memref_slice %arg6[%dma_start3A_296, %dma_start3A_303, %dma_start3A_304] : memref<2x8x2048xi32, #tpu.memory_space<vmem>> -> memref<1x8x2048xi32, #tpu.memory_space<vmem>>
    %dma_start3A_306 = tpu.memref_squeeze %dma_start3A_305 : memref<1x8x2048xi32, #tpu.memory_space<vmem>> -> memref<8x2048xi32, #tpu.memory_space<vmem>>
    %dma_start3A_307 = arith.constant 0 : i32
    %dma_start3A_308 = tpu.memref_slice %arg3[%add3A_295, %dma_start3A_307] : memref<2048x2048xi32, #tpu.memory_space<hbm>> -> memref<8x2048xi32, #tpu.memory_space<hbm>>
    tpu.enqueue_dma source(%dma_start3A_308 : memref<8x2048xi32, #tpu.memory_space<hbm>>) target(%dma_start3A_306 : memref<8x2048xi32, #tpu.memory_space<vmem>>) target_semaphore(%arg8 : memref<!tpu.dma_semaphore, #tpu.memory_space<semaphore_mem>>)
    %dma_wait3A_309 = arith.constant 1 : i32
    %dma_wait3A_310 = arith.constant 0 : i32
    %dma_wait3A_311 = arith.constant 0 : i32
    %dma_wait3A_312 = tpu.memref_slice %arg6[%dma_wait3A_309, %dma_wait3A_310, %dma_wait3A_311] : memref<2x8x2048xi32, #tpu.memory_space<vmem>> -> memref<1x8x2048xi32, #tpu.memory_space<vmem>>
    %dma_wait3A_313 = tpu.memref_squeeze %dma_wait3A_312 : memref<1x8x2048xi32, #tpu.memory_space<vmem>> -> memref<8x2048xi32, #tpu.memory_space<vmem>>
    %dma_wait3A_314 = arith.constant 0 : i32
    %dma_wait3A_315 = tpu.memref_slice %arg3[%add3A_234, %dma_wait3A_314] : memref<2048x2048xi32, #tpu.memory_space<hbm>> -> memref<8x2048xi32, #tpu.memory_space<hbm>>
    %dma_wait3A_316 = arith.constant 0 : i32
    %dma_wait3A_317 = arith.constant 0 : i32
    %dma_wait3A_318 = tpu.memref_slice %arg6[%dma_wait3A_309, %dma_wait3A_316, %dma_wait3A_317] : memref<2x8x2048xi32, #tpu.memory_space<vmem>> -> memref<1x8x2048xi32, #tpu.memory_space<vmem>>
    %dma_wait3A_319 = tpu.memref_squeeze %dma_wait3A_318 : memref<1x8x2048xi32, #tpu.memory_space<vmem>> -> memref<8x2048xi32, #tpu.memory_space<vmem>>
    %dma_wait3A_320 = arith.constant 0 : i32
    %dma_wait3A_321 = tpu.memref_slice %arg3[%add3A_234, %dma_wait3A_320] : memref<2048x2048xi32, #tpu.memory_space<hbm>> -> memref<8x2048xi32, #tpu.memory_space<hbm>>
    tpu.wait_dma2 semaphore(%arg9 : memref<!tpu.dma_semaphore, #tpu.memory_space<semaphore_mem>>) src(%dma_wait3A_321 : memref<8x2048xi32, #tpu.memory_space<hbm>>) dst(%dma_wait3A_319 : memref<8x2048xi32, #tpu.memory_space<vmem>>)
    %dma_wait3A_322 = arith.constant 1 : i32
    %dma_wait3A_323 = arith.constant 0 : i32
    %dma_wait3A_324 = arith.constant 0 : i32
    %dma_wait3A_325 = tpu.memref_slice %arg7[%dma_wait3A_322, %dma_wait3A_323, %dma_wait3A_324] : memref<2x8x2048xf32, #tpu.memory_space<vmem>> -> memref<1x8x2048xf32, #tpu.memory_space<vmem>>
    %dma_wait3A_326 = tpu.memref_squeeze %dma_wait3A_325 : memref<1x8x2048xf32, #tpu.memory_space<vmem>> -> memref<8x2048xf32, #tpu.memory_space<vmem>>
    %dma_wait3A_327 = arith.constant 0 : i32
    %dma_wait3A_328 = tpu.memref_slice %arg4[%add3A_219, %dma_wait3A_327] : memref<2048x2048xf32, #tpu.memory_space<hbm>> -> memref<8x2048xf32, #tpu.memory_space<hbm>>
    %dma_wait3A_329 = arith.constant 0 : i32
    %dma_wait3A_330 = tpu.memref_slice %arg4[%add3A_219, %dma_wait3A_329] : memref<2048x2048xf32, #tpu.memory_space<hbm>> -> memref<8x2048xf32, #tpu.memory_space<hbm>>
    %dma_wait3A_331 = arith.constant 0 : i32
    %dma_wait3A_332 = arith.constant 0 : i32
    %dma_wait3A_333 = tpu.memref_slice %arg7[%dma_wait3A_322, %dma_wait3A_331, %dma_wait3A_332] : memref<2x8x2048xf32, #tpu.memory_space<vmem>> -> memref<1x8x2048xf32, #tpu.memory_space<vmem>>
    %dma_wait3A_334 = tpu.memref_squeeze %dma_wait3A_333 : memref<1x8x2048xf32, #tpu.memory_space<vmem>> -> memref<8x2048xf32, #tpu.memory_space<vmem>>
    tpu.wait_dma2 semaphore(%arg11 : memref<!tpu.dma_semaphore, #tpu.memory_space<semaphore_mem>>) src(%dma_wait3A_334 : memref<8x2048xf32, #tpu.memory_space<vmem>>) dst(%dma_wait3A_330 : memref<8x2048xf32, #tpu.memory_space<hbm>>)
    %parallel_loop3A_335 = arith.constant 0 : i32
    %parallel_loop3A_336 = arith.constant 64 : i32
    %parallel_loop3A_337 = arith.constant 1 : i32
    %parallel_loop3A_338 = arith.constant 1 : i32
    %parallel_loop3A_339 = arith.constant 1 : i32
    scf.for %parallel_loop3A_488 = %parallel_loop3A_335 to %parallel_loop3A_336 step %parallel_loop3A_337  : i32 {
      %parallel_loop3A_489 = arith.constant 2 : i32
      %parallel_loop3A_490 = arith.muli %parallel_loop3A_488, %parallel_loop3A_489 : i32
      %parallel_loop3A_491 = arith.constant 0 : i32
      %parallel_loop3A_492 = arith.addi %parallel_loop3A_490, %parallel_loop3A_491 : i32
      %parallel_loop3A_493 = arith.constant 16 : i32
      %parallel_loop3A_494 = arith.muli %parallel_loop3A_492, %parallel_loop3A_493 : i32
      %parallel_loop3A_495 = arith.constant 0 : i32
      %parallel_loop3A_496 = arith.constant 0 : i32
      %parallel_loop3A_497 = arith.constant 0 : i32
      %parallel_loop3A_498 = tpu.memref_slice %arg6[%parallel_loop3A_338, %parallel_loop3A_496, %parallel_loop3A_497] : memref<2x8x2048xi32, #tpu.memory_space<vmem>> -> memref<1x8x2048xi32, #tpu.memory_space<vmem>>
      %parallel_loop3A_499 = tpu.memref_squeeze %parallel_loop3A_498 : memref<1x8x2048xi32, #tpu.memory_space<vmem>> -> memref<8x2048xi32, #tpu.memory_space<vmem>>
      %parallel_loop3A_500 = arith.index_cast %parallel_loop3A_495 : i32 to index
      %parallel_loop3A_501 = arith.index_cast %parallel_loop3A_494 : i32 to index
      %parallel_loop3A_502 = tpu.vector_load %parallel_loop3A_499[%parallel_loop3A_500, %parallel_loop3A_501] {strides = array<i32>} : memref<8x2048xi32, #tpu.memory_space<vmem>>, vector<16xi32>,
      %parallel_loop3A_503 = arith.constant 2 : i32
      %parallel_loop3A_504 = arith.muli %parallel_loop3A_488, %parallel_loop3A_503 : i32
      %parallel_loop3A_505 = arith.constant 0 : i32
      %parallel_loop3A_506 = arith.addi %parallel_loop3A_504, %parallel_loop3A_505 : i32
      %parallel_loop3A_507 = arith.constant 16 : i32
      %parallel_loop3A_508 = arith.muli %parallel_loop3A_506, %parallel_loop3A_507 : i32
      %parallel_loop3A_509 = arith.constant 1 : i32
      %parallel_loop3A_510 = arith.constant 0 : i32
      %parallel_loop3A_511 = arith.constant 0 : i32
      %parallel_loop3A_512 = tpu.memref_slice %arg6[%parallel_loop3A_338, %parallel_loop3A_510, %parallel_loop3A_511] : memref<2x8x2048xi32, #tpu.memory_space<vmem>> -> memref<1x8x2048xi32, #tpu.memory_space<vmem>>
      %parallel_loop3A_513 = tpu.memref_squeeze %parallel_loop3A_512 : memref<1x8x2048xi32, #tpu.memory_space<vmem>> -> memref<8x2048xi32, #tpu.memory_space<vmem>>
      %parallel_loop3A_514 = arith.index_cast %parallel_loop3A_509 : i32 to index
      %parallel_loop3A_515 = arith.index_cast %parallel_loop3A_508 : i32 to index
      %parallel_loop3A_516 = tpu.vector_load %parallel_loop3A_513[%parallel_loop3A_514, %parallel_loop3A_515] {strides = array<i32>} : memref<8x2048xi32, #tpu.memory_space<vmem>>, vector<16xi32>,
      %parallel_loop3A_517 = arith.constant 2 : i32
      %parallel_loop3A_518 = arith.muli %parallel_loop3A_488, %parallel_loop3A_517 : i32
      %parallel_loop3A_519 = arith.constant 0 : i32
      %parallel_loop3A_520 = arith.addi %parallel_loop3A_518, %parallel_loop3A_519 : i32
      %parallel_loop3A_521 = arith.constant 16 : i32
      %parallel_loop3A_522 = arith.muli %parallel_loop3A_520, %parallel_loop3A_521 : i32
      %parallel_loop3A_523 = arith.constant 2 : i32
      %parallel_loop3A_524 = arith.constant 0 : i32
      %parallel_loop3A_525 = arith.constant 0 : i32
      %parallel_loop3A_526 = tpu.memref_slice %arg6[%parallel_loop3A_338, %parallel_loop3A_524, %parallel_loop3A_525] : memref<2x8x2048xi32, #tpu.memory_space<vmem>> -> memref<1x8x2048xi32, #tpu.memory_space<vmem>>
      %parallel_loop3A_527 = tpu.memref_squeeze %parallel_loop3A_526 : memref<1x8x2048xi32, #tpu.memory_space<vmem>> -> memref<8x2048xi32, #tpu.memory_space<vmem>>
      %parallel_loop3A_528 = arith.index_cast %parallel_loop3A_523 : i32 to index
      %parallel_loop3A_529 = arith.index_cast %parallel_loop3A_522 : i32 to index
      %parallel_loop3A_530 = tpu.vector_load %parallel_loop3A_527[%parallel_loop3A_528, %parallel_loop3A_529] {strides = array<i32>} : memref<8x2048xi32, #tpu.memory_space<vmem>>, vector<16xi32>,
      %parallel_loop3A_531 = arith.constant 2 : i32
      %parallel_loop3A_532 = arith.muli %parallel_loop3A_488, %parallel_loop3A_531 : i32
      %parallel_loop3A_533 = arith.constant 0 : i32
      %parallel_loop3A_534 = arith.addi %parallel_loop3A_532, %parallel_loop3A_533 : i32
      %parallel_loop3A_535 = arith.constant 16 : i32
      %parallel_loop3A_536 = arith.muli %parallel_loop3A_534, %parallel_loop3A_535 : i32
      %parallel_loop3A_537 = arith.constant 3 : i32
      %parallel_loop3A_538 = arith.constant 0 : i32
      %parallel_loop3A_539 = arith.constant 0 : i32
      %parallel_loop3A_540 = tpu.memref_slice %arg6[%parallel_loop3A_338, %parallel_loop3A_538, %parallel_loop3A_539] : memref<2x8x2048xi32, #tpu.memory_space<vmem>> -> memref<1x8x2048xi32, #tpu.memory_space<vmem>>
      %parallel_loop3A_541 = tpu.memref_squeeze %parallel_loop3A_540 : memref<1x8x2048xi32, #tpu.memory_space<vmem>> -> memref<8x2048xi32, #tpu.memory_space<vmem>>
      %parallel_loop3A_542 = arith.index_cast %parallel_loop3A_537 : i32 to index
      %parallel_loop3A_543 = arith.index_cast %parallel_loop3A_536 : i32 to index
      %parallel_loop3A_544 = tpu.vector_load %parallel_loop3A_541[%parallel_loop3A_542, %parallel_loop3A_543] {strides = array<i32>} : memref<8x2048xi32, #tpu.memory_space<vmem>>, vector<16xi32>,
      %parallel_loop3A_545 = arith.constant 2 : i32
      %parallel_loop3A_546 = arith.muli %parallel_loop3A_488, %parallel_loop3A_545 : i32
      %parallel_loop3A_547 = arith.constant 0 : i32
      %parallel_loop3A_548 = arith.addi %parallel_loop3A_546, %parallel_loop3A_547 : i32
      %parallel_loop3A_549 = arith.constant 16 : i32
      %parallel_loop3A_550 = arith.muli %parallel_loop3A_548, %parallel_loop3A_549 : i32
      %parallel_loop3A_551 = arith.constant 4 : i32
      %parallel_loop3A_552 = arith.constant 0 : i32
      %parallel_loop3A_553 = arith.constant 0 : i32
      %parallel_loop3A_554 = tpu.memref_slice %arg6[%parallel_loop3A_338, %parallel_loop3A_552, %parallel_loop3A_553] : memref<2x8x2048xi32, #tpu.memory_space<vmem>> -> memref<1x8x2048xi32, #tpu.memory_space<vmem>>
      %parallel_loop3A_555 = tpu.memref_squeeze %parallel_loop3A_554 : memref<1x8x2048xi32, #tpu.memory_space<vmem>> -> memref<8x2048xi32, #tpu.memory_space<vmem>>
      %parallel_loop3A_556 = arith.index_cast %parallel_loop3A_551 : i32 to index
      %parallel_loop3A_557 = arith.index_cast %parallel_loop3A_550 : i32 to index
      %parallel_loop3A_558 = tpu.vector_load %parallel_loop3A_555[%parallel_loop3A_556, %parallel_loop3A_557] {strides = array<i32>} : memref<8x2048xi32, #tpu.memory_space<vmem>>, vector<16xi32>,
      %parallel_loop3A_559 = arith.constant 2 : i32
      %parallel_loop3A_560 = arith.muli %parallel_loop3A_488, %parallel_loop3A_559 : i32
      %parallel_loop3A_561 = arith.constant 0 : i32
      %parallel_loop3A_562 = arith.addi %parallel_loop3A_560, %parallel_loop3A_561 : i32
      %parallel_loop3A_563 = arith.constant 16 : i32
      %parallel_loop3A_564 = arith.muli %parallel_loop3A_562, %parallel_loop3A_563 : i32
      %parallel_loop3A_565 = arith.constant 5 : i32
      %parallel_loop3A_566 = arith.constant 0 : i32
      %parallel_loop3A_567 = arith.constant 0 : i32
      %parallel_loop3A_568 = tpu.memref_slice %arg6[%parallel_loop3A_338, %parallel_loop3A_566, %parallel_loop3A_567] : memref<2x8x2048xi32, #tpu.memory_space<vmem>> -> memref<1x8x2048xi32, #tpu.memory_space<vmem>>
      %parallel_loop3A_569 = tpu.memref_squeeze %parallel_loop3A_568 : memref<1x8x2048xi32, #tpu.memory_space<vmem>> -> memref<8x2048xi32, #tpu.memory_space<vmem>>
      %parallel_loop3A_570 = arith.index_cast %parallel_loop3A_565 : i32 to index
      %parallel_loop3A_571 = arith.index_cast %parallel_loop3A_564 : i32 to index
      %parallel_loop3A_572 = tpu.vector_load %parallel_loop3A_569[%parallel_loop3A_570, %parallel_loop3A_571] {strides = array<i32>} : memref<8x2048xi32, #tpu.memory_space<vmem>>, vector<16xi32>,
      %parallel_loop3A_573 = arith.constant 2 : i32
      %parallel_loop3A_574 = arith.muli %parallel_loop3A_488, %parallel_loop3A_573 : i32
      %parallel_loop3A_575 = arith.constant 0 : i32
      %parallel_loop3A_576 = arith.addi %parallel_loop3A_574, %parallel_loop3A_575 : i32
      %parallel_loop3A_577 = arith.constant 16 : i32
      %parallel_loop3A_578 = arith.muli %parallel_loop3A_576, %parallel_loop3A_577 : i32
      %parallel_loop3A_579 = arith.constant 6 : i32
      %parallel_loop3A_580 = arith.constant 0 : i32
      %parallel_loop3A_581 = arith.constant 0 : i32
      %parallel_loop3A_582 = tpu.memref_slice %arg6[%parallel_loop3A_338, %parallel_loop3A_580, %parallel_loop3A_581] : memref<2x8x2048xi32, #tpu.memory_space<vmem>> -> memref<1x8x2048xi32, #tpu.memory_space<vmem>>
      %parallel_loop3A_583 = tpu.memref_squeeze %parallel_loop3A_582 : memref<1x8x2048xi32, #tpu.memory_space<vmem>> -> memref<8x2048xi32, #tpu.memory_space<vmem>>
      %parallel_loop3A_584 = arith.index_cast %parallel_loop3A_579 : i32 to index
      %parallel_loop3A_585 = arith.index_cast %parallel_loop3A_578 : i32 to index
      %parallel_loop3A_586 = tpu.vector_load %parallel_loop3A_583[%parallel_loop3A_584, %parallel_loop3A_585] {strides = array<i32>} : memref<8x2048xi32, #tpu.memory_space<vmem>>, vector<16xi32>,
      %parallel_loop3A_587 = arith.constant 2 : i32
      %parallel_loop3A_588 = arith.muli %parallel_loop3A_488, %parallel_loop3A_587 : i32
      %parallel_loop3A_589 = arith.constant 0 : i32
      %parallel_loop3A_590 = arith.addi %parallel_loop3A_588, %parallel_loop3A_589 : i32
      %parallel_loop3A_591 = arith.constant 16 : i32
      %parallel_loop3A_592 = arith.muli %parallel_loop3A_590, %parallel_loop3A_591 : i32
      %parallel_loop3A_593 = arith.constant 7 : i32
      %parallel_loop3A_594 = arith.constant 0 : i32
      %parallel_loop3A_595 = arith.constant 0 : i32
      %parallel_loop3A_596 = tpu.memref_slice %arg6[%parallel_loop3A_338, %parallel_loop3A_594, %parallel_loop3A_595] : memref<2x8x2048xi32, #tpu.memory_space<vmem>> -> memref<1x8x2048xi32, #tpu.memory_space<vmem>>
      %parallel_loop3A_597 = tpu.memref_squeeze %parallel_loop3A_596 : memref<1x8x2048xi32, #tpu.memory_space<vmem>> -> memref<8x2048xi32, #tpu.memory_space<vmem>>
      %parallel_loop3A_598 = arith.index_cast %parallel_loop3A_593 : i32 to index
      %parallel_loop3A_599 = arith.index_cast %parallel_loop3A_592 : i32 to index
      %parallel_loop3A_600 = tpu.vector_load %parallel_loop3A_597[%parallel_loop3A_598, %parallel_loop3A_599] {strides = array<i32>} : memref<8x2048xi32, #tpu.memory_space<vmem>>, vector<16xi32>,
      %parallel_loop3A_601 = arith.constant 2 : i32
      %parallel_loop3A_602 = arith.muli %parallel_loop3A_488, %parallel_loop3A_601 : i32
      %parallel_loop3A_603 = arith.constant 1 : i32
      %parallel_loop3A_604 = arith.addi %parallel_loop3A_602, %parallel_loop3A_603 : i32
      %parallel_loop3A_605 = arith.constant 16 : i32
      %parallel_loop3A_606 = arith.muli %parallel_loop3A_604, %parallel_loop3A_605 : i32
      %parallel_loop3A_607 = arith.constant 0 : i32
      %parallel_loop3A_608 = arith.constant 0 : i32
      %parallel_loop3A_609 = arith.constant 0 : i32
      %parallel_loop3A_610 = tpu.memref_slice %arg6[%parallel_loop3A_338, %parallel_loop3A_608, %parallel_loop3A_609] : memref<2x8x2048xi32, #tpu.memory_space<vmem>> -> memref<1x8x2048xi32, #tpu.memory_space<vmem>>
      %parallel_loop3A_611 = tpu.memref_squeeze %parallel_loop3A_610 : memref<1x8x2048xi32, #tpu.memory_space<vmem>> -> memref<8x2048xi32, #tpu.memory_space<vmem>>
      %parallel_loop3A_612 = arith.index_cast %parallel_loop3A_607 : i32 to index
      %parallel_loop3A_613 = arith.index_cast %parallel_loop3A_606 : i32 to index
      %parallel_loop3A_614 = tpu.vector_load %parallel_loop3A_611[%parallel_loop3A_612, %parallel_loop3A_613] {strides = array<i32>} : memref<8x2048xi32, #tpu.memory_space<vmem>>, vector<16xi32>,
      %parallel_loop3A_615 = arith.constant 2 : i32
      %parallel_loop3A_616 = arith.muli %parallel_loop3A_488, %parallel_loop3A_615 : i32
      %parallel_loop3A_617 = arith.constant 1 : i32
      %parallel_loop3A_618 = arith.addi %parallel_loop3A_616, %parallel_loop3A_617 : i32
      %parallel_loop3A_619 = arith.constant 16 : i32
      %parallel_loop3A_620 = arith.muli %parallel_loop3A_618, %parallel_loop3A_619 : i32
      %parallel_loop3A_621 = arith.constant 1 : i32
      %parallel_loop3A_622 = arith.constant 0 : i32
      %parallel_loop3A_623 = arith.constant 0 : i32
      %parallel_loop3A_624 = tpu.memref_slice %arg6[%parallel_loop3A_338, %parallel_loop3A_622, %parallel_loop3A_623] : memref<2x8x2048xi32, #tpu.memory_space<vmem>> -> memref<1x8x2048xi32, #tpu.memory_space<vmem>>
      %parallel_loop3A_625 = tpu.memref_squeeze %parallel_loop3A_624 : memref<1x8x2048xi32, #tpu.memory_space<vmem>> -> memref<8x2048xi32, #tpu.memory_space<vmem>>
      %parallel_loop3A_626 = arith.index_cast %parallel_loop3A_621 : i32 to index
      %parallel_loop3A_627 = arith.index_cast %parallel_loop3A_620 : i32 to index
      %parallel_loop3A_628 = tpu.vector_load %parallel_loop3A_625[%parallel_loop3A_626, %parallel_loop3A_627] {strides = array<i32>} : memref<8x2048xi32, #tpu.memory_space<vmem>>, vector<16xi32>,
      %parallel_loop3A_629 = arith.constant 2 : i32
      %parallel_loop3A_630 = arith.muli %parallel_loop3A_488, %parallel_loop3A_629 : i32
      %parallel_loop3A_631 = arith.constant 1 : i32
      %parallel_loop3A_632 = arith.addi %parallel_loop3A_630, %parallel_loop3A_631 : i32
      %parallel_loop3A_633 = arith.constant 16 : i32
      %parallel_loop3A_634 = arith.muli %parallel_loop3A_632, %parallel_loop3A_633 : i32
      %parallel_loop3A_635 = arith.constant 2 : i32
      %parallel_loop3A_636 = arith.constant 0 : i32
      %parallel_loop3A_637 = arith.constant 0 : i32
      %parallel_loop3A_638 = tpu.memref_slice %arg6[%parallel_loop3A_338, %parallel_loop3A_636, %parallel_loop3A_637] : memref<2x8x2048xi32, #tpu.memory_space<vmem>> -> memref<1x8x2048xi32, #tpu.memory_space<vmem>>
      %parallel_loop3A_639 = tpu.memref_squeeze %parallel_loop3A_638 : memref<1x8x2048xi32, #tpu.memory_space<vmem>> -> memref<8x2048xi32, #tpu.memory_space<vmem>>
      %parallel_loop3A_640 = arith.index_cast %parallel_loop3A_635 : i32 to index
      %parallel_loop3A_641 = arith.index_cast %parallel_loop3A_634 : i32 to index
      %parallel_loop3A_642 = tpu.vector_load %parallel_loop3A_639[%parallel_loop3A_640, %parallel_loop3A_641] {strides = array<i32>} : memref<8x2048xi32, #tpu.memory_space<vmem>>, vector<16xi32>,
      %parallel_loop3A_643 = arith.constant 2 : i32
      %parallel_loop3A_644 = arith.muli %parallel_loop3A_488, %parallel_loop3A_643 : i32
      %parallel_loop3A_645 = arith.constant 1 : i32
      %parallel_loop3A_646 = arith.addi %parallel_loop3A_644, %parallel_loop3A_645 : i32
      %parallel_loop3A_647 = arith.constant 16 : i32
      %parallel_loop3A_648 = arith.muli %parallel_loop3A_646, %parallel_loop3A_647 : i32
      %parallel_loop3A_649 = arith.constant 3 : i32
      %parallel_loop3A_650 = arith.constant 0 : i32
      %parallel_loop3A_651 = arith.constant 0 : i32
      %parallel_loop3A_652 = tpu.memref_slice %arg6[%parallel_loop3A_338, %parallel_loop3A_650, %parallel_loop3A_651] : memref<2x8x2048xi32, #tpu.memory_space<vmem>> -> memref<1x8x2048xi32, #tpu.memory_space<vmem>>
      %parallel_loop3A_653 = tpu.memref_squeeze %parallel_loop3A_652 : memref<1x8x2048xi32, #tpu.memory_space<vmem>> -> memref<8x2048xi32, #tpu.memory_space<vmem>>
      %parallel_loop3A_654 = arith.index_cast %parallel_loop3A_649 : i32 to index
      %parallel_loop3A_655 = arith.index_cast %parallel_loop3A_648 : i32 to index
      %parallel_loop3A_656 = tpu.vector_load %parallel_loop3A_653[%parallel_loop3A_654, %parallel_loop3A_655] {strides = array<i32>} : memref<8x2048xi32, #tpu.memory_space<vmem>>, vector<16xi32>,
      %parallel_loop3A_657 = arith.constant 2 : i32
      %parallel_loop3A_658 = arith.muli %parallel_loop3A_488, %parallel_loop3A_657 : i32
      %parallel_loop3A_659 = arith.constant 1 : i32
      %parallel_loop3A_660 = arith.addi %parallel_loop3A_658, %parallel_loop3A_659 : i32
      %parallel_loop3A_661 = arith.constant 16 : i32
      %parallel_loop3A_662 = arith.muli %parallel_loop3A_660, %parallel_loop3A_661 : i32
      %parallel_loop3A_663 = arith.constant 4 : i32
      %parallel_loop3A_664 = arith.constant 0 : i32
      %parallel_loop3A_665 = arith.constant 0 : i32
      %parallel_loop3A_666 = tpu.memref_slice %arg6[%parallel_loop3A_338, %parallel_loop3A_664, %parallel_loop3A_665] : memref<2x8x2048xi32, #tpu.memory_space<vmem>> -> memref<1x8x2048xi32, #tpu.memory_space<vmem>>
      %parallel_loop3A_667 = tpu.memref_squeeze %parallel_loop3A_666 : memref<1x8x2048xi32, #tpu.memory_space<vmem>> -> memref<8x2048xi32, #tpu.memory_space<vmem>>
      %parallel_loop3A_668 = arith.index_cast %parallel_loop3A_663 : i32 to index
      %parallel_loop3A_669 = arith.index_cast %parallel_loop3A_662 : i32 to index
      %parallel_loop3A_670 = tpu.vector_load %parallel_loop3A_667[%parallel_loop3A_668, %parallel_loop3A_669] {strides = array<i32>} : memref<8x2048xi32, #tpu.memory_space<vmem>>, vector<16xi32>,
      %parallel_loop3A_671 = arith.constant 2 : i32
      %parallel_loop3A_672 = arith.muli %parallel_loop3A_488, %parallel_loop3A_671 : i32
      %parallel_loop3A_673 = arith.constant 1 : i32
      %parallel_loop3A_674 = arith.addi %parallel_loop3A_672, %parallel_loop3A_673 : i32
      %parallel_loop3A_675 = arith.constant 16 : i32
      %parallel_loop3A_676 = arith.muli %parallel_loop3A_674, %parallel_loop3A_675 : i32
      %parallel_loop3A_677 = arith.constant 5 : i32
      %parallel_loop3A_678 = arith.constant 0 : i32
      %parallel_loop3A_679 = arith.constant 0 : i32
      %parallel_loop3A_680 = tpu.memref_slice %arg6[%parallel_loop3A_338, %parallel_loop3A_678, %parallel_loop3A_679] : memref<2x8x2048xi32, #tpu.memory_space<vmem>> -> memref<1x8x2048xi32, #tpu.memory_space<vmem>>
      %parallel_loop3A_681 = tpu.memref_squeeze %parallel_loop3A_680 : memref<1x8x2048xi32, #tpu.memory_space<vmem>> -> memref<8x2048xi32, #tpu.memory_space<vmem>>
      %parallel_loop3A_682 = arith.index_cast %parallel_loop3A_677 : i32 to index
      %parallel_loop3A_683 = arith.index_cast %parallel_loop3A_676 : i32 to index
      %parallel_loop3A_684 = tpu.vector_load %parallel_loop3A_681[%parallel_loop3A_682, %parallel_loop3A_683] {strides = array<i32>} : memref<8x2048xi32, #tpu.memory_space<vmem>>, vector<16xi32>,
      %parallel_loop3A_685 = arith.constant 2 : i32
      %parallel_loop3A_686 = arith.muli %parallel_loop3A_488, %parallel_loop3A_685 : i32
      %parallel_loop3A_687 = arith.constant 1 : i32
      %parallel_loop3A_688 = arith.addi %parallel_loop3A_686, %parallel_loop3A_687 : i32
      %parallel_loop3A_689 = arith.constant 16 : i32
      %parallel_loop3A_690 = arith.muli %parallel_loop3A_688, %parallel_loop3A_689 : i32
      %parallel_loop3A_691 = arith.constant 6 : i32
      %parallel_loop3A_692 = arith.constant 0 : i32
      %parallel_loop3A_693 = arith.constant 0 : i32
      %parallel_loop3A_694 = tpu.memref_slice %arg6[%parallel_loop3A_338, %parallel_loop3A_692, %parallel_loop3A_693] : memref<2x8x2048xi32, #tpu.memory_space<vmem>> -> memref<1x8x2048xi32, #tpu.memory_space<vmem>>
      %parallel_loop3A_695 = tpu.memref_squeeze %parallel_loop3A_694 : memref<1x8x2048xi32, #tpu.memory_space<vmem>> -> memref<8x2048xi32, #tpu.memory_space<vmem>>
      %parallel_loop3A_696 = arith.index_cast %parallel_loop3A_691 : i32 to index
      %parallel_loop3A_697 = arith.index_cast %parallel_loop3A_690 : i32 to index
      %parallel_loop3A_698 = tpu.vector_load %parallel_loop3A_695[%parallel_loop3A_696, %parallel_loop3A_697] {strides = array<i32>} : memref<8x2048xi32, #tpu.memory_space<vmem>>, vector<16xi32>,
      %parallel_loop3A_699 = arith.constant 2 : i32
      %parallel_loop3A_700 = arith.muli %parallel_loop3A_488, %parallel_loop3A_699 : i32
      %parallel_loop3A_701 = arith.constant 1 : i32
      %parallel_loop3A_702 = arith.addi %parallel_loop3A_700, %parallel_loop3A_701 : i32
      %parallel_loop3A_703 = arith.constant 16 : i32
      %parallel_loop3A_704 = arith.muli %parallel_loop3A_702, %parallel_loop3A_703 : i32
      %parallel_loop3A_705 = arith.constant 7 : i32
      %parallel_loop3A_706 = arith.constant 0 : i32
      %parallel_loop3A_707 = arith.constant 0 : i32
      %parallel_loop3A_708 = tpu.memref_slice %arg6[%parallel_loop3A_338, %parallel_loop3A_706, %parallel_loop3A_707] : memref<2x8x2048xi32, #tpu.memory_space<vmem>> -> memref<1x8x2048xi32, #tpu.memory_space<vmem>>
      %parallel_loop3A_709 = tpu.memref_squeeze %parallel_loop3A_708 : memref<1x8x2048xi32, #tpu.memory_space<vmem>> -> memref<8x2048xi32, #tpu.memory_space<vmem>>
      %parallel_loop3A_710 = arith.index_cast %parallel_loop3A_705 : i32 to index
      %parallel_loop3A_711 = arith.index_cast %parallel_loop3A_704 : i32 to index
      %parallel_loop3A_712 = tpu.vector_load %parallel_loop3A_709[%parallel_loop3A_710, %parallel_loop3A_711] {strides = array<i32>} : memref<8x2048xi32, #tpu.memory_space<vmem>>, vector<16xi32>,
      %parallel_loop3A_713 = tpu.vector_load_idx %arg5[%parallel_loop3A_502] : memref<10000xf32, #tpu.memory_space<vmem>>[vector<16xi32>], vector<16xf32>,
      %parallel_loop3A_714 = tpu.vector_load_idx %arg5[%parallel_loop3A_516] : memref<10000xf32, #tpu.memory_space<vmem>>[vector<16xi32>], vector<16xf32>,
      %parallel_loop3A_715 = tpu.vector_load_idx %arg5[%parallel_loop3A_530] : memref<10000xf32, #tpu.memory_space<vmem>>[vector<16xi32>], vector<16xf32>,
      %parallel_loop3A_716 = tpu.vector_load_idx %arg5[%parallel_loop3A_544] : memref<10000xf32, #tpu.memory_space<vmem>>[vector<16xi32>], vector<16xf32>,
      %parallel_loop3A_717 = tpu.vector_load_idx %arg5[%parallel_loop3A_558] : memref<10000xf32, #tpu.memory_space<vmem>>[vector<16xi32>], vector<16xf32>,
      %parallel_loop3A_718 = tpu.vector_load_idx %arg5[%parallel_loop3A_572] : memref<10000xf32, #tpu.memory_space<vmem>>[vector<16xi32>], vector<16xf32>,
      %parallel_loop3A_719 = tpu.vector_load_idx %arg5[%parallel_loop3A_586] : memref<10000xf32, #tpu.memory_space<vmem>>[vector<16xi32>], vector<16xf32>,
      %parallel_loop3A_720 = tpu.vector_load_idx %arg5[%parallel_loop3A_600] : memref<10000xf32, #tpu.memory_space<vmem>>[vector<16xi32>], vector<16xf32>,
      %parallel_loop3A_721 = tpu.vector_load_idx %arg5[%parallel_loop3A_614] : memref<10000xf32, #tpu.memory_space<vmem>>[vector<16xi32>], vector<16xf32>,
      %parallel_loop3A_722 = tpu.vector_load_idx %arg5[%parallel_loop3A_628] : memref<10000xf32, #tpu.memory_space<vmem>>[vector<16xi32>], vector<16xf32>,
      %parallel_loop3A_723 = tpu.vector_load_idx %arg5[%parallel_loop3A_642] : memref<10000xf32, #tpu.memory_space<vmem>>[vector<16xi32>], vector<16xf32>,
      %parallel_loop3A_724 = tpu.vector_load_idx %arg5[%parallel_loop3A_656] : memref<10000xf32, #tpu.memory_space<vmem>>[vector<16xi32>], vector<16xf32>,
      %parallel_loop3A_725 = tpu.vector_load_idx %arg5[%parallel_loop3A_670] : memref<10000xf32, #tpu.memory_space<vmem>>[vector<16xi32>], vector<16xf32>,
      %parallel_loop3A_726 = tpu.vector_load_idx %arg5[%parallel_loop3A_684] : memref<10000xf32, #tpu.memory_space<vmem>>[vector<16xi32>], vector<16xf32>,
      %parallel_loop3A_727 = tpu.vector_load_idx %arg5[%parallel_loop3A_698] : memref<10000xf32, #tpu.memory_space<vmem>>[vector<16xi32>], vector<16xf32>,
      %parallel_loop3A_728 = tpu.vector_load_idx %arg5[%parallel_loop3A_712] : memref<10000xf32, #tpu.memory_space<vmem>>[vector<16xi32>], vector<16xf32>,
      %parallel_loop3A_729 = arith.constant 2 : i32
      %parallel_loop3A_730 = arith.muli %parallel_loop3A_488, %parallel_loop3A_729 : i32
      %parallel_loop3A_731 = arith.constant 0 : i32
      %parallel_loop3A_732 = arith.addi %parallel_loop3A_730, %parallel_loop3A_731 : i32
      %parallel_loop3A_733 = arith.constant 16 : i32
      %parallel_loop3A_734 = arith.muli %parallel_loop3A_732, %parallel_loop3A_733 : i32
      %parallel_loop3A_735 = arith.constant 0 : i32
      %parallel_loop3A_736 = arith.constant 0 : i32
      %parallel_loop3A_737 = arith.constant 0 : i32
      %parallel_loop3A_738 = tpu.memref_slice %arg7[%parallel_loop3A_339, %parallel_loop3A_736, %parallel_loop3A_737] : memref<2x8x2048xf32, #tpu.memory_space<vmem>> -> memref<1x8x2048xf32, #tpu.memory_space<vmem>>
      %parallel_loop3A_739 = tpu.memref_squeeze %parallel_loop3A_738 : memref<1x8x2048xf32, #tpu.memory_space<vmem>> -> memref<8x2048xf32, #tpu.memory_space<vmem>>
      %parallel_loop3A_740 = arith.index_cast %parallel_loop3A_735 : i32 to index
      %parallel_loop3A_741 = arith.index_cast %parallel_loop3A_734 : i32 to index
      %parallel_loop3A_742 = tpu.vector_load %parallel_loop3A_739[%parallel_loop3A_740, %parallel_loop3A_741] {strides = array<i32>} : memref<8x2048xf32, #tpu.memory_space<vmem>>, vector<16xf32>,
      tpu.vector_store %parallel_loop3A_739[%parallel_loop3A_740, %parallel_loop3A_741], %parallel_loop3A_713 {strides = array<i32>} : memref<8x2048xf32, #tpu.memory_space<vmem>>, vector<16xf32>,
      %parallel_loop3A_743 = arith.constant 2 : i32
      %parallel_loop3A_744 = arith.muli %parallel_loop3A_488, %parallel_loop3A_743 : i32
      %parallel_loop3A_745 = arith.constant 0 : i32
      %parallel_loop3A_746 = arith.addi %parallel_loop3A_744, %parallel_loop3A_745 : i32
      %parallel_loop3A_747 = arith.constant 16 : i32
      %parallel_loop3A_748 = arith.muli %parallel_loop3A_746, %parallel_loop3A_747 : i32
      %parallel_loop3A_749 = arith.constant 1 : i32
      %parallel_loop3A_750 = arith.constant 0 : i32
      %parallel_loop3A_751 = arith.constant 0 : i32
      %parallel_loop3A_752 = tpu.memref_slice %arg7[%parallel_loop3A_339, %parallel_loop3A_750, %parallel_loop3A_751] : memref<2x8x2048xf32, #tpu.memory_space<vmem>> -> memref<1x8x2048xf32, #tpu.memory_space<vmem>>
      %parallel_loop3A_753 = tpu.memref_squeeze %parallel_loop3A_752 : memref<1x8x2048xf32, #tpu.memory_space<vmem>> -> memref<8x2048xf32, #tpu.memory_space<vmem>>
      %parallel_loop3A_754 = arith.index_cast %parallel_loop3A_749 : i32 to index
      %parallel_loop3A_755 = arith.index_cast %parallel_loop3A_748 : i32 to index
      %parallel_loop3A_756 = tpu.vector_load %parallel_loop3A_753[%parallel_loop3A_754, %parallel_loop3A_755] {strides = array<i32>} : memref<8x2048xf32, #tpu.memory_space<vmem>>, vector<16xf32>,
      tpu.vector_store %parallel_loop3A_753[%parallel_loop3A_754, %parallel_loop3A_755], %parallel_loop3A_714 {strides = array<i32>} : memref<8x2048xf32, #tpu.memory_space<vmem>>, vector<16xf32>,
      %parallel_loop3A_757 = arith.constant 2 : i32
      %parallel_loop3A_758 = arith.muli %parallel_loop3A_488, %parallel_loop3A_757 : i32
      %parallel_loop3A_759 = arith.constant 0 : i32
      %parallel_loop3A_760 = arith.addi %parallel_loop3A_758, %parallel_loop3A_759 : i32
      %parallel_loop3A_761 = arith.constant 16 : i32
      %parallel_loop3A_762 = arith.muli %parallel_loop3A_760, %parallel_loop3A_761 : i32
      %parallel_loop3A_763 = arith.constant 2 : i32
      %parallel_loop3A_764 = arith.constant 0 : i32
      %parallel_loop3A_765 = arith.constant 0 : i32
      %parallel_loop3A_766 = tpu.memref_slice %arg7[%parallel_loop3A_339, %parallel_loop3A_764, %parallel_loop3A_765] : memref<2x8x2048xf32, #tpu.memory_space<vmem>> -> memref<1x8x2048xf32, #tpu.memory_space<vmem>>
      %parallel_loop3A_767 = tpu.memref_squeeze %parallel_loop3A_766 : memref<1x8x2048xf32, #tpu.memory_space<vmem>> -> memref<8x2048xf32, #tpu.memory_space<vmem>>
      %parallel_loop3A_768 = arith.index_cast %parallel_loop3A_763 : i32 to index
      %parallel_loop3A_769 = arith.index_cast %parallel_loop3A_762 : i32 to index
      %parallel_loop3A_770 = tpu.vector_load %parallel_loop3A_767[%parallel_loop3A_768, %parallel_loop3A_769] {strides = array<i32>} : memref<8x2048xf32, #tpu.memory_space<vmem>>, vector<16xf32>,
      tpu.vector_store %parallel_loop3A_767[%parallel_loop3A_768, %parallel_loop3A_769], %parallel_loop3A_715 {strides = array<i32>} : memref<8x2048xf32, #tpu.memory_space<vmem>>, vector<16xf32>,
      %parallel_loop3A_771 = arith.constant 2 : i32
      %parallel_loop3A_772 = arith.muli %parallel_loop3A_488, %parallel_loop3A_771 : i32
      %parallel_loop3A_773 = arith.constant 0 : i32
      %parallel_loop3A_774 = arith.addi %parallel_loop3A_772, %parallel_loop3A_773 : i32
      %parallel_loop3A_775 = arith.constant 16 : i32
      %parallel_loop3A_776 = arith.muli %parallel_loop3A_774, %parallel_loop3A_775 : i32
      %parallel_loop3A_777 = arith.constant 3 : i32
      %parallel_loop3A_778 = arith.constant 0 : i32
      %parallel_loop3A_779 = arith.constant 0 : i32
      %parallel_loop3A_780 = tpu.memref_slice %arg7[%parallel_loop3A_339, %parallel_loop3A_778, %parallel_loop3A_779] : memref<2x8x2048xf32, #tpu.memory_space<vmem>> -> memref<1x8x2048xf32, #tpu.memory_space<vmem>>
      %parallel_loop3A_781 = tpu.memref_squeeze %parallel_loop3A_780 : memref<1x8x2048xf32, #tpu.memory_space<vmem>> -> memref<8x2048xf32, #tpu.memory_space<vmem>>
      %parallel_loop3A_782 = arith.index_cast %parallel_loop3A_777 : i32 to index
      %parallel_loop3A_783 = arith.index_cast %parallel_loop3A_776 : i32 to index
      %parallel_loop3A_784 = tpu.vector_load %parallel_loop3A_781[%parallel_loop3A_782, %parallel_loop3A_783] {strides = array<i32>} : memref<8x2048xf32, #tpu.memory_space<vmem>>, vector<16xf32>,
      tpu.vector_store %parallel_loop3A_781[%parallel_loop3A_782, %parallel_loop3A_783], %parallel_loop3A_716 {strides = array<i32>} : memref<8x2048xf32, #tpu.memory_space<vmem>>, vector<16xf32>,
      %parallel_loop3A_785 = arith.constant 2 : i32
      %parallel_loop3A_786 = arith.muli %parallel_loop3A_488, %parallel_loop3A_785 : i32
      %parallel_loop3A_787 = arith.constant 0 : i32
      %parallel_loop3A_788 = arith.addi %parallel_loop3A_786, %parallel_loop3A_787 : i32
      %parallel_loop3A_789 = arith.constant 16 : i32
      %parallel_loop3A_790 = arith.muli %parallel_loop3A_788, %parallel_loop3A_789 : i32
      %parallel_loop3A_791 = arith.constant 4 : i32
      %parallel_loop3A_792 = arith.constant 0 : i32
      %parallel_loop3A_793 = arith.constant 0 : i32
      %parallel_loop3A_794 = tpu.memref_slice %arg7[%parallel_loop3A_339, %parallel_loop3A_792, %parallel_loop3A_793] : memref<2x8x2048xf32, #tpu.memory_space<vmem>> -> memref<1x8x2048xf32, #tpu.memory_space<vmem>>
      %parallel_loop3A_795 = tpu.memref_squeeze %parallel_loop3A_794 : memref<1x8x2048xf32, #tpu.memory_space<vmem>> -> memref<8x2048xf32, #tpu.memory_space<vmem>>
      %parallel_loop3A_796 = arith.index_cast %parallel_loop3A_791 : i32 to index
      %parallel_loop3A_797 = arith.index_cast %parallel_loop3A_790 : i32 to index
      %parallel_loop3A_798 = tpu.vector_load %parallel_loop3A_795[%parallel_loop3A_796, %parallel_loop3A_797] {strides = array<i32>} : memref<8x2048xf32, #tpu.memory_space<vmem>>, vector<16xf32>,
      tpu.vector_store %parallel_loop3A_795[%parallel_loop3A_796, %parallel_loop3A_797], %parallel_loop3A_717 {strides = array<i32>} : memref<8x2048xf32, #tpu.memory_space<vmem>>, vector<16xf32>,
      %parallel_loop3A_799 = arith.constant 2 : i32
      %parallel_loop3A_800 = arith.muli %parallel_loop3A_488, %parallel_loop3A_799 : i32
      %parallel_loop3A_801 = arith.constant 0 : i32
      %parallel_loop3A_802 = arith.addi %parallel_loop3A_800, %parallel_loop3A_801 : i32
      %parallel_loop3A_803 = arith.constant 16 : i32
      %parallel_loop3A_804 = arith.muli %parallel_loop3A_802, %parallel_loop3A_803 : i32
      %parallel_loop3A_805 = arith.constant 5 : i32
      %parallel_loop3A_806 = arith.constant 0 : i32
      %parallel_loop3A_807 = arith.constant 0 : i32
      %parallel_loop3A_808 = tpu.memref_slice %arg7[%parallel_loop3A_339, %parallel_loop3A_806, %parallel_loop3A_807] : memref<2x8x2048xf32, #tpu.memory_space<vmem>> -> memref<1x8x2048xf32, #tpu.memory_space<vmem>>
      %parallel_loop3A_809 = tpu.memref_squeeze %parallel_loop3A_808 : memref<1x8x2048xf32, #tpu.memory_space<vmem>> -> memref<8x2048xf32, #tpu.memory_space<vmem>>
      %parallel_loop3A_810 = arith.index_cast %parallel_loop3A_805 : i32 to index
      %parallel_loop3A_811 = arith.index_cast %parallel_loop3A_804 : i32 to index
      %parallel_loop3A_812 = tpu.vector_load %parallel_loop3A_809[%parallel_loop3A_810, %parallel_loop3A_811] {strides = array<i32>} : memref<8x2048xf32, #tpu.memory_space<vmem>>, vector<16xf32>,
      tpu.vector_store %parallel_loop3A_809[%parallel_loop3A_810, %parallel_loop3A_811], %parallel_loop3A_718 {strides = array<i32>} : memref<8x2048xf32, #tpu.memory_space<vmem>>, vector<16xf32>,
      %parallel_loop3A_813 = arith.constant 2 : i32
      %parallel_loop3A_814 = arith.muli %parallel_loop3A_488, %parallel_loop3A_813 : i32
      %parallel_loop3A_815 = arith.constant 0 : i32
      %parallel_loop3A_816 = arith.addi %parallel_loop3A_814, %parallel_loop3A_815 : i32
      %parallel_loop3A_817 = arith.constant 16 : i32
      %parallel_loop3A_818 = arith.muli %parallel_loop3A_816, %parallel_loop3A_817 : i32
      %parallel_loop3A_819 = arith.constant 6 : i32
      %parallel_loop3A_820 = arith.constant 0 : i32
      %parallel_loop3A_821 = arith.constant 0 : i32
      %parallel_loop3A_822 = tpu.memref_slice %arg7[%parallel_loop3A_339, %parallel_loop3A_820, %parallel_loop3A_821] : memref<2x8x2048xf32, #tpu.memory_space<vmem>> -> memref<1x8x2048xf32, #tpu.memory_space<vmem>>
      %parallel_loop3A_823 = tpu.memref_squeeze %parallel_loop3A_822 : memref<1x8x2048xf32, #tpu.memory_space<vmem>> -> memref<8x2048xf32, #tpu.memory_space<vmem>>
      %parallel_loop3A_824 = arith.index_cast %parallel_loop3A_819 : i32 to index
      %parallel_loop3A_825 = arith.index_cast %parallel_loop3A_818 : i32 to index
      %parallel_loop3A_826 = tpu.vector_load %parallel_loop3A_823[%parallel_loop3A_824, %parallel_loop3A_825] {strides = array<i32>} : memref<8x2048xf32, #tpu.memory_space<vmem>>, vector<16xf32>,
      tpu.vector_store %parallel_loop3A_823[%parallel_loop3A_824, %parallel_loop3A_825], %parallel_loop3A_719 {strides = array<i32>} : memref<8x2048xf32, #tpu.memory_space<vmem>>, vector<16xf32>,
      %parallel_loop3A_827 = arith.constant 2 : i32
      %parallel_loop3A_828 = arith.muli %parallel_loop3A_488, %parallel_loop3A_827 : i32
      %parallel_loop3A_829 = arith.constant 0 : i32
      %parallel_loop3A_830 = arith.addi %parallel_loop3A_828, %parallel_loop3A_829 : i32
      %parallel_loop3A_831 = arith.constant 16 : i32
      %parallel_loop3A_832 = arith.muli %parallel_loop3A_830, %parallel_loop3A_831 : i32
      %parallel_loop3A_833 = arith.constant 7 : i32
      %parallel_loop3A_834 = arith.constant 0 : i32
      %parallel_loop3A_835 = arith.constant 0 : i32
      %parallel_loop3A_836 = tpu.memref_slice %arg7[%parallel_loop3A_339, %parallel_loop3A_834, %parallel_loop3A_835] : memref<2x8x2048xf32, #tpu.memory_space<vmem>> -> memref<1x8x2048xf32, #tpu.memory_space<vmem>>
      %parallel_loop3A_837 = tpu.memref_squeeze %parallel_loop3A_836 : memref<1x8x2048xf32, #tpu.memory_space<vmem>> -> memref<8x2048xf32, #tpu.memory_space<vmem>>
      %parallel_loop3A_838 = arith.index_cast %parallel_loop3A_833 : i32 to index
      %parallel_loop3A_839 = arith.index_cast %parallel_loop3A_832 : i32 to index
      %parallel_loop3A_840 = tpu.vector_load %parallel_loop3A_837[%parallel_loop3A_838, %parallel_loop3A_839] {strides = array<i32>} : memref<8x2048xf32, #tpu.memory_space<vmem>>, vector<16xf32>,
      tpu.vector_store %parallel_loop3A_837[%parallel_loop3A_838, %parallel_loop3A_839], %parallel_loop3A_720 {strides = array<i32>} : memref<8x2048xf32, #tpu.memory_space<vmem>>, vector<16xf32>,
      %parallel_loop3A_841 = arith.constant 2 : i32
      %parallel_loop3A_842 = arith.muli %parallel_loop3A_488, %parallel_loop3A_841 : i32
      %parallel_loop3A_843 = arith.constant 1 : i32
      %parallel_loop3A_844 = arith.addi %parallel_loop3A_842, %parallel_loop3A_843 : i32
      %parallel_loop3A_845 = arith.constant 16 : i32
      %parallel_loop3A_846 = arith.muli %parallel_loop3A_844, %parallel_loop3A_845 : i32
      %parallel_loop3A_847 = arith.constant 0 : i32
      %parallel_loop3A_848 = arith.constant 0 : i32
      %parallel_loop3A_849 = arith.constant 0 : i32
      %parallel_loop3A_850 = tpu.memref_slice %arg7[%parallel_loop3A_339, %parallel_loop3A_848, %parallel_loop3A_849] : memref<2x8x2048xf32, #tpu.memory_space<vmem>> -> memref<1x8x2048xf32, #tpu.memory_space<vmem>>
      %parallel_loop3A_851 = tpu.memref_squeeze %parallel_loop3A_850 : memref<1x8x2048xf32, #tpu.memory_space<vmem>> -> memref<8x2048xf32, #tpu.memory_space<vmem>>
      %parallel_loop3A_852 = arith.index_cast %parallel_loop3A_847 : i32 to index
      %parallel_loop3A_853 = arith.index_cast %parallel_loop3A_846 : i32 to index
      %parallel_loop3A_854 = tpu.vector_load %parallel_loop3A_851[%parallel_loop3A_852, %parallel_loop3A_853] {strides = array<i32>} : memref<8x2048xf32, #tpu.memory_space<vmem>>, vector<16xf32>,
      tpu.vector_store %parallel_loop3A_851[%parallel_loop3A_852, %parallel_loop3A_853], %parallel_loop3A_721 {strides = array<i32>} : memref<8x2048xf32, #tpu.memory_space<vmem>>, vector<16xf32>,
      %parallel_loop3A_855 = arith.constant 2 : i32
      %parallel_loop3A_856 = arith.muli %parallel_loop3A_488, %parallel_loop3A_855 : i32
      %parallel_loop3A_857 = arith.constant 1 : i32
      %parallel_loop3A_858 = arith.addi %parallel_loop3A_856, %parallel_loop3A_857 : i32
      %parallel_loop3A_859 = arith.constant 16 : i32
      %parallel_loop3A_860 = arith.muli %parallel_loop3A_858, %parallel_loop3A_859 : i32
      %parallel_loop3A_861 = arith.constant 1 : i32
      %parallel_loop3A_862 = arith.constant 0 : i32
      %parallel_loop3A_863 = arith.constant 0 : i32
      %parallel_loop3A_864 = tpu.memref_slice %arg7[%parallel_loop3A_339, %parallel_loop3A_862, %parallel_loop3A_863] : memref<2x8x2048xf32, #tpu.memory_space<vmem>> -> memref<1x8x2048xf32, #tpu.memory_space<vmem>>
      %parallel_loop3A_865 = tpu.memref_squeeze %parallel_loop3A_864 : memref<1x8x2048xf32, #tpu.memory_space<vmem>> -> memref<8x2048xf32, #tpu.memory_space<vmem>>
      %parallel_loop3A_866 = arith.index_cast %parallel_loop3A_861 : i32 to index
      %parallel_loop3A_867 = arith.index_cast %parallel_loop3A_860 : i32 to index
      %parallel_loop3A_868 = tpu.vector_load %parallel_loop3A_865[%parallel_loop3A_866, %parallel_loop3A_867] {strides = array<i32>} : memref<8x2048xf32, #tpu.memory_space<vmem>>, vector<16xf32>,
      tpu.vector_store %parallel_loop3A_865[%parallel_loop3A_866, %parallel_loop3A_867], %parallel_loop3A_722 {strides = array<i32>} : memref<8x2048xf32, #tpu.memory_space<vmem>>, vector<16xf32>,
      %parallel_loop3A_869 = arith.constant 2 : i32
      %parallel_loop3A_870 = arith.muli %parallel_loop3A_488, %parallel_loop3A_869 : i32
      %parallel_loop3A_871 = arith.constant 1 : i32
      %parallel_loop3A_872 = arith.addi %parallel_loop3A_870, %parallel_loop3A_871 : i32
      %parallel_loop3A_873 = arith.constant 16 : i32
      %parallel_loop3A_874 = arith.muli %parallel_loop3A_872, %parallel_loop3A_873 : i32
      %parallel_loop3A_875 = arith.constant 2 : i32
      %parallel_loop3A_876 = arith.constant 0 : i32
      %parallel_loop3A_877 = arith.constant 0 : i32
      %parallel_loop3A_878 = tpu.memref_slice %arg7[%parallel_loop3A_339, %parallel_loop3A_876, %parallel_loop3A_877] : memref<2x8x2048xf32, #tpu.memory_space<vmem>> -> memref<1x8x2048xf32, #tpu.memory_space<vmem>>
      %parallel_loop3A_879 = tpu.memref_squeeze %parallel_loop3A_878 : memref<1x8x2048xf32, #tpu.memory_space<vmem>> -> memref<8x2048xf32, #tpu.memory_space<vmem>>
      %parallel_loop3A_880 = arith.index_cast %parallel_loop3A_875 : i32 to index
      %parallel_loop3A_881 = arith.index_cast %parallel_loop3A_874 : i32 to index
      %parallel_loop3A_882 = tpu.vector_load %parallel_loop3A_879[%parallel_loop3A_880, %parallel_loop3A_881] {strides = array<i32>} : memref<8x2048xf32, #tpu.memory_space<vmem>>, vector<16xf32>,
      tpu.vector_store %parallel_loop3A_879[%parallel_loop3A_880, %parallel_loop3A_881], %parallel_loop3A_723 {strides = array<i32>} : memref<8x2048xf32, #tpu.memory_space<vmem>>, vector<16xf32>,
      %parallel_loop3A_883 = arith.constant 2 : i32
      %parallel_loop3A_884 = arith.muli %parallel_loop3A_488, %parallel_loop3A_883 : i32
      %parallel_loop3A_885 = arith.constant 1 : i32
      %parallel_loop3A_886 = arith.addi %parallel_loop3A_884, %parallel_loop3A_885 : i32
      %parallel_loop3A_887 = arith.constant 16 : i32
      %parallel_loop3A_888 = arith.muli %parallel_loop3A_886, %parallel_loop3A_887 : i32
      %parallel_loop3A_889 = arith.constant 3 : i32
      %parallel_loop3A_890 = arith.constant 0 : i32
      %parallel_loop3A_891 = arith.constant 0 : i32
      %parallel_loop3A_892 = tpu.memref_slice %arg7[%parallel_loop3A_339, %parallel_loop3A_890, %parallel_loop3A_891] : memref<2x8x2048xf32, #tpu.memory_space<vmem>> -> memref<1x8x2048xf32, #tpu.memory_space<vmem>>
      %parallel_loop3A_893 = tpu.memref_squeeze %parallel_loop3A_892 : memref<1x8x2048xf32, #tpu.memory_space<vmem>> -> memref<8x2048xf32, #tpu.memory_space<vmem>>
      %parallel_loop3A_894 = arith.index_cast %parallel_loop3A_889 : i32 to index
      %parallel_loop3A_895 = arith.index_cast %parallel_loop3A_888 : i32 to index
      %parallel_loop3A_896 = tpu.vector_load %parallel_loop3A_893[%parallel_loop3A_894, %parallel_loop3A_895] {strides = array<i32>} : memref<8x2048xf32, #tpu.memory_space<vmem>>, vector<16xf32>,
      tpu.vector_store %parallel_loop3A_893[%parallel_loop3A_894, %parallel_loop3A_895], %parallel_loop3A_724 {strides = array<i32>} : memref<8x2048xf32, #tpu.memory_space<vmem>>, vector<16xf32>,
      %parallel_loop3A_897 = arith.constant 2 : i32
      %parallel_loop3A_898 = arith.muli %parallel_loop3A_488, %parallel_loop3A_897 : i32
      %parallel_loop3A_899 = arith.constant 1 : i32
      %parallel_loop3A_900 = arith.addi %parallel_loop3A_898, %parallel_loop3A_899 : i32
      %parallel_loop3A_901 = arith.constant 16 : i32
      %parallel_loop3A_902 = arith.muli %parallel_loop3A_900, %parallel_loop3A_901 : i32
      %parallel_loop3A_903 = arith.constant 4 : i32
      %parallel_loop3A_904 = arith.constant 0 : i32
      %parallel_loop3A_905 = arith.constant 0 : i32
      %parallel_loop3A_906 = tpu.memref_slice %arg7[%parallel_loop3A_339, %parallel_loop3A_904, %parallel_loop3A_905] : memref<2x8x2048xf32, #tpu.memory_space<vmem>> -> memref<1x8x2048xf32, #tpu.memory_space<vmem>>
      %parallel_loop3A_907 = tpu.memref_squeeze %parallel_loop3A_906 : memref<1x8x2048xf32, #tpu.memory_space<vmem>> -> memref<8x2048xf32, #tpu.memory_space<vmem>>
      %parallel_loop3A_908 = arith.index_cast %parallel_loop3A_903 : i32 to index
      %parallel_loop3A_909 = arith.index_cast %parallel_loop3A_902 : i32 to index
      %parallel_loop3A_910 = tpu.vector_load %parallel_loop3A_907[%parallel_loop3A_908, %parallel_loop3A_909] {strides = array<i32>} : memref<8x2048xf32, #tpu.memory_space<vmem>>, vector<16xf32>,
      tpu.vector_store %parallel_loop3A_907[%parallel_loop3A_908, %parallel_loop3A_909], %parallel_loop3A_725 {strides = array<i32>} : memref<8x2048xf32, #tpu.memory_space<vmem>>, vector<16xf32>,
      %parallel_loop3A_911 = arith.constant 2 : i32
      %parallel_loop3A_912 = arith.muli %parallel_loop3A_488, %parallel_loop3A_911 : i32
      %parallel_loop3A_913 = arith.constant 1 : i32
      %parallel_loop3A_914 = arith.addi %parallel_loop3A_912, %parallel_loop3A_913 : i32
      %parallel_loop3A_915 = arith.constant 16 : i32
      %parallel_loop3A_916 = arith.muli %parallel_loop3A_914, %parallel_loop3A_915 : i32
      %parallel_loop3A_917 = arith.constant 5 : i32
      %parallel_loop3A_918 = arith.constant 0 : i32
      %parallel_loop3A_919 = arith.constant 0 : i32
      %parallel_loop3A_920 = tpu.memref_slice %arg7[%parallel_loop3A_339, %parallel_loop3A_918, %parallel_loop3A_919] : memref<2x8x2048xf32, #tpu.memory_space<vmem>> -> memref<1x8x2048xf32, #tpu.memory_space<vmem>>
      %parallel_loop3A_921 = tpu.memref_squeeze %parallel_loop3A_920 : memref<1x8x2048xf32, #tpu.memory_space<vmem>> -> memref<8x2048xf32, #tpu.memory_space<vmem>>
      %parallel_loop3A_922 = arith.index_cast %parallel_loop3A_917 : i32 to index
      %parallel_loop3A_923 = arith.index_cast %parallel_loop3A_916 : i32 to index
      %parallel_loop3A_924 = tpu.vector_load %parallel_loop3A_921[%parallel_loop3A_922, %parallel_loop3A_923] {strides = array<i32>} : memref<8x2048xf32, #tpu.memory_space<vmem>>, vector<16xf32>,
      tpu.vector_store %parallel_loop3A_921[%parallel_loop3A_922, %parallel_loop3A_923], %parallel_loop3A_726 {strides = array<i32>} : memref<8x2048xf32, #tpu.memory_space<vmem>>, vector<16xf32>,
      %parallel_loop3A_925 = arith.constant 2 : i32
      %parallel_loop3A_926 = arith.muli %parallel_loop3A_488, %parallel_loop3A_925 : i32
      %parallel_loop3A_927 = arith.constant 1 : i32
      %parallel_loop3A_928 = arith.addi %parallel_loop3A_926, %parallel_loop3A_927 : i32
      %parallel_loop3A_929 = arith.constant 16 : i32
      %parallel_loop3A_930 = arith.muli %parallel_loop3A_928, %parallel_loop3A_929 : i32
      %parallel_loop3A_931 = arith.constant 6 : i32
      %parallel_loop3A_932 = arith.constant 0 : i32
      %parallel_loop3A_933 = arith.constant 0 : i32
      %parallel_loop3A_934 = tpu.memref_slice %arg7[%parallel_loop3A_339, %parallel_loop3A_932, %parallel_loop3A_933] : memref<2x8x2048xf32, #tpu.memory_space<vmem>> -> memref<1x8x2048xf32, #tpu.memory_space<vmem>>
      %parallel_loop3A_935 = tpu.memref_squeeze %parallel_loop3A_934 : memref<1x8x2048xf32, #tpu.memory_space<vmem>> -> memref<8x2048xf32, #tpu.memory_space<vmem>>
      %parallel_loop3A_936 = arith.index_cast %parallel_loop3A_931 : i32 to index
      %parallel_loop3A_937 = arith.index_cast %parallel_loop3A_930 : i32 to index
      %parallel_loop3A_938 = tpu.vector_load %parallel_loop3A_935[%parallel_loop3A_936, %parallel_loop3A_937] {strides = array<i32>} : memref<8x2048xf32, #tpu.memory_space<vmem>>, vector<16xf32>,
      tpu.vector_store %parallel_loop3A_935[%parallel_loop3A_936, %parallel_loop3A_937], %parallel_loop3A_727 {strides = array<i32>} : memref<8x2048xf32, #tpu.memory_space<vmem>>, vector<16xf32>,
      %parallel_loop3A_939 = arith.constant 2 : i32
      %parallel_loop3A_940 = arith.muli %parallel_loop3A_488, %parallel_loop3A_939 : i32
      %parallel_loop3A_941 = arith.constant 1 : i32
      %parallel_loop3A_942 = arith.addi %parallel_loop3A_940, %parallel_loop3A_941 : i32
      %parallel_loop3A_943 = arith.constant 16 : i32
      %parallel_loop3A_944 = arith.muli %parallel_loop3A_942, %parallel_loop3A_943 : i32
      %parallel_loop3A_945 = arith.constant 7 : i32
      %parallel_loop3A_946 = arith.constant 0 : i32
      %parallel_loop3A_947 = arith.constant 0 : i32
      %parallel_loop3A_948 = tpu.memref_slice %arg7[%parallel_loop3A_339, %parallel_loop3A_946, %parallel_loop3A_947] : memref<2x8x2048xf32, #tpu.memory_space<vmem>> -> memref<1x8x2048xf32, #tpu.memory_space<vmem>>
      %parallel_loop3A_949 = tpu.memref_squeeze %parallel_loop3A_948 : memref<1x8x2048xf32, #tpu.memory_space<vmem>> -> memref<8x2048xf32, #tpu.memory_space<vmem>>
      %parallel_loop3A_950 = arith.index_cast %parallel_loop3A_945 : i32 to index
      %parallel_loop3A_951 = arith.index_cast %parallel_loop3A_944 : i32 to index
      %parallel_loop3A_952 = tpu.vector_load %parallel_loop3A_949[%parallel_loop3A_950, %parallel_loop3A_951] {strides = array<i32>} : memref<8x2048xf32, #tpu.memory_space<vmem>>, vector<16xf32>,
      tpu.vector_store %parallel_loop3A_949[%parallel_loop3A_950, %parallel_loop3A_951], %parallel_loop3A_728 {strides = array<i32>} : memref<8x2048xf32, #tpu.memory_space<vmem>>, vector<16xf32>,
    } {sc.loop_unroll_factor = 2 : i64, sc.parallel_access}
    %add3A_340 = arith.constant 40 : i32
    %add3A_341 = arith.addi %mul3A_2, %add3A_340 : i32
    %dma_start3A_342 = arith.constant 1 : i32
    %dma_start3A_343 = arith.constant 0 : i32
    %dma_start3A_344 = arith.constant 0 : i32
    %dma_start3A_345 = tpu.memref_slice %arg7[%dma_start3A_342, %dma_start3A_343, %dma_start3A_344] : memref<2x8x2048xf32, #tpu.memory_space<vmem>> -> memref<1x8x2048xf32, #tpu.memory_space<vmem>>
    %dma_start3A_346 = tpu.memref_squeeze %dma_start3A_345 : memref<1x8x2048xf32, #tpu.memory_space<vmem>> -> memref<8x2048xf32, #tpu.memory_space<vmem>>
    %dma_start3A_347 = arith.constant 0 : i32
    %dma_start3A_348 = tpu.memref_slice %arg4[%add3A_341, %dma_start3A_347] : memref<2048x2048xf32, #tpu.memory_space<hbm>> -> memref<8x2048xf32, #tpu.memory_space<hbm>>
    %dma_start3A_349 = arith.constant 0 : i32
    %dma_start3A_350 = tpu.memref_slice %arg4[%add3A_341, %dma_start3A_349] : memref<2048x2048xf32, #tpu.memory_space<hbm>> -> memref<8x2048xf32, #tpu.memory_space<hbm>>
    %dma_start3A_351 = arith.constant 0 : i32
    %dma_start3A_352 = arith.constant 0 : i32
    %dma_start3A_353 = tpu.memref_slice %arg7[%dma_start3A_342, %dma_start3A_351, %dma_start3A_352] : memref<2x8x2048xf32, #tpu.memory_space<vmem>> -> memref<1x8x2048xf32, #tpu.memory_space<vmem>>
    %dma_start3A_354 = tpu.memref_squeeze %dma_start3A_353 : memref<1x8x2048xf32, #tpu.memory_space<vmem>> -> memref<8x2048xf32, #tpu.memory_space<vmem>>
    tpu.enqueue_dma source(%dma_start3A_354 : memref<8x2048xf32, #tpu.memory_space<vmem>>) target(%dma_start3A_350 : memref<8x2048xf32, #tpu.memory_space<hbm>>) target_semaphore(%arg11 : memref<!tpu.dma_semaphore, #tpu.memory_space<semaphore_mem>>)
    %add3A_355 = arith.constant 56 : i32
    %add3A_356 = arith.addi %mul3A_2, %add3A_355 : i32
    %dma_start3A_357 = arith.constant 1 : i32
    %dma_start3A_358 = arith.constant 0 : i32
    %dma_start3A_359 = arith.constant 0 : i32
    %dma_start3A_360 = tpu.memref_slice %arg6[%dma_start3A_357, %dma_start3A_358, %dma_start3A_359] : memref<2x8x2048xi32, #tpu.memory_space<vmem>> -> memref<1x8x2048xi32, #tpu.memory_space<vmem>>
    %dma_start3A_361 = tpu.memref_squeeze %dma_start3A_360 : memref<1x8x2048xi32, #tpu.memory_space<vmem>> -> memref<8x2048xi32, #tpu.memory_space<vmem>>
    %dma_start3A_362 = arith.constant 0 : i32
    %dma_start3A_363 = tpu.memref_slice %arg3[%add3A_356, %dma_start3A_362] : memref<2048x2048xi32, #tpu.memory_space<hbm>> -> memref<8x2048xi32, #tpu.memory_space<hbm>>
    %dma_start3A_364 = arith.constant 0 : i32
    %dma_start3A_365 = arith.constant 0 : i32
    %dma_start3A_366 = tpu.memref_slice %arg6[%dma_start3A_357, %dma_start3A_364, %dma_start3A_365] : memref<2x8x2048xi32, #tpu.memory_space<vmem>> -> memref<1x8x2048xi32, #tpu.memory_space<vmem>>
    %dma_start3A_367 = tpu.memref_squeeze %dma_start3A_366 : memref<1x8x2048xi32, #tpu.memory_space<vmem>> -> memref<8x2048xi32, #tpu.memory_space<vmem>>
    %dma_start3A_368 = arith.constant 0 : i32
    %dma_start3A_369 = tpu.memref_slice %arg3[%add3A_356, %dma_start3A_368] : memref<2048x2048xi32, #tpu.memory_space<hbm>> -> memref<8x2048xi32, #tpu.memory_space<hbm>>
    tpu.enqueue_dma source(%dma_start3A_369 : memref<8x2048xi32, #tpu.memory_space<hbm>>) target(%dma_start3A_367 : memref<8x2048xi32, #tpu.memory_space<vmem>>) target_semaphore(%arg9 : memref<!tpu.dma_semaphore, #tpu.memory_space<semaphore_mem>>)
    %dma_wait3A_370 = arith.constant 0 : i32
    %dma_wait3A_371 = arith.constant 0 : i32
    %dma_wait3A_372 = arith.constant 0 : i32
    %dma_wait3A_373 = tpu.memref_slice %arg6[%dma_wait3A_370, %dma_wait3A_371, %dma_wait3A_372] : memref<2x8x2048xi32, #tpu.memory_space<vmem>> -> memref<1x8x2048xi32, #tpu.memory_space<vmem>>
    %dma_wait3A_374 = tpu.memref_squeeze %dma_wait3A_373 : memref<1x8x2048xi32, #tpu.memory_space<vmem>> -> memref<8x2048xi32, #tpu.memory_space<vmem>>
    %dma_wait3A_375 = arith.constant 0 : i32
    %dma_wait3A_376 = tpu.memref_slice %arg3[%add3A_295, %dma_wait3A_375] : memref<2048x2048xi32, #tpu.memory_space<hbm>> -> memref<8x2048xi32, #tpu.memory_space<hbm>>
    %dma_wait3A_377 = arith.constant 0 : i32
    %dma_wait3A_378 = arith.constant 0 : i32
    %dma_wait3A_379 = tpu.memref_slice %arg6[%dma_wait3A_370, %dma_wait3A_377, %dma_wait3A_378] : memref<2x8x2048xi32, #tpu.memory_space<vmem>> -> memref<1x8x2048xi32, #tpu.memory_space<vmem>>
    %dma_wait3A_380 = tpu.memref_squeeze %dma_wait3A_379 : memref<1x8x2048xi32, #tpu.memory_space<vmem>> -> memref<8x2048xi32, #tpu.memory_space<vmem>>
    %dma_wait3A_381 = arith.constant 0 : i32
    %dma_wait3A_382 = tpu.memref_slice %arg3[%add3A_295, %dma_wait3A_381] : memref<2048x2048xi32, #tpu.memory_space<hbm>> -> memref<8x2048xi32, #tpu.memory_space<hbm>>
    tpu.wait_dma2 semaphore(%arg8 : memref<!tpu.dma_semaphore, #tpu.memory_space<semaphore_mem>>) src(%dma_wait3A_382 : memref<8x2048xi32, #tpu.memory_space<hbm>>) dst(%dma_wait3A_380 : memref<8x2048xi32, #tpu.memory_space<vmem>>)
    %dma_wait3A_383 = arith.constant 0 : i32
    %dma_wait3A_384 = arith.constant 0 : i32
    %dma_wait3A_385 = arith.constant 0 : i32
    %dma_wait3A_386 = tpu.memref_slice %arg7[%dma_wait3A_383, %dma_wait3A_384, %dma_wait3A_385] : memref<2x8x2048xf32, #tpu.memory_space<vmem>> -> memref<1x8x2048xf32, #tpu.memory_space<vmem>>
    %dma_wait3A_387 = tpu.memref_squeeze %dma_wait3A_386 : memref<1x8x2048xf32, #tpu.memory_space<vmem>> -> memref<8x2048xf32, #tpu.memory_space<vmem>>
    %dma_wait3A_388 = arith.constant 0 : i32
    %dma_wait3A_389 = tpu.memref_slice %arg4[%add3A_280, %dma_wait3A_388] : memref<2048x2048xf32, #tpu.memory_space<hbm>> -> memref<8x2048xf32, #tpu.memory_space<hbm>>
    %dma_wait3A_390 = arith.constant 0 : i32
    %dma_wait3A_391 = tpu.memref_slice %arg4[%add3A_280, %dma_wait3A_390] : memref<2048x2048xf32, #tpu.memory_space<hbm>> -> memref<8x2048xf32, #tpu.memory_space<hbm>>
    %dma_wait3A_392 = arith.constant 0 : i32
    %dma_wait3A_393 = arith.constant 0 : i32
    %dma_wait3A_394 = tpu.memref_slice %arg7[%dma_wait3A_383, %dma_wait3A_392, %dma_wait3A_393] : memref<2x8x2048xf32, #tpu.memory_space<vmem>> -> memref<1x8x2048xf32, #tpu.memory_space<vmem>>
    %dma_wait3A_395 = tpu.memref_squeeze %dma_wait3A_394 : memref<1x8x2048xf32, #tpu.memory_space<vmem>> -> memref<8x2048xf32, #tpu.memory_space<vmem>>
    tpu.wait_dma2 semaphore(%arg10 : memref<!tpu.dma_semaphore, #tpu.memory_space<semaphore_mem>>) src(%dma_wait3A_395 : memref<8x2048xf32, #tpu.memory_space<vmem>>) dst(%dma_wait3A_391 : memref<8x2048xf32, #tpu.memory_space<hbm>>)
    %parallel_loop3A_396 = arith.constant 0 : i32
    %parallel_loop3A_397 = arith.constant 64 : i32
    %parallel_loop3A_398 = arith.constant 1 : i32
    %parallel_loop3A_399 = arith.constant 0 : i32
    %parallel_loop3A_400 = arith.constant 0 : i32
    scf.for %parallel_loop3A_488 = %parallel_loop3A_396 to %parallel_loop3A_397 step %parallel_loop3A_398  : i32 {
      %parallel_loop3A_489 = arith.constant 2 : i32
      %parallel_loop3A_490 = arith.muli %parallel_loop3A_488, %parallel_loop3A_489 : i32
      %parallel_loop3A_491 = arith.constant 0 : i32
      %parallel_loop3A_492 = arith.addi %parallel_loop3A_490, %parallel_loop3A_491 : i32
      %parallel_loop3A_493 = arith.constant 16 : i32
      %parallel_loop3A_494 = arith.muli %parallel_loop3A_492, %parallel_loop3A_493 : i32
      %parallel_loop3A_495 = arith.constant 0 : i32
      %parallel_loop3A_496 = arith.constant 0 : i32
      %parallel_loop3A_497 = arith.constant 0 : i32
      %parallel_loop3A_498 = tpu.memref_slice %arg6[%parallel_loop3A_399, %parallel_loop3A_496, %parallel_loop3A_497] : memref<2x8x2048xi32, #tpu.memory_space<vmem>> -> memref<1x8x2048xi32, #tpu.memory_space<vmem>>
      %parallel_loop3A_499 = tpu.memref_squeeze %parallel_loop3A_498 : memref<1x8x2048xi32, #tpu.memory_space<vmem>> -> memref<8x2048xi32, #tpu.memory_space<vmem>>
      %parallel_loop3A_500 = arith.index_cast %parallel_loop3A_495 : i32 to index
      %parallel_loop3A_501 = arith.index_cast %parallel_loop3A_494 : i32 to index
      %parallel_loop3A_502 = tpu.vector_load %parallel_loop3A_499[%parallel_loop3A_500, %parallel_loop3A_501] {strides = array<i32>} : memref<8x2048xi32, #tpu.memory_space<vmem>>, vector<16xi32>,
      %parallel_loop3A_503 = arith.constant 2 : i32
      %parallel_loop3A_504 = arith.muli %parallel_loop3A_488, %parallel_loop3A_503 : i32
      %parallel_loop3A_505 = arith.constant 0 : i32
      %parallel_loop3A_506 = arith.addi %parallel_loop3A_504, %parallel_loop3A_505 : i32
      %parallel_loop3A_507 = arith.constant 16 : i32
      %parallel_loop3A_508 = arith.muli %parallel_loop3A_506, %parallel_loop3A_507 : i32
      %parallel_loop3A_509 = arith.constant 1 : i32
      %parallel_loop3A_510 = arith.constant 0 : i32
      %parallel_loop3A_511 = arith.constant 0 : i32
      %parallel_loop3A_512 = tpu.memref_slice %arg6[%parallel_loop3A_399, %parallel_loop3A_510, %parallel_loop3A_511] : memref<2x8x2048xi32, #tpu.memory_space<vmem>> -> memref<1x8x2048xi32, #tpu.memory_space<vmem>>
      %parallel_loop3A_513 = tpu.memref_squeeze %parallel_loop3A_512 : memref<1x8x2048xi32, #tpu.memory_space<vmem>> -> memref<8x2048xi32, #tpu.memory_space<vmem>>
      %parallel_loop3A_514 = arith.index_cast %parallel_loop3A_509 : i32 to index
      %parallel_loop3A_515 = arith.index_cast %parallel_loop3A_508 : i32 to index
      %parallel_loop3A_516 = tpu.vector_load %parallel_loop3A_513[%parallel_loop3A_514, %parallel_loop3A_515] {strides = array<i32>} : memref<8x2048xi32, #tpu.memory_space<vmem>>, vector<16xi32>,
      %parallel_loop3A_517 = arith.constant 2 : i32
      %parallel_loop3A_518 = arith.muli %parallel_loop3A_488, %parallel_loop3A_517 : i32
      %parallel_loop3A_519 = arith.constant 0 : i32
      %parallel_loop3A_520 = arith.addi %parallel_loop3A_518, %parallel_loop3A_519 : i32
      %parallel_loop3A_521 = arith.constant 16 : i32
      %parallel_loop3A_522 = arith.muli %parallel_loop3A_520, %parallel_loop3A_521 : i32
      %parallel_loop3A_523 = arith.constant 2 : i32
      %parallel_loop3A_524 = arith.constant 0 : i32
      %parallel_loop3A_525 = arith.constant 0 : i32
      %parallel_loop3A_526 = tpu.memref_slice %arg6[%parallel_loop3A_399, %parallel_loop3A_524, %parallel_loop3A_525] : memref<2x8x2048xi32, #tpu.memory_space<vmem>> -> memref<1x8x2048xi32, #tpu.memory_space<vmem>>
      %parallel_loop3A_527 = tpu.memref_squeeze %parallel_loop3A_526 : memref<1x8x2048xi32, #tpu.memory_space<vmem>> -> memref<8x2048xi32, #tpu.memory_space<vmem>>
      %parallel_loop3A_528 = arith.index_cast %parallel_loop3A_523 : i32 to index
      %parallel_loop3A_529 = arith.index_cast %parallel_loop3A_522 : i32 to index
      %parallel_loop3A_530 = tpu.vector_load %parallel_loop3A_527[%parallel_loop3A_528, %parallel_loop3A_529] {strides = array<i32>} : memref<8x2048xi32, #tpu.memory_space<vmem>>, vector<16xi32>,
      %parallel_loop3A_531 = arith.constant 2 : i32
      %parallel_loop3A_532 = arith.muli %parallel_loop3A_488, %parallel_loop3A_531 : i32
      %parallel_loop3A_533 = arith.constant 0 : i32
      %parallel_loop3A_534 = arith.addi %parallel_loop3A_532, %parallel_loop3A_533 : i32
      %parallel_loop3A_535 = arith.constant 16 : i32
      %parallel_loop3A_536 = arith.muli %parallel_loop3A_534, %parallel_loop3A_535 : i32
      %parallel_loop3A_537 = arith.constant 3 : i32
      %parallel_loop3A_538 = arith.constant 0 : i32
      %parallel_loop3A_539 = arith.constant 0 : i32
      %parallel_loop3A_540 = tpu.memref_slice %arg6[%parallel_loop3A_399, %parallel_loop3A_538, %parallel_loop3A_539] : memref<2x8x2048xi32, #tpu.memory_space<vmem>> -> memref<1x8x2048xi32, #tpu.memory_space<vmem>>
      %parallel_loop3A_541 = tpu.memref_squeeze %parallel_loop3A_540 : memref<1x8x2048xi32, #tpu.memory_space<vmem>> -> memref<8x2048xi32, #tpu.memory_space<vmem>>
      %parallel_loop3A_542 = arith.index_cast %parallel_loop3A_537 : i32 to index
      %parallel_loop3A_543 = arith.index_cast %parallel_loop3A_536 : i32 to index
      %parallel_loop3A_544 = tpu.vector_load %parallel_loop3A_541[%parallel_loop3A_542, %parallel_loop3A_543] {strides = array<i32>} : memref<8x2048xi32, #tpu.memory_space<vmem>>, vector<16xi32>,
      %parallel_loop3A_545 = arith.constant 2 : i32
      %parallel_loop3A_546 = arith.muli %parallel_loop3A_488, %parallel_loop3A_545 : i32
      %parallel_loop3A_547 = arith.constant 0 : i32
      %parallel_loop3A_548 = arith.addi %parallel_loop3A_546, %parallel_loop3A_547 : i32
      %parallel_loop3A_549 = arith.constant 16 : i32
      %parallel_loop3A_550 = arith.muli %parallel_loop3A_548, %parallel_loop3A_549 : i32
      %parallel_loop3A_551 = arith.constant 4 : i32
      %parallel_loop3A_552 = arith.constant 0 : i32
      %parallel_loop3A_553 = arith.constant 0 : i32
      %parallel_loop3A_554 = tpu.memref_slice %arg6[%parallel_loop3A_399, %parallel_loop3A_552, %parallel_loop3A_553] : memref<2x8x2048xi32, #tpu.memory_space<vmem>> -> memref<1x8x2048xi32, #tpu.memory_space<vmem>>
      %parallel_loop3A_555 = tpu.memref_squeeze %parallel_loop3A_554 : memref<1x8x2048xi32, #tpu.memory_space<vmem>> -> memref<8x2048xi32, #tpu.memory_space<vmem>>
      %parallel_loop3A_556 = arith.index_cast %parallel_loop3A_551 : i32 to index
      %parallel_loop3A_557 = arith.index_cast %parallel_loop3A_550 : i32 to index
      %parallel_loop3A_558 = tpu.vector_load %parallel_loop3A_555[%parallel_loop3A_556, %parallel_loop3A_557] {strides = array<i32>} : memref<8x2048xi32, #tpu.memory_space<vmem>>, vector<16xi32>,
      %parallel_loop3A_559 = arith.constant 2 : i32
      %parallel_loop3A_560 = arith.muli %parallel_loop3A_488, %parallel_loop3A_559 : i32
      %parallel_loop3A_561 = arith.constant 0 : i32
      %parallel_loop3A_562 = arith.addi %parallel_loop3A_560, %parallel_loop3A_561 : i32
      %parallel_loop3A_563 = arith.constant 16 : i32
      %parallel_loop3A_564 = arith.muli %parallel_loop3A_562, %parallel_loop3A_563 : i32
      %parallel_loop3A_565 = arith.constant 5 : i32
      %parallel_loop3A_566 = arith.constant 0 : i32
      %parallel_loop3A_567 = arith.constant 0 : i32
      %parallel_loop3A_568 = tpu.memref_slice %arg6[%parallel_loop3A_399, %parallel_loop3A_566, %parallel_loop3A_567] : memref<2x8x2048xi32, #tpu.memory_space<vmem>> -> memref<1x8x2048xi32, #tpu.memory_space<vmem>>
      %parallel_loop3A_569 = tpu.memref_squeeze %parallel_loop3A_568 : memref<1x8x2048xi32, #tpu.memory_space<vmem>> -> memref<8x2048xi32, #tpu.memory_space<vmem>>
      %parallel_loop3A_570 = arith.index_cast %parallel_loop3A_565 : i32 to index
      %parallel_loop3A_571 = arith.index_cast %parallel_loop3A_564 : i32 to index
      %parallel_loop3A_572 = tpu.vector_load %parallel_loop3A_569[%parallel_loop3A_570, %parallel_loop3A_571] {strides = array<i32>} : memref<8x2048xi32, #tpu.memory_space<vmem>>, vector<16xi32>,
      %parallel_loop3A_573 = arith.constant 2 : i32
      %parallel_loop3A_574 = arith.muli %parallel_loop3A_488, %parallel_loop3A_573 : i32
      %parallel_loop3A_575 = arith.constant 0 : i32
      %parallel_loop3A_576 = arith.addi %parallel_loop3A_574, %parallel_loop3A_575 : i32
      %parallel_loop3A_577 = arith.constant 16 : i32
      %parallel_loop3A_578 = arith.muli %parallel_loop3A_576, %parallel_loop3A_577 : i32
      %parallel_loop3A_579 = arith.constant 6 : i32
      %parallel_loop3A_580 = arith.constant 0 : i32
      %parallel_loop3A_581 = arith.constant 0 : i32
      %parallel_loop3A_582 = tpu.memref_slice %arg6[%parallel_loop3A_399, %parallel_loop3A_580, %parallel_loop3A_581] : memref<2x8x2048xi32, #tpu.memory_space<vmem>> -> memref<1x8x2048xi32, #tpu.memory_space<vmem>>
      %parallel_loop3A_583 = tpu.memref_squeeze %parallel_loop3A_582 : memref<1x8x2048xi32, #tpu.memory_space<vmem>> -> memref<8x2048xi32, #tpu.memory_space<vmem>>
      %parallel_loop3A_584 = arith.index_cast %parallel_loop3A_579 : i32 to index
      %parallel_loop3A_585 = arith.index_cast %parallel_loop3A_578 : i32 to index
      %parallel_loop3A_586 = tpu.vector_load %parallel_loop3A_583[%parallel_loop3A_584, %parallel_loop3A_585] {strides = array<i32>} : memref<8x2048xi32, #tpu.memory_space<vmem>>, vector<16xi32>,
      %parallel_loop3A_587 = arith.constant 2 : i32
      %parallel_loop3A_588 = arith.muli %parallel_loop3A_488, %parallel_loop3A_587 : i32
      %parallel_loop3A_589 = arith.constant 0 : i32
      %parallel_loop3A_590 = arith.addi %parallel_loop3A_588, %parallel_loop3A_589 : i32
      %parallel_loop3A_591 = arith.constant 16 : i32
      %parallel_loop3A_592 = arith.muli %parallel_loop3A_590, %parallel_loop3A_591 : i32
      %parallel_loop3A_593 = arith.constant 7 : i32
      %parallel_loop3A_594 = arith.constant 0 : i32
      %parallel_loop3A_595 = arith.constant 0 : i32
      %parallel_loop3A_596 = tpu.memref_slice %arg6[%parallel_loop3A_399, %parallel_loop3A_594, %parallel_loop3A_595] : memref<2x8x2048xi32, #tpu.memory_space<vmem>> -> memref<1x8x2048xi32, #tpu.memory_space<vmem>>
      %parallel_loop3A_597 = tpu.memref_squeeze %parallel_loop3A_596 : memref<1x8x2048xi32, #tpu.memory_space<vmem>> -> memref<8x2048xi32, #tpu.memory_space<vmem>>
      %parallel_loop3A_598 = arith.index_cast %parallel_loop3A_593 : i32 to index
      %parallel_loop3A_599 = arith.index_cast %parallel_loop3A_592 : i32 to index
      %parallel_loop3A_600 = tpu.vector_load %parallel_loop3A_597[%parallel_loop3A_598, %parallel_loop3A_599] {strides = array<i32>} : memref<8x2048xi32, #tpu.memory_space<vmem>>, vector<16xi32>,
      %parallel_loop3A_601 = arith.constant 2 : i32
      %parallel_loop3A_602 = arith.muli %parallel_loop3A_488, %parallel_loop3A_601 : i32
      %parallel_loop3A_603 = arith.constant 1 : i32
      %parallel_loop3A_604 = arith.addi %parallel_loop3A_602, %parallel_loop3A_603 : i32
      %parallel_loop3A_605 = arith.constant 16 : i32
      %parallel_loop3A_606 = arith.muli %parallel_loop3A_604, %parallel_loop3A_605 : i32
      %parallel_loop3A_607 = arith.constant 0 : i32
      %parallel_loop3A_608 = arith.constant 0 : i32
      %parallel_loop3A_609 = arith.constant 0 : i32
      %parallel_loop3A_610 = tpu.memref_slice %arg6[%parallel_loop3A_399, %parallel_loop3A_608, %parallel_loop3A_609] : memref<2x8x2048xi32, #tpu.memory_space<vmem>> -> memref<1x8x2048xi32, #tpu.memory_space<vmem>>
      %parallel_loop3A_611 = tpu.memref_squeeze %parallel_loop3A_610 : memref<1x8x2048xi32, #tpu.memory_space<vmem>> -> memref<8x2048xi32, #tpu.memory_space<vmem>>
      %parallel_loop3A_612 = arith.index_cast %parallel_loop3A_607 : i32 to index
      %parallel_loop3A_613 = arith.index_cast %parallel_loop3A_606 : i32 to index
      %parallel_loop3A_614 = tpu.vector_load %parallel_loop3A_611[%parallel_loop3A_612, %parallel_loop3A_613] {strides = array<i32>} : memref<8x2048xi32, #tpu.memory_space<vmem>>, vector<16xi32>,
      %parallel_loop3A_615 = arith.constant 2 : i32
      %parallel_loop3A_616 = arith.muli %parallel_loop3A_488, %parallel_loop3A_615 : i32
      %parallel_loop3A_617 = arith.constant 1 : i32
      %parallel_loop3A_618 = arith.addi %parallel_loop3A_616, %parallel_loop3A_617 : i32
      %parallel_loop3A_619 = arith.constant 16 : i32
      %parallel_loop3A_620 = arith.muli %parallel_loop3A_618, %parallel_loop3A_619 : i32
      %parallel_loop3A_621 = arith.constant 1 : i32
      %parallel_loop3A_622 = arith.constant 0 : i32
      %parallel_loop3A_623 = arith.constant 0 : i32
      %parallel_loop3A_624 = tpu.memref_slice %arg6[%parallel_loop3A_399, %parallel_loop3A_622, %parallel_loop3A_623] : memref<2x8x2048xi32, #tpu.memory_space<vmem>> -> memref<1x8x2048xi32, #tpu.memory_space<vmem>>
      %parallel_loop3A_625 = tpu.memref_squeeze %parallel_loop3A_624 : memref<1x8x2048xi32, #tpu.memory_space<vmem>> -> memref<8x2048xi32, #tpu.memory_space<vmem>>
      %parallel_loop3A_626 = arith.index_cast %parallel_loop3A_621 : i32 to index
      %parallel_loop3A_627 = arith.index_cast %parallel_loop3A_620 : i32 to index
      %parallel_loop3A_628 = tpu.vector_load %parallel_loop3A_625[%parallel_loop3A_626, %parallel_loop3A_627] {strides = array<i32>} : memref<8x2048xi32, #tpu.memory_space<vmem>>, vector<16xi32>,
      %parallel_loop3A_629 = arith.constant 2 : i32
      %parallel_loop3A_630 = arith.muli %parallel_loop3A_488, %parallel_loop3A_629 : i32
      %parallel_loop3A_631 = arith.constant 1 : i32
      %parallel_loop3A_632 = arith.addi %parallel_loop3A_630, %parallel_loop3A_631 : i32
      %parallel_loop3A_633 = arith.constant 16 : i32
      %parallel_loop3A_634 = arith.muli %parallel_loop3A_632, %parallel_loop3A_633 : i32
      %parallel_loop3A_635 = arith.constant 2 : i32
      %parallel_loop3A_636 = arith.constant 0 : i32
      %parallel_loop3A_637 = arith.constant 0 : i32
      %parallel_loop3A_638 = tpu.memref_slice %arg6[%parallel_loop3A_399, %parallel_loop3A_636, %parallel_loop3A_637] : memref<2x8x2048xi32, #tpu.memory_space<vmem>> -> memref<1x8x2048xi32, #tpu.memory_space<vmem>>
      %parallel_loop3A_639 = tpu.memref_squeeze %parallel_loop3A_638 : memref<1x8x2048xi32, #tpu.memory_space<vmem>> -> memref<8x2048xi32, #tpu.memory_space<vmem>>
      %parallel_loop3A_640 = arith.index_cast %parallel_loop3A_635 : i32 to index
      %parallel_loop3A_641 = arith.index_cast %parallel_loop3A_634 : i32 to index
      %parallel_loop3A_642 = tpu.vector_load %parallel_loop3A_639[%parallel_loop3A_640, %parallel_loop3A_641] {strides = array<i32>} : memref<8x2048xi32, #tpu.memory_space<vmem>>, vector<16xi32>,
      %parallel_loop3A_643 = arith.constant 2 : i32
      %parallel_loop3A_644 = arith.muli %parallel_loop3A_488, %parallel_loop3A_643 : i32
      %parallel_loop3A_645 = arith.constant 1 : i32
      %parallel_loop3A_646 = arith.addi %parallel_loop3A_644, %parallel_loop3A_645 : i32
      %parallel_loop3A_647 = arith.constant 16 : i32
      %parallel_loop3A_648 = arith.muli %parallel_loop3A_646, %parallel_loop3A_647 : i32
      %parallel_loop3A_649 = arith.constant 3 : i32
      %parallel_loop3A_650 = arith.constant 0 : i32
      %parallel_loop3A_651 = arith.constant 0 : i32
      %parallel_loop3A_652 = tpu.memref_slice %arg6[%parallel_loop3A_399, %parallel_loop3A_650, %parallel_loop3A_651] : memref<2x8x2048xi32, #tpu.memory_space<vmem>> -> memref<1x8x2048xi32, #tpu.memory_space<vmem>>
      %parallel_loop3A_653 = tpu.memref_squeeze %parallel_loop3A_652 : memref<1x8x2048xi32, #tpu.memory_space<vmem>> -> memref<8x2048xi32, #tpu.memory_space<vmem>>
      %parallel_loop3A_654 = arith.index_cast %parallel_loop3A_649 : i32 to index
      %parallel_loop3A_655 = arith.index_cast %parallel_loop3A_648 : i32 to index
      %parallel_loop3A_656 = tpu.vector_load %parallel_loop3A_653[%parallel_loop3A_654, %parallel_loop3A_655] {strides = array<i32>} : memref<8x2048xi32, #tpu.memory_space<vmem>>, vector<16xi32>,
      %parallel_loop3A_657 = arith.constant 2 : i32
      %parallel_loop3A_658 = arith.muli %parallel_loop3A_488, %parallel_loop3A_657 : i32
      %parallel_loop3A_659 = arith.constant 1 : i32
      %parallel_loop3A_660 = arith.addi %parallel_loop3A_658, %parallel_loop3A_659 : i32
      %parallel_loop3A_661 = arith.constant 16 : i32
      %parallel_loop3A_662 = arith.muli %parallel_loop3A_660, %parallel_loop3A_661 : i32
      %parallel_loop3A_663 = arith.constant 4 : i32
      %parallel_loop3A_664 = arith.constant 0 : i32
      %parallel_loop3A_665 = arith.constant 0 : i32
      %parallel_loop3A_666 = tpu.memref_slice %arg6[%parallel_loop3A_399, %parallel_loop3A_664, %parallel_loop3A_665] : memref<2x8x2048xi32, #tpu.memory_space<vmem>> -> memref<1x8x2048xi32, #tpu.memory_space<vmem>>
      %parallel_loop3A_667 = tpu.memref_squeeze %parallel_loop3A_666 : memref<1x8x2048xi32, #tpu.memory_space<vmem>> -> memref<8x2048xi32, #tpu.memory_space<vmem>>
      %parallel_loop3A_668 = arith.index_cast %parallel_loop3A_663 : i32 to index
      %parallel_loop3A_669 = arith.index_cast %parallel_loop3A_662 : i32 to index
      %parallel_loop3A_670 = tpu.vector_load %parallel_loop3A_667[%parallel_loop3A_668, %parallel_loop3A_669] {strides = array<i32>} : memref<8x2048xi32, #tpu.memory_space<vmem>>, vector<16xi32>,
      %parallel_loop3A_671 = arith.constant 2 : i32
      %parallel_loop3A_672 = arith.muli %parallel_loop3A_488, %parallel_loop3A_671 : i32
      %parallel_loop3A_673 = arith.constant 1 : i32
      %parallel_loop3A_674 = arith.addi %parallel_loop3A_672, %parallel_loop3A_673 : i32
      %parallel_loop3A_675 = arith.constant 16 : i32
      %parallel_loop3A_676 = arith.muli %parallel_loop3A_674, %parallel_loop3A_675 : i32
      %parallel_loop3A_677 = arith.constant 5 : i32
      %parallel_loop3A_678 = arith.constant 0 : i32
      %parallel_loop3A_679 = arith.constant 0 : i32
      %parallel_loop3A_680 = tpu.memref_slice %arg6[%parallel_loop3A_399, %parallel_loop3A_678, %parallel_loop3A_679] : memref<2x8x2048xi32, #tpu.memory_space<vmem>> -> memref<1x8x2048xi32, #tpu.memory_space<vmem>>
      %parallel_loop3A_681 = tpu.memref_squeeze %parallel_loop3A_680 : memref<1x8x2048xi32, #tpu.memory_space<vmem>> -> memref<8x2048xi32, #tpu.memory_space<vmem>>
      %parallel_loop3A_682 = arith.index_cast %parallel_loop3A_677 : i32 to index
      %parallel_loop3A_683 = arith.index_cast %parallel_loop3A_676 : i32 to index
      %parallel_loop3A_684 = tpu.vector_load %parallel_loop3A_681[%parallel_loop3A_682, %parallel_loop3A_683] {strides = array<i32>} : memref<8x2048xi32, #tpu.memory_space<vmem>>, vector<16xi32>,
      %parallel_loop3A_685 = arith.constant 2 : i32
      %parallel_loop3A_686 = arith.muli %parallel_loop3A_488, %parallel_loop3A_685 : i32
      %parallel_loop3A_687 = arith.constant 1 : i32
      %parallel_loop3A_688 = arith.addi %parallel_loop3A_686, %parallel_loop3A_687 : i32
      %parallel_loop3A_689 = arith.constant 16 : i32
      %parallel_loop3A_690 = arith.muli %parallel_loop3A_688, %parallel_loop3A_689 : i32
      %parallel_loop3A_691 = arith.constant 6 : i32
      %parallel_loop3A_692 = arith.constant 0 : i32
      %parallel_loop3A_693 = arith.constant 0 : i32
      %parallel_loop3A_694 = tpu.memref_slice %arg6[%parallel_loop3A_399, %parallel_loop3A_692, %parallel_loop3A_693] : memref<2x8x2048xi32, #tpu.memory_space<vmem>> -> memref<1x8x2048xi32, #tpu.memory_space<vmem>>
      %parallel_loop3A_695 = tpu.memref_squeeze %parallel_loop3A_694 : memref<1x8x2048xi32, #tpu.memory_space<vmem>> -> memref<8x2048xi32, #tpu.memory_space<vmem>>
      %parallel_loop3A_696 = arith.index_cast %parallel_loop3A_691 : i32 to index
      %parallel_loop3A_697 = arith.index_cast %parallel_loop3A_690 : i32 to index
      %parallel_loop3A_698 = tpu.vector_load %parallel_loop3A_695[%parallel_loop3A_696, %parallel_loop3A_697] {strides = array<i32>} : memref<8x2048xi32, #tpu.memory_space<vmem>>, vector<16xi32>,
      %parallel_loop3A_699 = arith.constant 2 : i32
      %parallel_loop3A_700 = arith.muli %parallel_loop3A_488, %parallel_loop3A_699 : i32
      %parallel_loop3A_701 = arith.constant 1 : i32
      %parallel_loop3A_702 = arith.addi %parallel_loop3A_700, %parallel_loop3A_701 : i32
      %parallel_loop3A_703 = arith.constant 16 : i32
      %parallel_loop3A_704 = arith.muli %parallel_loop3A_702, %parallel_loop3A_703 : i32
      %parallel_loop3A_705 = arith.constant 7 : i32
      %parallel_loop3A_706 = arith.constant 0 : i32
      %parallel_loop3A_707 = arith.constant 0 : i32
      %parallel_loop3A_708 = tpu.memref_slice %arg6[%parallel_loop3A_399, %parallel_loop3A_706, %parallel_loop3A_707] : memref<2x8x2048xi32, #tpu.memory_space<vmem>> -> memref<1x8x2048xi32, #tpu.memory_space<vmem>>
      %parallel_loop3A_709 = tpu.memref_squeeze %parallel_loop3A_708 : memref<1x8x2048xi32, #tpu.memory_space<vmem>> -> memref<8x2048xi32, #tpu.memory_space<vmem>>
      %parallel_loop3A_710 = arith.index_cast %parallel_loop3A_705 : i32 to index
      %parallel_loop3A_711 = arith.index_cast %parallel_loop3A_704 : i32 to index
      %parallel_loop3A_712 = tpu.vector_load %parallel_loop3A_709[%parallel_loop3A_710, %parallel_loop3A_711] {strides = array<i32>} : memref<8x2048xi32, #tpu.memory_space<vmem>>, vector<16xi32>,
      %parallel_loop3A_713 = tpu.vector_load_idx %arg5[%parallel_loop3A_502] : memref<10000xf32, #tpu.memory_space<vmem>>[vector<16xi32>], vector<16xf32>,
      %parallel_loop3A_714 = tpu.vector_load_idx %arg5[%parallel_loop3A_516] : memref<10000xf32, #tpu.memory_space<vmem>>[vector<16xi32>], vector<16xf32>,
      %parallel_loop3A_715 = tpu.vector_load_idx %arg5[%parallel_loop3A_530] : memref<10000xf32, #tpu.memory_space<vmem>>[vector<16xi32>], vector<16xf32>,
      %parallel_loop3A_716 = tpu.vector_load_idx %arg5[%parallel_loop3A_544] : memref<10000xf32, #tpu.memory_space<vmem>>[vector<16xi32>], vector<16xf32>,
      %parallel_loop3A_717 = tpu.vector_load_idx %arg5[%parallel_loop3A_558] : memref<10000xf32, #tpu.memory_space<vmem>>[vector<16xi32>], vector<16xf32>,
      %parallel_loop3A_718 = tpu.vector_load_idx %arg5[%parallel_loop3A_572] : memref<10000xf32, #tpu.memory_space<vmem>>[vector<16xi32>], vector<16xf32>,
      %parallel_loop3A_719 = tpu.vector_load_idx %arg5[%parallel_loop3A_586] : memref<10000xf32, #tpu.memory_space<vmem>>[vector<16xi32>], vector<16xf32>,
      %parallel_loop3A_720 = tpu.vector_load_idx %arg5[%parallel_loop3A_600] : memref<10000xf32, #tpu.memory_space<vmem>>[vector<16xi32>], vector<16xf32>,
      %parallel_loop3A_721 = tpu.vector_load_idx %arg5[%parallel_loop3A_614] : memref<10000xf32, #tpu.memory_space<vmem>>[vector<16xi32>], vector<16xf32>,
      %parallel_loop3A_722 = tpu.vector_load_idx %arg5[%parallel_loop3A_628] : memref<10000xf32, #tpu.memory_space<vmem>>[vector<16xi32>], vector<16xf32>,
      %parallel_loop3A_723 = tpu.vector_load_idx %arg5[%parallel_loop3A_642] : memref<10000xf32, #tpu.memory_space<vmem>>[vector<16xi32>], vector<16xf32>,
      %parallel_loop3A_724 = tpu.vector_load_idx %arg5[%parallel_loop3A_656] : memref<10000xf32, #tpu.memory_space<vmem>>[vector<16xi32>], vector<16xf32>,
      %parallel_loop3A_725 = tpu.vector_load_idx %arg5[%parallel_loop3A_670] : memref<10000xf32, #tpu.memory_space<vmem>>[vector<16xi32>], vector<16xf32>,
      %parallel_loop3A_726 = tpu.vector_load_idx %arg5[%parallel_loop3A_684] : memref<10000xf32, #tpu.memory_space<vmem>>[vector<16xi32>], vector<16xf32>,
      %parallel_loop3A_727 = tpu.vector_load_idx %arg5[%parallel_loop3A_698] : memref<10000xf32, #tpu.memory_space<vmem>>[vector<16xi32>], vector<16xf32>,
      %parallel_loop3A_728 = tpu.vector_load_idx %arg5[%parallel_loop3A_712] : memref<10000xf32, #tpu.memory_space<vmem>>[vector<16xi32>], vector<16xf32>,
      %parallel_loop3A_729 = arith.constant 2 : i32
      %parallel_loop3A_730 = arith.muli %parallel_loop3A_488, %parallel_loop3A_729 : i32
      %parallel_loop3A_731 = arith.constant 0 : i32
      %parallel_loop3A_732 = arith.addi %parallel_loop3A_730, %parallel_loop3A_731 : i32
      %parallel_loop3A_733 = arith.constant 16 : i32
      %parallel_loop3A_734 = arith.muli %parallel_loop3A_732, %parallel_loop3A_733 : i32
      %parallel_loop3A_735 = arith.constant 0 : i32
      %parallel_loop3A_736 = arith.constant 0 : i32
      %parallel_loop3A_737 = arith.constant 0 : i32
      %parallel_loop3A_738 = tpu.memref_slice %arg7[%parallel_loop3A_400, %parallel_loop3A_736, %parallel_loop3A_737] : memref<2x8x2048xf32, #tpu.memory_space<vmem>> -> memref<1x8x2048xf32, #tpu.memory_space<vmem>>
      %parallel_loop3A_739 = tpu.memref_squeeze %parallel_loop3A_738 : memref<1x8x2048xf32, #tpu.memory_space<vmem>> -> memref<8x2048xf32, #tpu.memory_space<vmem>>
      %parallel_loop3A_740 = arith.index_cast %parallel_loop3A_735 : i32 to index
      %parallel_loop3A_741 = arith.index_cast %parallel_loop3A_734 : i32 to index
      %parallel_loop3A_742 = tpu.vector_load %parallel_loop3A_739[%parallel_loop3A_740, %parallel_loop3A_741] {strides = array<i32>} : memref<8x2048xf32, #tpu.memory_space<vmem>>, vector<16xf32>,
      tpu.vector_store %parallel_loop3A_739[%parallel_loop3A_740, %parallel_loop3A_741], %parallel_loop3A_713 {strides = array<i32>} : memref<8x2048xf32, #tpu.memory_space<vmem>>, vector<16xf32>,
      %parallel_loop3A_743 = arith.constant 2 : i32
      %parallel_loop3A_744 = arith.muli %parallel_loop3A_488, %parallel_loop3A_743 : i32
      %parallel_loop3A_745 = arith.constant 0 : i32
      %parallel_loop3A_746 = arith.addi %parallel_loop3A_744, %parallel_loop3A_745 : i32
      %parallel_loop3A_747 = arith.constant 16 : i32
      %parallel_loop3A_748 = arith.muli %parallel_loop3A_746, %parallel_loop3A_747 : i32
      %parallel_loop3A_749 = arith.constant 1 : i32
      %parallel_loop3A_750 = arith.constant 0 : i32
      %parallel_loop3A_751 = arith.constant 0 : i32
      %parallel_loop3A_752 = tpu.memref_slice %arg7[%parallel_loop3A_400, %parallel_loop3A_750, %parallel_loop3A_751] : memref<2x8x2048xf32, #tpu.memory_space<vmem>> -> memref<1x8x2048xf32, #tpu.memory_space<vmem>>
      %parallel_loop3A_753 = tpu.memref_squeeze %parallel_loop3A_752 : memref<1x8x2048xf32, #tpu.memory_space<vmem>> -> memref<8x2048xf32, #tpu.memory_space<vmem>>
      %parallel_loop3A_754 = arith.index_cast %parallel_loop3A_749 : i32 to index
      %parallel_loop3A_755 = arith.index_cast %parallel_loop3A_748 : i32 to index
      %parallel_loop3A_756 = tpu.vector_load %parallel_loop3A_753[%parallel_loop3A_754, %parallel_loop3A_755] {strides = array<i32>} : memref<8x2048xf32, #tpu.memory_space<vmem>>, vector<16xf32>,
      tpu.vector_store %parallel_loop3A_753[%parallel_loop3A_754, %parallel_loop3A_755], %parallel_loop3A_714 {strides = array<i32>} : memref<8x2048xf32, #tpu.memory_space<vmem>>, vector<16xf32>,
      %parallel_loop3A_757 = arith.constant 2 : i32
      %parallel_loop3A_758 = arith.muli %parallel_loop3A_488, %parallel_loop3A_757 : i32
      %parallel_loop3A_759 = arith.constant 0 : i32
      %parallel_loop3A_760 = arith.addi %parallel_loop3A_758, %parallel_loop3A_759 : i32
      %parallel_loop3A_761 = arith.constant 16 : i32
      %parallel_loop3A_762 = arith.muli %parallel_loop3A_760, %parallel_loop3A_761 : i32
      %parallel_loop3A_763 = arith.constant 2 : i32
      %parallel_loop3A_764 = arith.constant 0 : i32
      %parallel_loop3A_765 = arith.constant 0 : i32
      %parallel_loop3A_766 = tpu.memref_slice %arg7[%parallel_loop3A_400, %parallel_loop3A_764, %parallel_loop3A_765] : memref<2x8x2048xf32, #tpu.memory_space<vmem>> -> memref<1x8x2048xf32, #tpu.memory_space<vmem>>
      %parallel_loop3A_767 = tpu.memref_squeeze %parallel_loop3A_766 : memref<1x8x2048xf32, #tpu.memory_space<vmem>> -> memref<8x2048xf32, #tpu.memory_space<vmem>>
      %parallel_loop3A_768 = arith.index_cast %parallel_loop3A_763 : i32 to index
      %parallel_loop3A_769 = arith.index_cast %parallel_loop3A_762 : i32 to index
      %parallel_loop3A_770 = tpu.vector_load %parallel_loop3A_767[%parallel_loop3A_768, %parallel_loop3A_769] {strides = array<i32>} : memref<8x2048xf32, #tpu.memory_space<vmem>>, vector<16xf32>,
      tpu.vector_store %parallel_loop3A_767[%parallel_loop3A_768, %parallel_loop3A_769], %parallel_loop3A_715 {strides = array<i32>} : memref<8x2048xf32, #tpu.memory_space<vmem>>, vector<16xf32>,
      %parallel_loop3A_771 = arith.constant 2 : i32
      %parallel_loop3A_772 = arith.muli %parallel_loop3A_488, %parallel_loop3A_771 : i32
      %parallel_loop3A_773 = arith.constant 0 : i32
      %parallel_loop3A_774 = arith.addi %parallel_loop3A_772, %parallel_loop3A_773 : i32
      %parallel_loop3A_775 = arith.constant 16 : i32
      %parallel_loop3A_776 = arith.muli %parallel_loop3A_774, %parallel_loop3A_775 : i32
      %parallel_loop3A_777 = arith.constant 3 : i32
      %parallel_loop3A_778 = arith.constant 0 : i32
      %parallel_loop3A_779 = arith.constant 0 : i32
      %parallel_loop3A_780 = tpu.memref_slice %arg7[%parallel_loop3A_400, %parallel_loop3A_778, %parallel_loop3A_779] : memref<2x8x2048xf32, #tpu.memory_space<vmem>> -> memref<1x8x2048xf32, #tpu.memory_space<vmem>>
      %parallel_loop3A_781 = tpu.memref_squeeze %parallel_loop3A_780 : memref<1x8x2048xf32, #tpu.memory_space<vmem>> -> memref<8x2048xf32, #tpu.memory_space<vmem>>
      %parallel_loop3A_782 = arith.index_cast %parallel_loop3A_777 : i32 to index
      %parallel_loop3A_783 = arith.index_cast %parallel_loop3A_776 : i32 to index
      %parallel_loop3A_784 = tpu.vector_load %parallel_loop3A_781[%parallel_loop3A_782, %parallel_loop3A_783] {strides = array<i32>} : memref<8x2048xf32, #tpu.memory_space<vmem>>, vector<16xf32>,
      tpu.vector_store %parallel_loop3A_781[%parallel_loop3A_782, %parallel_loop3A_783], %parallel_loop3A_716 {strides = array<i32>} : memref<8x2048xf32, #tpu.memory_space<vmem>>, vector<16xf32>,
      %parallel_loop3A_785 = arith.constant 2 : i32
      %parallel_loop3A_786 = arith.muli %parallel_loop3A_488, %parallel_loop3A_785 : i32
      %parallel_loop3A_787 = arith.constant 0 : i32
      %parallel_loop3A_788 = arith.addi %parallel_loop3A_786, %parallel_loop3A_787 : i32
      %parallel_loop3A_789 = arith.constant 16 : i32
      %parallel_loop3A_790 = arith.muli %parallel_loop3A_788, %parallel_loop3A_789 : i32
      %parallel_loop3A_791 = arith.constant 4 : i32
      %parallel_loop3A_792 = arith.constant 0 : i32
      %parallel_loop3A_793 = arith.constant 0 : i32
      %parallel_loop3A_794 = tpu.memref_slice %arg7[%parallel_loop3A_400, %parallel_loop3A_792, %parallel_loop3A_793] : memref<2x8x2048xf32, #tpu.memory_space<vmem>> -> memref<1x8x2048xf32, #tpu.memory_space<vmem>>
      %parallel_loop3A_795 = tpu.memref_squeeze %parallel_loop3A_794 : memref<1x8x2048xf32, #tpu.memory_space<vmem>> -> memref<8x2048xf32, #tpu.memory_space<vmem>>
      %parallel_loop3A_796 = arith.index_cast %parallel_loop3A_791 : i32 to index
      %parallel_loop3A_797 = arith.index_cast %parallel_loop3A_790 : i32 to index
      %parallel_loop3A_798 = tpu.vector_load %parallel_loop3A_795[%parallel_loop3A_796, %parallel_loop3A_797] {strides = array<i32>} : memref<8x2048xf32, #tpu.memory_space<vmem>>, vector<16xf32>,
      tpu.vector_store %parallel_loop3A_795[%parallel_loop3A_796, %parallel_loop3A_797], %parallel_loop3A_717 {strides = array<i32>} : memref<8x2048xf32, #tpu.memory_space<vmem>>, vector<16xf32>,
      %parallel_loop3A_799 = arith.constant 2 : i32
      %parallel_loop3A_800 = arith.muli %parallel_loop3A_488, %parallel_loop3A_799 : i32
      %parallel_loop3A_801 = arith.constant 0 : i32
      %parallel_loop3A_802 = arith.addi %parallel_loop3A_800, %parallel_loop3A_801 : i32
      %parallel_loop3A_803 = arith.constant 16 : i32
      %parallel_loop3A_804 = arith.muli %parallel_loop3A_802, %parallel_loop3A_803 : i32
      %parallel_loop3A_805 = arith.constant 5 : i32
      %parallel_loop3A_806 = arith.constant 0 : i32
      %parallel_loop3A_807 = arith.constant 0 : i32
      %parallel_loop3A_808 = tpu.memref_slice %arg7[%parallel_loop3A_400, %parallel_loop3A_806, %parallel_loop3A_807] : memref<2x8x2048xf32, #tpu.memory_space<vmem>> -> memref<1x8x2048xf32, #tpu.memory_space<vmem>>
      %parallel_loop3A_809 = tpu.memref_squeeze %parallel_loop3A_808 : memref<1x8x2048xf32, #tpu.memory_space<vmem>> -> memref<8x2048xf32, #tpu.memory_space<vmem>>
      %parallel_loop3A_810 = arith.index_cast %parallel_loop3A_805 : i32 to index
      %parallel_loop3A_811 = arith.index_cast %parallel_loop3A_804 : i32 to index
      %parallel_loop3A_812 = tpu.vector_load %parallel_loop3A_809[%parallel_loop3A_810, %parallel_loop3A_811] {strides = array<i32>} : memref<8x2048xf32, #tpu.memory_space<vmem>>, vector<16xf32>,
      tpu.vector_store %parallel_loop3A_809[%parallel_loop3A_810, %parallel_loop3A_811], %parallel_loop3A_718 {strides = array<i32>} : memref<8x2048xf32, #tpu.memory_space<vmem>>, vector<16xf32>,
      %parallel_loop3A_813 = arith.constant 2 : i32
      %parallel_loop3A_814 = arith.muli %parallel_loop3A_488, %parallel_loop3A_813 : i32
      %parallel_loop3A_815 = arith.constant 0 : i32
      %parallel_loop3A_816 = arith.addi %parallel_loop3A_814, %parallel_loop3A_815 : i32
      %parallel_loop3A_817 = arith.constant 16 : i32
      %parallel_loop3A_818 = arith.muli %parallel_loop3A_816, %parallel_loop3A_817 : i32
      %parallel_loop3A_819 = arith.constant 6 : i32
      %parallel_loop3A_820 = arith.constant 0 : i32
      %parallel_loop3A_821 = arith.constant 0 : i32
      %parallel_loop3A_822 = tpu.memref_slice %arg7[%parallel_loop3A_400, %parallel_loop3A_820, %parallel_loop3A_821] : memref<2x8x2048xf32, #tpu.memory_space<vmem>> -> memref<1x8x2048xf32, #tpu.memory_space<vmem>>
      %parallel_loop3A_823 = tpu.memref_squeeze %parallel_loop3A_822 : memref<1x8x2048xf32, #tpu.memory_space<vmem>> -> memref<8x2048xf32, #tpu.memory_space<vmem>>
      %parallel_loop3A_824 = arith.index_cast %parallel_loop3A_819 : i32 to index
      %parallel_loop3A_825 = arith.index_cast %parallel_loop3A_818 : i32 to index
      %parallel_loop3A_826 = tpu.vector_load %parallel_loop3A_823[%parallel_loop3A_824, %parallel_loop3A_825] {strides = array<i32>} : memref<8x2048xf32, #tpu.memory_space<vmem>>, vector<16xf32>,
      tpu.vector_store %parallel_loop3A_823[%parallel_loop3A_824, %parallel_loop3A_825], %parallel_loop3A_719 {strides = array<i32>} : memref<8x2048xf32, #tpu.memory_space<vmem>>, vector<16xf32>,
      %parallel_loop3A_827 = arith.constant 2 : i32
      %parallel_loop3A_828 = arith.muli %parallel_loop3A_488, %parallel_loop3A_827 : i32
      %parallel_loop3A_829 = arith.constant 0 : i32
      %parallel_loop3A_830 = arith.addi %parallel_loop3A_828, %parallel_loop3A_829 : i32
      %parallel_loop3A_831 = arith.constant 16 : i32
      %parallel_loop3A_832 = arith.muli %parallel_loop3A_830, %parallel_loop3A_831 : i32
      %parallel_loop3A_833 = arith.constant 7 : i32
      %parallel_loop3A_834 = arith.constant 0 : i32
      %parallel_loop3A_835 = arith.constant 0 : i32
      %parallel_loop3A_836 = tpu.memref_slice %arg7[%parallel_loop3A_400, %parallel_loop3A_834, %parallel_loop3A_835] : memref<2x8x2048xf32, #tpu.memory_space<vmem>> -> memref<1x8x2048xf32, #tpu.memory_space<vmem>>
      %parallel_loop3A_837 = tpu.memref_squeeze %parallel_loop3A_836 : memref<1x8x2048xf32, #tpu.memory_space<vmem>> -> memref<8x2048xf32, #tpu.memory_space<vmem>>
      %parallel_loop3A_838 = arith.index_cast %parallel_loop3A_833 : i32 to index
      %parallel_loop3A_839 = arith.index_cast %parallel_loop3A_832 : i32 to index
      %parallel_loop3A_840 = tpu.vector_load %parallel_loop3A_837[%parallel_loop3A_838, %parallel_loop3A_839] {strides = array<i32>} : memref<8x2048xf32, #tpu.memory_space<vmem>>, vector<16xf32>,
      tpu.vector_store %parallel_loop3A_837[%parallel_loop3A_838, %parallel_loop3A_839], %parallel_loop3A_720 {strides = array<i32>} : memref<8x2048xf32, #tpu.memory_space<vmem>>, vector<16xf32>,
      %parallel_loop3A_841 = arith.constant 2 : i32
      %parallel_loop3A_842 = arith.muli %parallel_loop3A_488, %parallel_loop3A_841 : i32
      %parallel_loop3A_843 = arith.constant 1 : i32
      %parallel_loop3A_844 = arith.addi %parallel_loop3A_842, %parallel_loop3A_843 : i32
      %parallel_loop3A_845 = arith.constant 16 : i32
      %parallel_loop3A_846 = arith.muli %parallel_loop3A_844, %parallel_loop3A_845 : i32
      %parallel_loop3A_847 = arith.constant 0 : i32
      %parallel_loop3A_848 = arith.constant 0 : i32
      %parallel_loop3A_849 = arith.constant 0 : i32
      %parallel_loop3A_850 = tpu.memref_slice %arg7[%parallel_loop3A_400, %parallel_loop3A_848, %parallel_loop3A_849] : memref<2x8x2048xf32, #tpu.memory_space<vmem>> -> memref<1x8x2048xf32, #tpu.memory_space<vmem>>
      %parallel_loop3A_851 = tpu.memref_squeeze %parallel_loop3A_850 : memref<1x8x2048xf32, #tpu.memory_space<vmem>> -> memref<8x2048xf32, #tpu.memory_space<vmem>>
      %parallel_loop3A_852 = arith.index_cast %parallel_loop3A_847 : i32 to index
      %parallel_loop3A_853 = arith.index_cast %parallel_loop3A_846 : i32 to index
      %parallel_loop3A_854 = tpu.vector_load %parallel_loop3A_851[%parallel_loop3A_852, %parallel_loop3A_853] {strides = array<i32>} : memref<8x2048xf32, #tpu.memory_space<vmem>>, vector<16xf32>,
      tpu.vector_store %parallel_loop3A_851[%parallel_loop3A_852, %parallel_loop3A_853], %parallel_loop3A_721 {strides = array<i32>} : memref<8x2048xf32, #tpu.memory_space<vmem>>, vector<16xf32>,
      %parallel_loop3A_855 = arith.constant 2 : i32
      %parallel_loop3A_856 = arith.muli %parallel_loop3A_488, %parallel_loop3A_855 : i32
      %parallel_loop3A_857 = arith.constant 1 : i32
      %parallel_loop3A_858 = arith.addi %parallel_loop3A_856, %parallel_loop3A_857 : i32
      %parallel_loop3A_859 = arith.constant 16 : i32
      %parallel_loop3A_860 = arith.muli %parallel_loop3A_858, %parallel_loop3A_859 : i32
      %parallel_loop3A_861 = arith.constant 1 : i32
      %parallel_loop3A_862 = arith.constant 0 : i32
      %parallel_loop3A_863 = arith.constant 0 : i32
      %parallel_loop3A_864 = tpu.memref_slice %arg7[%parallel_loop3A_400, %parallel_loop3A_862, %parallel_loop3A_863] : memref<2x8x2048xf32, #tpu.memory_space<vmem>> -> memref<1x8x2048xf32, #tpu.memory_space<vmem>>
      %parallel_loop3A_865 = tpu.memref_squeeze %parallel_loop3A_864 : memref<1x8x2048xf32, #tpu.memory_space<vmem>> -> memref<8x2048xf32, #tpu.memory_space<vmem>>
      %parallel_loop3A_866 = arith.index_cast %parallel_loop3A_861 : i32 to index
      %parallel_loop3A_867 = arith.index_cast %parallel_loop3A_860 : i32 to index
      %parallel_loop3A_868 = tpu.vector_load %parallel_loop3A_865[%parallel_loop3A_866, %parallel_loop3A_867] {strides = array<i32>} : memref<8x2048xf32, #tpu.memory_space<vmem>>, vector<16xf32>,
      tpu.vector_store %parallel_loop3A_865[%parallel_loop3A_866, %parallel_loop3A_867], %parallel_loop3A_722 {strides = array<i32>} : memref<8x2048xf32, #tpu.memory_space<vmem>>, vector<16xf32>,
      %parallel_loop3A_869 = arith.constant 2 : i32
      %parallel_loop3A_870 = arith.muli %parallel_loop3A_488, %parallel_loop3A_869 : i32
      %parallel_loop3A_871 = arith.constant 1 : i32
      %parallel_loop3A_872 = arith.addi %parallel_loop3A_870, %parallel_loop3A_871 : i32
      %parallel_loop3A_873 = arith.constant 16 : i32
      %parallel_loop3A_874 = arith.muli %parallel_loop3A_872, %parallel_loop3A_873 : i32
      %parallel_loop3A_875 = arith.constant 2 : i32
      %parallel_loop3A_876 = arith.constant 0 : i32
      %parallel_loop3A_877 = arith.constant 0 : i32
      %parallel_loop3A_878 = tpu.memref_slice %arg7[%parallel_loop3A_400, %parallel_loop3A_876, %parallel_loop3A_877] : memref<2x8x2048xf32, #tpu.memory_space<vmem>> -> memref<1x8x2048xf32, #tpu.memory_space<vmem>>
      %parallel_loop3A_879 = tpu.memref_squeeze %parallel_loop3A_878 : memref<1x8x2048xf32, #tpu.memory_space<vmem>> -> memref<8x2048xf32, #tpu.memory_space<vmem>>
      %parallel_loop3A_880 = arith.index_cast %parallel_loop3A_875 : i32 to index
      %parallel_loop3A_881 = arith.index_cast %parallel_loop3A_874 : i32 to index
      %parallel_loop3A_882 = tpu.vector_load %parallel_loop3A_879[%parallel_loop3A_880, %parallel_loop3A_881] {strides = array<i32>} : memref<8x2048xf32, #tpu.memory_space<vmem>>, vector<16xf32>,
      tpu.vector_store %parallel_loop3A_879[%parallel_loop3A_880, %parallel_loop3A_881], %parallel_loop3A_723 {strides = array<i32>} : memref<8x2048xf32, #tpu.memory_space<vmem>>, vector<16xf32>,
      %parallel_loop3A_883 = arith.constant 2 : i32
      %parallel_loop3A_884 = arith.muli %parallel_loop3A_488, %parallel_loop3A_883 : i32
      %parallel_loop3A_885 = arith.constant 1 : i32
      %parallel_loop3A_886 = arith.addi %parallel_loop3A_884, %parallel_loop3A_885 : i32
      %parallel_loop3A_887 = arith.constant 16 : i32
      %parallel_loop3A_888 = arith.muli %parallel_loop3A_886, %parallel_loop3A_887 : i32
      %parallel_loop3A_889 = arith.constant 3 : i32
      %parallel_loop3A_890 = arith.constant 0 : i32
      %parallel_loop3A_891 = arith.constant 0 : i32
      %parallel_loop3A_892 = tpu.memref_slice %arg7[%parallel_loop3A_400, %parallel_loop3A_890, %parallel_loop3A_891] : memref<2x8x2048xf32, #tpu.memory_space<vmem>> -> memref<1x8x2048xf32, #tpu.memory_space<vmem>>
      %parallel_loop3A_893 = tpu.memref_squeeze %parallel_loop3A_892 : memref<1x8x2048xf32, #tpu.memory_space<vmem>> -> memref<8x2048xf32, #tpu.memory_space<vmem>>
      %parallel_loop3A_894 = arith.index_cast %parallel_loop3A_889 : i32 to index
      %parallel_loop3A_895 = arith.index_cast %parallel_loop3A_888 : i32 to index
      %parallel_loop3A_896 = tpu.vector_load %parallel_loop3A_893[%parallel_loop3A_894, %parallel_loop3A_895] {strides = array<i32>} : memref<8x2048xf32, #tpu.memory_space<vmem>>, vector<16xf32>,
      tpu.vector_store %parallel_loop3A_893[%parallel_loop3A_894, %parallel_loop3A_895], %parallel_loop3A_724 {strides = array<i32>} : memref<8x2048xf32, #tpu.memory_space<vmem>>, vector<16xf32>,
      %parallel_loop3A_897 = arith.constant 2 : i32
      %parallel_loop3A_898 = arith.muli %parallel_loop3A_488, %parallel_loop3A_897 : i32
      %parallel_loop3A_899 = arith.constant 1 : i32
      %parallel_loop3A_900 = arith.addi %parallel_loop3A_898, %parallel_loop3A_899 : i32
      %parallel_loop3A_901 = arith.constant 16 : i32
      %parallel_loop3A_902 = arith.muli %parallel_loop3A_900, %parallel_loop3A_901 : i32
      %parallel_loop3A_903 = arith.constant 4 : i32
      %parallel_loop3A_904 = arith.constant 0 : i32
      %parallel_loop3A_905 = arith.constant 0 : i32
      %parallel_loop3A_906 = tpu.memref_slice %arg7[%parallel_loop3A_400, %parallel_loop3A_904, %parallel_loop3A_905] : memref<2x8x2048xf32, #tpu.memory_space<vmem>> -> memref<1x8x2048xf32, #tpu.memory_space<vmem>>
      %parallel_loop3A_907 = tpu.memref_squeeze %parallel_loop3A_906 : memref<1x8x2048xf32, #tpu.memory_space<vmem>> -> memref<8x2048xf32, #tpu.memory_space<vmem>>
      %parallel_loop3A_908 = arith.index_cast %parallel_loop3A_903 : i32 to index
      %parallel_loop3A_909 = arith.index_cast %parallel_loop3A_902 : i32 to index
      %parallel_loop3A_910 = tpu.vector_load %parallel_loop3A_907[%parallel_loop3A_908, %parallel_loop3A_909] {strides = array<i32>} : memref<8x2048xf32, #tpu.memory_space<vmem>>, vector<16xf32>,
      tpu.vector_store %parallel_loop3A_907[%parallel_loop3A_908, %parallel_loop3A_909], %parallel_loop3A_725 {strides = array<i32>} : memref<8x2048xf32, #tpu.memory_space<vmem>>, vector<16xf32>,
      %parallel_loop3A_911 = arith.constant 2 : i32
      %parallel_loop3A_912 = arith.muli %parallel_loop3A_488, %parallel_loop3A_911 : i32
      %parallel_loop3A_913 = arith.constant 1 : i32
      %parallel_loop3A_914 = arith.addi %parallel_loop3A_912, %parallel_loop3A_913 : i32
      %parallel_loop3A_915 = arith.constant 16 : i32
      %parallel_loop3A_916 = arith.muli %parallel_loop3A_914, %parallel_loop3A_915 : i32
      %parallel_loop3A_917 = arith.constant 5 : i32
      %parallel_loop3A_918 = arith.constant 0 : i32
      %parallel_loop3A_919 = arith.constant 0 : i32
      %parallel_loop3A_920 = tpu.memref_slice %arg7[%parallel_loop3A_400, %parallel_loop3A_918, %parallel_loop3A_919] : memref<2x8x2048xf32, #tpu.memory_space<vmem>> -> memref<1x8x2048xf32, #tpu.memory_space<vmem>>
      %parallel_loop3A_921 = tpu.memref_squeeze %parallel_loop3A_920 : memref<1x8x2048xf32, #tpu.memory_space<vmem>> -> memref<8x2048xf32, #tpu.memory_space<vmem>>
      %parallel_loop3A_922 = arith.index_cast %parallel_loop3A_917 : i32 to index
      %parallel_loop3A_923 = arith.index_cast %parallel_loop3A_916 : i32 to index
      %parallel_loop3A_924 = tpu.vector_load %parallel_loop3A_921[%parallel_loop3A_922, %parallel_loop3A_923] {strides = array<i32>} : memref<8x2048xf32, #tpu.memory_space<vmem>>, vector<16xf32>,
      tpu.vector_store %parallel_loop3A_921[%parallel_loop3A_922, %parallel_loop3A_923], %parallel_loop3A_726 {strides = array<i32>} : memref<8x2048xf32, #tpu.memory_space<vmem>>, vector<16xf32>,
      %parallel_loop3A_925 = arith.constant 2 : i32
      %parallel_loop3A_926 = arith.muli %parallel_loop3A_488, %parallel_loop3A_925 : i32
      %parallel_loop3A_927 = arith.constant 1 : i32
      %parallel_loop3A_928 = arith.addi %parallel_loop3A_926, %parallel_loop3A_927 : i32
      %parallel_loop3A_929 = arith.constant 16 : i32
      %parallel_loop3A_930 = arith.muli %parallel_loop3A_928, %parallel_loop3A_929 : i32
      %parallel_loop3A_931 = arith.constant 6 : i32
      %parallel_loop3A_932 = arith.constant 0 : i32
      %parallel_loop3A_933 = arith.constant 0 : i32
      %parallel_loop3A_934 = tpu.memref_slice %arg7[%parallel_loop3A_400, %parallel_loop3A_932, %parallel_loop3A_933] : memref<2x8x2048xf32, #tpu.memory_space<vmem>> -> memref<1x8x2048xf32, #tpu.memory_space<vmem>>
      %parallel_loop3A_935 = tpu.memref_squeeze %parallel_loop3A_934 : memref<1x8x2048xf32, #tpu.memory_space<vmem>> -> memref<8x2048xf32, #tpu.memory_space<vmem>>
      %parallel_loop3A_936 = arith.index_cast %parallel_loop3A_931 : i32 to index
      %parallel_loop3A_937 = arith.index_cast %parallel_loop3A_930 : i32 to index
      %parallel_loop3A_938 = tpu.vector_load %parallel_loop3A_935[%parallel_loop3A_936, %parallel_loop3A_937] {strides = array<i32>} : memref<8x2048xf32, #tpu.memory_space<vmem>>, vector<16xf32>,
      tpu.vector_store %parallel_loop3A_935[%parallel_loop3A_936, %parallel_loop3A_937], %parallel_loop3A_727 {strides = array<i32>} : memref<8x2048xf32, #tpu.memory_space<vmem>>, vector<16xf32>,
      %parallel_loop3A_939 = arith.constant 2 : i32
      %parallel_loop3A_940 = arith.muli %parallel_loop3A_488, %parallel_loop3A_939 : i32
      %parallel_loop3A_941 = arith.constant 1 : i32
      %parallel_loop3A_942 = arith.addi %parallel_loop3A_940, %parallel_loop3A_941 : i32
      %parallel_loop3A_943 = arith.constant 16 : i32
      %parallel_loop3A_944 = arith.muli %parallel_loop3A_942, %parallel_loop3A_943 : i32
      %parallel_loop3A_945 = arith.constant 7 : i32
      %parallel_loop3A_946 = arith.constant 0 : i32
      %parallel_loop3A_947 = arith.constant 0 : i32
      %parallel_loop3A_948 = tpu.memref_slice %arg7[%parallel_loop3A_400, %parallel_loop3A_946, %parallel_loop3A_947] : memref<2x8x2048xf32, #tpu.memory_space<vmem>> -> memref<1x8x2048xf32, #tpu.memory_space<vmem>>
      %parallel_loop3A_949 = tpu.memref_squeeze %parallel_loop3A_948 : memref<1x8x2048xf32, #tpu.memory_space<vmem>> -> memref<8x2048xf32, #tpu.memory_space<vmem>>
      %parallel_loop3A_950 = arith.index_cast %parallel_loop3A_945 : i32 to index
      %parallel_loop3A_951 = arith.index_cast %parallel_loop3A_944 : i32 to index
      %parallel_loop3A_952 = tpu.vector_load %parallel_loop3A_949[%parallel_loop3A_950, %parallel_loop3A_951] {strides = array<i32>} : memref<8x2048xf32, #tpu.memory_space<vmem>>, vector<16xf32>,
      tpu.vector_store %parallel_loop3A_949[%parallel_loop3A_950, %parallel_loop3A_951], %parallel_loop3A_728 {strides = array<i32>} : memref<8x2048xf32, #tpu.memory_space<vmem>>, vector<16xf32>,
    } {sc.loop_unroll_factor = 2 : i64, sc.parallel_access}
    %add3A_401 = arith.constant 48 : i32
    %add3A_402 = arith.addi %mul3A_2, %add3A_401 : i32
    %dma_start3A_403 = arith.constant 0 : i32
    %dma_start3A_404 = arith.constant 0 : i32
    %dma_start3A_405 = arith.constant 0 : i32
    %dma_start3A_406 = tpu.memref_slice %arg7[%dma_start3A_403, %dma_start3A_404, %dma_start3A_405] : memref<2x8x2048xf32, #tpu.memory_space<vmem>> -> memref<1x8x2048xf32, #tpu.memory_space<vmem>>
    %dma_start3A_407 = tpu.memref_squeeze %dma_start3A_406 : memref<1x8x2048xf32, #tpu.memory_space<vmem>> -> memref<8x2048xf32, #tpu.memory_space<vmem>>
    %dma_start3A_408 = arith.constant 0 : i32
    %dma_start3A_409 = tpu.memref_slice %arg4[%add3A_402, %dma_start3A_408] : memref<2048x2048xf32, #tpu.memory_space<hbm>> -> memref<8x2048xf32, #tpu.memory_space<hbm>>
    %dma_start3A_410 = arith.constant 0 : i32
    %dma_start3A_411 = tpu.memref_slice %arg4[%add3A_402, %dma_start3A_410] : memref<2048x2048xf32, #tpu.memory_space<hbm>> -> memref<8x2048xf32, #tpu.memory_space<hbm>>
    %dma_start3A_412 = arith.constant 0 : i32
    %dma_start3A_413 = arith.constant 0 : i32
    %dma_start3A_414 = tpu.memref_slice %arg7[%dma_start3A_403, %dma_start3A_412, %dma_start3A_413] : memref<2x8x2048xf32, #tpu.memory_space<vmem>> -> memref<1x8x2048xf32, #tpu.memory_space<vmem>>
    %dma_start3A_415 = tpu.memref_squeeze %dma_start3A_414 : memref<1x8x2048xf32, #tpu.memory_space<vmem>> -> memref<8x2048xf32, #tpu.memory_space<vmem>>
    tpu.enqueue_dma source(%dma_start3A_415 : memref<8x2048xf32, #tpu.memory_space<vmem>>) target(%dma_start3A_411 : memref<8x2048xf32, #tpu.memory_space<hbm>>) target_semaphore(%arg10 : memref<!tpu.dma_semaphore, #tpu.memory_space<semaphore_mem>>)
    %dma_wait3A_416 = arith.constant 1 : i32
    %dma_wait3A_417 = arith.constant 0 : i32
    %dma_wait3A_418 = arith.constant 0 : i32
    %dma_wait3A_419 = tpu.memref_slice %arg6[%dma_wait3A_416, %dma_wait3A_417, %dma_wait3A_418] : memref<2x8x2048xi32, #tpu.memory_space<vmem>> -> memref<1x8x2048xi32, #tpu.memory_space<vmem>>
    %dma_wait3A_420 = tpu.memref_squeeze %dma_wait3A_419 : memref<1x8x2048xi32, #tpu.memory_space<vmem>> -> memref<8x2048xi32, #tpu.memory_space<vmem>>
    %dma_wait3A_421 = arith.constant 0 : i32
    %dma_wait3A_422 = tpu.memref_slice %arg3[%add3A_356, %dma_wait3A_421] : memref<2048x2048xi32, #tpu.memory_space<hbm>> -> memref<8x2048xi32, #tpu.memory_space<hbm>>
    %dma_wait3A_423 = arith.constant 0 : i32
    %dma_wait3A_424 = arith.constant 0 : i32
    %dma_wait3A_425 = tpu.memref_slice %arg6[%dma_wait3A_416, %dma_wait3A_423, %dma_wait3A_424] : memref<2x8x2048xi32, #tpu.memory_space<vmem>> -> memref<1x8x2048xi32, #tpu.memory_space<vmem>>
    %dma_wait3A_426 = tpu.memref_squeeze %dma_wait3A_425 : memref<1x8x2048xi32, #tpu.memory_space<vmem>> -> memref<8x2048xi32, #tpu.memory_space<vmem>>
    %dma_wait3A_427 = arith.constant 0 : i32
    %dma_wait3A_428 = tpu.memref_slice %arg3[%add3A_356, %dma_wait3A_427] : memref<2048x2048xi32, #tpu.memory_space<hbm>> -> memref<8x2048xi32, #tpu.memory_space<hbm>>
    tpu.wait_dma2 semaphore(%arg9 : memref<!tpu.dma_semaphore, #tpu.memory_space<semaphore_mem>>) src(%dma_wait3A_428 : memref<8x2048xi32, #tpu.memory_space<hbm>>) dst(%dma_wait3A_426 : memref<8x2048xi32, #tpu.memory_space<vmem>>)
    %dma_wait3A_429 = arith.constant 1 : i32
    %dma_wait3A_430 = arith.constant 0 : i32
    %dma_wait3A_431 = arith.constant 0 : i32
    %dma_wait3A_432 = tpu.memref_slice %arg7[%dma_wait3A_429, %dma_wait3A_430, %dma_wait3A_431] : memref<2x8x2048xf32, #tpu.memory_space<vmem>> -> memref<1x8x2048xf32, #tpu.memory_space<vmem>>
    %dma_wait3A_433 = tpu.memref_squeeze %dma_wait3A_432 : memref<1x8x2048xf32, #tpu.memory_space<vmem>> -> memref<8x2048xf32, #tpu.memory_space<vmem>>
    %dma_wait3A_434 = arith.constant 0 : i32
    %dma_wait3A_435 = tpu.memref_slice %arg4[%add3A_341, %dma_wait3A_434] : memref<2048x2048xf32, #tpu.memory_space<hbm>> -> memref<8x2048xf32, #tpu.memory_space<hbm>>
    %dma_wait3A_436 = arith.constant 0 : i32
    %dma_wait3A_437 = tpu.memref_slice %arg4[%add3A_341, %dma_wait3A_436] : memref<2048x2048xf32, #tpu.memory_space<hbm>> -> memref<8x2048xf32, #tpu.memory_space<hbm>>
    %dma_wait3A_438 = arith.constant 0 : i32
    %dma_wait3A_439 = arith.constant 0 : i32
    %dma_wait3A_440 = tpu.memref_slice %arg7[%dma_wait3A_429, %dma_wait3A_438, %dma_wait3A_439] : memref<2x8x2048xf32, #tpu.memory_space<vmem>> -> memref<1x8x2048xf32, #tpu.memory_space<vmem>>
    %dma_wait3A_441 = tpu.memref_squeeze %dma_wait3A_440 : memref<1x8x2048xf32, #tpu.memory_space<vmem>> -> memref<8x2048xf32, #tpu.memory_space<vmem>>
    tpu.wait_dma2 semaphore(%arg11 : memref<!tpu.dma_semaphore, #tpu.memory_space<semaphore_mem>>) src(%dma_wait3A_441 : memref<8x2048xf32, #tpu.memory_space<vmem>>) dst(%dma_wait3A_437 : memref<8x2048xf32, #tpu.memory_space<hbm>>)
    %parallel_loop3A_442 = arith.constant 0 : i32
    %parallel_loop3A_443 = arith.constant 64 : i32
    %parallel_loop3A_444 = arith.constant 1 : i32
    %parallel_loop3A_445 = arith.constant 1 : i32
    %parallel_loop3A_446 = arith.constant 1 : i32
    scf.for %parallel_loop3A_488 = %parallel_loop3A_442 to %parallel_loop3A_443 step %parallel_loop3A_444  : i32 {
      %parallel_loop3A_489 = arith.constant 2 : i32
      %parallel_loop3A_490 = arith.muli %parallel_loop3A_488, %parallel_loop3A_489 : i32
      %parallel_loop3A_491 = arith.constant 0 : i32
      %parallel_loop3A_492 = arith.addi %parallel_loop3A_490, %parallel_loop3A_491 : i32
      %parallel_loop3A_493 = arith.constant 16 : i32
      %parallel_loop3A_494 = arith.muli %parallel_loop3A_492, %parallel_loop3A_493 : i32
      %parallel_loop3A_495 = arith.constant 0 : i32
      %parallel_loop3A_496 = arith.constant 0 : i32
      %parallel_loop3A_497 = arith.constant 0 : i32
      %parallel_loop3A_498 = tpu.memref_slice %arg6[%parallel_loop3A_445, %parallel_loop3A_496, %parallel_loop3A_497] : memref<2x8x2048xi32, #tpu.memory_space<vmem>> -> memref<1x8x2048xi32, #tpu.memory_space<vmem>>
      %parallel_loop3A_499 = tpu.memref_squeeze %parallel_loop3A_498 : memref<1x8x2048xi32, #tpu.memory_space<vmem>> -> memref<8x2048xi32, #tpu.memory_space<vmem>>
      %parallel_loop3A_500 = arith.index_cast %parallel_loop3A_495 : i32 to index
      %parallel_loop3A_501 = arith.index_cast %parallel_loop3A_494 : i32 to index
      %parallel_loop3A_502 = tpu.vector_load %parallel_loop3A_499[%parallel_loop3A_500, %parallel_loop3A_501] {strides = array<i32>} : memref<8x2048xi32, #tpu.memory_space<vmem>>, vector<16xi32>,
      %parallel_loop3A_503 = arith.constant 2 : i32
      %parallel_loop3A_504 = arith.muli %parallel_loop3A_488, %parallel_loop3A_503 : i32
      %parallel_loop3A_505 = arith.constant 0 : i32
      %parallel_loop3A_506 = arith.addi %parallel_loop3A_504, %parallel_loop3A_505 : i32
      %parallel_loop3A_507 = arith.constant 16 : i32
      %parallel_loop3A_508 = arith.muli %parallel_loop3A_506, %parallel_loop3A_507 : i32
      %parallel_loop3A_509 = arith.constant 1 : i32
      %parallel_loop3A_510 = arith.constant 0 : i32
      %parallel_loop3A_511 = arith.constant 0 : i32
      %parallel_loop3A_512 = tpu.memref_slice %arg6[%parallel_loop3A_445, %parallel_loop3A_510, %parallel_loop3A_511] : memref<2x8x2048xi32, #tpu.memory_space<vmem>> -> memref<1x8x2048xi32, #tpu.memory_space<vmem>>
      %parallel_loop3A_513 = tpu.memref_squeeze %parallel_loop3A_512 : memref<1x8x2048xi32, #tpu.memory_space<vmem>> -> memref<8x2048xi32, #tpu.memory_space<vmem>>
      %parallel_loop3A_514 = arith.index_cast %parallel_loop3A_509 : i32 to index
      %parallel_loop3A_515 = arith.index_cast %parallel_loop3A_508 : i32 to index
      %parallel_loop3A_516 = tpu.vector_load %parallel_loop3A_513[%parallel_loop3A_514, %parallel_loop3A_515] {strides = array<i32>} : memref<8x2048xi32, #tpu.memory_space<vmem>>, vector<16xi32>,
      %parallel_loop3A_517 = arith.constant 2 : i32
      %parallel_loop3A_518 = arith.muli %parallel_loop3A_488, %parallel_loop3A_517 : i32
      %parallel_loop3A_519 = arith.constant 0 : i32
      %parallel_loop3A_520 = arith.addi %parallel_loop3A_518, %parallel_loop3A_519 : i32
      %parallel_loop3A_521 = arith.constant 16 : i32
      %parallel_loop3A_522 = arith.muli %parallel_loop3A_520, %parallel_loop3A_521 : i32
      %parallel_loop3A_523 = arith.constant 2 : i32
      %parallel_loop3A_524 = arith.constant 0 : i32
      %parallel_loop3A_525 = arith.constant 0 : i32
      %parallel_loop3A_526 = tpu.memref_slice %arg6[%parallel_loop3A_445, %parallel_loop3A_524, %parallel_loop3A_525] : memref<2x8x2048xi32, #tpu.memory_space<vmem>> -> memref<1x8x2048xi32, #tpu.memory_space<vmem>>
      %parallel_loop3A_527 = tpu.memref_squeeze %parallel_loop3A_526 : memref<1x8x2048xi32, #tpu.memory_space<vmem>> -> memref<8x2048xi32, #tpu.memory_space<vmem>>
      %parallel_loop3A_528 = arith.index_cast %parallel_loop3A_523 : i32 to index
      %parallel_loop3A_529 = arith.index_cast %parallel_loop3A_522 : i32 to index
      %parallel_loop3A_530 = tpu.vector_load %parallel_loop3A_527[%parallel_loop3A_528, %parallel_loop3A_529] {strides = array<i32>} : memref<8x2048xi32, #tpu.memory_space<vmem>>, vector<16xi32>,
      %parallel_loop3A_531 = arith.constant 2 : i32
      %parallel_loop3A_532 = arith.muli %parallel_loop3A_488, %parallel_loop3A_531 : i32
      %parallel_loop3A_533 = arith.constant 0 : i32
      %parallel_loop3A_534 = arith.addi %parallel_loop3A_532, %parallel_loop3A_533 : i32
      %parallel_loop3A_535 = arith.constant 16 : i32
      %parallel_loop3A_536 = arith.muli %parallel_loop3A_534, %parallel_loop3A_535 : i32
      %parallel_loop3A_537 = arith.constant 3 : i32
      %parallel_loop3A_538 = arith.constant 0 : i32
      %parallel_loop3A_539 = arith.constant 0 : i32
      %parallel_loop3A_540 = tpu.memref_slice %arg6[%parallel_loop3A_445, %parallel_loop3A_538, %parallel_loop3A_539] : memref<2x8x2048xi32, #tpu.memory_space<vmem>> -> memref<1x8x2048xi32, #tpu.memory_space<vmem>>
      %parallel_loop3A_541 = tpu.memref_squeeze %parallel_loop3A_540 : memref<1x8x2048xi32, #tpu.memory_space<vmem>> -> memref<8x2048xi32, #tpu.memory_space<vmem>>
      %parallel_loop3A_542 = arith.index_cast %parallel_loop3A_537 : i32 to index
      %parallel_loop3A_543 = arith.index_cast %parallel_loop3A_536 : i32 to index
      %parallel_loop3A_544 = tpu.vector_load %parallel_loop3A_541[%parallel_loop3A_542, %parallel_loop3A_543] {strides = array<i32>} : memref<8x2048xi32, #tpu.memory_space<vmem>>, vector<16xi32>,
      %parallel_loop3A_545 = arith.constant 2 : i32
      %parallel_loop3A_546 = arith.muli %parallel_loop3A_488, %parallel_loop3A_545 : i32
      %parallel_loop3A_547 = arith.constant 0 : i32
      %parallel_loop3A_548 = arith.addi %parallel_loop3A_546, %parallel_loop3A_547 : i32
      %parallel_loop3A_549 = arith.constant 16 : i32
      %parallel_loop3A_550 = arith.muli %parallel_loop3A_548, %parallel_loop3A_549 : i32
      %parallel_loop3A_551 = arith.constant 4 : i32
      %parallel_loop3A_552 = arith.constant 0 : i32
      %parallel_loop3A_553 = arith.constant 0 : i32
      %parallel_loop3A_554 = tpu.memref_slice %arg6[%parallel_loop3A_445, %parallel_loop3A_552, %parallel_loop3A_553] : memref<2x8x2048xi32, #tpu.memory_space<vmem>> -> memref<1x8x2048xi32, #tpu.memory_space<vmem>>
      %parallel_loop3A_555 = tpu.memref_squeeze %parallel_loop3A_554 : memref<1x8x2048xi32, #tpu.memory_space<vmem>> -> memref<8x2048xi32, #tpu.memory_space<vmem>>
      %parallel_loop3A_556 = arith.index_cast %parallel_loop3A_551 : i32 to index
      %parallel_loop3A_557 = arith.index_cast %parallel_loop3A_550 : i32 to index
      %parallel_loop3A_558 = tpu.vector_load %parallel_loop3A_555[%parallel_loop3A_556, %parallel_loop3A_557] {strides = array<i32>} : memref<8x2048xi32, #tpu.memory_space<vmem>>, vector<16xi32>,
      %parallel_loop3A_559 = arith.constant 2 : i32
      %parallel_loop3A_560 = arith.muli %parallel_loop3A_488, %parallel_loop3A_559 : i32
      %parallel_loop3A_561 = arith.constant 0 : i32
      %parallel_loop3A_562 = arith.addi %parallel_loop3A_560, %parallel_loop3A_561 : i32
      %parallel_loop3A_563 = arith.constant 16 : i32
      %parallel_loop3A_564 = arith.muli %parallel_loop3A_562, %parallel_loop3A_563 : i32
      %parallel_loop3A_565 = arith.constant 5 : i32
      %parallel_loop3A_566 = arith.constant 0 : i32
      %parallel_loop3A_567 = arith.constant 0 : i32
      %parallel_loop3A_568 = tpu.memref_slice %arg6[%parallel_loop3A_445, %parallel_loop3A_566, %parallel_loop3A_567] : memref<2x8x2048xi32, #tpu.memory_space<vmem>> -> memref<1x8x2048xi32, #tpu.memory_space<vmem>>
      %parallel_loop3A_569 = tpu.memref_squeeze %parallel_loop3A_568 : memref<1x8x2048xi32, #tpu.memory_space<vmem>> -> memref<8x2048xi32, #tpu.memory_space<vmem>>
      %parallel_loop3A_570 = arith.index_cast %parallel_loop3A_565 : i32 to index
      %parallel_loop3A_571 = arith.index_cast %parallel_loop3A_564 : i32 to index
      %parallel_loop3A_572 = tpu.vector_load %parallel_loop3A_569[%parallel_loop3A_570, %parallel_loop3A_571] {strides = array<i32>} : memref<8x2048xi32, #tpu.memory_space<vmem>>, vector<16xi32>,
      %parallel_loop3A_573 = arith.constant 2 : i32
      %parallel_loop3A_574 = arith.muli %parallel_loop3A_488, %parallel_loop3A_573 : i32
      %parallel_loop3A_575 = arith.constant 0 : i32
      %parallel_loop3A_576 = arith.addi %parallel_loop3A_574, %parallel_loop3A_575 : i32
      %parallel_loop3A_577 = arith.constant 16 : i32
      %parallel_loop3A_578 = arith.muli %parallel_loop3A_576, %parallel_loop3A_577 : i32
      %parallel_loop3A_579 = arith.constant 6 : i32
      %parallel_loop3A_580 = arith.constant 0 : i32
      %parallel_loop3A_581 = arith.constant 0 : i32
      %parallel_loop3A_582 = tpu.memref_slice %arg6[%parallel_loop3A_445, %parallel_loop3A_580, %parallel_loop3A_581] : memref<2x8x2048xi32, #tpu.memory_space<vmem>> -> memref<1x8x2048xi32, #tpu.memory_space<vmem>>
      %parallel_loop3A_583 = tpu.memref_squeeze %parallel_loop3A_582 : memref<1x8x2048xi32, #tpu.memory_space<vmem>> -> memref<8x2048xi32, #tpu.memory_space<vmem>>
      %parallel_loop3A_584 = arith.index_cast %parallel_loop3A_579 : i32 to index
      %parallel_loop3A_585 = arith.index_cast %parallel_loop3A_578 : i32 to index
      %parallel_loop3A_586 = tpu.vector_load %parallel_loop3A_583[%parallel_loop3A_584, %parallel_loop3A_585] {strides = array<i32>} : memref<8x2048xi32, #tpu.memory_space<vmem>>, vector<16xi32>,
      %parallel_loop3A_587 = arith.constant 2 : i32
      %parallel_loop3A_588 = arith.muli %parallel_loop3A_488, %parallel_loop3A_587 : i32
      %parallel_loop3A_589 = arith.constant 0 : i32
      %parallel_loop3A_590 = arith.addi %parallel_loop3A_588, %parallel_loop3A_589 : i32
      %parallel_loop3A_591 = arith.constant 16 : i32
      %parallel_loop3A_592 = arith.muli %parallel_loop3A_590, %parallel_loop3A_591 : i32
      %parallel_loop3A_593 = arith.constant 7 : i32
      %parallel_loop3A_594 = arith.constant 0 : i32
      %parallel_loop3A_595 = arith.constant 0 : i32
      %parallel_loop3A_596 = tpu.memref_slice %arg6[%parallel_loop3A_445, %parallel_loop3A_594, %parallel_loop3A_595] : memref<2x8x2048xi32, #tpu.memory_space<vmem>> -> memref<1x8x2048xi32, #tpu.memory_space<vmem>>
      %parallel_loop3A_597 = tpu.memref_squeeze %parallel_loop3A_596 : memref<1x8x2048xi32, #tpu.memory_space<vmem>> -> memref<8x2048xi32, #tpu.memory_space<vmem>>
      %parallel_loop3A_598 = arith.index_cast %parallel_loop3A_593 : i32 to index
      %parallel_loop3A_599 = arith.index_cast %parallel_loop3A_592 : i32 to index
      %parallel_loop3A_600 = tpu.vector_load %parallel_loop3A_597[%parallel_loop3A_598, %parallel_loop3A_599] {strides = array<i32>} : memref<8x2048xi32, #tpu.memory_space<vmem>>, vector<16xi32>,
      %parallel_loop3A_601 = arith.constant 2 : i32
      %parallel_loop3A_602 = arith.muli %parallel_loop3A_488, %parallel_loop3A_601 : i32
      %parallel_loop3A_603 = arith.constant 1 : i32
      %parallel_loop3A_604 = arith.addi %parallel_loop3A_602, %parallel_loop3A_603 : i32
      %parallel_loop3A_605 = arith.constant 16 : i32
      %parallel_loop3A_606 = arith.muli %parallel_loop3A_604, %parallel_loop3A_605 : i32
      %parallel_loop3A_607 = arith.constant 0 : i32
      %parallel_loop3A_608 = arith.constant 0 : i32
      %parallel_loop3A_609 = arith.constant 0 : i32
      %parallel_loop3A_610 = tpu.memref_slice %arg6[%parallel_loop3A_445, %parallel_loop3A_608, %parallel_loop3A_609] : memref<2x8x2048xi32, #tpu.memory_space<vmem>> -> memref<1x8x2048xi32, #tpu.memory_space<vmem>>
      %parallel_loop3A_611 = tpu.memref_squeeze %parallel_loop3A_610 : memref<1x8x2048xi32, #tpu.memory_space<vmem>> -> memref<8x2048xi32, #tpu.memory_space<vmem>>
      %parallel_loop3A_612 = arith.index_cast %parallel_loop3A_607 : i32 to index
      %parallel_loop3A_613 = arith.index_cast %parallel_loop3A_606 : i32 to index
      %parallel_loop3A_614 = tpu.vector_load %parallel_loop3A_611[%parallel_loop3A_612, %parallel_loop3A_613] {strides = array<i32>} : memref<8x2048xi32, #tpu.memory_space<vmem>>, vector<16xi32>,
      %parallel_loop3A_615 = arith.constant 2 : i32
      %parallel_loop3A_616 = arith.muli %parallel_loop3A_488, %parallel_loop3A_615 : i32
      %parallel_loop3A_617 = arith.constant 1 : i32
      %parallel_loop3A_618 = arith.addi %parallel_loop3A_616, %parallel_loop3A_617 : i32
      %parallel_loop3A_619 = arith.constant 16 : i32
      %parallel_loop3A_620 = arith.muli %parallel_loop3A_618, %parallel_loop3A_619 : i32
      %parallel_loop3A_621 = arith.constant 1 : i32
      %parallel_loop3A_622 = arith.constant 0 : i32
      %parallel_loop3A_623 = arith.constant 0 : i32
      %parallel_loop3A_624 = tpu.memref_slice %arg6[%parallel_loop3A_445, %parallel_loop3A_622, %parallel_loop3A_623] : memref<2x8x2048xi32, #tpu.memory_space<vmem>> -> memref<1x8x2048xi32, #tpu.memory_space<vmem>>
      %parallel_loop3A_625 = tpu.memref_squeeze %parallel_loop3A_624 : memref<1x8x2048xi32, #tpu.memory_space<vmem>> -> memref<8x2048xi32, #tpu.memory_space<vmem>>
      %parallel_loop3A_626 = arith.index_cast %parallel_loop3A_621 : i32 to index
      %parallel_loop3A_627 = arith.index_cast %parallel_loop3A_620 : i32 to index
      %parallel_loop3A_628 = tpu.vector_load %parallel_loop3A_625[%parallel_loop3A_626, %parallel_loop3A_627] {strides = array<i32>} : memref<8x2048xi32, #tpu.memory_space<vmem>>, vector<16xi32>,
      %parallel_loop3A_629 = arith.constant 2 : i32
      %parallel_loop3A_630 = arith.muli %parallel_loop3A_488, %parallel_loop3A_629 : i32
      %parallel_loop3A_631 = arith.constant 1 : i32
      %parallel_loop3A_632 = arith.addi %parallel_loop3A_630, %parallel_loop3A_631 : i32
      %parallel_loop3A_633 = arith.constant 16 : i32
      %parallel_loop3A_634 = arith.muli %parallel_loop3A_632, %parallel_loop3A_633 : i32
      %parallel_loop3A_635 = arith.constant 2 : i32
      %parallel_loop3A_636 = arith.constant 0 : i32
      %parallel_loop3A_637 = arith.constant 0 : i32
      %parallel_loop3A_638 = tpu.memref_slice %arg6[%parallel_loop3A_445, %parallel_loop3A_636, %parallel_loop3A_637] : memref<2x8x2048xi32, #tpu.memory_space<vmem>> -> memref<1x8x2048xi32, #tpu.memory_space<vmem>>
      %parallel_loop3A_639 = tpu.memref_squeeze %parallel_loop3A_638 : memref<1x8x2048xi32, #tpu.memory_space<vmem>> -> memref<8x2048xi32, #tpu.memory_space<vmem>>
      %parallel_loop3A_640 = arith.index_cast %parallel_loop3A_635 : i32 to index
      %parallel_loop3A_641 = arith.index_cast %parallel_loop3A_634 : i32 to index
      %parallel_loop3A_642 = tpu.vector_load %parallel_loop3A_639[%parallel_loop3A_640, %parallel_loop3A_641] {strides = array<i32>} : memref<8x2048xi32, #tpu.memory_space<vmem>>, vector<16xi32>,
      %parallel_loop3A_643 = arith.constant 2 : i32
      %parallel_loop3A_644 = arith.muli %parallel_loop3A_488, %parallel_loop3A_643 : i32
      %parallel_loop3A_645 = arith.constant 1 : i32
      %parallel_loop3A_646 = arith.addi %parallel_loop3A_644, %parallel_loop3A_645 : i32
      %parallel_loop3A_647 = arith.constant 16 : i32
      %parallel_loop3A_648 = arith.muli %parallel_loop3A_646, %parallel_loop3A_647 : i32
      %parallel_loop3A_649 = arith.constant 3 : i32
      %parallel_loop3A_650 = arith.constant 0 : i32
      %parallel_loop3A_651 = arith.constant 0 : i32
      %parallel_loop3A_652 = tpu.memref_slice %arg6[%parallel_loop3A_445, %parallel_loop3A_650, %parallel_loop3A_651] : memref<2x8x2048xi32, #tpu.memory_space<vmem>> -> memref<1x8x2048xi32, #tpu.memory_space<vmem>>
      %parallel_loop3A_653 = tpu.memref_squeeze %parallel_loop3A_652 : memref<1x8x2048xi32, #tpu.memory_space<vmem>> -> memref<8x2048xi32, #tpu.memory_space<vmem>>
      %parallel_loop3A_654 = arith.index_cast %parallel_loop3A_649 : i32 to index
      %parallel_loop3A_655 = arith.index_cast %parallel_loop3A_648 : i32 to index
      %parallel_loop3A_656 = tpu.vector_load %parallel_loop3A_653[%parallel_loop3A_654, %parallel_loop3A_655] {strides = array<i32>} : memref<8x2048xi32, #tpu.memory_space<vmem>>, vector<16xi32>,
      %parallel_loop3A_657 = arith.constant 2 : i32
      %parallel_loop3A_658 = arith.muli %parallel_loop3A_488, %parallel_loop3A_657 : i32
      %parallel_loop3A_659 = arith.constant 1 : i32
      %parallel_loop3A_660 = arith.addi %parallel_loop3A_658, %parallel_loop3A_659 : i32
      %parallel_loop3A_661 = arith.constant 16 : i32
      %parallel_loop3A_662 = arith.muli %parallel_loop3A_660, %parallel_loop3A_661 : i32
      %parallel_loop3A_663 = arith.constant 4 : i32
      %parallel_loop3A_664 = arith.constant 0 : i32
      %parallel_loop3A_665 = arith.constant 0 : i32
      %parallel_loop3A_666 = tpu.memref_slice %arg6[%parallel_loop3A_445, %parallel_loop3A_664, %parallel_loop3A_665] : memref<2x8x2048xi32, #tpu.memory_space<vmem>> -> memref<1x8x2048xi32, #tpu.memory_space<vmem>>
      %parallel_loop3A_667 = tpu.memref_squeeze %parallel_loop3A_666 : memref<1x8x2048xi32, #tpu.memory_space<vmem>> -> memref<8x2048xi32, #tpu.memory_space<vmem>>
      %parallel_loop3A_668 = arith.index_cast %parallel_loop3A_663 : i32 to index
      %parallel_loop3A_669 = arith.index_cast %parallel_loop3A_662 : i32 to index
      %parallel_loop3A_670 = tpu.vector_load %parallel_loop3A_667[%parallel_loop3A_668, %parallel_loop3A_669] {strides = array<i32>} : memref<8x2048xi32, #tpu.memory_space<vmem>>, vector<16xi32>,
      %parallel_loop3A_671 = arith.constant 2 : i32
      %parallel_loop3A_672 = arith.muli %parallel_loop3A_488, %parallel_loop3A_671 : i32
      %parallel_loop3A_673 = arith.constant 1 : i32
      %parallel_loop3A_674 = arith.addi %parallel_loop3A_672, %parallel_loop3A_673 : i32
      %parallel_loop3A_675 = arith.constant 16 : i32
      %parallel_loop3A_676 = arith.muli %parallel_loop3A_674, %parallel_loop3A_675 : i32
      %parallel_loop3A_677 = arith.constant 5 : i32
      %parallel_loop3A_678 = arith.constant 0 : i32
      %parallel_loop3A_679 = arith.constant 0 : i32
      %parallel_loop3A_680 = tpu.memref_slice %arg6[%parallel_loop3A_445, %parallel_loop3A_678, %parallel_loop3A_679] : memref<2x8x2048xi32, #tpu.memory_space<vmem>> -> memref<1x8x2048xi32, #tpu.memory_space<vmem>>
      %parallel_loop3A_681 = tpu.memref_squeeze %parallel_loop3A_680 : memref<1x8x2048xi32, #tpu.memory_space<vmem>> -> memref<8x2048xi32, #tpu.memory_space<vmem>>
      %parallel_loop3A_682 = arith.index_cast %parallel_loop3A_677 : i32 to index
      %parallel_loop3A_683 = arith.index_cast %parallel_loop3A_676 : i32 to index
      %parallel_loop3A_684 = tpu.vector_load %parallel_loop3A_681[%parallel_loop3A_682, %parallel_loop3A_683] {strides = array<i32>} : memref<8x2048xi32, #tpu.memory_space<vmem>>, vector<16xi32>,
      %parallel_loop3A_685 = arith.constant 2 : i32
      %parallel_loop3A_686 = arith.muli %parallel_loop3A_488, %parallel_loop3A_685 : i32
      %parallel_loop3A_687 = arith.constant 1 : i32
      %parallel_loop3A_688 = arith.addi %parallel_loop3A_686, %parallel_loop3A_687 : i32
      %parallel_loop3A_689 = arith.constant 16 : i32
      %parallel_loop3A_690 = arith.muli %parallel_loop3A_688, %parallel_loop3A_689 : i32
      %parallel_loop3A_691 = arith.constant 6 : i32
      %parallel_loop3A_692 = arith.constant 0 : i32
      %parallel_loop3A_693 = arith.constant 0 : i32
      %parallel_loop3A_694 = tpu.memref_slice %arg6[%parallel_loop3A_445, %parallel_loop3A_692, %parallel_loop3A_693] : memref<2x8x2048xi32, #tpu.memory_space<vmem>> -> memref<1x8x2048xi32, #tpu.memory_space<vmem>>
      %parallel_loop3A_695 = tpu.memref_squeeze %parallel_loop3A_694 : memref<1x8x2048xi32, #tpu.memory_space<vmem>> -> memref<8x2048xi32, #tpu.memory_space<vmem>>
      %parallel_loop3A_696 = arith.index_cast %parallel_loop3A_691 : i32 to index
      %parallel_loop3A_697 = arith.index_cast %parallel_loop3A_690 : i32 to index
      %parallel_loop3A_698 = tpu.vector_load %parallel_loop3A_695[%parallel_loop3A_696, %parallel_loop3A_697] {strides = array<i32>} : memref<8x2048xi32, #tpu.memory_space<vmem>>, vector<16xi32>,
      %parallel_loop3A_699 = arith.constant 2 : i32
      %parallel_loop3A_700 = arith.muli %parallel_loop3A_488, %parallel_loop3A_699 : i32
      %parallel_loop3A_701 = arith.constant 1 : i32
      %parallel_loop3A_702 = arith.addi %parallel_loop3A_700, %parallel_loop3A_701 : i32
      %parallel_loop3A_703 = arith.constant 16 : i32
      %parallel_loop3A_704 = arith.muli %parallel_loop3A_702, %parallel_loop3A_703 : i32
      %parallel_loop3A_705 = arith.constant 7 : i32
      %parallel_loop3A_706 = arith.constant 0 : i32
      %parallel_loop3A_707 = arith.constant 0 : i32
      %parallel_loop3A_708 = tpu.memref_slice %arg6[%parallel_loop3A_445, %parallel_loop3A_706, %parallel_loop3A_707] : memref<2x8x2048xi32, #tpu.memory_space<vmem>> -> memref<1x8x2048xi32, #tpu.memory_space<vmem>>
      %parallel_loop3A_709 = tpu.memref_squeeze %parallel_loop3A_708 : memref<1x8x2048xi32, #tpu.memory_space<vmem>> -> memref<8x2048xi32, #tpu.memory_space<vmem>>
      %parallel_loop3A_710 = arith.index_cast %parallel_loop3A_705 : i32 to index
      %parallel_loop3A_711 = arith.index_cast %parallel_loop3A_704 : i32 to index
      %parallel_loop3A_712 = tpu.vector_load %parallel_loop3A_709[%parallel_loop3A_710, %parallel_loop3A_711] {strides = array<i32>} : memref<8x2048xi32, #tpu.memory_space<vmem>>, vector<16xi32>,
      %parallel_loop3A_713 = tpu.vector_load_idx %arg5[%parallel_loop3A_502] : memref<10000xf32, #tpu.memory_space<vmem>>[vector<16xi32>], vector<16xf32>,
      %parallel_loop3A_714 = tpu.vector_load_idx %arg5[%parallel_loop3A_516] : memref<10000xf32, #tpu.memory_space<vmem>>[vector<16xi32>], vector<16xf32>,
      %parallel_loop3A_715 = tpu.vector_load_idx %arg5[%parallel_loop3A_530] : memref<10000xf32, #tpu.memory_space<vmem>>[vector<16xi32>], vector<16xf32>,
      %parallel_loop3A_716 = tpu.vector_load_idx %arg5[%parallel_loop3A_544] : memref<10000xf32, #tpu.memory_space<vmem>>[vector<16xi32>], vector<16xf32>,
      %parallel_loop3A_717 = tpu.vector_load_idx %arg5[%parallel_loop3A_558] : memref<10000xf32, #tpu.memory_space<vmem>>[vector<16xi32>], vector<16xf32>,
      %parallel_loop3A_718 = tpu.vector_load_idx %arg5[%parallel_loop3A_572] : memref<10000xf32, #tpu.memory_space<vmem>>[vector<16xi32>], vector<16xf32>,
      %parallel_loop3A_719 = tpu.vector_load_idx %arg5[%parallel_loop3A_586] : memref<10000xf32, #tpu.memory_space<vmem>>[vector<16xi32>], vector<16xf32>,
      %parallel_loop3A_720 = tpu.vector_load_idx %arg5[%parallel_loop3A_600] : memref<10000xf32, #tpu.memory_space<vmem>>[vector<16xi32>], vector<16xf32>,
      %parallel_loop3A_721 = tpu.vector_load_idx %arg5[%parallel_loop3A_614] : memref<10000xf32, #tpu.memory_space<vmem>>[vector<16xi32>], vector<16xf32>,
      %parallel_loop3A_722 = tpu.vector_load_idx %arg5[%parallel_loop3A_628] : memref<10000xf32, #tpu.memory_space<vmem>>[vector<16xi32>], vector<16xf32>,
      %parallel_loop3A_723 = tpu.vector_load_idx %arg5[%parallel_loop3A_642] : memref<10000xf32, #tpu.memory_space<vmem>>[vector<16xi32>], vector<16xf32>,
      %parallel_loop3A_724 = tpu.vector_load_idx %arg5[%parallel_loop3A_656] : memref<10000xf32, #tpu.memory_space<vmem>>[vector<16xi32>], vector<16xf32>,
      %parallel_loop3A_725 = tpu.vector_load_idx %arg5[%parallel_loop3A_670] : memref<10000xf32, #tpu.memory_space<vmem>>[vector<16xi32>], vector<16xf32>,
      %parallel_loop3A_726 = tpu.vector_load_idx %arg5[%parallel_loop3A_684] : memref<10000xf32, #tpu.memory_space<vmem>>[vector<16xi32>], vector<16xf32>,
      %parallel_loop3A_727 = tpu.vector_load_idx %arg5[%parallel_loop3A_698] : memref<10000xf32, #tpu.memory_space<vmem>>[vector<16xi32>], vector<16xf32>,
      %parallel_loop3A_728 = tpu.vector_load_idx %arg5[%parallel_loop3A_712] : memref<10000xf32, #tpu.memory_space<vmem>>[vector<16xi32>], vector<16xf32>,
      %parallel_loop3A_729 = arith.constant 2 : i32
      %parallel_loop3A_730 = arith.muli %parallel_loop3A_488, %parallel_loop3A_729 : i32
      %parallel_loop3A_731 = arith.constant 0 : i32
      %parallel_loop3A_732 = arith.addi %parallel_loop3A_730, %parallel_loop3A_731 : i32
      %parallel_loop3A_733 = arith.constant 16 : i32
      %parallel_loop3A_734 = arith.muli %parallel_loop3A_732, %parallel_loop3A_733 : i32
      %parallel_loop3A_735 = arith.constant 0 : i32
      %parallel_loop3A_736 = arith.constant 0 : i32
      %parallel_loop3A_737 = arith.constant 0 : i32
      %parallel_loop3A_738 = tpu.memref_slice %arg7[%parallel_loop3A_446, %parallel_loop3A_736, %parallel_loop3A_737] : memref<2x8x2048xf32, #tpu.memory_space<vmem>> -> memref<1x8x2048xf32, #tpu.memory_space<vmem>>
      %parallel_loop3A_739 = tpu.memref_squeeze %parallel_loop3A_738 : memref<1x8x2048xf32, #tpu.memory_space<vmem>> -> memref<8x2048xf32, #tpu.memory_space<vmem>>
      %parallel_loop3A_740 = arith.index_cast %parallel_loop3A_735 : i32 to index
      %parallel_loop3A_741 = arith.index_cast %parallel_loop3A_734 : i32 to index
      %parallel_loop3A_742 = tpu.vector_load %parallel_loop3A_739[%parallel_loop3A_740, %parallel_loop3A_741] {strides = array<i32>} : memref<8x2048xf32, #tpu.memory_space<vmem>>, vector<16xf32>,
      tpu.vector_store %parallel_loop3A_739[%parallel_loop3A_740, %parallel_loop3A_741], %parallel_loop3A_713 {strides = array<i32>} : memref<8x2048xf32, #tpu.memory_space<vmem>>, vector<16xf32>,
      %parallel_loop3A_743 = arith.constant 2 : i32
      %parallel_loop3A_744 = arith.muli %parallel_loop3A_488, %parallel_loop3A_743 : i32
      %parallel_loop3A_745 = arith.constant 0 : i32
      %parallel_loop3A_746 = arith.addi %parallel_loop3A_744, %parallel_loop3A_745 : i32
      %parallel_loop3A_747 = arith.constant 16 : i32
      %parallel_loop3A_748 = arith.muli %parallel_loop3A_746, %parallel_loop3A_747 : i32
      %parallel_loop3A_749 = arith.constant 1 : i32
      %parallel_loop3A_750 = arith.constant 0 : i32
      %parallel_loop3A_751 = arith.constant 0 : i32
      %parallel_loop3A_752 = tpu.memref_slice %arg7[%parallel_loop3A_446, %parallel_loop3A_750, %parallel_loop3A_751] : memref<2x8x2048xf32, #tpu.memory_space<vmem>> -> memref<1x8x2048xf32, #tpu.memory_space<vmem>>
      %parallel_loop3A_753 = tpu.memref_squeeze %parallel_loop3A_752 : memref<1x8x2048xf32, #tpu.memory_space<vmem>> -> memref<8x2048xf32, #tpu.memory_space<vmem>>
      %parallel_loop3A_754 = arith.index_cast %parallel_loop3A_749 : i32 to index
      %parallel_loop3A_755 = arith.index_cast %parallel_loop3A_748 : i32 to index
      %parallel_loop3A_756 = tpu.vector_load %parallel_loop3A_753[%parallel_loop3A_754, %parallel_loop3A_755] {strides = array<i32>} : memref<8x2048xf32, #tpu.memory_space<vmem>>, vector<16xf32>,
      tpu.vector_store %parallel_loop3A_753[%parallel_loop3A_754, %parallel_loop3A_755], %parallel_loop3A_714 {strides = array<i32>} : memref<8x2048xf32, #tpu.memory_space<vmem>>, vector<16xf32>,
      %parallel_loop3A_757 = arith.constant 2 : i32
      %parallel_loop3A_758 = arith.muli %parallel_loop3A_488, %parallel_loop3A_757 : i32
      %parallel_loop3A_759 = arith.constant 0 : i32
      %parallel_loop3A_760 = arith.addi %parallel_loop3A_758, %parallel_loop3A_759 : i32
      %parallel_loop3A_761 = arith.constant 16 : i32
      %parallel_loop3A_762 = arith.muli %parallel_loop3A_760, %parallel_loop3A_761 : i32
      %parallel_loop3A_763 = arith.constant 2 : i32
      %parallel_loop3A_764 = arith.constant 0 : i32
      %parallel_loop3A_765 = arith.constant 0 : i32
      %parallel_loop3A_766 = tpu.memref_slice %arg7[%parallel_loop3A_446, %parallel_loop3A_764, %parallel_loop3A_765] : memref<2x8x2048xf32, #tpu.memory_space<vmem>> -> memref<1x8x2048xf32, #tpu.memory_space<vmem>>
      %parallel_loop3A_767 = tpu.memref_squeeze %parallel_loop3A_766 : memref<1x8x2048xf32, #tpu.memory_space<vmem>> -> memref<8x2048xf32, #tpu.memory_space<vmem>>
      %parallel_loop3A_768 = arith.index_cast %parallel_loop3A_763 : i32 to index
      %parallel_loop3A_769 = arith.index_cast %parallel_loop3A_762 : i32 to index
      %parallel_loop3A_770 = tpu.vector_load %parallel_loop3A_767[%parallel_loop3A_768, %parallel_loop3A_769] {strides = array<i32>} : memref<8x2048xf32, #tpu.memory_space<vmem>>, vector<16xf32>,
      tpu.vector_store %parallel_loop3A_767[%parallel_loop3A_768, %parallel_loop3A_769], %parallel_loop3A_715 {strides = array<i32>} : memref<8x2048xf32, #tpu.memory_space<vmem>>, vector<16xf32>,
      %parallel_loop3A_771 = arith.constant 2 : i32
      %parallel_loop3A_772 = arith.muli %parallel_loop3A_488, %parallel_loop3A_771 : i32
      %parallel_loop3A_773 = arith.constant 0 : i32
      %parallel_loop3A_774 = arith.addi %parallel_loop3A_772, %parallel_loop3A_773 : i32
      %parallel_loop3A_775 = arith.constant 16 : i32
      %parallel_loop3A_776 = arith.muli %parallel_loop3A_774, %parallel_loop3A_775 : i32
      %parallel_loop3A_777 = arith.constant 3 : i32
      %parallel_loop3A_778 = arith.constant 0 : i32
      %parallel_loop3A_779 = arith.constant 0 : i32
      %parallel_loop3A_780 = tpu.memref_slice %arg7[%parallel_loop3A_446, %parallel_loop3A_778, %parallel_loop3A_779] : memref<2x8x2048xf32, #tpu.memory_space<vmem>> -> memref<1x8x2048xf32, #tpu.memory_space<vmem>>
      %parallel_loop3A_781 = tpu.memref_squeeze %parallel_loop3A_780 : memref<1x8x2048xf32, #tpu.memory_space<vmem>> -> memref<8x2048xf32, #tpu.memory_space<vmem>>
      %parallel_loop3A_782 = arith.index_cast %parallel_loop3A_777 : i32 to index
      %parallel_loop3A_783 = arith.index_cast %parallel_loop3A_776 : i32 to index
      %parallel_loop3A_784 = tpu.vector_load %parallel_loop3A_781[%parallel_loop3A_782, %parallel_loop3A_783] {strides = array<i32>} : memref<8x2048xf32, #tpu.memory_space<vmem>>, vector<16xf32>,
      tpu.vector_store %parallel_loop3A_781[%parallel_loop3A_782, %parallel_loop3A_783], %parallel_loop3A_716 {strides = array<i32>} : memref<8x2048xf32, #tpu.memory_space<vmem>>, vector<16xf32>,
      %parallel_loop3A_785 = arith.constant 2 : i32
      %parallel_loop3A_786 = arith.muli %parallel_loop3A_488, %parallel_loop3A_785 : i32
      %parallel_loop3A_787 = arith.constant 0 : i32
      %parallel_loop3A_788 = arith.addi %parallel_loop3A_786, %parallel_loop3A_787 : i32
      %parallel_loop3A_789 = arith.constant 16 : i32
      %parallel_loop3A_790 = arith.muli %parallel_loop3A_788, %parallel_loop3A_789 : i32
      %parallel_loop3A_791 = arith.constant 4 : i32
      %parallel_loop3A_792 = arith.constant 0 : i32
      %parallel_loop3A_793 = arith.constant 0 : i32
      %parallel_loop3A_794 = tpu.memref_slice %arg7[%parallel_loop3A_446, %parallel_loop3A_792, %parallel_loop3A_793] : memref<2x8x2048xf32, #tpu.memory_space<vmem>> -> memref<1x8x2048xf32, #tpu.memory_space<vmem>>
      %parallel_loop3A_795 = tpu.memref_squeeze %parallel_loop3A_794 : memref<1x8x2048xf32, #tpu.memory_space<vmem>> -> memref<8x2048xf32, #tpu.memory_space<vmem>>
      %parallel_loop3A_796 = arith.index_cast %parallel_loop3A_791 : i32 to index
      %parallel_loop3A_797 = arith.index_cast %parallel_loop3A_790 : i32 to index
      %parallel_loop3A_798 = tpu.vector_load %parallel_loop3A_795[%parallel_loop3A_796, %parallel_loop3A_797] {strides = array<i32>} : memref<8x2048xf32, #tpu.memory_space<vmem>>, vector<16xf32>,
      tpu.vector_store %parallel_loop3A_795[%parallel_loop3A_796, %parallel_loop3A_797], %parallel_loop3A_717 {strides = array<i32>} : memref<8x2048xf32, #tpu.memory_space<vmem>>, vector<16xf32>,
      %parallel_loop3A_799 = arith.constant 2 : i32
      %parallel_loop3A_800 = arith.muli %parallel_loop3A_488, %parallel_loop3A_799 : i32
      %parallel_loop3A_801 = arith.constant 0 : i32
      %parallel_loop3A_802 = arith.addi %parallel_loop3A_800, %parallel_loop3A_801 : i32
      %parallel_loop3A_803 = arith.constant 16 : i32
      %parallel_loop3A_804 = arith.muli %parallel_loop3A_802, %parallel_loop3A_803 : i32
      %parallel_loop3A_805 = arith.constant 5 : i32
      %parallel_loop3A_806 = arith.constant 0 : i32
      %parallel_loop3A_807 = arith.constant 0 : i32
      %parallel_loop3A_808 = tpu.memref_slice %arg7[%parallel_loop3A_446, %parallel_loop3A_806, %parallel_loop3A_807] : memref<2x8x2048xf32, #tpu.memory_space<vmem>> -> memref<1x8x2048xf32, #tpu.memory_space<vmem>>
      %parallel_loop3A_809 = tpu.memref_squeeze %parallel_loop3A_808 : memref<1x8x2048xf32, #tpu.memory_space<vmem>> -> memref<8x2048xf32, #tpu.memory_space<vmem>>
      %parallel_loop3A_810 = arith.index_cast %parallel_loop3A_805 : i32 to index
      %parallel_loop3A_811 = arith.index_cast %parallel_loop3A_804 : i32 to index
      %parallel_loop3A_812 = tpu.vector_load %parallel_loop3A_809[%parallel_loop3A_810, %parallel_loop3A_811] {strides = array<i32>} : memref<8x2048xf32, #tpu.memory_space<vmem>>, vector<16xf32>,
      tpu.vector_store %parallel_loop3A_809[%parallel_loop3A_810, %parallel_loop3A_811], %parallel_loop3A_718 {strides = array<i32>} : memref<8x2048xf32, #tpu.memory_space<vmem>>, vector<16xf32>,
      %parallel_loop3A_813 = arith.constant 2 : i32
      %parallel_loop3A_814 = arith.muli %parallel_loop3A_488, %parallel_loop3A_813 : i32
      %parallel_loop3A_815 = arith.constant 0 : i32
      %parallel_loop3A_816 = arith.addi %parallel_loop3A_814, %parallel_loop3A_815 : i32
      %parallel_loop3A_817 = arith.constant 16 : i32
      %parallel_loop3A_818 = arith.muli %parallel_loop3A_816, %parallel_loop3A_817 : i32
      %parallel_loop3A_819 = arith.constant 6 : i32
      %parallel_loop3A_820 = arith.constant 0 : i32
      %parallel_loop3A_821 = arith.constant 0 : i32
      %parallel_loop3A_822 = tpu.memref_slice %arg7[%parallel_loop3A_446, %parallel_loop3A_820, %parallel_loop3A_821] : memref<2x8x2048xf32, #tpu.memory_space<vmem>> -> memref<1x8x2048xf32, #tpu.memory_space<vmem>>
      %parallel_loop3A_823 = tpu.memref_squeeze %parallel_loop3A_822 : memref<1x8x2048xf32, #tpu.memory_space<vmem>> -> memref<8x2048xf32, #tpu.memory_space<vmem>>
      %parallel_loop3A_824 = arith.index_cast %parallel_loop3A_819 : i32 to index
      %parallel_loop3A_825 = arith.index_cast %parallel_loop3A_818 : i32 to index
      %parallel_loop3A_826 = tpu.vector_load %parallel_loop3A_823[%parallel_loop3A_824, %parallel_loop3A_825] {strides = array<i32>} : memref<8x2048xf32, #tpu.memory_space<vmem>>, vector<16xf32>,
      tpu.vector_store %parallel_loop3A_823[%parallel_loop3A_824, %parallel_loop3A_825], %parallel_loop3A_719 {strides = array<i32>} : memref<8x2048xf32, #tpu.memory_space<vmem>>, vector<16xf32>,
      %parallel_loop3A_827 = arith.constant 2 : i32
      %parallel_loop3A_828 = arith.muli %parallel_loop3A_488, %parallel_loop3A_827 : i32
      %parallel_loop3A_829 = arith.constant 0 : i32
      %parallel_loop3A_830 = arith.addi %parallel_loop3A_828, %parallel_loop3A_829 : i32
      %parallel_loop3A_831 = arith.constant 16 : i32
      %parallel_loop3A_832 = arith.muli %parallel_loop3A_830, %parallel_loop3A_831 : i32
      %parallel_loop3A_833 = arith.constant 7 : i32
      %parallel_loop3A_834 = arith.constant 0 : i32
      %parallel_loop3A_835 = arith.constant 0 : i32
      %parallel_loop3A_836 = tpu.memref_slice %arg7[%parallel_loop3A_446, %parallel_loop3A_834, %parallel_loop3A_835] : memref<2x8x2048xf32, #tpu.memory_space<vmem>> -> memref<1x8x2048xf32, #tpu.memory_space<vmem>>
      %parallel_loop3A_837 = tpu.memref_squeeze %parallel_loop3A_836 : memref<1x8x2048xf32, #tpu.memory_space<vmem>> -> memref<8x2048xf32, #tpu.memory_space<vmem>>
      %parallel_loop3A_838 = arith.index_cast %parallel_loop3A_833 : i32 to index
      %parallel_loop3A_839 = arith.index_cast %parallel_loop3A_832 : i32 to index
      %parallel_loop3A_840 = tpu.vector_load %parallel_loop3A_837[%parallel_loop3A_838, %parallel_loop3A_839] {strides = array<i32>} : memref<8x2048xf32, #tpu.memory_space<vmem>>, vector<16xf32>,
      tpu.vector_store %parallel_loop3A_837[%parallel_loop3A_838, %parallel_loop3A_839], %parallel_loop3A_720 {strides = array<i32>} : memref<8x2048xf32, #tpu.memory_space<vmem>>, vector<16xf32>,
      %parallel_loop3A_841 = arith.constant 2 : i32
      %parallel_loop3A_842 = arith.muli %parallel_loop3A_488, %parallel_loop3A_841 : i32
      %parallel_loop3A_843 = arith.constant 1 : i32
      %parallel_loop3A_844 = arith.addi %parallel_loop3A_842, %parallel_loop3A_843 : i32
      %parallel_loop3A_845 = arith.constant 16 : i32
      %parallel_loop3A_846 = arith.muli %parallel_loop3A_844, %parallel_loop3A_845 : i32
      %parallel_loop3A_847 = arith.constant 0 : i32
      %parallel_loop3A_848 = arith.constant 0 : i32
      %parallel_loop3A_849 = arith.constant 0 : i32
      %parallel_loop3A_850 = tpu.memref_slice %arg7[%parallel_loop3A_446, %parallel_loop3A_848, %parallel_loop3A_849] : memref<2x8x2048xf32, #tpu.memory_space<vmem>> -> memref<1x8x2048xf32, #tpu.memory_space<vmem>>
      %parallel_loop3A_851 = tpu.memref_squeeze %parallel_loop3A_850 : memref<1x8x2048xf32, #tpu.memory_space<vmem>> -> memref<8x2048xf32, #tpu.memory_space<vmem>>
      %parallel_loop3A_852 = arith.index_cast %parallel_loop3A_847 : i32 to index
      %parallel_loop3A_853 = arith.index_cast %parallel_loop3A_846 : i32 to index
      %parallel_loop3A_854 = tpu.vector_load %parallel_loop3A_851[%parallel_loop3A_852, %parallel_loop3A_853] {strides = array<i32>} : memref<8x2048xf32, #tpu.memory_space<vmem>>, vector<16xf32>,
      tpu.vector_store %parallel_loop3A_851[%parallel_loop3A_852, %parallel_loop3A_853], %parallel_loop3A_721 {strides = array<i32>} : memref<8x2048xf32, #tpu.memory_space<vmem>>, vector<16xf32>,
      %parallel_loop3A_855 = arith.constant 2 : i32
      %parallel_loop3A_856 = arith.muli %parallel_loop3A_488, %parallel_loop3A_855 : i32
      %parallel_loop3A_857 = arith.constant 1 : i32
      %parallel_loop3A_858 = arith.addi %parallel_loop3A_856, %parallel_loop3A_857 : i32
      %parallel_loop3A_859 = arith.constant 16 : i32
      %parallel_loop3A_860 = arith.muli %parallel_loop3A_858, %parallel_loop3A_859 : i32
      %parallel_loop3A_861 = arith.constant 1 : i32
      %parallel_loop3A_862 = arith.constant 0 : i32
      %parallel_loop3A_863 = arith.constant 0 : i32
      %parallel_loop3A_864 = tpu.memref_slice %arg7[%parallel_loop3A_446, %parallel_loop3A_862, %parallel_loop3A_863] : memref<2x8x2048xf32, #tpu.memory_space<vmem>> -> memref<1x8x2048xf32, #tpu.memory_space<vmem>>
      %parallel_loop3A_865 = tpu.memref_squeeze %parallel_loop3A_864 : memref<1x8x2048xf32, #tpu.memory_space<vmem>> -> memref<8x2048xf32, #tpu.memory_space<vmem>>
      %parallel_loop3A_866 = arith.index_cast %parallel_loop3A_861 : i32 to index
      %parallel_loop3A_867 = arith.index_cast %parallel_loop3A_860 : i32 to index
      %parallel_loop3A_868 = tpu.vector_load %parallel_loop3A_865[%parallel_loop3A_866, %parallel_loop3A_867] {strides = array<i32>} : memref<8x2048xf32, #tpu.memory_space<vmem>>, vector<16xf32>,
      tpu.vector_store %parallel_loop3A_865[%parallel_loop3A_866, %parallel_loop3A_867], %parallel_loop3A_722 {strides = array<i32>} : memref<8x2048xf32, #tpu.memory_space<vmem>>, vector<16xf32>,
      %parallel_loop3A_869 = arith.constant 2 : i32
      %parallel_loop3A_870 = arith.muli %parallel_loop3A_488, %parallel_loop3A_869 : i32
      %parallel_loop3A_871 = arith.constant 1 : i32
      %parallel_loop3A_872 = arith.addi %parallel_loop3A_870, %parallel_loop3A_871 : i32
      %parallel_loop3A_873 = arith.constant 16 : i32
      %parallel_loop3A_874 = arith.muli %parallel_loop3A_872, %parallel_loop3A_873 : i32
      %parallel_loop3A_875 = arith.constant 2 : i32
      %parallel_loop3A_876 = arith.constant 0 : i32
      %parallel_loop3A_877 = arith.constant 0 : i32
      %parallel_loop3A_878 = tpu.memref_slice %arg7[%parallel_loop3A_446, %parallel_loop3A_876, %parallel_loop3A_877] : memref<2x8x2048xf32, #tpu.memory_space<vmem>> -> memref<1x8x2048xf32, #tpu.memory_space<vmem>>
      %parallel_loop3A_879 = tpu.memref_squeeze %parallel_loop3A_878 : memref<1x8x2048xf32, #tpu.memory_space<vmem>> -> memref<8x2048xf32, #tpu.memory_space<vmem>>
      %parallel_loop3A_880 = arith.index_cast %parallel_loop3A_875 : i32 to index
      %parallel_loop3A_881 = arith.index_cast %parallel_loop3A_874 : i32 to index
      %parallel_loop3A_882 = tpu.vector_load %parallel_loop3A_879[%parallel_loop3A_880, %parallel_loop3A_881] {strides = array<i32>} : memref<8x2048xf32, #tpu.memory_space<vmem>>, vector<16xf32>,
      tpu.vector_store %parallel_loop3A_879[%parallel_loop3A_880, %parallel_loop3A_881], %parallel_loop3A_723 {strides = array<i32>} : memref<8x2048xf32, #tpu.memory_space<vmem>>, vector<16xf32>,
      %parallel_loop3A_883 = arith.constant 2 : i32
      %parallel_loop3A_884 = arith.muli %parallel_loop3A_488, %parallel_loop3A_883 : i32
      %parallel_loop3A_885 = arith.constant 1 : i32
      %parallel_loop3A_886 = arith.addi %parallel_loop3A_884, %parallel_loop3A_885 : i32
      %parallel_loop3A_887 = arith.constant 16 : i32
      %parallel_loop3A_888 = arith.muli %parallel_loop3A_886, %parallel_loop3A_887 : i32
      %parallel_loop3A_889 = arith.constant 3 : i32
      %parallel_loop3A_890 = arith.constant 0 : i32
      %parallel_loop3A_891 = arith.constant 0 : i32
      %parallel_loop3A_892 = tpu.memref_slice %arg7[%parallel_loop3A_446, %parallel_loop3A_890, %parallel_loop3A_891] : memref<2x8x2048xf32, #tpu.memory_space<vmem>> -> memref<1x8x2048xf32, #tpu.memory_space<vmem>>
      %parallel_loop3A_893 = tpu.memref_squeeze %parallel_loop3A_892 : memref<1x8x2048xf32, #tpu.memory_space<vmem>> -> memref<8x2048xf32, #tpu.memory_space<vmem>>
      %parallel_loop3A_894 = arith.index_cast %parallel_loop3A_889 : i32 to index
      %parallel_loop3A_895 = arith.index_cast %parallel_loop3A_888 : i32 to index
      %parallel_loop3A_896 = tpu.vector_load %parallel_loop3A_893[%parallel_loop3A_894, %parallel_loop3A_895] {strides = array<i32>} : memref<8x2048xf32, #tpu.memory_space<vmem>>, vector<16xf32>,
      tpu.vector_store %parallel_loop3A_893[%parallel_loop3A_894, %parallel_loop3A_895], %parallel_loop3A_724 {strides = array<i32>} : memref<8x2048xf32, #tpu.memory_space<vmem>>, vector<16xf32>,
      %parallel_loop3A_897 = arith.constant 2 : i32
      %parallel_loop3A_898 = arith.muli %parallel_loop3A_488, %parallel_loop3A_897 : i32
      %parallel_loop3A_899 = arith.constant 1 : i32
      %parallel_loop3A_900 = arith.addi %parallel_loop3A_898, %parallel_loop3A_899 : i32
      %parallel_loop3A_901 = arith.constant 16 : i32
      %parallel_loop3A_902 = arith.muli %parallel_loop3A_900, %parallel_loop3A_901 : i32
      %parallel_loop3A_903 = arith.constant 4 : i32
      %parallel_loop3A_904 = arith.constant 0 : i32
      %parallel_loop3A_905 = arith.constant 0 : i32
      %parallel_loop3A_906 = tpu.memref_slice %arg7[%parallel_loop3A_446, %parallel_loop3A_904, %parallel_loop3A_905] : memref<2x8x2048xf32, #tpu.memory_space<vmem>> -> memref<1x8x2048xf32, #tpu.memory_space<vmem>>
      %parallel_loop3A_907 = tpu.memref_squeeze %parallel_loop3A_906 : memref<1x8x2048xf32, #tpu.memory_space<vmem>> -> memref<8x2048xf32, #tpu.memory_space<vmem>>
      %parallel_loop3A_908 = arith.index_cast %parallel_loop3A_903 : i32 to index
      %parallel_loop3A_909 = arith.index_cast %parallel_loop3A_902 : i32 to index
      %parallel_loop3A_910 = tpu.vector_load %parallel_loop3A_907[%parallel_loop3A_908, %parallel_loop3A_909] {strides = array<i32>} : memref<8x2048xf32, #tpu.memory_space<vmem>>, vector<16xf32>,
      tpu.vector_store %parallel_loop3A_907[%parallel_loop3A_908, %parallel_loop3A_909], %parallel_loop3A_725 {strides = array<i32>} : memref<8x2048xf32, #tpu.memory_space<vmem>>, vector<16xf32>,
      %parallel_loop3A_911 = arith.constant 2 : i32
      %parallel_loop3A_912 = arith.muli %parallel_loop3A_488, %parallel_loop3A_911 : i32
      %parallel_loop3A_913 = arith.constant 1 : i32
      %parallel_loop3A_914 = arith.addi %parallel_loop3A_912, %parallel_loop3A_913 : i32
      %parallel_loop3A_915 = arith.constant 16 : i32
      %parallel_loop3A_916 = arith.muli %parallel_loop3A_914, %parallel_loop3A_915 : i32
      %parallel_loop3A_917 = arith.constant 5 : i32
      %parallel_loop3A_918 = arith.constant 0 : i32
      %parallel_loop3A_919 = arith.constant 0 : i32
      %parallel_loop3A_920 = tpu.memref_slice %arg7[%parallel_loop3A_446, %parallel_loop3A_918, %parallel_loop3A_919] : memref<2x8x2048xf32, #tpu.memory_space<vmem>> -> memref<1x8x2048xf32, #tpu.memory_space<vmem>>
      %parallel_loop3A_921 = tpu.memref_squeeze %parallel_loop3A_920 : memref<1x8x2048xf32, #tpu.memory_space<vmem>> -> memref<8x2048xf32, #tpu.memory_space<vmem>>
      %parallel_loop3A_922 = arith.index_cast %parallel_loop3A_917 : i32 to index
      %parallel_loop3A_923 = arith.index_cast %parallel_loop3A_916 : i32 to index
      %parallel_loop3A_924 = tpu.vector_load %parallel_loop3A_921[%parallel_loop3A_922, %parallel_loop3A_923] {strides = array<i32>} : memref<8x2048xf32, #tpu.memory_space<vmem>>, vector<16xf32>,
      tpu.vector_store %parallel_loop3A_921[%parallel_loop3A_922, %parallel_loop3A_923], %parallel_loop3A_726 {strides = array<i32>} : memref<8x2048xf32, #tpu.memory_space<vmem>>, vector<16xf32>,
      %parallel_loop3A_925 = arith.constant 2 : i32
      %parallel_loop3A_926 = arith.muli %parallel_loop3A_488, %parallel_loop3A_925 : i32
      %parallel_loop3A_927 = arith.constant 1 : i32
      %parallel_loop3A_928 = arith.addi %parallel_loop3A_926, %parallel_loop3A_927 : i32
      %parallel_loop3A_929 = arith.constant 16 : i32
      %parallel_loop3A_930 = arith.muli %parallel_loop3A_928, %parallel_loop3A_929 : i32
      %parallel_loop3A_931 = arith.constant 6 : i32
      %parallel_loop3A_932 = arith.constant 0 : i32
      %parallel_loop3A_933 = arith.constant 0 : i32
      %parallel_loop3A_934 = tpu.memref_slice %arg7[%parallel_loop3A_446, %parallel_loop3A_932, %parallel_loop3A_933] : memref<2x8x2048xf32, #tpu.memory_space<vmem>> -> memref<1x8x2048xf32, #tpu.memory_space<vmem>>
      %parallel_loop3A_935 = tpu.memref_squeeze %parallel_loop3A_934 : memref<1x8x2048xf32, #tpu.memory_space<vmem>> -> memref<8x2048xf32, #tpu.memory_space<vmem>>
      %parallel_loop3A_936 = arith.index_cast %parallel_loop3A_931 : i32 to index
      %parallel_loop3A_937 = arith.index_cast %parallel_loop3A_930 : i32 to index
      %parallel_loop3A_938 = tpu.vector_load %parallel_loop3A_935[%parallel_loop3A_936, %parallel_loop3A_937] {strides = array<i32>} : memref<8x2048xf32, #tpu.memory_space<vmem>>, vector<16xf32>,
      tpu.vector_store %parallel_loop3A_935[%parallel_loop3A_936, %parallel_loop3A_937], %parallel_loop3A_727 {strides = array<i32>} : memref<8x2048xf32, #tpu.memory_space<vmem>>, vector<16xf32>,
      %parallel_loop3A_939 = arith.constant 2 : i32
      %parallel_loop3A_940 = arith.muli %parallel_loop3A_488, %parallel_loop3A_939 : i32
      %parallel_loop3A_941 = arith.constant 1 : i32
      %parallel_loop3A_942 = arith.addi %parallel_loop3A_940, %parallel_loop3A_941 : i32
      %parallel_loop3A_943 = arith.constant 16 : i32
      %parallel_loop3A_944 = arith.muli %parallel_loop3A_942, %parallel_loop3A_943 : i32
      %parallel_loop3A_945 = arith.constant 7 : i32
      %parallel_loop3A_946 = arith.constant 0 : i32
      %parallel_loop3A_947 = arith.constant 0 : i32
      %parallel_loop3A_948 = tpu.memref_slice %arg7[%parallel_loop3A_446, %parallel_loop3A_946, %parallel_loop3A_947] : memref<2x8x2048xf32, #tpu.memory_space<vmem>> -> memref<1x8x2048xf32, #tpu.memory_space<vmem>>
      %parallel_loop3A_949 = tpu.memref_squeeze %parallel_loop3A_948 : memref<1x8x2048xf32, #tpu.memory_space<vmem>> -> memref<8x2048xf32, #tpu.memory_space<vmem>>
      %parallel_loop3A_950 = arith.index_cast %parallel_loop3A_945 : i32 to index
      %parallel_loop3A_951 = arith.index_cast %parallel_loop3A_944 : i32 to index
      %parallel_loop3A_952 = tpu.vector_load %parallel_loop3A_949[%parallel_loop3A_950, %parallel_loop3A_951] {strides = array<i32>} : memref<8x2048xf32, #tpu.memory_space<vmem>>, vector<16xf32>,
      tpu.vector_store %parallel_loop3A_949[%parallel_loop3A_950, %parallel_loop3A_951], %parallel_loop3A_728 {strides = array<i32>} : memref<8x2048xf32, #tpu.memory_space<vmem>>, vector<16xf32>,
    } {sc.loop_unroll_factor = 2 : i64, sc.parallel_access}
    %add3A_447 = arith.constant 56 : i32
    %add3A_448 = arith.addi %mul3A_2, %add3A_447 : i32
    %dma_start3A_449 = arith.constant 1 : i32
    %dma_start3A_450 = arith.constant 0 : i32
    %dma_start3A_451 = arith.constant 0 : i32
    %dma_start3A_452 = tpu.memref_slice %arg7[%dma_start3A_449, %dma_start3A_450, %dma_start3A_451] : memref<2x8x2048xf32, #tpu.memory_space<vmem>> -> memref<1x8x2048xf32, #tpu.memory_space<vmem>>
    %dma_start3A_453 = tpu.memref_squeeze %dma_start3A_452 : memref<1x8x2048xf32, #tpu.memory_space<vmem>> -> memref<8x2048xf32, #tpu.memory_space<vmem>>
    %dma_start3A_454 = arith.constant 0 : i32
    %dma_start3A_455 = tpu.memref_slice %arg4[%add3A_448, %dma_start3A_454] : memref<2048x2048xf32, #tpu.memory_space<hbm>> -> memref<8x2048xf32, #tpu.memory_space<hbm>>
    %dma_start3A_456 = arith.constant 0 : i32
    %dma_start3A_457 = tpu.memref_slice %arg4[%add3A_448, %dma_start3A_456] : memref<2048x2048xf32, #tpu.memory_space<hbm>> -> memref<8x2048xf32, #tpu.memory_space<hbm>>
    %dma_start3A_458 = arith.constant 0 : i32
    %dma_start3A_459 = arith.constant 0 : i32
    %dma_start3A_460 = tpu.memref_slice %arg7[%dma_start3A_449, %dma_start3A_458, %dma_start3A_459] : memref<2x8x2048xf32, #tpu.memory_space<vmem>> -> memref<1x8x2048xf32, #tpu.memory_space<vmem>>
    %dma_start3A_461 = tpu.memref_squeeze %dma_start3A_460 : memref<1x8x2048xf32, #tpu.memory_space<vmem>> -> memref<8x2048xf32, #tpu.memory_space<vmem>>
    tpu.enqueue_dma source(%dma_start3A_461 : memref<8x2048xf32, #tpu.memory_space<vmem>>) target(%dma_start3A_457 : memref<8x2048xf32, #tpu.memory_space<hbm>>) target_semaphore(%arg11 : memref<!tpu.dma_semaphore, #tpu.memory_space<semaphore_mem>>)
    %dma_wait3A_462 = arith.constant 0 : i32
    %dma_wait3A_463 = arith.constant 0 : i32
    %dma_wait3A_464 = arith.constant 0 : i32
    %dma_wait3A_465 = tpu.memref_slice %arg7[%dma_wait3A_462, %dma_wait3A_463, %dma_wait3A_464] : memref<2x8x2048xf32, #tpu.memory_space<vmem>> -> memref<1x8x2048xf32, #tpu.memory_space<vmem>>
    %dma_wait3A_466 = tpu.memref_squeeze %dma_wait3A_465 : memref<1x8x2048xf32, #tpu.memory_space<vmem>> -> memref<8x2048xf32, #tpu.memory_space<vmem>>
    %dma_wait3A_467 = arith.constant 0 : i32
    %dma_wait3A_468 = tpu.memref_slice %arg4[%add3A_402, %dma_wait3A_467] : memref<2048x2048xf32, #tpu.memory_space<hbm>> -> memref<8x2048xf32, #tpu.memory_space<hbm>>
    %dma_wait3A_469 = arith.constant 0 : i32
    %dma_wait3A_470 = tpu.memref_slice %arg4[%add3A_402, %dma_wait3A_469] : memref<2048x2048xf32, #tpu.memory_space<hbm>> -> memref<8x2048xf32, #tpu.memory_space<hbm>>
    %dma_wait3A_471 = arith.constant 0 : i32
    %dma_wait3A_472 = arith.constant 0 : i32
    %dma_wait3A_473 = tpu.memref_slice %arg7[%dma_wait3A_462, %dma_wait3A_471, %dma_wait3A_472] : memref<2x8x2048xf32, #tpu.memory_space<vmem>> -> memref<1x8x2048xf32, #tpu.memory_space<vmem>>
    %dma_wait3A_474 = tpu.memref_squeeze %dma_wait3A_473 : memref<1x8x2048xf32, #tpu.memory_space<vmem>> -> memref<8x2048xf32, #tpu.memory_space<vmem>>
    tpu.wait_dma2 semaphore(%arg10 : memref<!tpu.dma_semaphore, #tpu.memory_space<semaphore_mem>>) src(%dma_wait3A_474 : memref<8x2048xf32, #tpu.memory_space<vmem>>) dst(%dma_wait3A_470 : memref<8x2048xf32, #tpu.memory_space<hbm>>)
    %dma_wait3A_475 = arith.constant 1 : i32
    %dma_wait3A_476 = arith.constant 0 : i32
    %dma_wait3A_477 = arith.constant 0 : i32
    %dma_wait3A_478 = tpu.memref_slice %arg7[%dma_wait3A_475, %dma_wait3A_476, %dma_wait3A_477] : memref<2x8x2048xf32, #tpu.memory_space<vmem>> -> memref<1x8x2048xf32, #tpu.memory_space<vmem>>
    %dma_wait3A_479 = tpu.memref_squeeze %dma_wait3A_478 : memref<1x8x2048xf32, #tpu.memory_space<vmem>> -> memref<8x2048xf32, #tpu.memory_space<vmem>>
    %dma_wait3A_480 = arith.constant 0 : i32
    %dma_wait3A_481 = tpu.memref_slice %arg4[%add3A_448, %dma_wait3A_480] : memref<2048x2048xf32, #tpu.memory_space<hbm>> -> memref<8x2048xf32, #tpu.memory_space<hbm>>
    %dma_wait3A_482 = arith.constant 0 : i32
    %dma_wait3A_483 = tpu.memref_slice %arg4[%add3A_448, %dma_wait3A_482] : memref<2048x2048xf32, #tpu.memory_space<hbm>> -> memref<8x2048xf32, #tpu.memory_space<hbm>>
    %dma_wait3A_484 = arith.constant 0 : i32
    %dma_wait3A_485 = arith.constant 0 : i32
    %dma_wait3A_486 = tpu.memref_slice %arg7[%dma_wait3A_475, %dma_wait3A_484, %dma_wait3A_485] : memref<2x8x2048xf32, #tpu.memory_space<vmem>> -> memref<1x8x2048xf32, #tpu.memory_space<vmem>>
    %dma_wait3A_487 = tpu.memref_squeeze %dma_wait3A_486 : memref<1x8x2048xf32, #tpu.memory_space<vmem>> -> memref<8x2048xf32, #tpu.memory_space<vmem>>
    tpu.wait_dma2 semaphore(%arg11 : memref<!tpu.dma_semaphore, #tpu.memory_space<semaphore_mem>>) src(%dma_wait3A_487 : memref<8x2048xf32, #tpu.memory_space<vmem>>) dst(%dma_wait3A_483 : memref<8x2048xf32, #tpu.memory_space<hbm>>)
    return
  }
}

</mosaic_0001>

<sc_bundles>
// kernel: kernel.3.cloned.1.call-start
scs
__scs_entry_jumppad:
0x0: {  	(pc) =	sbr.rel $0x88, $3  }
0x1: {  	(tag) =	ssettag $0x0;
	lr =	simm.s32 $0x1  }
0x2: {  	[smem:$0x3F9F] =	sst lr;
	_ =	strace $0xD0000000  }
0x3: {  	_ = 	snop  }
0x4: {  	_ = 	snop  }
0x5: {  	_ = 	snop  }
0x6: {  	_ = 	snop  }
0x7: {  	_ = 	snop  }
__scs_overlays_trampoline_lowered:
0x8: {  	[smem:$0x3FAE] =	sst s0  }
0x9: {  	[smem:$0x3FAF] =	sst s1  }
0xa: {  	[smem:$0x3FB0] =	sst s2  }
0xb: {  	[smem:$0x3FB1] =	sst s3  }
0xc: {  	[smem:$0x3FB2] =	sst s4  }
0xd: {  	[smem:$0x3FB3] =	sst s5  }
0xe: {  	[smem:$0x3FB4] =	sst s6  }
0xf: {  	[smem:$0x3FB5] =	sst s7  }
0x10: {  	[smem:$0x3FB6] =	sst s8  }
0x11: {  	[smem:$0x3FB7] =	sst s9;
	s0 =	simm.s32 @!p0 $0x0  }
0x12: {  	s1 =	sld [smem:$0x3F9D];
	s0 =	simm.s32 @p0 $0x1  }
0x13: {  	[smem:$0x3FB8] =	sst s0;
	s0 =	simm.s32 @!p1 $0x0  }
0x14: {  	s2 =	sld [smem:$0x3F9C];
	s0 =	simm.s32 @p1 $0x1  }
0x15: {  	[smem:$0x3FB9] =	sst s0;
	s0 =	simm.s32 @!p2 $0x0  }
0x16: {  	s3 =	sld [smem:$0x3FDB];
	s0 =	simm.s32 @p2 $0x1  }
0x17: {  	s4 =	simm.s32 $0x1BF5;
	[smem:$0x3FBB] =	sst s0  }
0x18: {  	s0 =	sld [smem:$0x3F9E];
	_ =	swait.ge [sflag:s4], $0x0  }
0x19: {  	s7 =	sld [smem:$0x3F9F]  }
0x1a: {  	s8 =	sadd.s32 $0xFFFFE003, lr  }
0x1b: {  	s9 =	sadd.s32 $0xFFFFFEF7, lr;
	s5 =	simm.s32 $0xFFFFFFFF;
	p2 =	slt.u32 s8, $0xFFFFF086  }
0x1c: {  	p1 =	slt.u32 s9, $0xF7A;
	s5 =	simm.s32 @!p2 $0x0  }
0x1d: {  	s5 =	simm.s32 @p1 $0x1;
	p0 =	seq.s32 s7, s2  }
0x1e: {  	s7 =	smul.u32 @!p0 $0xF7A, s2;
	p2 =	seq.s32 @!p0 s5, $0x0  }
0x1f: {  	s9 =	smul.u32 $0xF7A, s1;
	s8 =	simm.s32 @!p0 $0x1BF5;
	p2 =	por !p2, p0  }
0x20: {  	[sflag:s8] =	ssyncset.s32 @!p0 $0xFFFFF086;
	s6 =	sadd.s32 @!p0 s3, s7;
	s7 =	simm.s32 @!p0 $0x108  }
0x21: {  	s3 =	sadd.s32 s3, s9;
	s6 =	sadd.s32 @!p0 $0x88, s6;
	s7 =	simm.s32 @p2 $0x1082  }
0x22: {  	[simem:s7], [sflag:s8] =	dma.local @!p0 [hbm:s6], $0xF7A  }
0x23: {  	s9 =	sor.u32 $0xD0000000, s2;
	s6 =	simm.s32 $0x108;
	_ =	swait.ge @!p0 [sflag:s8], $0x0  }
0x24: {  	s3 =	sadd.s32 $0x88, s3;
	s6 =	simm.s32 @!p1 $0x1082;
	[sflag:s4] =	ssyncset.s32 $0xFFFFF086  }
0x25: {  	[simem:s6], [sflag:s4] =	dma.local [hbm:s3], $0xF7A  }
0x26: {  	[smem:$0x3F9F] =	sst s1;
	(tag) =	ssettag s2;
	_ =	strace s9  }
0x27: {  	s1 =	sld [smem:$0x3FAF]  }
0x28: {  	s2 =	sld [smem:$0x3FB0]  }
0x29: {  	s4 =	sld [smem:$0x3FB2]  }
0x2a: {  	p0 =	seq.s32 s5, $0x0;
	s5 =	sld [smem:$0x3FB3]  }
0x2b: {  	s6 =	sld [smem:$0x3FB4]  }
0x2c: {  	s7 =	sld [smem:$0x3FB5]  }
0x2d: {  	s3 =	simm.s32 $0x108;
	s8 =	sld [smem:$0x3FB6]  }
0x2e: {  	s3 =	simm.s32 @!p0 $0x1082;
	s9 =	sld [smem:$0x3FB7]  }
0x2f: {  	lr =	sadd.s32 s0, s3;
	s0 =	sld [smem:$0x3FAE]  }
0x30: {  	s3 =	sld [smem:$0x3FB1]  }
0x31: {  	[smem:$0x3FBA] =	sst s10  }
0x32: {  	s10 =	sld [smem:$0x3FB8];
	_ =	sdelay $0x3  }
0x33: {  	p0 =	seq.s32 s10, $0x1;
	s10 =	sld [smem:$0x3FBA];
	_ =	sdelay $0x3  }
0x34: {  	[smem:$0x3FBA] =	sst s10  }
0x35: {  	s10 =	sld [smem:$0x3FB9];
	_ =	sdelay $0x3  }
0x36: {  	p1 =	seq.s32 s10, $0x1;
	s10 =	sld [smem:$0x3FBA];
	_ =	sdelay $0x3  }
0x37: {  	[smem:$0x3FBA] =	sst s10  }
0x38: {  	s10 =	sld [smem:$0x3FBB]  }
0x39: {  	_ = 	snop;
	(pc) =	sbr.ind lr, $3  }
0x3a: {  	_ = 	snop  }
0x3b: {  	_ = 	snop  }
0x3c: {  	p2 =	seq.s32 s10, $0x1;
	s10 =	sld [smem:$0x3FBA]  }
0x3d: {  	_ =	shalt  }
0x3e: {  	_ =	shalt  }
0x3f: {  	_ =	shalt  }
0x40: {  	_ =	shalt  }
0x41: {  	_ =	shalt  }
0x42: {  	_ =	shalt  }
0x43: {  	_ =	shalt  }
0x44: {  	_ =	shalt  }
0x45: {  	_ =	shalt  }
0x46: {  	_ =	shalt  }
0x47: {  	_ =	shalt  }
0x48: {  	_ =	shalt  }
0x49: {  	_ =	shalt  }
0x4a: {  	_ =	shalt  }
0x4b: {  	_ =	shalt  }
0x4c: {  	_ =	shalt  }
0x4d: {  	_ =	shalt  }
0x4e: {  	_ =	shalt  }
0x4f: {  	_ =	shalt  }
0x50: {  	_ =	shalt  }
0x51: {  	_ =	shalt  }
0x52: {  	_ =	shalt  }
0x53: {  	_ =	shalt  }
0x54: {  	_ =	shalt  }
0x55: {  	_ =	shalt  }
0x56: {  	_ =	shalt  }
0x57: {  	_ =	shalt  }
0x58: {  	_ =	shalt  }
0x59: {  	_ =	shalt  }
0x5a: {  	_ =	shalt  }
0x5b: {  	_ =	shalt  }
0x5c: {  	_ =	shalt  }
0x5d: {  	_ =	shalt  }
0x5e: {  	_ =	shalt  }
0x5f: {  	_ =	shalt  }
0x60: {  	_ =	shalt  }
0x61: {  	_ =	shalt  }
0x62: {  	_ =	shalt  }
0x63: {  	_ =	shalt  }
0x64: {  	_ =	shalt  }
0x65: {  	_ =	shalt  }
0x66: {  	_ =	shalt  }
0x67: {  	_ =	shalt  }
0x68: {  	_ =	shalt  }
0x69: {  	_ =	shalt  }
0x6a: {  	_ =	shalt  }
0x6b: {  	_ =	shalt  }
0x6c: {  	_ =	shalt  }
0x6d: {  	_ =	shalt  }
0x6e: {  	_ =	shalt  }
0x6f: {  	_ =	shalt  }
0x70: {  	_ =	shalt  }
0x71: {  	_ =	shalt  }
0x72: {  	_ =	shalt  }
0x73: {  	_ =	shalt  }
0x74: {  	_ =	shalt  }
0x75: {  	_ =	shalt  }
0x76: {  	_ =	shalt  }
0x77: {  	_ =	shalt  }
0x78: {  	_ =	shalt  }
0x79: {  	_ =	shalt  }
0x7a: {  	_ =	shalt  }
0x7b: {  	_ =	shalt  }
0x7c: {  	_ =	shalt  }
0x7d: {  	_ =	shalt  }
0x7e: {  	_ =	shalt  }
0x7f: {  	_ =	shalt  }
0x80: {  	_ =	shalt  }
0x81: {  	_ =	shalt  }
0x82: {  	_ =	shalt  }
0x83: {  	_ =	shalt  }
0x84: {  	_ =	shalt  }
0x85: {  	_ =	shalt  }
0x86: {  	_ =	shalt  }
0x87: {  	_ =	shalt  }
.Lfunc_end0:
.L_simem_size_0:
called_computation_lowered:
.L_overlay_start_0:
0x88: {  	s2 =	sld [smem:$0x3FD9]  }
0x89: {  	s3 =	sld [smem:$0x3FFE];
	_ =	sdelay $0x1  }
0x8a: {  	s1 =	srdreg.scid  }
0x8b: {  	s0 =	sand.u32 $0x1, s1  }
0x8c: {  	s18 =	sshll.u32 s0, $0xA;
	s2 =	sadd.s32 s3, s2  }
0x8d: {  	s2 =	sadd.s32 s2, s18  }
0x8e: {  	[smem:$0x3FC6] =	sst s2  }
0x8f: {  	_ = 	snop  }
0x90: {  	s2 =	sld [smem:$0x3FC9]  }
0x91: {  	s19 =	sld [smem:$0x3FC8]  }
0x92: {  	s4 =	sld [smem:$0x3FD0];
	(tm) =	ssettm $0x1  }
0x93: {  	s5 =	sld [smem:$0x3FFB];
	_ =	sdelay $0x3  }
0x94: {  	_ =	strace s5  }
0x95: {  	s5 =	sld [smem:$0x3FFC];
	_ =	sdelay $0x3  }
0x96: {  	_ =	strace s5  }
0x97: {  	s5 =	sld [smem:$0x3FFD];
	_ =	sdelay $0x3  }
0x98: {  	_ =	strace s5  }
0x99: {  	_ =	strace $0x8FFFFFFF  }
0x9a: {  	s20 =	sld [smem:$0x3FDB];
	_ =	sdelay $0x1  }
0x9b: {  	s6 =	simm.s32 $_scs_section_size  }
0x9c: {  	s7 =	simm.s32 $_size__tile_overlayer_lowered;
	s8 =	simm.s32 $_tile_overlayer_lowered  }
0x9d: {  	s23 =	simm.s32 $0x1BFF;
	s22 =	sshll.u32 s8, $0x1;
	s5 =	sadd.s32 s6, s20  }
0x9e: {  	s9 =	simm.s32 $0x0;
	s21 =	sshll.u32 s7, $0x1;
	s7 =	sadd.s32 s22, s5  }
0x9f: {  	[timem:s9], [sflag:s23] =	dma.local [hbm:s7], s21  }
0xa0: {  	_ =	swait.ge [sflag:s23], s21  }
0xa1: {  	s6 =	ssub.s32 $0x0, s21;
	[sflag:s23] =	ssyncset.done $0x0  }
0xa2: {  	[sflag:s23] =	ssyncadd.s32 s6;
	_ =	sdelay $0x1  }
0xa3: {  	s24 =	simm.s32 $0x1B8B  }
0xa4: {  	_ =	swait.ge [sflag:s24], $0x1  }
0xa5: {  	[sflag:s24] =	ssyncset.done $0x0  }
0xa6: {  	s25 =	simm.s32 $0x1B8E;
	[sflag:s24] =	ssyncadd.s32 $0xFFFFFFFF  }
0xa7: {  	s26 =	simm.s32 $execute0_lowered;
	[smem:$0x3FD2] =	sst s25  }
0xa8: {  	s6 =	sshll.u32 s26, $0x1;
	_ =	strace $0x80000046;
	[dreg:$0x1] =	wrdreg $0xFFFFFFFF  }
0xa9: {  	s28 =	simm.s32 $_size_execute0_lowered;
	s5 =	sadd.s32 s5, s6;
	[dreg:$0x0] =	wrdreg $0x0  }
0xaa: {  	s6 =	sshll.u32 s28, $0x1;
	[dreg:$0x2] =	wrdreg s5  }
0xab: {  	[dreg:$0x3] =	wrdreg s6  }
0xac: {  	[dreg:$0x4] =	wrdreg $0xC0  }
0xad: {  	_ =	task [dreg:s9], $0x5FFFF  }
0xae: {  	[dreg:$0x1] =	wrdreg $0xFFFFFFFF  }
0xaf: {  	[dreg:$0x0] =	wrdreg $0x60  }
0xb0: {  	[dreg:$0x2] =	wrdreg s2  }
0xb1: {  	[dreg:$0x3] =	wrdreg s19  }
0xb2: {  	[dreg:$0x4] =	wrdreg s4  }
0xb3: {  	[dreg:$0x5] =	wrdreg $0x9  }
0xb4: {  	_ =	task.clear_ibuf [dreg:s9], $0x6FFFF;
	_ =	strace $0x90000046  }
0xb5: {  	s29 =	simm.s32 $0x9;
	_ =	strace $0x80000048  }
0xb6: {  	_ =	swait.ge [sflag:s29], $0x1  }
0xb7: {  	[sflag:s29] =	ssyncadd.s32 $0xFFFFFFFF  }
0xb8: {  	_ =	strace $0x90000048  }
0xb9: {  	_ =	sfence  }
0xba: {  	s30 =	sld [smem:$0x0];
	_ =	sdelay $0x2  }
0xbb: {  	s31 =	sshll.u32 s1, $0xD;
	s1 =	sshrl.u32 s1, $0x2  }
0xbc: {  	s3 =	sand.u32 $0x4000, s31;
	s1 =	sadd.s32 s1, s30  }
0xbd: {  	s0 =	sor.u32 s3, s0;
	s1 =	sshll.u32 s1, $0x11  }
0xbe: {  	s0 =	sor.u32 s1, s0  }
0xbf: {  	s0 =	sadd.s32 $0x8F2B, s0  }
0xc0: {  	[sflag:s0] =	ssyncadd.remote.s32 $0x1  }
0xc1: {  	_ =	sfence.sel $0xFFFF  }
0xc2: {  	[dreg:$0x0] =	wrdreg $0xFFFFFFFF;
	(pc) =	sbr.abs _section_cstart, $3  }
0xc3: {  	[dreg:$0x1] =	wrdreg $0xFFFFFFFF  }
0xc4: {  	_ =	task.clear_ibuf [dreg:s9], $0x2FFFF;
	_ =	strace $0x9FFFFFFF  }
0xc5: {  	(tm) =	ssettm $0x7FFFFFFF  }
tec
execute0_lowered:
.L_overlay_start_1:
0x0: {  	(tag) =	ssettag $0x1  }
0x1: {  	s0 =	rddreg [dreg:$0x1];
	s2 =	srdreg.scid  }
0x2: {  	s3 =	simm.s32 $0x0;
	s5 =	stileid.u32;
	s2 =	sand.u32 $0x1, s2  }
0x3: {  	s5 =	sshll.u32 s5, $0xF;
	s4 =	ssub.s32 $0x2, s2;
	s2 =	sshll.u32 s2, $0xE  }
0x4: {  	[smem:$0x7FF] =	sst s3;
	s2 =	sor.u32 s2, s5  }
0x5: {  	s1 =	rddreg [dreg:$0x2];
	_ =	strace $0x80000047;
	s11 =	sadd.s32 s0, s2  }
0x6: {  	s5 =	sor.u32 $0x800, s2;
	s7 =	sadd.s32 s1, s2;
	[dreg:$0x4] =	wrdreg s11  }
0x7: {  	s13 =	sor.u32 $0x1000, s2;
	s12 =	sadd.s32 s0, s5;
	[dreg:$0x6] =	wrdreg s7  }
0x8: {  	s6 =	sshrl.u32 s4, $0x1;
	s14 =	sadd.s32 s0, s13;
	[dreg:$0x5] =	wrdreg s12  }
0x9: {  	s15 =	sor.u32 $0x1800, s2;
	s5 =	sadd.s32 s1, s5;
	[dreg:$0x7] =	wrdreg s14  }
0xa: {  	s4 =	ssub.s32 s4, s6;
	s16 =	sadd.s32 s0, s15;
	[dreg:$0x8] =	wrdreg s5  }
0xb: {  	s17 =	sor.u32 $0x2000, s2;
	s6 =	sadd.s32 s1, s13;
	[dreg:$0x9] =	wrdreg s16  }
0xc: {  	s18 =	sadd.s32 s0, s17;
	[dreg:$0xa] =	wrdreg s6  }
0xd: {  	s19 =	sor.u32 $0x2800, s2;
	s7 =	sadd.s32 s1, s15;
	[dreg:$0xb] =	wrdreg s18  }
0xe: {  	s21 =	sor.u32 $0x3000, s2;
	s20 =	sadd.s32 s0, s19;
	[dreg:$0xc] =	wrdreg s7  }
0xf: {  	s22 =	sadd.s32 s0, s21;
	[dreg:$0xd] =	wrdreg s20  }
0x10: {  	s2 =	sor.u32 $0x3800, s2;
	s23 =	sadd.s32 s1, s19;
	[dreg:$0xf] =	wrdreg s22  }
0x11: {  	s0 =	sadd.s32 s0, s2;
	[dreg:$0x10] =	wrdreg s23  }
0x12: {  	s28 =	simm.s32 $0xE780;
	s24 =	sadd.s32 s1, s21;
	[dreg:$0x11] =	wrdreg s0  }
0x13: {  	s29 =	simm.s32 $0x3;
	s25 =	sadd.s32 s1, s2;
	[dreg:$0x12] =	wrdreg s24  }
0x14: {  	s30 =	simm.s32 $0x4;
	s26 =	smax.u32 s4, $0x1;
	[dreg:$0x13] =	wrdreg s25  }
0x15: {  	s31 =	simm.s32 $0x0;
	s5 =	sadd.s32 s1, s17;
	[dreg:$0x14] =	wrdreg s26  }
0x16: {  	s24 =	simm.s32 $0x1;
	s26 =	simm.s32 $0x2;
	[dreg:$0xe] =	wrdreg s5  }
.LBB2_1:
0x17: {  	s0 =	rddreg [dreg:$0x4];
	s1 =	simm.s32 $0x2780  }
0x18: {  	[tilespmem:s1], [sflag:$0x1] =	stream.linear.gather [hbm4b:s0+s3], $0x4000, $0x38;
	[tilespmem:$0x12780] =	vst v63  }
0x19: {  	s18 =	rddreg [dreg:$0x0];
	s19 =	simm.s32 $0x5  }
0x1a: {  	[tilespmem:s3], [sflag:$0x5] =	stream.linear.gather [hbm4b:s18+s3], $0x2780, $0x38;
	[tilespmem:$0x12780] =	vst v63  }
0x1b: {  	_ =	swait.ge [sflag:s19], $0x2780  }
0x1c: {  	[sflag:s19] =	ssyncset.done $0x0  }
0x1d: {  	s21 =	simm.s32 $0x6780;
	s20 =	rddreg [dreg:$0x5];
	[sflag:s19] =	ssyncadd.s32 $0xFFFFD880  }
0x1e: {  	[tilespmem:s21], [sflag:$0x2] =	stream.linear.gather [hbm4b:s20+s3], $0x4000, $0x38;
	[tilespmem:$0x12780] =	vst v63  }
0x1f: {  	_ =	swait.ge [sflag:s24], $0x4000  }
0x20: {  	s22 =	sand.u32 $0x40, s3;
	s23 =	sand.u32 $0x3C00, s3;
	[sflag:s24] =	ssyncset.done $0x0  }
0x21: {  	s0 =	sor.u32 s22, s23;
	[sflag:s24] =	ssyncadd.s32 $0xFFFFC000  }
0x22: {  	v0 =	vld [tilespmem:s0+$0x27A0]  }
0x23: {  	v1 =	vld [tilespmem:s0+$0x2820]  }
0x24: {  	p0 =	por $0x0, $0x0;
	s1 =	simm.s32 $0x1;
	v2 =	vld [tilespmem:s0+$0x28A0]  }
0x25: {  	s1 =	simm.s32 @!p0 $0x0;
	v3 =	vld [tilespmem:s0+$0x2920]  }
0x26: {  	s1 =	sshll.u32 s1, $0x6;
	v4 =	vld [tilespmem:s0+$0x27B0]  }
0x27: {  	s8 =	sadd.s32 $0x0, s1;
	v5 =	vld [tilespmem:s0+$0x2830]  }
0x28: {  	s1 =	sadd.s32 $0x20, s8;
	v6 =	vld [tilespmem:s0+$0x28B0]  }
0x29: {  	s14 =	sor.u32 $0x200, s1;
	v7 =	vld [tilespmem:s0+$0x2930]  }
0x2a: {  	s15 =	sor.u32 $0x280, s1;
	v8 =	vld [tilespmem:s14+$0x2780]  }
0x2b: {  	s16 =	sor.u32 $0x300, s1;
	v9 =	vld [tilespmem:s15+$0x2780]  }
0x2c: {  	s25 =	sadd.s32 $0x30, s8;
	s17 =	sor.u32 $0x380, s1;
	v10 =	vld [tilespmem:s16+$0x2780]  }
0x2d: {  	s10 =	sor.u32 $0x200, s25;
	v11 =	vld [tilespmem:s17+$0x2780]  }
0x2e: {  	s11 =	sor.u32 $0x280, s25;
	v12 =	vld [tilespmem:s10+$0x2780]  }
0x2f: {  	s12 =	sor.u32 $0x300, s25;
	v13 =	vld [tilespmem:s11+$0x2780]  }
0x30: {  	s13 =	sor.u32 $0x380, s25;
	v14 =	vld [tilespmem:s12+$0x2780]  }
0x31: {  	s9 =	sor.u32 $0x280, s8;
	v15 =	vld [tilespmem:s13+$0x2780]  }
0x32: {  	s7 =	sor.u32 $0x300, s8;
	v23 =	vld [tilespmem:s9+$0x2780]  }
0x33: {  	s5 =	sadd.s32 $0x10, s8;
	s6 =	sor.u32 $0x200, s8;
	s8 =	sor.u32 $0x380, s8;
	v24 =	vld [tilespmem:s7+$0x2780]  }
0x34: {  	v25 =	vld [tilespmem:s8+$0x2780]  }
0x35: {  	v26 =	vld [tilespmem:s0+$0x2780]  }
0x36: {  	v27 =	vld [tilespmem:s0+$0x2800]  }
0x37: {  	v28 =	vld [tilespmem:s0+$0x2880]  }
0x38: {  	v29 =	vld [tilespmem:s0+$0x2900]  }
0x39: {  	v30 =	vld [tilespmem:s0+$0x2790]  }
0x3a: {  	v31 =	vld [tilespmem:s0+$0x2810]  }
0x3b: {  	v0 =	vld.idx.msk [tilespmem:v0+s3+$0x0], $0xffff  }
0x3c: {  	v1 =	vld.idx.msk [tilespmem:v1+s3+$0x0], $0xffff  }
0x3d: {  	v2 =	vld.idx.msk [tilespmem:v2+s3+$0x0], $0xffff  }
0x3e: {  	v16 =	vld.idx.msk [tilespmem:v3+s3+$0x0], $0xffff  }
0x3f: {  	v4 =	vld.idx.msk [tilespmem:v4+s3+$0x0], $0xffff  }
0x40: {  	v17 =	vld.idx.msk [tilespmem:v5+s3+$0x0], $0xffff  }
0x41: {  	v18 =	vld.idx.msk [tilespmem:v6+s3+$0x0], $0xffff  }
0x42: {  	v19 =	vld.idx.msk [tilespmem:v7+s3+$0x0], $0xffff  }
0x43: {  	v5 =	vld.idx.msk [tilespmem:v8+s3+$0x0], $0xffff  }
0x44: {  	v6 =	vld.idx.msk [tilespmem:v9+s3+$0x0], $0xffff  }
0x45: {  	v8 =	vld.idx.msk [tilespmem:v10+s3+$0x0], $0xffff  }
0x46: {  	v10 =	vld.idx.msk [tilespmem:v11+s3+$0x0], $0xffff  }
0x47: {  	v11 =	vld.idx.msk [tilespmem:v12+s3+$0x0], $0xffff  }
0x48: {  	v20 =	vld.idx.msk [tilespmem:v13+s3+$0x0], $0xffff  }
0x49: {  	v21 =	vld.idx.msk [tilespmem:v14+s3+$0x0], $0xffff  }
0x4a: {  	s2 =	sor.u32 $0x200, s5;
	v22 =	vld.idx.msk [tilespmem:v15+s3+$0x0], $0xffff  }
0x4b: {  	s1 =	sor.u32 $0x280, s5;
	v3 =	vld [tilespmem:s2+$0x2780]  }
0x4c: {  	s4 =	sor.u32 $0x300, s5;
	v12 =	vld [tilespmem:s1+$0x2780]  }
0x4d: {  	s5 =	sor.u32 $0x380, s5;
	v13 =	vld [tilespmem:s4+$0x2780]  }
0x4e: {  	v14 =	vld [tilespmem:s5+$0x2780];
	[tilespmem:s0+$0xA7A0] =	vst v0  }
0x4f: {  	v15 =	vld [tilespmem:s6+$0x2780];
	[tilespmem:s0+$0xA820] =	vst v1  }
0x50: {  	v7 =	vld [tilespmem:s0+$0x2890];
	[tilespmem:s0+$0xA8A0] =	vst v2  }
0x51: {  	v9 =	vld [tilespmem:s0+$0x2910];
	[tilespmem:s0+$0xA920] =	vst v16  }
0x52: {  	[tilespmem:s14+$0xA780] =	vst v5;
	v5 =	vld.idx.msk [tilespmem:v24+s3+$0x0], $0xffff  }
0x53: {  	[tilespmem:s15+$0xA780] =	vst v6;
	v6 =	vld.idx.msk [tilespmem:v23+s3+$0x0], $0xffff  }
0x54: {  	v3 =	vld.idx.msk [tilespmem:v3+s3+$0x0], $0xffff  }
0x55: {  	v2 =	vld.idx.msk [tilespmem:v12+s3+$0x0], $0xffff  }
0x56: {  	v1 =	vld.idx.msk [tilespmem:v13+s3+$0x0], $0xffff;
	[tilespmem:s16+$0xA780] =	vst v8  }
0x57: {  	v0 =	vld.idx.msk [tilespmem:v14+s3+$0x0], $0xffff;
	[tilespmem:s17+$0xA780] =	vst v10  }
0x58: {  	v8 =	vld.idx.msk [tilespmem:v15+s3+$0x0], $0xffff;
	[tilespmem:s0+$0xA7B0] =	vst v4  }
0x59: {  	v12 =	vld.idx.msk [tilespmem:v26+s3+$0x0], $0xffff;
	[tilespmem:s0+$0xA830] =	vst v17  }
0x5a: {  	v13 =	vld.idx.msk [tilespmem:v27+s3+$0x0], $0xffff;
	[tilespmem:s0+$0xA8B0] =	vst v18  }
0x5b: {  	v14 =	vld.idx.msk [tilespmem:v28+s3+$0x0], $0xffff;
	[tilespmem:s0+$0xA930] =	vst v19  }
0x5c: {  	v15 =	vld.idx.msk [tilespmem:v29+s3+$0x0], $0xffff;
	[tilespmem:s10+$0xA780] =	vst v11  }
0x5d: {  	v10 =	vld.idx.msk [tilespmem:v31+s3+$0x0], $0xffff;
	[tilespmem:s11+$0xA780] =	vst v20  }
0x5e: {  	v4 =	vld.idx.msk [tilespmem:v25+s3+$0x0], $0xffff;
	[tilespmem:s12+$0xA780] =	vst v21  }
0x5f: {  	v11 =	vld.idx.msk [tilespmem:v30+s3+$0x0], $0xffff;
	s10 =	simm.s32 $0x0;
	s11 =	simm.s32 $0x200;
	s12 =	simm.s32 $0x40;
	[tilespmem:s13+$0xA780] =	vst v22  }
.LBB2_2:
0x60: {  	s13 =	sand.u32 $0x40, s12;
	s14 =	sand.u32 $0x3C00, s11;
	v7 =	vld.idx.msk [tilespmem:v7+s3+$0x0], $0xffff  }
0x61: {  	s15 =	sor.u32 s13, s14;
	v9 =	vld.idx.msk [tilespmem:v9+s3+$0x0], $0xffff;
	[tilespmem:s0+$0xA780] =	vst v12  }
0x62: {  	v12 =	vld [tilespmem:s15+$0x27A0];
	[tilespmem:s0+$0xA800] =	vst v13  }
0x63: {  	v13 =	vld [tilespmem:s15+$0x2820];
	[tilespmem:s0+$0xA880] =	vst v14  }
0x64: {  	p0 =	por !p0, !p0;
	s13 =	simm.s32 $0x1;
	v14 =	vld [tilespmem:s15+$0x28A0];
	[tilespmem:s0+$0xA900] =	vst v15  }
0x65: {  	s13 =	simm.s32 @!p0 $0x0;
	v15 =	vld [tilespmem:s15+$0x2920];
	[tilespmem:s6+$0xA780] =	vst v8  }
0x66: {  	s6 =	sshll.u32 s13, $0x6;
	v8 =	vld [tilespmem:s15+$0x27B0];
	[tilespmem:s9+$0xA780] =	vst v6  }
0x67: {  	s13 =	sadd.s32 s6, s11;
	v6 =	vld [tilespmem:s15+$0x2830];
	[tilespmem:s7+$0xA780] =	vst v5  }
0x68: {  	s6 =	sor.u32 $0x200, s13;
	s7 =	sadd.s32 $0x10, s13;
	s17 =	sadd.s32 $0x20, s13;
	v5 =	vld [tilespmem:s15+$0x28B0];
	[tilespmem:s8+$0xA780] =	vst v4  }
0x69: {  	s18 =	sor.u32 $0x200, s7;
	s22 =	sor.u32 $0x280, s7;
	s14 =	sor.u32 $0x200, s17;
	v4 =	vld [tilespmem:s15+$0x2930];
	[tilespmem:s0+$0xA790] =	vst v11  }
0x6a: {  	s21 =	sor.u32 $0x300, s7;
	s23 =	sor.u32 $0x380, s7;
	s16 =	sor.u32 $0x280, s17;
	v11 =	vld [tilespmem:s14+$0x2780];
	[tilespmem:s0+$0xA810] =	vst v10  }
0x6b: {  	s9 =	sor.u32 $0x280, s13;
	s7 =	sor.u32 $0x300, s13;
	s19 =	sor.u32 $0x300, s17;
	v10 =	vld [tilespmem:s16+$0x2780];
	[tilespmem:s0+$0xA890] =	vst v7  }
0x6c: {  	s25 =	sadd.s32 $0x30, s13;
	s8 =	sor.u32 $0x380, s13;
	s20 =	sor.u32 $0x380, s17;
	v7 =	vld [tilespmem:s19+$0x2780];
	[tilespmem:s0+$0xA910] =	vst v9  }
0x6d: {  	s13 =	sor.u32 $0x200, s25;
	s0 =	smov.u32 s15;
	v9 =	vld [tilespmem:s20+$0x2780];
	[tilespmem:s2+$0xA780] =	vst v3;
	s2 =	smov.u32 s18  }
0x6e: {  	s15 =	sor.u32 $0x280, s25;
	v3 =	vld [tilespmem:s13+$0x2780];
	[tilespmem:s1+$0xA780] =	vst v2;
	s1 =	smov.u32 s22  }
0x6f: {  	s17 =	sor.u32 $0x300, s25;
	v2 =	vld [tilespmem:s15+$0x2780];
	[tilespmem:s4+$0xA780] =	vst v1;
	s4 =	smov.u32 s21  }
0x70: {  	s18 =	sor.u32 $0x380, s25;
	v1 =	vld [tilespmem:s17+$0x2780];
	[tilespmem:s5+$0xA780] =	vst v0;
	s5 =	smov.u32 s23  }
0x71: {  	v0 =	vld [tilespmem:s18+$0x2780]  }
0x72: {  	v12 =	vld.idx.msk [tilespmem:v12+s3+$0x0], $0xffff  }
0x73: {  	v13 =	vld.idx.msk [tilespmem:v13+s3+$0x0], $0xffff  }
0x74: {  	v14 =	vld.idx.msk [tilespmem:v14+s3+$0x0], $0xffff  }
0x75: {  	v15 =	vld.idx.msk [tilespmem:v15+s3+$0x0], $0xffff  }
0x76: {  	v8 =	vld.idx.msk [tilespmem:v8+s3+$0x0], $0xffff  }
0x77: {  	v6 =	vld.idx.msk [tilespmem:v6+s3+$0x0], $0xffff  }
0x78: {  	v5 =	vld.idx.msk [tilespmem:v5+s3+$0x0], $0xffff  }
0x79: {  	v4 =	vld.idx.msk [tilespmem:v4+s3+$0x0], $0xffff  }
0x7a: {  	v11 =	vld.idx.msk [tilespmem:v11+s3+$0x0], $0xffff  }
0x7b: {  	v10 =	vld.idx.msk [tilespmem:v10+s3+$0x0], $0xffff  }
0x7c: {  	v7 =	vld.idx.msk [tilespmem:v7+s3+$0x0], $0xffff  }
0x7d: {  	s10 =	sadd.s32 $0x2, s10;
	v9 =	vld.idx.msk [tilespmem:v9+s3+$0x0], $0xffff  }
0x7e: {  	p1 =	slt.u32 s10, $0x3E;
	v3 =	vld.idx.msk [tilespmem:v3+s3+$0x0], $0xffff  }
0x7f: {  	v2 =	vld.idx.msk [tilespmem:v2+s3+$0x0], $0xffff  }
0x80: {  	v1 =	vld.idx.msk [tilespmem:v1+s3+$0x0], $0xffff  }
0x81: {  	v0 =	vld.idx.msk [tilespmem:v0+s3+$0x0], $0xffff;
	[tilespmem:s0+$0xA7A0] =	vst v12  }
0x82: {  	v12 =	vld [tilespmem:s2+$0x2780];
	[tilespmem:s0+$0xA820] =	vst v13  }
0x83: {  	v13 =	vld [tilespmem:s1+$0x2780];
	[tilespmem:s0+$0xA8A0] =	vst v14  }
0x84: {  	v14 =	vld [tilespmem:s4+$0x2780];
	[tilespmem:s0+$0xA920] =	vst v15  }
0x85: {  	v15 =	vld [tilespmem:s5+$0x2780];
	[tilespmem:s14+$0xA780] =	vst v11  }
0x86: {  	v11 =	vld [tilespmem:s6+$0x2780];
	[tilespmem:s16+$0xA780] =	vst v10  }
0x87: {  	v10 =	vld [tilespmem:s9+$0x2780];
	[tilespmem:s19+$0xA780] =	vst v7  }
0x88: {  	v16 =	vld [tilespmem:s7+$0x2780];
	[tilespmem:s20+$0xA780] =	vst v9  }
0x89: {  	v17 =	vld [tilespmem:s8+$0x2780];
	[tilespmem:s0+$0xA7B0] =	vst v8  }
0x8a: {  	v18 =	vld [tilespmem:s0+$0x2780];
	[tilespmem:s0+$0xA830] =	vst v6  }
0x8b: {  	v19 =	vld [tilespmem:s0+$0x2800];
	[tilespmem:s0+$0xA8B0] =	vst v5  }
0x8c: {  	v20 =	vld [tilespmem:s0+$0x2880];
	[tilespmem:s0+$0xA930] =	vst v4  }
0x8d: {  	v21 =	vld [tilespmem:s0+$0x2900];
	[tilespmem:s13+$0xA780] =	vst v3  }
0x8e: {  	v22 =	vld [tilespmem:s0+$0x2790];
	[tilespmem:s15+$0xA780] =	vst v2  }
0x8f: {  	v23 =	vld [tilespmem:s0+$0x2810];
	[tilespmem:s17+$0xA780] =	vst v1  }
0x90: {  	v7 =	vld [tilespmem:s0+$0x2890];
	[tilespmem:s18+$0xA780] =	vst v0  }
0x91: {  	v9 =	vld [tilespmem:s0+$0x2910]  }
0x92: {  	v3 =	vld.idx.msk [tilespmem:v12+s3+$0x0], $0xffff  }
0x93: {  	v2 =	vld.idx.msk [tilespmem:v13+s3+$0x0], $0xffff  }
0x94: {  	v1 =	vld.idx.msk [tilespmem:v14+s3+$0x0], $0xffff  }
0x95: {  	v0 =	vld.idx.msk [tilespmem:v15+s3+$0x0], $0xffff  }
0x96: {  	v8 =	vld.idx.msk [tilespmem:v11+s3+$0x0], $0xffff  }
0x97: {  	v6 =	vld.idx.msk [tilespmem:v10+s3+$0x0], $0xffff  }
0x98: {  	v5 =	vld.idx.msk [tilespmem:v16+s3+$0x0], $0xffff  }
0x99: {  	v4 =	vld.idx.msk [tilespmem:v17+s3+$0x0], $0xffff  }
0x9a: {  	v12 =	vld.idx.msk [tilespmem:v18+s3+$0x0], $0xffff  }
.Ltmp0:
0x9b: {  	v13 =	vld.idx.msk [tilespmem:v19+s3+$0x0], $0xffff;
	(pc) =	sbr.rel @p1 .LBB2_2-.Ltmp0, $4  }
0x9c: {  	v14 =	vld.idx.msk [tilespmem:v20+s3+$0x0], $0xffff  }
0x9d: {  	v15 =	vld.idx.msk [tilespmem:v21+s3+$0x0], $0xffff  }
0x9e: {  	v11 =	vld.idx.msk [tilespmem:v22+s3+$0x0], $0xffff  }
0x9f: {  	s12 =	sadd.s32 $0x40, s12;
	s11 =	sadd.s32 $0x200, s11;
	v10 =	vld.idx.msk [tilespmem:v23+s3+$0x0], $0xffff  }
0xa0: {  	_ =	sdelay $0x3  }
0xa1: {  	v7 =	vld.idx.msk [tilespmem:v7+s3+$0x0], $0xffff  }
0xa2: {  	v9 =	vld.idx.msk [tilespmem:v9+s3+$0x0], $0xffff;
	[tilespmem:s0+$0xA780] =	vst v12  }
0xa3: {  	[tilespmem:s0+$0xA800] =	vst v13  }
0xa4: {  	[tilespmem:s0+$0xA880] =	vst v14  }
0xa5: {  	[tilespmem:s0+$0xA900] =	vst v15  }
0xa6: {  	[tilespmem:s6+$0xA780] =	vst v8  }
0xa7: {  	[tilespmem:s9+$0xA780] =	vst v6  }
0xa8: {  	[tilespmem:s7+$0xA780] =	vst v5  }
0xa9: {  	[tilespmem:s8+$0xA780] =	vst v4  }
0xaa: {  	[tilespmem:s0+$0xA790] =	vst v11  }
0xab: {  	[tilespmem:s0+$0xA810] =	vst v10  }
0xac: {  	[tilespmem:s0+$0xA890] =	vst v7  }
0xad: {  	[tilespmem:s0+$0xA910] =	vst v9  }
0xae: {  	[tilespmem:s2+$0xA780] =	vst v3  }
0xaf: {  	[tilespmem:s1+$0xA780] =	vst v2  }
0xb0: {  	[tilespmem:s4+$0xA780] =	vst v1  }
0xb1: {  	[tilespmem:s5+$0xA780] =	vst v0  }
0xb2: {  	s17 =	simm.s32 $0x0;
	s18 =	simm.s32 $0xA780;
	s1 =	rddreg [dreg:$0x6]  }
0xb3: {  	[hbm4b:s1+s17] =	stream.linear.scatter [tilespmem:s18], [sflag:$0x3], $0x4000, $0x38;
	[tilespmem:$0x12780] =	vst v63  }
0xb4: {  	s20 =	simm.s32 $0x2780;
	s19 =	rddreg [dreg:$0x7]  }
0xb5: {  	[tilespmem:s20], [sflag:$0x1] =	stream.linear.gather [hbm4b:s19+s17], $0x4000, $0x38;
	[tilespmem:$0x12780] =	vst v63  }
0xb6: {  	_ =	swait.ge [sflag:s26], $0x4000  }
0xb7: {  	s21 =	sand.u32 $0x40, s17;
	s0 =	sand.u32 $0x3C00, s17;
	[sflag:s26] =	ssyncset.done $0x0  }
0xb8: {  	s0 =	sor.u32 s21, s0;
	[sflag:s26] =	ssyncadd.s32 $0xFFFFC000  }
0xb9: {  	v0 =	vld [tilespmem:s0+$0x67A0]  }
0xba: {  	v1 =	vld [tilespmem:s0+$0x6820]  }
0xbb: {  	p0 =	por $0x0, $0x0;
	s1 =	simm.s32 $0x1;
	v2 =	vld [tilespmem:s0+$0x68A0]  }
0xbc: {  	s1 =	simm.s32 @!p0 $0x0;
	v3 =	vld [tilespmem:s0+$0x6920]  }
0xbd: {  	s1 =	sshll.u32 s1, $0x6;
	v4 =	vld [tilespmem:s0+$0x67B0]  }
0xbe: {  	s22 =	sadd.s32 $0x0, s1;
	v5 =	vld [tilespmem:s0+$0x6830]  }
0xbf: {  	s1 =	sadd.s32 $0x20, s22;
	v6 =	vld [tilespmem:s0+$0x68B0]  }
0xc0: {  	s14 =	sor.u32 $0x200, s1;
	v7 =	vld [tilespmem:s0+$0x6930]  }
0xc1: {  	s15 =	sor.u32 $0x280, s1;
	v8 =	vld [tilespmem:s14+$0x6780]  }
0xc2: {  	s16 =	sor.u32 $0x300, s1;
	v9 =	vld [tilespmem:s15+$0x6780]  }
0xc3: {  	s23 =	sadd.s32 $0x30, s22;
	s17 =	sor.u32 $0x380, s1;
	v10 =	vld [tilespmem:s16+$0x6780]  }
0xc4: {  	s10 =	sor.u32 $0x200, s23;
	v11 =	vld [tilespmem:s17+$0x6780]  }
0xc5: {  	s11 =	sor.u32 $0x280, s23;
	v12 =	vld [tilespmem:s10+$0x6780]  }
0xc6: {  	s12 =	sor.u32 $0x300, s23;
	v13 =	vld [tilespmem:s11+$0x6780]  }
0xc7: {  	s13 =	sor.u32 $0x380, s23;
	v14 =	vld [tilespmem:s12+$0x6780]  }
0xc8: {  	s9 =	sor.u32 $0x280, s22;
	v15 =	vld [tilespmem:s13+$0x6780]  }
0xc9: {  	s7 =	sor.u32 $0x300, s22;
	v23 =	vld [tilespmem:s9+$0x6780]  }
0xca: {  	s8 =	sor.u32 $0x380, s22;
	v24 =	vld [tilespmem:s7+$0x6780]  }
0xcb: {  	v25 =	vld [tilespmem:s8+$0x6780]  }
0xcc: {  	v26 =	vld [tilespmem:s0+$0x6780]  }
0xcd: {  	v27 =	vld [tilespmem:s0+$0x6800]  }
0xce: {  	v28 =	vld [tilespmem:s0+$0x6880]  }
0xcf: {  	v29 =	vld [tilespmem:s0+$0x6900]  }
0xd0: {  	v30 =	vld [tilespmem:s0+$0x6790]  }
0xd1: {  	v31 =	vld [tilespmem:s0+$0x6810]  }
0xd2: {  	v0 =	vld.idx.msk [tilespmem:v0+s3+$0x0], $0xffff  }
0xd3: {  	v1 =	vld.idx.msk [tilespmem:v1+s3+$0x0], $0xffff  }
0xd4: {  	v2 =	vld.idx.msk [tilespmem:v2+s3+$0x0], $0xffff  }
0xd5: {  	v16 =	vld.idx.msk [tilespmem:v3+s3+$0x0], $0xffff  }
0xd6: {  	v4 =	vld.idx.msk [tilespmem:v4+s3+$0x0], $0xffff  }
0xd7: {  	v17 =	vld.idx.msk [tilespmem:v5+s3+$0x0], $0xffff  }
0xd8: {  	v18 =	vld.idx.msk [tilespmem:v6+s3+$0x0], $0xffff  }
0xd9: {  	v19 =	vld.idx.msk [tilespmem:v7+s3+$0x0], $0xffff  }
0xda: {  	v5 =	vld.idx.msk [tilespmem:v8+s3+$0x0], $0xffff  }
0xdb: {  	v6 =	vld.idx.msk [tilespmem:v9+s3+$0x0], $0xffff  }
0xdc: {  	v8 =	vld.idx.msk [tilespmem:v10+s3+$0x0], $0xffff  }
0xdd: {  	v10 =	vld.idx.msk [tilespmem:v11+s3+$0x0], $0xffff  }
0xde: {  	v11 =	vld.idx.msk [tilespmem:v12+s3+$0x0], $0xffff  }
0xdf: {  	v20 =	vld.idx.msk [tilespmem:v13+s3+$0x0], $0xffff  }
0xe0: {  	s25 =	sadd.s32 $0x10, s22;
	v21 =	vld.idx.msk [tilespmem:v14+s3+$0x0], $0xffff  }
0xe1: {  	s1 =	sor.u32 $0x200, s25;
	v22 =	vld.idx.msk [tilespmem:v15+s3+$0x0], $0xffff  }
0xe2: {  	s2 =	sor.u32 $0x280, s25;
	v3 =	vld [tilespmem:s1+$0x6780]  }
0xe3: {  	s4 =	sor.u32 $0x300, s25;
	v12 =	vld [tilespmem:s2+$0x6780]  }
0xe4: {  	s5 =	sor.u32 $0x380, s25;
	v13 =	vld [tilespmem:s4+$0x6780]  }
0xe5: {  	s6 =	sor.u32 $0x200, s22;
	v14 =	vld [tilespmem:s5+$0x6780];
	[tilespmem:s0+$0xE7A0] =	vst v0  }
0xe6: {  	v15 =	vld [tilespmem:s6+$0x6780];
	[tilespmem:s0+$0xE820] =	vst v1  }
0xe7: {  	v7 =	vld [tilespmem:s0+$0x6890];
	[tilespmem:s0+$0xE8A0] =	vst v2  }
0xe8: {  	v9 =	vld [tilespmem:s0+$0x6910];
	[tilespmem:s0+$0xE920] =	vst v16  }
0xe9: {  	[tilespmem:s14+$0xE780] =	vst v5;
	v5 =	vld.idx.msk [tilespmem:v24+s3+$0x0], $0xffff  }
0xea: {  	[tilespmem:s15+$0xE780] =	vst v6;
	v6 =	vld.idx.msk [tilespmem:v23+s3+$0x0], $0xffff  }
0xeb: {  	v3 =	vld.idx.msk [tilespmem:v3+s3+$0x0], $0xffff  }
0xec: {  	v2 =	vld.idx.msk [tilespmem:v12+s3+$0x0], $0xffff  }
0xed: {  	v1 =	vld.idx.msk [tilespmem:v13+s3+$0x0], $0xffff;
	[tilespmem:s16+$0xE780] =	vst v8  }
0xee: {  	v0 =	vld.idx.msk [tilespmem:v14+s3+$0x0], $0xffff;
	[tilespmem:s17+$0xE780] =	vst v10  }
0xef: {  	v8 =	vld.idx.msk [tilespmem:v15+s3+$0x0], $0xffff;
	[tilespmem:s0+$0xE7B0] =	vst v4  }
0xf0: {  	v12 =	vld.idx.msk [tilespmem:v26+s3+$0x0], $0xffff;
	[tilespmem:s0+$0xE830] =	vst v17  }
0xf1: {  	v13 =	vld.idx.msk [tilespmem:v27+s3+$0x0], $0xffff;
	[tilespmem:s0+$0xE8B0] =	vst v18  }
0xf2: {  	v14 =	vld.idx.msk [tilespmem:v28+s3+$0x0], $0xffff;
	[tilespmem:s0+$0xE930] =	vst v19  }
0xf3: {  	v15 =	vld.idx.msk [tilespmem:v29+s3+$0x0], $0xffff;
	[tilespmem:s10+$0xE780] =	vst v11  }
0xf4: {  	v10 =	vld.idx.msk [tilespmem:v31+s3+$0x0], $0xffff;
	[tilespmem:s11+$0xE780] =	vst v20  }
0xf5: {  	v4 =	vld.idx.msk [tilespmem:v25+s3+$0x0], $0xffff;
	[tilespmem:s12+$0xE780] =	vst v21  }
0xf6: {  	v11 =	vld.idx.msk [tilespmem:v30+s3+$0x0], $0xffff;
	s10 =	simm.s32 $0x0;
	s11 =	simm.s32 $0x200;
	s12 =	simm.s32 $0x40;
	[tilespmem:s13+$0xE780] =	vst v22  }
.LBB2_4:
0xf7: {  	s13 =	sand.u32 $0x40, s12;
	s14 =	sand.u32 $0x3C00, s11;
	v7 =	vld.idx.msk [tilespmem:v7+s3+$0x0], $0xffff  }
0xf8: {  	s15 =	sor.u32 s13, s14;
	v9 =	vld.idx.msk [tilespmem:v9+s3+$0x0], $0xffff;
	[tilespmem:s0+$0xE780] =	vst v12  }
0xf9: {  	v12 =	vld [tilespmem:s15+$0x67A0];
	[tilespmem:s0+$0xE800] =	vst v13  }
0xfa: {  	v13 =	vld [tilespmem:s15+$0x6820];
	[tilespmem:s0+$0xE880] =	vst v14  }
0xfb: {  	p0 =	por !p0, !p0;
	s13 =	simm.s32 $0x1;
	v14 =	vld [tilespmem:s15+$0x68A0];
	[tilespmem:s0+$0xE900] =	vst v15  }
0xfc: {  	s13 =	simm.s32 @!p0 $0x0;
	v15 =	vld [tilespmem:s15+$0x6920];
	[tilespmem:s6+$0xE780] =	vst v8  }
0xfd: {  	s6 =	sshll.u32 s13, $0x6;
	v8 =	vld [tilespmem:s15+$0x67B0];
	[tilespmem:s9+$0xE780] =	vst v6  }
0xfe: {  	s13 =	sadd.s32 s6, s11;
	v6 =	vld [tilespmem:s15+$0x6830];
	[tilespmem:s7+$0xE780] =	vst v5  }
0xff: {  	s6 =	sor.u32 $0x200, s13;
	s7 =	sadd.s32 $0x10, s13;
	s17 =	sadd.s32 $0x20, s13;
	v5 =	vld [tilespmem:s15+$0x68B0];
	[tilespmem:s8+$0xE780] =	vst v4  }
0x100: {  	s18 =	sor.u32 $0x200, s7;
	s21 =	sor.u32 $0x280, s7;
	s14 =	sor.u32 $0x200, s17;
	v4 =	vld [tilespmem:s15+$0x6930];
	[tilespmem:s0+$0xE790] =	vst v11  }
0x101: {  	s22 =	sor.u32 $0x300, s7;
	s23 =	sor.u32 $0x380, s7;
	s16 =	sor.u32 $0x280, s17;
	v11 =	vld [tilespmem:s14+$0x6780];
	[tilespmem:s0+$0xE810] =	vst v10  }
0x102: {  	s9 =	sor.u32 $0x280, s13;
	s7 =	sor.u32 $0x300, s13;
	s19 =	sor.u32 $0x300, s17;
	v10 =	vld [tilespmem:s16+$0x6780];
	[tilespmem:s0+$0xE890] =	vst v7  }
0x103: {  	s25 =	sadd.s32 $0x30, s13;
	s8 =	sor.u32 $0x380, s13;
	s20 =	sor.u32 $0x380, s17;
	v7 =	vld [tilespmem:s19+$0x6780];
	[tilespmem:s0+$0xE910] =	vst v9  }
0x104: {  	s13 =	sor.u32 $0x200, s25;
	s0 =	smov.u32 s15;
	v9 =	vld [tilespmem:s20+$0x6780];
	[tilespmem:s1+$0xE780] =	vst v3;
	s1 =	smov.u32 s18  }
0x105: {  	s15 =	sor.u32 $0x280, s25;
	v3 =	vld [tilespmem:s13+$0x6780];
	[tilespmem:s2+$0xE780] =	vst v2;
	s2 =	smov.u32 s21  }
0x106: {  	s17 =	sor.u32 $0x300, s25;
	v2 =	vld [tilespmem:s15+$0x6780];
	[tilespmem:s4+$0xE780] =	vst v1;
	s4 =	smov.u32 s22  }
0x107: {  	s18 =	sor.u32 $0x380, s25;
	v1 =	vld [tilespmem:s17+$0x6780];
	[tilespmem:s5+$0xE780] =	vst v0;
	s5 =	smov.u32 s23  }
0x108: {  	v0 =	vld [tilespmem:s18+$0x6780]  }
0x109: {  	v12 =	vld.idx.msk [tilespmem:v12+s3+$0x0], $0xffff  }
0x10a: {  	v13 =	vld.idx.msk [tilespmem:v13+s3+$0x0], $0xffff  }
0x10b: {  	v14 =	vld.idx.msk [tilespmem:v14+s3+$0x0], $0xffff  }
0x10c: {  	v15 =	vld.idx.msk [tilespmem:v15+s3+$0x0], $0xffff  }
0x10d: {  	v8 =	vld.idx.msk [tilespmem:v8+s3+$0x0], $0xffff  }
0x10e: {  	v6 =	vld.idx.msk [tilespmem:v6+s3+$0x0], $0xffff  }
0x10f: {  	v5 =	vld.idx.msk [tilespmem:v5+s3+$0x0], $0xffff  }
0x110: {  	v4 =	vld.idx.msk [tilespmem:v4+s3+$0x0], $0xffff  }
0x111: {  	v11 =	vld.idx.msk [tilespmem:v11+s3+$0x0], $0xffff  }
0x112: {  	v10 =	vld.idx.msk [tilespmem:v10+s3+$0x0], $0xffff  }
0x113: {  	v7 =	vld.idx.msk [tilespmem:v7+s3+$0x0], $0xffff  }
0x114: {  	s10 =	sadd.s32 $0x2, s10;
	v9 =	vld.idx.msk [tilespmem:v9+s3+$0x0], $0xffff  }
0x115: {  	p1 =	slt.u32 s10, $0x3E;
	v3 =	vld.idx.msk [tilespmem:v3+s3+$0x0], $0xffff  }
0x116: {  	v2 =	vld.idx.msk [tilespmem:v2+s3+$0x0], $0xffff  }
0x117: {  	v1 =	vld.idx.msk [tilespmem:v1+s3+$0x0], $0xffff  }
0x118: {  	v0 =	vld.idx.msk [tilespmem:v0+s3+$0x0], $0xffff;
	[tilespmem:s0+$0xE7A0] =	vst v12  }
0x119: {  	v12 =	vld [tilespmem:s1+$0x6780];
	[tilespmem:s0+$0xE820] =	vst v13  }
0x11a: {  	v13 =	vld [tilespmem:s2+$0x6780];
	[tilespmem:s0+$0xE8A0] =	vst v14  }
0x11b: {  	v14 =	vld [tilespmem:s4+$0x6780];
	[tilespmem:s0+$0xE920] =	vst v15  }
0x11c: {  	v15 =	vld [tilespmem:s5+$0x6780];
	[tilespmem:s14+$0xE780] =	vst v11  }
0x11d: {  	v11 =	vld [tilespmem:s6+$0x6780];
	[tilespmem:s16+$0xE780] =	vst v10  }
0x11e: {  	v10 =	vld [tilespmem:s9+$0x6780];
	[tilespmem:s19+$0xE780] =	vst v7  }
0x11f: {  	v16 =	vld [tilespmem:s7+$0x6780];
	[tilespmem:s20+$0xE780] =	vst v9  }
0x120: {  	v17 =	vld [tilespmem:s8+$0x6780];
	[tilespmem:s0+$0xE7B0] =	vst v8  }
0x121: {  	v18 =	vld [tilespmem:s0+$0x6780];
	[tilespmem:s0+$0xE830] =	vst v6  }
0x122: {  	v19 =	vld [tilespmem:s0+$0x6800];
	[tilespmem:s0+$0xE8B0] =	vst v5  }
0x123: {  	v20 =	vld [tilespmem:s0+$0x6880];
	[tilespmem:s0+$0xE930] =	vst v4  }
0x124: {  	v21 =	vld [tilespmem:s0+$0x6900];
	[tilespmem:s13+$0xE780] =	vst v3  }
0x125: {  	v22 =	vld [tilespmem:s0+$0x6790];
	[tilespmem:s15+$0xE780] =	vst v2  }
0x126: {  	v23 =	vld [tilespmem:s0+$0x6810];
	[tilespmem:s17+$0xE780] =	vst v1  }
0x127: {  	v7 =	vld [tilespmem:s0+$0x6890];
	[tilespmem:s18+$0xE780] =	vst v0  }
0x128: {  	v9 =	vld [tilespmem:s0+$0x6910]  }
0x129: {  	v3 =	vld.idx.msk [tilespmem:v12+s3+$0x0], $0xffff  }
0x12a: {  	v2 =	vld.idx.msk [tilespmem:v13+s3+$0x0], $0xffff  }
0x12b: {  	v1 =	vld.idx.msk [tilespmem:v14+s3+$0x0], $0xffff  }
0x12c: {  	v0 =	vld.idx.msk [tilespmem:v15+s3+$0x0], $0xffff  }
0x12d: {  	v8 =	vld.idx.msk [tilespmem:v11+s3+$0x0], $0xffff  }
0x12e: {  	v6 =	vld.idx.msk [tilespmem:v10+s3+$0x0], $0xffff  }
0x12f: {  	v5 =	vld.idx.msk [tilespmem:v16+s3+$0x0], $0xffff  }
0x130: {  	v4 =	vld.idx.msk [tilespmem:v17+s3+$0x0], $0xffff  }
0x131: {  	v12 =	vld.idx.msk [tilespmem:v18+s3+$0x0], $0xffff  }
.Ltmp1:
0x132: {  	v13 =	vld.idx.msk [tilespmem:v19+s3+$0x0], $0xffff;
	(pc) =	sbr.rel @p1 .LBB2_4-.Ltmp1, $4  }
0x133: {  	v14 =	vld.idx.msk [tilespmem:v20+s3+$0x0], $0xffff  }
0x134: {  	v15 =	vld.idx.msk [tilespmem:v21+s3+$0x0], $0xffff  }
0x135: {  	v11 =	vld.idx.msk [tilespmem:v22+s3+$0x0], $0xffff  }
0x136: {  	s12 =	sadd.s32 $0x40, s12;
	s11 =	sadd.s32 $0x200, s11;
	v10 =	vld.idx.msk [tilespmem:v23+s3+$0x0], $0xffff  }
0x137: {  	_ =	sdelay $0x3  }
0x138: {  	v7 =	vld.idx.msk [tilespmem:v7+s3+$0x0], $0xffff  }
0x139: {  	v9 =	vld.idx.msk [tilespmem:v9+s3+$0x0], $0xffff;
	[tilespmem:s0+$0xE780] =	vst v12  }
0x13a: {  	[tilespmem:s0+$0xE800] =	vst v13  }
0x13b: {  	[tilespmem:s0+$0xE880] =	vst v14  }
0x13c: {  	[tilespmem:s0+$0xE900] =	vst v15  }
0x13d: {  	[tilespmem:s6+$0xE780] =	vst v8  }
0x13e: {  	[tilespmem:s9+$0xE780] =	vst v6  }
0x13f: {  	[tilespmem:s7+$0xE780] =	vst v5  }
0x140: {  	[tilespmem:s8+$0xE780] =	vst v4  }
0x141: {  	[tilespmem:s0+$0xE790] =	vst v11  }
0x142: {  	[tilespmem:s0+$0xE810] =	vst v10  }
0x143: {  	[tilespmem:s0+$0xE890] =	vst v7  }
0x144: {  	[tilespmem:s0+$0xE910] =	vst v9  }
0x145: {  	[tilespmem:s1+$0xE780] =	vst v3  }
0x146: {  	[tilespmem:s2+$0xE780] =	vst v2  }
0x147: {  	[tilespmem:s4+$0xE780] =	vst v1  }
0x148: {  	[tilespmem:s5+$0xE780] =	vst v0  }
0x149: {  	s18 =	simm.s32 $0x0;
	s1 =	rddreg [dreg:$0x8]  }
0x14a: {  	[hbm4b:s1+s18] =	stream.linear.scatter [tilespmem:s28], [sflag:$0x4], $0x4000, $0x38;
	[tilespmem:$0x12780] =	vst v63  }
0x14b: {  	s20 =	simm.s32 $0x6780;
	s19 =	rddreg [dreg:$0x9]  }
0x14c: {  	[tilespmem:s20], [sflag:$0x2] =	stream.linear.gather [hbm4b:s19+s18], $0x4000, $0x38;
	[tilespmem:$0x12780] =	vst v63  }
0x14d: {  	_ =	swait.ge [sflag:s24], $0x4000  }
0x14e: {  	[sflag:s24] =	ssyncset.done $0x0  }
0x14f: {  	[sflag:s24] =	ssyncadd.s32 $0xFFFFC000  }
0x150: {  	_ =	swait.ge [sflag:s29], $0x4000  }
0x151: {  	s21 =	sand.u32 $0x40, s18;
	s0 =	sand.u32 $0x3C00, s18;
	[sflag:s29] =	ssyncset.done $0x0  }
0x152: {  	s0 =	sor.u32 s21, s0;
	[sflag:s29] =	ssyncadd.s32 $0xFFFFC000  }
0x153: {  	v0 =	vld [tilespmem:s0+$0x27A0]  }
0x154: {  	v1 =	vld [tilespmem:s0+$0x2820]  }
0x155: {  	p0 =	por $0x0, $0x0;
	s1 =	simm.s32 $0x1;
	v2 =	vld [tilespmem:s0+$0x28A0]  }
0x156: {  	s1 =	simm.s32 @!p0 $0x0;
	v3 =	vld [tilespmem:s0+$0x2920]  }
0x157: {  	s1 =	sshll.u32 s1, $0x6;
	v4 =	vld [tilespmem:s0+$0x27B0]  }
0x158: {  	s22 =	sadd.s32 $0x0, s1;
	v5 =	vld [tilespmem:s0+$0x2830]  }
0x159: {  	s1 =	sadd.s32 $0x20, s22;
	v6 =	vld [tilespmem:s0+$0x28B0]  }
0x15a: {  	s14 =	sor.u32 $0x200, s1;
	v7 =	vld [tilespmem:s0+$0x2930]  }
0x15b: {  	s15 =	sor.u32 $0x280, s1;
	v8 =	vld [tilespmem:s14+$0x2780]  }
0x15c: {  	s16 =	sor.u32 $0x300, s1;
	v9 =	vld [tilespmem:s15+$0x2780]  }
0x15d: {  	s23 =	sadd.s32 $0x30, s22;
	s17 =	sor.u32 $0x380, s1;
	v10 =	vld [tilespmem:s16+$0x2780]  }
0x15e: {  	s10 =	sor.u32 $0x200, s23;
	v11 =	vld [tilespmem:s17+$0x2780]  }
0x15f: {  	s11 =	sor.u32 $0x280, s23;
	v12 =	vld [tilespmem:s10+$0x2780]  }
0x160: {  	s12 =	sor.u32 $0x300, s23;
	v13 =	vld [tilespmem:s11+$0x2780]  }
0x161: {  	s13 =	sor.u32 $0x380, s23;
	v14 =	vld [tilespmem:s12+$0x2780]  }
0x162: {  	s9 =	sor.u32 $0x280, s22;
	v15 =	vld [tilespmem:s13+$0x2780]  }
0x163: {  	s7 =	sor.u32 $0x300, s22;
	v23 =	vld [tilespmem:s9+$0x2780]  }
0x164: {  	s8 =	sor.u32 $0x380, s22;
	v24 =	vld [tilespmem:s7+$0x2780]  }
0x165: {  	v25 =	vld [tilespmem:s8+$0x2780]  }
0x166: {  	v26 =	vld [tilespmem:s0+$0x2780]  }
0x167: {  	v27 =	vld [tilespmem:s0+$0x2800]  }
0x168: {  	v28 =	vld [tilespmem:s0+$0x2880]  }
0x169: {  	v29 =	vld [tilespmem:s0+$0x2900]  }
0x16a: {  	v30 =	vld [tilespmem:s0+$0x2790]  }
0x16b: {  	v31 =	vld [tilespmem:s0+$0x2810]  }
0x16c: {  	v0 =	vld.idx.msk [tilespmem:v0+s3+$0x0], $0xffff  }
0x16d: {  	v1 =	vld.idx.msk [tilespmem:v1+s3+$0x0], $0xffff  }
0x16e: {  	v2 =	vld.idx.msk [tilespmem:v2+s3+$0x0], $0xffff  }
0x16f: {  	v16 =	vld.idx.msk [tilespmem:v3+s3+$0x0], $0xffff  }
0x170: {  	v4 =	vld.idx.msk [tilespmem:v4+s3+$0x0], $0xffff  }
0x171: {  	v17 =	vld.idx.msk [tilespmem:v5+s3+$0x0], $0xffff  }
0x172: {  	v18 =	vld.idx.msk [tilespmem:v6+s3+$0x0], $0xffff  }
0x173: {  	v19 =	vld.idx.msk [tilespmem:v7+s3+$0x0], $0xffff  }
0x174: {  	v5 =	vld.idx.msk [tilespmem:v8+s3+$0x0], $0xffff  }
0x175: {  	v6 =	vld.idx.msk [tilespmem:v9+s3+$0x0], $0xffff  }
0x176: {  	v8 =	vld.idx.msk [tilespmem:v10+s3+$0x0], $0xffff  }
0x177: {  	v10 =	vld.idx.msk [tilespmem:v11+s3+$0x0], $0xffff  }
0x178: {  	v11 =	vld.idx.msk [tilespmem:v12+s3+$0x0], $0xffff  }
0x179: {  	v20 =	vld.idx.msk [tilespmem:v13+s3+$0x0], $0xffff  }
0x17a: {  	s25 =	sadd.s32 $0x10, s22;
	v21 =	vld.idx.msk [tilespmem:v14+s3+$0x0], $0xffff  }
0x17b: {  	s1 =	sor.u32 $0x200, s25;
	v22 =	vld.idx.msk [tilespmem:v15+s3+$0x0], $0xffff  }
0x17c: {  	s2 =	sor.u32 $0x280, s25;
	v3 =	vld [tilespmem:s1+$0x2780]  }
0x17d: {  	s4 =	sor.u32 $0x300, s25;
	v12 =	vld [tilespmem:s2+$0x2780]  }
0x17e: {  	s5 =	sor.u32 $0x380, s25;
	v13 =	vld [tilespmem:s4+$0x2780]  }
0x17f: {  	s6 =	sor.u32 $0x200, s22;
	v14 =	vld [tilespmem:s5+$0x2780];
	[tilespmem:s0+$0xA7A0] =	vst v0  }
0x180: {  	v15 =	vld [tilespmem:s6+$0x2780];
	[tilespmem:s0+$0xA820] =	vst v1  }
0x181: {  	v7 =	vld [tilespmem:s0+$0x2890];
	[tilespmem:s0+$0xA8A0] =	vst v2  }
0x182: {  	v9 =	vld [tilespmem:s0+$0x2910];
	[tilespmem:s0+$0xA920] =	vst v16  }
0x183: {  	[tilespmem:s14+$0xA780] =	vst v5;
	v5 =	vld.idx.msk [tilespmem:v24+s3+$0x0], $0xffff  }
0x184: {  	[tilespmem:s15+$0xA780] =	vst v6;
	v6 =	vld.idx.msk [tilespmem:v23+s3+$0x0], $0xffff  }
0x185: {  	v3 =	vld.idx.msk [tilespmem:v3+s3+$0x0], $0xffff  }
0x186: {  	v2 =	vld.idx.msk [tilespmem:v12+s3+$0x0], $0xffff  }
0x187: {  	v1 =	vld.idx.msk [tilespmem:v13+s3+$0x0], $0xffff;
	[tilespmem:s16+$0xA780] =	vst v8  }
0x188: {  	v0 =	vld.idx.msk [tilespmem:v14+s3+$0x0], $0xffff;
	[tilespmem:s17+$0xA780] =	vst v10  }
0x189: {  	v8 =	vld.idx.msk [tilespmem:v15+s3+$0x0], $0xffff;
	[tilespmem:s0+$0xA7B0] =	vst v4  }
0x18a: {  	v12 =	vld.idx.msk [tilespmem:v26+s3+$0x0], $0xffff;
	[tilespmem:s0+$0xA830] =	vst v17  }
0x18b: {  	v13 =	vld.idx.msk [tilespmem:v27+s3+$0x0], $0xffff;
	[tilespmem:s0+$0xA8B0] =	vst v18  }
0x18c: {  	v14 =	vld.idx.msk [tilespmem:v28+s3+$0x0], $0xffff;
	[tilespmem:s0+$0xA930] =	vst v19  }
0x18d: {  	v15 =	vld.idx.msk [tilespmem:v29+s3+$0x0], $0xffff;
	[tilespmem:s10+$0xA780] =	vst v11  }
0x18e: {  	v10 =	vld.idx.msk [tilespmem:v31+s3+$0x0], $0xffff;
	[tilespmem:s11+$0xA780] =	vst v20  }
0x18f: {  	v4 =	vld.idx.msk [tilespmem:v25+s3+$0x0], $0xffff;
	[tilespmem:s12+$0xA780] =	vst v21  }
0x190: {  	v11 =	vld.idx.msk [tilespmem:v30+s3+$0x0], $0xffff;
	s10 =	simm.s32 $0x0;
	s11 =	simm.s32 $0x200;
	s12 =	simm.s32 $0x40;
	[tilespmem:s13+$0xA780] =	vst v22  }
.LBB2_6:
0x191: {  	s13 =	sand.u32 $0x40, s12;
	s14 =	sand.u32 $0x3C00, s11;
	v7 =	vld.idx.msk [tilespmem:v7+s3+$0x0], $0xffff  }
0x192: {  	s15 =	sor.u32 s13, s14;
	v9 =	vld.idx.msk [tilespmem:v9+s3+$0x0], $0xffff;
	[tilespmem:s0+$0xA780] =	vst v12  }
0x193: {  	v12 =	vld [tilespmem:s15+$0x27A0];
	[tilespmem:s0+$0xA800] =	vst v13  }
0x194: {  	v13 =	vld [tilespmem:s15+$0x2820];
	[tilespmem:s0+$0xA880] =	vst v14  }
0x195: {  	p0 =	por !p0, !p0;
	s13 =	simm.s32 $0x1;
	v14 =	vld [tilespmem:s15+$0x28A0];
	[tilespmem:s0+$0xA900] =	vst v15  }
0x196: {  	s13 =	simm.s32 @!p0 $0x0;
	v15 =	vld [tilespmem:s15+$0x2920];
	[tilespmem:s6+$0xA780] =	vst v8  }
0x197: {  	s6 =	sshll.u32 s13, $0x6;
	v8 =	vld [tilespmem:s15+$0x27B0];
	[tilespmem:s9+$0xA780] =	vst v6  }
0x198: {  	s13 =	sadd.s32 s6, s11;
	v6 =	vld [tilespmem:s15+$0x2830];
	[tilespmem:s7+$0xA780] =	vst v5  }
0x199: {  	s6 =	sor.u32 $0x200, s13;
	s7 =	sadd.s32 $0x10, s13;
	s17 =	sadd.s32 $0x20, s13;
	v5 =	vld [tilespmem:s15+$0x28B0];
	[tilespmem:s8+$0xA780] =	vst v4  }
0x19a: {  	s18 =	sor.u32 $0x200, s7;
	s21 =	sor.u32 $0x280, s7;
	s14 =	sor.u32 $0x200, s17;
	v4 =	vld [tilespmem:s15+$0x2930];
	[tilespmem:s0+$0xA790] =	vst v11  }
0x19b: {  	s22 =	sor.u32 $0x300, s7;
	s23 =	sor.u32 $0x380, s7;
	s16 =	sor.u32 $0x280, s17;
	v11 =	vld [tilespmem:s14+$0x2780];
	[tilespmem:s0+$0xA810] =	vst v10  }
0x19c: {  	s9 =	sor.u32 $0x280, s13;
	s7 =	sor.u32 $0x300, s13;
	s19 =	sor.u32 $0x300, s17;
	v10 =	vld [tilespmem:s16+$0x2780];
	[tilespmem:s0+$0xA890] =	vst v7  }
0x19d: {  	s25 =	sadd.s32 $0x30, s13;
	s8 =	sor.u32 $0x380, s13;
	s20 =	sor.u32 $0x380, s17;
	v7 =	vld [tilespmem:s19+$0x2780];
	[tilespmem:s0+$0xA910] =	vst v9  }
0x19e: {  	s13 =	sor.u32 $0x200, s25;
	s0 =	smov.u32 s15;
	v9 =	vld [tilespmem:s20+$0x2780];
	[tilespmem:s1+$0xA780] =	vst v3;
	s1 =	smov.u32 s18  }
0x19f: {  	s15 =	sor.u32 $0x280, s25;
	v3 =	vld [tilespmem:s13+$0x2780];
	[tilespmem:s2+$0xA780] =	vst v2;
	s2 =	smov.u32 s21  }
0x1a0: {  	s17 =	sor.u32 $0x300, s25;
	v2 =	vld [tilespmem:s15+$0x2780];
	[tilespmem:s4+$0xA780] =	vst v1;
	s4 =	smov.u32 s22  }
0x1a1: {  	s18 =	sor.u32 $0x380, s25;
	v1 =	vld [tilespmem:s17+$0x2780];
	[tilespmem:s5+$0xA780] =	vst v0;
	s5 =	smov.u32 s23  }
0x1a2: {  	v0 =	vld [tilespmem:s18+$0x2780]  }
0x1a3: {  	v12 =	vld.idx.msk [tilespmem:v12+s3+$0x0], $0xffff  }
0x1a4: {  	v13 =	vld.idx.msk [tilespmem:v13+s3+$0x0], $0xffff  }
0x1a5: {  	v14 =	vld.idx.msk [tilespmem:v14+s3+$0x0], $0xffff  }
0x1a6: {  	v15 =	vld.idx.msk [tilespmem:v15+s3+$0x0], $0xffff  }
0x1a7: {  	v8 =	vld.idx.msk [tilespmem:v8+s3+$0x0], $0xffff  }
0x1a8: {  	v6 =	vld.idx.msk [tilespmem:v6+s3+$0x0], $0xffff  }
0x1a9: {  	v5 =	vld.idx.msk [tilespmem:v5+s3+$0x0], $0xffff  }
0x1aa: {  	v4 =	vld.idx.msk [tilespmem:v4+s3+$0x0], $0xffff  }
0x1ab: {  	v11 =	vld.idx.msk [tilespmem:v11+s3+$0x0], $0xffff  }
0x1ac: {  	v10 =	vld.idx.msk [tilespmem:v10+s3+$0x0], $0xffff  }
0x1ad: {  	v7 =	vld.idx.msk [tilespmem:v7+s3+$0x0], $0xffff  }
0x1ae: {  	s10 =	sadd.s32 $0x2, s10;
	v9 =	vld.idx.msk [tilespmem:v9+s3+$0x0], $0xffff  }
0x1af: {  	p1 =	slt.u32 s10, $0x3E;
	v3 =	vld.idx.msk [tilespmem:v3+s3+$0x0], $0xffff  }
0x1b0: {  	v2 =	vld.idx.msk [tilespmem:v2+s3+$0x0], $0xffff  }
0x1b1: {  	v1 =	vld.idx.msk [tilespmem:v1+s3+$0x0], $0xffff  }
0x1b2: {  	v0 =	vld.idx.msk [tilespmem:v0+s3+$0x0], $0xffff;
	[tilespmem:s0+$0xA7A0] =	vst v12  }
0x1b3: {  	v12 =	vld [tilespmem:s1+$0x2780];
	[tilespmem:s0+$0xA820] =	vst v13  }
0x1b4: {  	v13 =	vld [tilespmem:s2+$0x2780];
	[tilespmem:s0+$0xA8A0] =	vst v14  }
0x1b5: {  	v14 =	vld [tilespmem:s4+$0x2780];
	[tilespmem:s0+$0xA920] =	vst v15  }
0x1b6: {  	v15 =	vld [tilespmem:s5+$0x2780];
	[tilespmem:s14+$0xA780] =	vst v11  }
0x1b7: {  	v11 =	vld [tilespmem:s6+$0x2780];
	[tilespmem:s16+$0xA780] =	vst v10  }
0x1b8: {  	v10 =	vld [tilespmem:s9+$0x2780];
	[tilespmem:s19+$0xA780] =	vst v7  }
0x1b9: {  	v16 =	vld [tilespmem:s7+$0x2780];
	[tilespmem:s20+$0xA780] =	vst v9  }
0x1ba: {  	v17 =	vld [tilespmem:s8+$0x2780];
	[tilespmem:s0+$0xA7B0] =	vst v8  }
0x1bb: {  	v18 =	vld [tilespmem:s0+$0x2780];
	[tilespmem:s0+$0xA830] =	vst v6  }
0x1bc: {  	v19 =	vld [tilespmem:s0+$0x2800];
	[tilespmem:s0+$0xA8B0] =	vst v5  }
0x1bd: {  	v20 =	vld [tilespmem:s0+$0x2880];
	[tilespmem:s0+$0xA930] =	vst v4  }
0x1be: {  	v21 =	vld [tilespmem:s0+$0x2900];
	[tilespmem:s13+$0xA780] =	vst v3  }
0x1bf: {  	v22 =	vld [tilespmem:s0+$0x2790];
	[tilespmem:s15+$0xA780] =	vst v2  }
0x1c0: {  	v23 =	vld [tilespmem:s0+$0x2810];
	[tilespmem:s17+$0xA780] =	vst v1  }
0x1c1: {  	v7 =	vld [tilespmem:s0+$0x2890];
	[tilespmem:s18+$0xA780] =	vst v0  }
0x1c2: {  	v9 =	vld [tilespmem:s0+$0x2910]  }
0x1c3: {  	v3 =	vld.idx.msk [tilespmem:v12+s3+$0x0], $0xffff  }
0x1c4: {  	v2 =	vld.idx.msk [tilespmem:v13+s3+$0x0], $0xffff  }
0x1c5: {  	v1 =	vld.idx.msk [tilespmem:v14+s3+$0x0], $0xffff  }
0x1c6: {  	v0 =	vld.idx.msk [tilespmem:v15+s3+$0x0], $0xffff  }
0x1c7: {  	v8 =	vld.idx.msk [tilespmem:v11+s3+$0x0], $0xffff  }
0x1c8: {  	v6 =	vld.idx.msk [tilespmem:v10+s3+$0x0], $0xffff  }
0x1c9: {  	v5 =	vld.idx.msk [tilespmem:v16+s3+$0x0], $0xffff  }
0x1ca: {  	v4 =	vld.idx.msk [tilespmem:v17+s3+$0x0], $0xffff  }
0x1cb: {  	v12 =	vld.idx.msk [tilespmem:v18+s3+$0x0], $0xffff  }
.Ltmp2:
0x1cc: {  	v13 =	vld.idx.msk [tilespmem:v19+s3+$0x0], $0xffff;
	(pc) =	sbr.rel @p1 .LBB2_6-.Ltmp2, $4  }
0x1cd: {  	v14 =	vld.idx.msk [tilespmem:v20+s3+$0x0], $0xffff  }
0x1ce: {  	v15 =	vld.idx.msk [tilespmem:v21+s3+$0x0], $0xffff  }
0x1cf: {  	v11 =	vld.idx.msk [tilespmem:v22+s3+$0x0], $0xffff  }
0x1d0: {  	s12 =	sadd.s32 $0x40, s12;
	s11 =	sadd.s32 $0x200, s11;
	v10 =	vld.idx.msk [tilespmem:v23+s3+$0x0], $0xffff  }
0x1d1: {  	_ =	sdelay $0x3  }
0x1d2: {  	v7 =	vld.idx.msk [tilespmem:v7+s3+$0x0], $0xffff  }
0x1d3: {  	v9 =	vld.idx.msk [tilespmem:v9+s3+$0x0], $0xffff;
	[tilespmem:s0+$0xA780] =	vst v12  }
0x1d4: {  	[tilespmem:s0+$0xA800] =	vst v13  }
0x1d5: {  	[tilespmem:s0+$0xA880] =	vst v14  }
0x1d6: {  	[tilespmem:s0+$0xA900] =	vst v15  }
0x1d7: {  	[tilespmem:s6+$0xA780] =	vst v8  }
0x1d8: {  	[tilespmem:s9+$0xA780] =	vst v6  }
0x1d9: {  	[tilespmem:s7+$0xA780] =	vst v5  }
0x1da: {  	[tilespmem:s8+$0xA780] =	vst v4  }
0x1db: {  	[tilespmem:s0+$0xA790] =	vst v11  }
0x1dc: {  	[tilespmem:s0+$0xA810] =	vst v10  }
0x1dd: {  	[tilespmem:s0+$0xA890] =	vst v7  }
0x1de: {  	[tilespmem:s0+$0xA910] =	vst v9  }
0x1df: {  	[tilespmem:s1+$0xA780] =	vst v3  }
0x1e0: {  	[tilespmem:s2+$0xA780] =	vst v2  }
0x1e1: {  	[tilespmem:s4+$0xA780] =	vst v1  }
0x1e2: {  	[tilespmem:s5+$0xA780] =	vst v0  }
0x1e3: {  	s17 =	simm.s32 $0x0;
	s18 =	simm.s32 $0xA780;
	s1 =	rddreg [dreg:$0xa]  }
0x1e4: {  	[hbm4b:s1+s17] =	stream.linear.scatter [tilespmem:s18], [sflag:$0x3], $0x4000, $0x38;
	[tilespmem:$0x12780] =	vst v63  }
0x1e5: {  	s20 =	simm.s32 $0x2780;
	s19 =	rddreg [dreg:$0xb]  }
0x1e6: {  	[tilespmem:s20], [sflag:$0x1] =	stream.linear.gather [hbm4b:s19+s17], $0x4000, $0x38;
	[tilespmem:$0x12780] =	vst v63  }
0x1e7: {  	_ =	swait.ge [sflag:s26], $0x4000  }
0x1e8: {  	[sflag:s26] =	ssyncset.done $0x0  }
0x1e9: {  	[sflag:s26] =	ssyncadd.s32 $0xFFFFC000  }
0x1ea: {  	_ =	swait.ge [sflag:s30], $0x4000  }
0x1eb: {  	s21 =	sand.u32 $0x40, s17;
	s0 =	sand.u32 $0x3C00, s17;
	[sflag:s30] =	ssyncset.done $0x0  }
0x1ec: {  	s0 =	sor.u32 s21, s0;
	[sflag:s30] =	ssyncadd.s32 $0xFFFFC000  }
0x1ed: {  	v0 =	vld [tilespmem:s0+$0x67A0]  }
0x1ee: {  	v1 =	vld [tilespmem:s0+$0x6820]  }
0x1ef: {  	p0 =	por $0x0, $0x0;
	s1 =	simm.s32 $0x1;
	v2 =	vld [tilespmem:s0+$0x68A0]  }
0x1f0: {  	s1 =	simm.s32 @!p0 $0x0;
	v3 =	vld [tilespmem:s0+$0x6920]  }
0x1f1: {  	s1 =	sshll.u32 s1, $0x6;
	v4 =	vld [tilespmem:s0+$0x67B0]  }
0x1f2: {  	s22 =	sadd.s32 $0x0, s1;
	v5 =	vld [tilespmem:s0+$0x6830]  }
0x1f3: {  	s1 =	sadd.s32 $0x20, s22;
	v6 =	vld [tilespmem:s0+$0x68B0]  }
0x1f4: {  	s14 =	sor.u32 $0x200, s1;
	v7 =	vld [tilespmem:s0+$0x6930]  }
0x1f5: {  	s15 =	sor.u32 $0x280, s1;
	v8 =	vld [tilespmem:s14+$0x6780]  }
0x1f6: {  	s16 =	sor.u32 $0x300, s1;
	v9 =	vld [tilespmem:s15+$0x6780]  }
0x1f7: {  	s23 =	sadd.s32 $0x30, s22;
	s17 =	sor.u32 $0x380, s1;
	v10 =	vld [tilespmem:s16+$0x6780]  }
0x1f8: {  	s10 =	sor.u32 $0x200, s23;
	v11 =	vld [tilespmem:s17+$0x6780]  }
0x1f9: {  	s11 =	sor.u32 $0x280, s23;
	v12 =	vld [tilespmem:s10+$0x6780]  }
0x1fa: {  	s12 =	sor.u32 $0x300, s23;
	v13 =	vld [tilespmem:s11+$0x6780]  }
0x1fb: {  	s13 =	sor.u32 $0x380, s23;
	v14 =	vld [tilespmem:s12+$0x6780]  }
0x1fc: {  	s9 =	sor.u32 $0x280, s22;
	v15 =	vld [tilespmem:s13+$0x6780]  }
0x1fd: {  	s7 =	sor.u32 $0x300, s22;
	v23 =	vld [tilespmem:s9+$0x6780]  }
0x1fe: {  	s8 =	sor.u32 $0x380, s22;
	v24 =	vld [tilespmem:s7+$0x6780]  }
0x1ff: {  	v25 =	vld [tilespmem:s8+$0x6780]  }
0x200: {  	v26 =	vld [tilespmem:s0+$0x6780]  }
0x201: {  	v27 =	vld [tilespmem:s0+$0x6800]  }
0x202: {  	v28 =	vld [tilespmem:s0+$0x6880]  }
0x203: {  	v29 =	vld [tilespmem:s0+$0x6900]  }
0x204: {  	v30 =	vld [tilespmem:s0+$0x6790]  }
0x205: {  	v31 =	vld [tilespmem:s0+$0x6810]  }
0x206: {  	v0 =	vld.idx.msk [tilespmem:v0+s3+$0x0], $0xffff  }
0x207: {  	v1 =	vld.idx.msk [tilespmem:v1+s3+$0x0], $0xffff  }
0x208: {  	v2 =	vld.idx.msk [tilespmem:v2+s3+$0x0], $0xffff  }
0x209: {  	v16 =	vld.idx.msk [tilespmem:v3+s3+$0x0], $0xffff  }
0x20a: {  	v4 =	vld.idx.msk [tilespmem:v4+s3+$0x0], $0xffff  }
0x20b: {  	v17 =	vld.idx.msk [tilespmem:v5+s3+$0x0], $0xffff  }
0x20c: {  	v18 =	vld.idx.msk [tilespmem:v6+s3+$0x0], $0xffff  }
0x20d: {  	v19 =	vld.idx.msk [tilespmem:v7+s3+$0x0], $0xffff  }
0x20e: {  	v5 =	vld.idx.msk [tilespmem:v8+s3+$0x0], $0xffff  }
0x20f: {  	v6 =	vld.idx.msk [tilespmem:v9+s3+$0x0], $0xffff  }
0x210: {  	v8 =	vld.idx.msk [tilespmem:v10+s3+$0x0], $0xffff  }
0x211: {  	v10 =	vld.idx.msk [tilespmem:v11+s3+$0x0], $0xffff  }
0x212: {  	v11 =	vld.idx.msk [tilespmem:v12+s3+$0x0], $0xffff  }
0x213: {  	v20 =	vld.idx.msk [tilespmem:v13+s3+$0x0], $0xffff  }
0x214: {  	s25 =	sadd.s32 $0x10, s22;
	v21 =	vld.idx.msk [tilespmem:v14+s3+$0x0], $0xffff  }
0x215: {  	s1 =	sor.u32 $0x200, s25;
	v22 =	vld.idx.msk [tilespmem:v15+s3+$0x0], $0xffff  }
0x216: {  	s2 =	sor.u32 $0x280, s25;
	v3 =	vld [tilespmem:s1+$0x6780]  }
0x217: {  	s4 =	sor.u32 $0x300, s25;
	v12 =	vld [tilespmem:s2+$0x6780]  }
0x218: {  	s5 =	sor.u32 $0x380, s25;
	v13 =	vld [tilespmem:s4+$0x6780]  }
0x219: {  	s6 =	sor.u32 $0x200, s22;
	v14 =	vld [tilespmem:s5+$0x6780];
	[tilespmem:s0+$0xE7A0] =	vst v0  }
0x21a: {  	v15 =	vld [tilespmem:s6+$0x6780];
	[tilespmem:s0+$0xE820] =	vst v1  }
0x21b: {  	v7 =	vld [tilespmem:s0+$0x6890];
	[tilespmem:s0+$0xE8A0] =	vst v2  }
0x21c: {  	v9 =	vld [tilespmem:s0+$0x6910];
	[tilespmem:s0+$0xE920] =	vst v16  }
0x21d: {  	[tilespmem:s14+$0xE780] =	vst v5;
	v5 =	vld.idx.msk [tilespmem:v24+s3+$0x0], $0xffff  }
0x21e: {  	[tilespmem:s15+$0xE780] =	vst v6;
	v6 =	vld.idx.msk [tilespmem:v23+s3+$0x0], $0xffff  }
0x21f: {  	v3 =	vld.idx.msk [tilespmem:v3+s3+$0x0], $0xffff  }
0x220: {  	v2 =	vld.idx.msk [tilespmem:v12+s3+$0x0], $0xffff  }
0x221: {  	v1 =	vld.idx.msk [tilespmem:v13+s3+$0x0], $0xffff;
	[tilespmem:s16+$0xE780] =	vst v8  }
0x222: {  	v0 =	vld.idx.msk [tilespmem:v14+s3+$0x0], $0xffff;
	[tilespmem:s17+$0xE780] =	vst v10  }
0x223: {  	v8 =	vld.idx.msk [tilespmem:v15+s3+$0x0], $0xffff;
	[tilespmem:s0+$0xE7B0] =	vst v4  }
0x224: {  	v12 =	vld.idx.msk [tilespmem:v26+s3+$0x0], $0xffff;
	[tilespmem:s0+$0xE830] =	vst v17  }
0x225: {  	v13 =	vld.idx.msk [tilespmem:v27+s3+$0x0], $0xffff;
	[tilespmem:s0+$0xE8B0] =	vst v18  }
0x226: {  	v14 =	vld.idx.msk [tilespmem:v28+s3+$0x0], $0xffff;
	[tilespmem:s0+$0xE930] =	vst v19  }
0x227: {  	v15 =	vld.idx.msk [tilespmem:v29+s3+$0x0], $0xffff;
	[tilespmem:s10+$0xE780] =	vst v11  }
0x228: {  	v10 =	vld.idx.msk [tilespmem:v31+s3+$0x0], $0xffff;
	[tilespmem:s11+$0xE780] =	vst v20  }
0x229: {  	v4 =	vld.idx.msk [tilespmem:v25+s3+$0x0], $0xffff;
	[tilespmem:s12+$0xE780] =	vst v21  }
0x22a: {  	v11 =	vld.idx.msk [tilespmem:v30+s3+$0x0], $0xffff;
	s10 =	simm.s32 $0x0;
	s11 =	simm.s32 $0x200;
	s12 =	simm.s32 $0x40;
	[tilespmem:s13+$0xE780] =	vst v22  }
.LBB2_8:
0x22b: {  	s13 =	sand.u32 $0x40, s12;
	s14 =	sand.u32 $0x3C00, s11;
	v7 =	vld.idx.msk [tilespmem:v7+s3+$0x0], $0xffff  }
0x22c: {  	s15 =	sor.u32 s13, s14;
	v9 =	vld.idx.msk [tilespmem:v9+s3+$0x0], $0xffff;
	[tilespmem:s0+$0xE780] =	vst v12  }
0x22d: {  	v12 =	vld [tilespmem:s15+$0x67A0];
	[tilespmem:s0+$0xE800] =	vst v13  }
0x22e: {  	v13 =	vld [tilespmem:s15+$0x6820];
	[tilespmem:s0+$0xE880] =	vst v14  }
0x22f: {  	p0 =	por !p0, !p0;
	s13 =	simm.s32 $0x1;
	v14 =	vld [tilespmem:s15+$0x68A0];
	[tilespmem:s0+$0xE900] =	vst v15  }
0x230: {  	s13 =	simm.s32 @!p0 $0x0;
	v15 =	vld [tilespmem:s15+$0x6920];
	[tilespmem:s6+$0xE780] =	vst v8  }
0x231: {  	s6 =	sshll.u32 s13, $0x6;
	v8 =	vld [tilespmem:s15+$0x67B0];
	[tilespmem:s9+$0xE780] =	vst v6  }
0x232: {  	s13 =	sadd.s32 s6, s11;
	v6 =	vld [tilespmem:s15+$0x6830];
	[tilespmem:s7+$0xE780] =	vst v5  }
0x233: {  	s6 =	sor.u32 $0x200, s13;
	s7 =	sadd.s32 $0x10, s13;
	s17 =	sadd.s32 $0x20, s13;
	v5 =	vld [tilespmem:s15+$0x68B0];
	[tilespmem:s8+$0xE780] =	vst v4  }
0x234: {  	s18 =	sor.u32 $0x200, s7;
	s21 =	sor.u32 $0x280, s7;
	s14 =	sor.u32 $0x200, s17;
	v4 =	vld [tilespmem:s15+$0x6930];
	[tilespmem:s0+$0xE790] =	vst v11  }
0x235: {  	s22 =	sor.u32 $0x300, s7;
	s23 =	sor.u32 $0x380, s7;
	s16 =	sor.u32 $0x280, s17;
	v11 =	vld [tilespmem:s14+$0x6780];
	[tilespmem:s0+$0xE810] =	vst v10  }
0x236: {  	s9 =	sor.u32 $0x280, s13;
	s7 =	sor.u32 $0x300, s13;
	s19 =	sor.u32 $0x300, s17;
	v10 =	vld [tilespmem:s16+$0x6780];
	[tilespmem:s0+$0xE890] =	vst v7  }
0x237: {  	s25 =	sadd.s32 $0x30, s13;
	s8 =	sor.u32 $0x380, s13;
	s20 =	sor.u32 $0x380, s17;
	v7 =	vld [tilespmem:s19+$0x6780];
	[tilespmem:s0+$0xE910] =	vst v9  }
0x238: {  	s13 =	sor.u32 $0x200, s25;
	s0 =	smov.u32 s15;
	v9 =	vld [tilespmem:s20+$0x6780];
	[tilespmem:s1+$0xE780] =	vst v3;
	s1 =	smov.u32 s18  }
0x239: {  	s15 =	sor.u32 $0x280, s25;
	v3 =	vld [tilespmem:s13+$0x6780];
	[tilespmem:s2+$0xE780] =	vst v2;
	s2 =	smov.u32 s21  }
0x23a: {  	s17 =	sor.u32 $0x300, s25;
	v2 =	vld [tilespmem:s15+$0x6780];
	[tilespmem:s4+$0xE780] =	vst v1;
	s4 =	smov.u32 s22  }
0x23b: {  	s18 =	sor.u32 $0x380, s25;
	v1 =	vld [tilespmem:s17+$0x6780];
	[tilespmem:s5+$0xE780] =	vst v0;
	s5 =	smov.u32 s23  }
0x23c: {  	v0 =	vld [tilespmem:s18+$0x6780]  }
0x23d: {  	v12 =	vld.idx.msk [tilespmem:v12+s3+$0x0], $0xffff  }
0x23e: {  	v13 =	vld.idx.msk [tilespmem:v13+s3+$0x0], $0xffff  }
0x23f: {  	v14 =	vld.idx.msk [tilespmem:v14+s3+$0x0], $0xffff  }
0x240: {  	v15 =	vld.idx.msk [tilespmem:v15+s3+$0x0], $0xffff  }
0x241: {  	v8 =	vld.idx.msk [tilespmem:v8+s3+$0x0], $0xffff  }
0x242: {  	v6 =	vld.idx.msk [tilespmem:v6+s3+$0x0], $0xffff  }
0x243: {  	v5 =	vld.idx.msk [tilespmem:v5+s3+$0x0], $0xffff  }
0x244: {  	v4 =	vld.idx.msk [tilespmem:v4+s3+$0x0], $0xffff  }
0x245: {  	v11 =	vld.idx.msk [tilespmem:v11+s3+$0x0], $0xffff  }
0x246: {  	v10 =	vld.idx.msk [tilespmem:v10+s3+$0x0], $0xffff  }
0x247: {  	v7 =	vld.idx.msk [tilespmem:v7+s3+$0x0], $0xffff  }
0x248: {  	s10 =	sadd.s32 $0x2, s10;
	v9 =	vld.idx.msk [tilespmem:v9+s3+$0x0], $0xffff  }
0x249: {  	p1 =	slt.u32 s10, $0x3E;
	v3 =	vld.idx.msk [tilespmem:v3+s3+$0x0], $0xffff  }
0x24a: {  	v2 =	vld.idx.msk [tilespmem:v2+s3+$0x0], $0xffff  }
0x24b: {  	v1 =	vld.idx.msk [tilespmem:v1+s3+$0x0], $0xffff  }
0x24c: {  	v0 =	vld.idx.msk [tilespmem:v0+s3+$0x0], $0xffff;
	[tilespmem:s0+$0xE7A0] =	vst v12  }
0x24d: {  	v12 =	vld [tilespmem:s1+$0x6780];
	[tilespmem:s0+$0xE820] =	vst v13  }
0x24e: {  	v13 =	vld [tilespmem:s2+$0x6780];
	[tilespmem:s0+$0xE8A0] =	vst v14  }
0x24f: {  	v14 =	vld [tilespmem:s4+$0x6780];
	[tilespmem:s0+$0xE920] =	vst v15  }
0x250: {  	v15 =	vld [tilespmem:s5+$0x6780];
	[tilespmem:s14+$0xE780] =	vst v11  }
0x251: {  	v11 =	vld [tilespmem:s6+$0x6780];
	[tilespmem:s16+$0xE780] =	vst v10  }
0x252: {  	v10 =	vld [tilespmem:s9+$0x6780];
	[tilespmem:s19+$0xE780] =	vst v7  }
0x253: {  	v16 =	vld [tilespmem:s7+$0x6780];
	[tilespmem:s20+$0xE780] =	vst v9  }
0x254: {  	v17 =	vld [tilespmem:s8+$0x6780];
	[tilespmem:s0+$0xE7B0] =	vst v8  }
0x255: {  	v18 =	vld [tilespmem:s0+$0x6780];
	[tilespmem:s0+$0xE830] =	vst v6  }
0x256: {  	v19 =	vld [tilespmem:s0+$0x6800];
	[tilespmem:s0+$0xE8B0] =	vst v5  }
0x257: {  	v20 =	vld [tilespmem:s0+$0x6880];
	[tilespmem:s0+$0xE930] =	vst v4  }
0x258: {  	v21 =	vld [tilespmem:s0+$0x6900];
	[tilespmem:s13+$0xE780] =	vst v3  }
0x259: {  	v22 =	vld [tilespmem:s0+$0x6790];
	[tilespmem:s15+$0xE780] =	vst v2  }
0x25a: {  	v23 =	vld [tilespmem:s0+$0x6810];
	[tilespmem:s17+$0xE780] =	vst v1  }
0x25b: {  	v7 =	vld [tilespmem:s0+$0x6890];
	[tilespmem:s18+$0xE780] =	vst v0  }
0x25c: {  	v9 =	vld [tilespmem:s0+$0x6910]  }
0x25d: {  	v3 =	vld.idx.msk [tilespmem:v12+s3+$0x0], $0xffff  }
0x25e: {  	v2 =	vld.idx.msk [tilespmem:v13+s3+$0x0], $0xffff  }
0x25f: {  	v1 =	vld.idx.msk [tilespmem:v14+s3+$0x0], $0xffff  }
0x260: {  	v0 =	vld.idx.msk [tilespmem:v15+s3+$0x0], $0xffff  }
0x261: {  	v8 =	vld.idx.msk [tilespmem:v11+s3+$0x0], $0xffff  }
0x262: {  	v6 =	vld.idx.msk [tilespmem:v10+s3+$0x0], $0xffff  }
0x263: {  	v5 =	vld.idx.msk [tilespmem:v16+s3+$0x0], $0xffff  }
0x264: {  	v4 =	vld.idx.msk [tilespmem:v17+s3+$0x0], $0xffff  }
0x265: {  	v12 =	vld.idx.msk [tilespmem:v18+s3+$0x0], $0xffff  }
.Ltmp3:
0x266: {  	v13 =	vld.idx.msk [tilespmem:v19+s3+$0x0], $0xffff;
	(pc) =	sbr.rel @p1 .LBB2_8-.Ltmp3, $4  }
0x267: {  	v14 =	vld.idx.msk [tilespmem:v20+s3+$0x0], $0xffff  }
0x268: {  	v15 =	vld.idx.msk [tilespmem:v21+s3+$0x0], $0xffff  }
0x269: {  	v11 =	vld.idx.msk [tilespmem:v22+s3+$0x0], $0xffff  }
0x26a: {  	s12 =	sadd.s32 $0x40, s12;
	s11 =	sadd.s32 $0x200, s11;
	v10 =	vld.idx.msk [tilespmem:v23+s3+$0x0], $0xffff  }
0x26b: {  	_ =	sdelay $0x3  }
0x26c: {  	v7 =	vld.idx.msk [tilespmem:v7+s3+$0x0], $0xffff  }
0x26d: {  	v9 =	vld.idx.msk [tilespmem:v9+s3+$0x0], $0xffff;
	[tilespmem:s0+$0xE780] =	vst v12  }
0x26e: {  	[tilespmem:s0+$0xE800] =	vst v13  }
0x26f: {  	[tilespmem:s0+$0xE880] =	vst v14  }
0x270: {  	[tilespmem:s0+$0xE900] =	vst v15  }
0x271: {  	[tilespmem:s6+$0xE780] =	vst v8  }
0x272: {  	[tilespmem:s9+$0xE780] =	vst v6  }
0x273: {  	[tilespmem:s7+$0xE780] =	vst v5  }
0x274: {  	[tilespmem:s8+$0xE780] =	vst v4  }
0x275: {  	[tilespmem:s0+$0xE790] =	vst v11  }
0x276: {  	[tilespmem:s0+$0xE810] =	vst v10  }
0x277: {  	[tilespmem:s0+$0xE890] =	vst v7  }
0x278: {  	[tilespmem:s0+$0xE910] =	vst v9  }
0x279: {  	[tilespmem:s1+$0xE780] =	vst v3  }
0x27a: {  	[tilespmem:s2+$0xE780] =	vst v2  }
0x27b: {  	[tilespmem:s4+$0xE780] =	vst v1  }
0x27c: {  	[tilespmem:s5+$0xE780] =	vst v0  }
0x27d: {  	s18 =	simm.s32 $0x0;
	s1 =	rddreg [dreg:$0xc]  }
0x27e: {  	[hbm4b:s1+s18] =	stream.linear.scatter [tilespmem:s28], [sflag:$0x4], $0x4000, $0x38;
	[tilespmem:$0x12780] =	vst v63  }
0x27f: {  	s20 =	simm.s32 $0x6780;
	s19 =	rddreg [dreg:$0xd]  }
0x280: {  	[tilespmem:s20], [sflag:$0x2] =	stream.linear.gather [hbm4b:s19+s18], $0x4000, $0x38;
	[tilespmem:$0x12780] =	vst v63  }
0x281: {  	_ =	swait.ge [sflag:s24], $0x4000  }
0x282: {  	[sflag:s24] =	ssyncset.done $0x0  }
0x283: {  	[sflag:s24] =	ssyncadd.s32 $0xFFFFC000  }
0x284: {  	_ =	swait.ge [sflag:s29], $0x4000  }
0x285: {  	s21 =	sand.u32 $0x40, s18;
	s0 =	sand.u32 $0x3C00, s18;
	[sflag:s29] =	ssyncset.done $0x0  }
0x286: {  	s0 =	sor.u32 s21, s0;
	[sflag:s29] =	ssyncadd.s32 $0xFFFFC000  }
0x287: {  	v0 =	vld [tilespmem:s0+$0x27A0]  }
0x288: {  	v1 =	vld [tilespmem:s0+$0x2820]  }
0x289: {  	p0 =	por $0x0, $0x0;
	s1 =	simm.s32 $0x1;
	v2 =	vld [tilespmem:s0+$0x28A0]  }
0x28a: {  	s1 =	simm.s32 @!p0 $0x0;
	v3 =	vld [tilespmem:s0+$0x2920]  }
0x28b: {  	s1 =	sshll.u32 s1, $0x6;
	v4 =	vld [tilespmem:s0+$0x27B0]  }
0x28c: {  	s22 =	sadd.s32 $0x0, s1;
	v5 =	vld [tilespmem:s0+$0x2830]  }
0x28d: {  	s1 =	sadd.s32 $0x20, s22;
	v6 =	vld [tilespmem:s0+$0x28B0]  }
0x28e: {  	s14 =	sor.u32 $0x200, s1;
	v7 =	vld [tilespmem:s0+$0x2930]  }
0x28f: {  	s15 =	sor.u32 $0x280, s1;
	v8 =	vld [tilespmem:s14+$0x2780]  }
0x290: {  	s16 =	sor.u32 $0x300, s1;
	v9 =	vld [tilespmem:s15+$0x2780]  }
0x291: {  	s23 =	sadd.s32 $0x30, s22;
	s17 =	sor.u32 $0x380, s1;
	v10 =	vld [tilespmem:s16+$0x2780]  }
0x292: {  	s10 =	sor.u32 $0x200, s23;
	v11 =	vld [tilespmem:s17+$0x2780]  }
0x293: {  	s11 =	sor.u32 $0x280, s23;
	v12 =	vld [tilespmem:s10+$0x2780]  }
0x294: {  	s12 =	sor.u32 $0x300, s23;
	v13 =	vld [tilespmem:s11+$0x2780]  }
0x295: {  	s13 =	sor.u32 $0x380, s23;
	v14 =	vld [tilespmem:s12+$0x2780]  }
0x296: {  	s9 =	sor.u32 $0x280, s22;
	v15 =	vld [tilespmem:s13+$0x2780]  }
0x297: {  	s7 =	sor.u32 $0x300, s22;
	v23 =	vld [tilespmem:s9+$0x2780]  }
0x298: {  	s8 =	sor.u32 $0x380, s22;
	v24 =	vld [tilespmem:s7+$0x2780]  }
0x299: {  	v25 =	vld [tilespmem:s8+$0x2780]  }
0x29a: {  	v26 =	vld [tilespmem:s0+$0x2780]  }
0x29b: {  	v27 =	vld [tilespmem:s0+$0x2800]  }
0x29c: {  	v28 =	vld [tilespmem:s0+$0x2880]  }
0x29d: {  	v29 =	vld [tilespmem:s0+$0x2900]  }
0x29e: {  	v30 =	vld [tilespmem:s0+$0x2790]  }
0x29f: {  	v31 =	vld [tilespmem:s0+$0x2810]  }
0x2a0: {  	v0 =	vld.idx.msk [tilespmem:v0+s3+$0x0], $0xffff  }
0x2a1: {  	v1 =	vld.idx.msk [tilespmem:v1+s3+$0x0], $0xffff  }
0x2a2: {  	v2 =	vld.idx.msk [tilespmem:v2+s3+$0x0], $0xffff  }
0x2a3: {  	v16 =	vld.idx.msk [tilespmem:v3+s3+$0x0], $0xffff  }
0x2a4: {  	v4 =	vld.idx.msk [tilespmem:v4+s3+$0x0], $0xffff  }
0x2a5: {  	v17 =	vld.idx.msk [tilespmem:v5+s3+$0x0], $0xffff  }
0x2a6: {  	v18 =	vld.idx.msk [tilespmem:v6+s3+$0x0], $0xffff  }
0x2a7: {  	v19 =	vld.idx.msk [tilespmem:v7+s3+$0x0], $0xffff  }
0x2a8: {  	v5 =	vld.idx.msk [tilespmem:v8+s3+$0x0], $0xffff  }
0x2a9: {  	v6 =	vld.idx.msk [tilespmem:v9+s3+$0x0], $0xffff  }
0x2aa: {  	v8 =	vld.idx.msk [tilespmem:v10+s3+$0x0], $0xffff  }
0x2ab: {  	v10 =	vld.idx.msk [tilespmem:v11+s3+$0x0], $0xffff  }
0x2ac: {  	v11 =	vld.idx.msk [tilespmem:v12+s3+$0x0], $0xffff  }
0x2ad: {  	v20 =	vld.idx.msk [tilespmem:v13+s3+$0x0], $0xffff  }
0x2ae: {  	s25 =	sadd.s32 $0x10, s22;
	v21 =	vld.idx.msk [tilespmem:v14+s3+$0x0], $0xffff  }
0x2af: {  	s1 =	sor.u32 $0x200, s25;
	v22 =	vld.idx.msk [tilespmem:v15+s3+$0x0], $0xffff  }
0x2b0: {  	s2 =	sor.u32 $0x280, s25;
	v3 =	vld [tilespmem:s1+$0x2780]  }
0x2b1: {  	s4 =	sor.u32 $0x300, s25;
	v12 =	vld [tilespmem:s2+$0x2780]  }
0x2b2: {  	s5 =	sor.u32 $0x380, s25;
	v13 =	vld [tilespmem:s4+$0x2780]  }
0x2b3: {  	s6 =	sor.u32 $0x200, s22;
	v14 =	vld [tilespmem:s5+$0x2780];
	[tilespmem:s0+$0xA7A0] =	vst v0  }
0x2b4: {  	v15 =	vld [tilespmem:s6+$0x2780];
	[tilespmem:s0+$0xA820] =	vst v1  }
0x2b5: {  	v7 =	vld [tilespmem:s0+$0x2890];
	[tilespmem:s0+$0xA8A0] =	vst v2  }
0x2b6: {  	v9 =	vld [tilespmem:s0+$0x2910];
	[tilespmem:s0+$0xA920] =	vst v16  }
0x2b7: {  	[tilespmem:s14+$0xA780] =	vst v5;
	v5 =	vld.idx.msk [tilespmem:v24+s3+$0x0], $0xffff  }
0x2b8: {  	[tilespmem:s15+$0xA780] =	vst v6;
	v6 =	vld.idx.msk [tilespmem:v23+s3+$0x0], $0xffff  }
0x2b9: {  	v3 =	vld.idx.msk [tilespmem:v3+s3+$0x0], $0xffff  }
0x2ba: {  	v2 =	vld.idx.msk [tilespmem:v12+s3+$0x0], $0xffff  }
0x2bb: {  	v1 =	vld.idx.msk [tilespmem:v13+s3+$0x0], $0xffff;
	[tilespmem:s16+$0xA780] =	vst v8  }
0x2bc: {  	v0 =	vld.idx.msk [tilespmem:v14+s3+$0x0], $0xffff;
	[tilespmem:s17+$0xA780] =	vst v10  }
0x2bd: {  	v8 =	vld.idx.msk [tilespmem:v15+s3+$0x0], $0xffff;
	[tilespmem:s0+$0xA7B0] =	vst v4  }
0x2be: {  	v12 =	vld.idx.msk [tilespmem:v26+s3+$0x0], $0xffff;
	[tilespmem:s0+$0xA830] =	vst v17  }
0x2bf: {  	v13 =	vld.idx.msk [tilespmem:v27+s3+$0x0], $0xffff;
	[tilespmem:s0+$0xA8B0] =	vst v18  }
0x2c0: {  	v14 =	vld.idx.msk [tilespmem:v28+s3+$0x0], $0xffff;
	[tilespmem:s0+$0xA930] =	vst v19  }
0x2c1: {  	v15 =	vld.idx.msk [tilespmem:v29+s3+$0x0], $0xffff;
	[tilespmem:s10+$0xA780] =	vst v11  }
0x2c2: {  	v10 =	vld.idx.msk [tilespmem:v31+s3+$0x0], $0xffff;
	[tilespmem:s11+$0xA780] =	vst v20  }
0x2c3: {  	v4 =	vld.idx.msk [tilespmem:v25+s3+$0x0], $0xffff;
	[tilespmem:s12+$0xA780] =	vst v21  }
0x2c4: {  	v11 =	vld.idx.msk [tilespmem:v30+s3+$0x0], $0xffff;
	s10 =	simm.s32 $0x0;
	s11 =	simm.s32 $0x200;
	s12 =	simm.s32 $0x40;
	[tilespmem:s13+$0xA780] =	vst v22  }
.LBB2_10:
0x2c5: {  	s13 =	sand.u32 $0x40, s12;
	s14 =	sand.u32 $0x3C00, s11;
	v7 =	vld.idx.msk [tilespmem:v7+s3+$0x0], $0xffff  }
0x2c6: {  	s15 =	sor.u32 s13, s14;
	v9 =	vld.idx.msk [tilespmem:v9+s3+$0x0], $0xffff;
	[tilespmem:s0+$0xA780] =	vst v12  }
0x2c7: {  	v12 =	vld [tilespmem:s15+$0x27A0];
	[tilespmem:s0+$0xA800] =	vst v13  }
0x2c8: {  	v13 =	vld [tilespmem:s15+$0x2820];
	[tilespmem:s0+$0xA880] =	vst v14  }
0x2c9: {  	p0 =	por !p0, !p0;
	s13 =	simm.s32 $0x1;
	v14 =	vld [tilespmem:s15+$0x28A0];
	[tilespmem:s0+$0xA900] =	vst v15  }
0x2ca: {  	s13 =	simm.s32 @!p0 $0x0;
	v15 =	vld [tilespmem:s15+$0x2920];
	[tilespmem:s6+$0xA780] =	vst v8  }
0x2cb: {  	s6 =	sshll.u32 s13, $0x6;
	v8 =	vld [tilespmem:s15+$0x27B0];
	[tilespmem:s9+$0xA780] =	vst v6  }
0x2cc: {  	s13 =	sadd.s32 s6, s11;
	v6 =	vld [tilespmem:s15+$0x2830];
	[tilespmem:s7+$0xA780] =	vst v5  }
0x2cd: {  	s6 =	sor.u32 $0x200, s13;
	s7 =	sadd.s32 $0x10, s13;
	s17 =	sadd.s32 $0x20, s13;
	v5 =	vld [tilespmem:s15+$0x28B0];
	[tilespmem:s8+$0xA780] =	vst v4  }
0x2ce: {  	s18 =	sor.u32 $0x200, s7;
	s21 =	sor.u32 $0x280, s7;
	s14 =	sor.u32 $0x200, s17;
	v4 =	vld [tilespmem:s15+$0x2930];
	[tilespmem:s0+$0xA790] =	vst v11  }
0x2cf: {  	s22 =	sor.u32 $0x300, s7;
	s23 =	sor.u32 $0x380, s7;
	s16 =	sor.u32 $0x280, s17;
	v11 =	vld [tilespmem:s14+$0x2780];
	[tilespmem:s0+$0xA810] =	vst v10  }
0x2d0: {  	s9 =	sor.u32 $0x280, s13;
	s7 =	sor.u32 $0x300, s13;
	s19 =	sor.u32 $0x300, s17;
	v10 =	vld [tilespmem:s16+$0x2780];
	[tilespmem:s0+$0xA890] =	vst v7  }
0x2d1: {  	s25 =	sadd.s32 $0x30, s13;
	s8 =	sor.u32 $0x380, s13;
	s20 =	sor.u32 $0x380, s17;
	v7 =	vld [tilespmem:s19+$0x2780];
	[tilespmem:s0+$0xA910] =	vst v9  }
0x2d2: {  	s13 =	sor.u32 $0x200, s25;
	s0 =	smov.u32 s15;
	v9 =	vld [tilespmem:s20+$0x2780];
	[tilespmem:s1+$0xA780] =	vst v3;
	s1 =	smov.u32 s18  }
0x2d3: {  	s15 =	sor.u32 $0x280, s25;
	v3 =	vld [tilespmem:s13+$0x2780];
	[tilespmem:s2+$0xA780] =	vst v2;
	s2 =	smov.u32 s21  }
0x2d4: {  	s17 =	sor.u32 $0x300, s25;
	v2 =	vld [tilespmem:s15+$0x2780];
	[tilespmem:s4+$0xA780] =	vst v1;
	s4 =	smov.u32 s22  }
0x2d5: {  	s18 =	sor.u32 $0x380, s25;
	v1 =	vld [tilespmem:s17+$0x2780];
	[tilespmem:s5+$0xA780] =	vst v0;
	s5 =	smov.u32 s23  }
0x2d6: {  	v0 =	vld [tilespmem:s18+$0x2780]  }
0x2d7: {  	v12 =	vld.idx.msk [tilespmem:v12+s3+$0x0], $0xffff  }
0x2d8: {  	v13 =	vld.idx.msk [tilespmem:v13+s3+$0x0], $0xffff  }
0x2d9: {  	v14 =	vld.idx.msk [tilespmem:v14+s3+$0x0], $0xffff  }
0x2da: {  	v15 =	vld.idx.msk [tilespmem:v15+s3+$0x0], $0xffff  }
0x2db: {  	v8 =	vld.idx.msk [tilespmem:v8+s3+$0x0], $0xffff  }
0x2dc: {  	v6 =	vld.idx.msk [tilespmem:v6+s3+$0x0], $0xffff  }
0x2dd: {  	v5 =	vld.idx.msk [tilespmem:v5+s3+$0x0], $0xffff  }
0x2de: {  	v4 =	vld.idx.msk [tilespmem:v4+s3+$0x0], $0xffff  }
0x2df: {  	v11 =	vld.idx.msk [tilespmem:v11+s3+$0x0], $0xffff  }
0x2e0: {  	v10 =	vld.idx.msk [tilespmem:v10+s3+$0x0], $0xffff  }
0x2e1: {  	v7 =	vld.idx.msk [tilespmem:v7+s3+$0x0], $0xffff  }
0x2e2: {  	s10 =	sadd.s32 $0x2, s10;
	v9 =	vld.idx.msk [tilespmem:v9+s3+$0x0], $0xffff  }
0x2e3: {  	p1 =	slt.u32 s10, $0x3E;
	v3 =	vld.idx.msk [tilespmem:v3+s3+$0x0], $0xffff  }
0x2e4: {  	v2 =	vld.idx.msk [tilespmem:v2+s3+$0x0], $0xffff  }
0x2e5: {  	v1 =	vld.idx.msk [tilespmem:v1+s3+$0x0], $0xffff  }
0x2e6: {  	v0 =	vld.idx.msk [tilespmem:v0+s3+$0x0], $0xffff;
	[tilespmem:s0+$0xA7A0] =	vst v12  }
0x2e7: {  	v12 =	vld [tilespmem:s1+$0x2780];
	[tilespmem:s0+$0xA820] =	vst v13  }
0x2e8: {  	v13 =	vld [tilespmem:s2+$0x2780];
	[tilespmem:s0+$0xA8A0] =	vst v14  }
0x2e9: {  	v14 =	vld [tilespmem:s4+$0x2780];
	[tilespmem:s0+$0xA920] =	vst v15  }
0x2ea: {  	v15 =	vld [tilespmem:s5+$0x2780];
	[tilespmem:s14+$0xA780] =	vst v11  }
0x2eb: {  	v11 =	vld [tilespmem:s6+$0x2780];
	[tilespmem:s16+$0xA780] =	vst v10  }
0x2ec: {  	v10 =	vld [tilespmem:s9+$0x2780];
	[tilespmem:s19+$0xA780] =	vst v7  }
0x2ed: {  	v16 =	vld [tilespmem:s7+$0x2780];
	[tilespmem:s20+$0xA780] =	vst v9  }
0x2ee: {  	v17 =	vld [tilespmem:s8+$0x2780];
	[tilespmem:s0+$0xA7B0] =	vst v8  }
0x2ef: {  	v18 =	vld [tilespmem:s0+$0x2780];
	[tilespmem:s0+$0xA830] =	vst v6  }
0x2f0: {  	v19 =	vld [tilespmem:s0+$0x2800];
	[tilespmem:s0+$0xA8B0] =	vst v5  }
0x2f1: {  	v20 =	vld [tilespmem:s0+$0x2880];
	[tilespmem:s0+$0xA930] =	vst v4  }
0x2f2: {  	v21 =	vld [tilespmem:s0+$0x2900];
	[tilespmem:s13+$0xA780] =	vst v3  }
0x2f3: {  	v22 =	vld [tilespmem:s0+$0x2790];
	[tilespmem:s15+$0xA780] =	vst v2  }
0x2f4: {  	v23 =	vld [tilespmem:s0+$0x2810];
	[tilespmem:s17+$0xA780] =	vst v1  }
0x2f5: {  	v7 =	vld [tilespmem:s0+$0x2890];
	[tilespmem:s18+$0xA780] =	vst v0  }
0x2f6: {  	v9 =	vld [tilespmem:s0+$0x2910]  }
0x2f7: {  	v3 =	vld.idx.msk [tilespmem:v12+s3+$0x0], $0xffff  }
0x2f8: {  	v2 =	vld.idx.msk [tilespmem:v13+s3+$0x0], $0xffff  }
0x2f9: {  	v1 =	vld.idx.msk [tilespmem:v14+s3+$0x0], $0xffff  }
0x2fa: {  	v0 =	vld.idx.msk [tilespmem:v15+s3+$0x0], $0xffff  }
0x2fb: {  	v8 =	vld.idx.msk [tilespmem:v11+s3+$0x0], $0xffff  }
0x2fc: {  	v6 =	vld.idx.msk [tilespmem:v10+s3+$0x0], $0xffff  }
0x2fd: {  	v5 =	vld.idx.msk [tilespmem:v16+s3+$0x0], $0xffff  }
0x2fe: {  	v4 =	vld.idx.msk [tilespmem:v17+s3+$0x0], $0xffff  }
0x2ff: {  	v12 =	vld.idx.msk [tilespmem:v18+s3+$0x0], $0xffff  }
.Ltmp4:
0x300: {  	v13 =	vld.idx.msk [tilespmem:v19+s3+$0x0], $0xffff;
	(pc) =	sbr.rel @p1 .LBB2_10-.Ltmp4, $4  }
0x301: {  	v14 =	vld.idx.msk [tilespmem:v20+s3+$0x0], $0xffff  }
0x302: {  	v15 =	vld.idx.msk [tilespmem:v21+s3+$0x0], $0xffff  }
0x303: {  	v11 =	vld.idx.msk [tilespmem:v22+s3+$0x0], $0xffff  }
0x304: {  	s12 =	sadd.s32 $0x40, s12;
	s11 =	sadd.s32 $0x200, s11;
	v10 =	vld.idx.msk [tilespmem:v23+s3+$0x0], $0xffff  }
0x305: {  	_ =	sdelay $0x3  }
0x306: {  	v7 =	vld.idx.msk [tilespmem:v7+s3+$0x0], $0xffff  }
0x307: {  	v9 =	vld.idx.msk [tilespmem:v9+s3+$0x0], $0xffff;
	[tilespmem:s0+$0xA780] =	vst v12  }
0x308: {  	[tilespmem:s0+$0xA800] =	vst v13  }
0x309: {  	[tilespmem:s0+$0xA880] =	vst v14  }
0x30a: {  	[tilespmem:s0+$0xA900] =	vst v15  }
0x30b: {  	[tilespmem:s6+$0xA780] =	vst v8  }
0x30c: {  	[tilespmem:s9+$0xA780] =	vst v6  }
0x30d: {  	[tilespmem:s7+$0xA780] =	vst v5  }
0x30e: {  	[tilespmem:s8+$0xA780] =	vst v4  }
0x30f: {  	[tilespmem:s0+$0xA790] =	vst v11  }
0x310: {  	[tilespmem:s0+$0xA810] =	vst v10  }
0x311: {  	[tilespmem:s0+$0xA890] =	vst v7  }
0x312: {  	[tilespmem:s0+$0xA910] =	vst v9  }
0x313: {  	[tilespmem:s1+$0xA780] =	vst v3  }
0x314: {  	[tilespmem:s2+$0xA780] =	vst v2  }
0x315: {  	[tilespmem:s4+$0xA780] =	vst v1  }
0x316: {  	[tilespmem:s5+$0xA780] =	vst v0  }
0x317: {  	s17 =	simm.s32 $0x0;
	s18 =	simm.s32 $0xA780;
	s1 =	rddreg [dreg:$0xe]  }
0x318: {  	[hbm4b:s1+s17] =	stream.linear.scatter [tilespmem:s18], [sflag:$0x3], $0x4000, $0x38;
	[tilespmem:$0x12780] =	vst v63  }
0x319: {  	s20 =	simm.s32 $0x2780;
	s19 =	rddreg [dreg:$0xf]  }
0x31a: {  	[tilespmem:s20], [sflag:$0x1] =	stream.linear.gather [hbm4b:s19+s17], $0x4000, $0x38;
	[tilespmem:$0x12780] =	vst v63  }
0x31b: {  	_ =	swait.ge [sflag:s26], $0x4000  }
0x31c: {  	[sflag:s26] =	ssyncset.done $0x0  }
0x31d: {  	[sflag:s26] =	ssyncadd.s32 $0xFFFFC000  }
0x31e: {  	_ =	swait.ge [sflag:s30], $0x4000  }
0x31f: {  	s21 =	sand.u32 $0x40, s17;
	s0 =	sand.u32 $0x3C00, s17;
	[sflag:s30] =	ssyncset.done $0x0  }
0x320: {  	s0 =	sor.u32 s21, s0;
	[sflag:s30] =	ssyncadd.s32 $0xFFFFC000  }
0x321: {  	v0 =	vld [tilespmem:s0+$0x67A0]  }
0x322: {  	v1 =	vld [tilespmem:s0+$0x6820]  }
0x323: {  	p0 =	por $0x0, $0x0;
	s1 =	simm.s32 $0x1;
	v2 =	vld [tilespmem:s0+$0x68A0]  }
0x324: {  	s1 =	simm.s32 @!p0 $0x0;
	v3 =	vld [tilespmem:s0+$0x6920]  }
0x325: {  	s1 =	sshll.u32 s1, $0x6;
	v4 =	vld [tilespmem:s0+$0x67B0]  }
0x326: {  	s22 =	sadd.s32 $0x0, s1;
	v5 =	vld [tilespmem:s0+$0x6830]  }
0x327: {  	s1 =	sadd.s32 $0x20, s22;
	v6 =	vld [tilespmem:s0+$0x68B0]  }
0x328: {  	s14 =	sor.u32 $0x200, s1;
	v7 =	vld [tilespmem:s0+$0x6930]  }
0x329: {  	s15 =	sor.u32 $0x280, s1;
	v8 =	vld [tilespmem:s14+$0x6780]  }
0x32a: {  	s16 =	sor.u32 $0x300, s1;
	v9 =	vld [tilespmem:s15+$0x6780]  }
0x32b: {  	s23 =	sadd.s32 $0x30, s22;
	s17 =	sor.u32 $0x380, s1;
	v10 =	vld [tilespmem:s16+$0x6780]  }
0x32c: {  	s10 =	sor.u32 $0x200, s23;
	v11 =	vld [tilespmem:s17+$0x6780]  }
0x32d: {  	s11 =	sor.u32 $0x280, s23;
	v12 =	vld [tilespmem:s10+$0x6780]  }
0x32e: {  	s12 =	sor.u32 $0x300, s23;
	v13 =	vld [tilespmem:s11+$0x6780]  }
0x32f: {  	s13 =	sor.u32 $0x380, s23;
	v14 =	vld [tilespmem:s12+$0x6780]  }
0x330: {  	s9 =	sor.u32 $0x280, s22;
	v15 =	vld [tilespmem:s13+$0x6780]  }
0x331: {  	s7 =	sor.u32 $0x300, s22;
	v23 =	vld [tilespmem:s9+$0x6780]  }
0x332: {  	s8 =	sor.u32 $0x380, s22;
	v24 =	vld [tilespmem:s7+$0x6780]  }
0x333: {  	v25 =	vld [tilespmem:s8+$0x6780]  }
0x334: {  	v26 =	vld [tilespmem:s0+$0x6780]  }
0x335: {  	v27 =	vld [tilespmem:s0+$0x6800]  }
0x336: {  	v28 =	vld [tilespmem:s0+$0x6880]  }
0x337: {  	v29 =	vld [tilespmem:s0+$0x6900]  }
0x338: {  	v30 =	vld [tilespmem:s0+$0x6790]  }
0x339: {  	v31 =	vld [tilespmem:s0+$0x6810]  }
0x33a: {  	v0 =	vld.idx.msk [tilespmem:v0+s3+$0x0], $0xffff  }
0x33b: {  	v1 =	vld.idx.msk [tilespmem:v1+s3+$0x0], $0xffff  }
0x33c: {  	v2 =	vld.idx.msk [tilespmem:v2+s3+$0x0], $0xffff  }
0x33d: {  	v16 =	vld.idx.msk [tilespmem:v3+s3+$0x0], $0xffff  }
0x33e: {  	v4 =	vld.idx.msk [tilespmem:v4+s3+$0x0], $0xffff  }
0x33f: {  	v17 =	vld.idx.msk [tilespmem:v5+s3+$0x0], $0xffff  }
0x340: {  	v18 =	vld.idx.msk [tilespmem:v6+s3+$0x0], $0xffff  }
0x341: {  	v19 =	vld.idx.msk [tilespmem:v7+s3+$0x0], $0xffff  }
0x342: {  	v5 =	vld.idx.msk [tilespmem:v8+s3+$0x0], $0xffff  }
0x343: {  	v6 =	vld.idx.msk [tilespmem:v9+s3+$0x0], $0xffff  }
0x344: {  	v8 =	vld.idx.msk [tilespmem:v10+s3+$0x0], $0xffff  }
0x345: {  	v10 =	vld.idx.msk [tilespmem:v11+s3+$0x0], $0xffff  }
0x346: {  	v11 =	vld.idx.msk [tilespmem:v12+s3+$0x0], $0xffff  }
0x347: {  	v20 =	vld.idx.msk [tilespmem:v13+s3+$0x0], $0xffff  }
0x348: {  	s25 =	sadd.s32 $0x10, s22;
	v21 =	vld.idx.msk [tilespmem:v14+s3+$0x0], $0xffff  }
0x349: {  	s1 =	sor.u32 $0x200, s25;
	v22 =	vld.idx.msk [tilespmem:v15+s3+$0x0], $0xffff  }
0x34a: {  	s2 =	sor.u32 $0x280, s25;
	v3 =	vld [tilespmem:s1+$0x6780]  }
0x34b: {  	s4 =	sor.u32 $0x300, s25;
	v12 =	vld [tilespmem:s2+$0x6780]  }
0x34c: {  	s5 =	sor.u32 $0x380, s25;
	v13 =	vld [tilespmem:s4+$0x6780]  }
0x34d: {  	s6 =	sor.u32 $0x200, s22;
	v14 =	vld [tilespmem:s5+$0x6780];
	[tilespmem:s0+$0xE7A0] =	vst v0  }
0x34e: {  	v15 =	vld [tilespmem:s6+$0x6780];
	[tilespmem:s0+$0xE820] =	vst v1  }
0x34f: {  	v7 =	vld [tilespmem:s0+$0x6890];
	[tilespmem:s0+$0xE8A0] =	vst v2  }
0x350: {  	v9 =	vld [tilespmem:s0+$0x6910];
	[tilespmem:s0+$0xE920] =	vst v16  }
0x351: {  	[tilespmem:s14+$0xE780] =	vst v5;
	v5 =	vld.idx.msk [tilespmem:v24+s3+$0x0], $0xffff  }
0x352: {  	[tilespmem:s15+$0xE780] =	vst v6;
	v6 =	vld.idx.msk [tilespmem:v23+s3+$0x0], $0xffff  }
0x353: {  	v3 =	vld.idx.msk [tilespmem:v3+s3+$0x0], $0xffff  }
0x354: {  	v2 =	vld.idx.msk [tilespmem:v12+s3+$0x0], $0xffff  }
0x355: {  	v1 =	vld.idx.msk [tilespmem:v13+s3+$0x0], $0xffff;
	[tilespmem:s16+$0xE780] =	vst v8  }
0x356: {  	v0 =	vld.idx.msk [tilespmem:v14+s3+$0x0], $0xffff;
	[tilespmem:s17+$0xE780] =	vst v10  }
0x357: {  	v8 =	vld.idx.msk [tilespmem:v15+s3+$0x0], $0xffff;
	[tilespmem:s0+$0xE7B0] =	vst v4  }
0x358: {  	v12 =	vld.idx.msk [tilespmem:v26+s3+$0x0], $0xffff;
	[tilespmem:s0+$0xE830] =	vst v17  }
0x359: {  	v13 =	vld.idx.msk [tilespmem:v27+s3+$0x0], $0xffff;
	[tilespmem:s0+$0xE8B0] =	vst v18  }
0x35a: {  	v14 =	vld.idx.msk [tilespmem:v28+s3+$0x0], $0xffff;
	[tilespmem:s0+$0xE930] =	vst v19  }
0x35b: {  	v15 =	vld.idx.msk [tilespmem:v29+s3+$0x0], $0xffff;
	[tilespmem:s10+$0xE780] =	vst v11  }
0x35c: {  	v10 =	vld.idx.msk [tilespmem:v31+s3+$0x0], $0xffff;
	[tilespmem:s11+$0xE780] =	vst v20  }
0x35d: {  	v4 =	vld.idx.msk [tilespmem:v25+s3+$0x0], $0xffff;
	[tilespmem:s12+$0xE780] =	vst v21  }
0x35e: {  	v11 =	vld.idx.msk [tilespmem:v30+s3+$0x0], $0xffff;
	s10 =	simm.s32 $0x0;
	s11 =	simm.s32 $0x200;
	s12 =	simm.s32 $0x40;
	[tilespmem:s13+$0xE780] =	vst v22  }
.LBB2_12:
0x35f: {  	s13 =	sand.u32 $0x40, s12;
	s14 =	sand.u32 $0x3C00, s11;
	v7 =	vld.idx.msk [tilespmem:v7+s3+$0x0], $0xffff  }
0x360: {  	s15 =	sor.u32 s13, s14;
	v9 =	vld.idx.msk [tilespmem:v9+s3+$0x0], $0xffff;
	[tilespmem:s0+$0xE780] =	vst v12  }
0x361: {  	v12 =	vld [tilespmem:s15+$0x67A0];
	[tilespmem:s0+$0xE800] =	vst v13  }
0x362: {  	v13 =	vld [tilespmem:s15+$0x6820];
	[tilespmem:s0+$0xE880] =	vst v14  }
0x363: {  	p0 =	por !p0, !p0;
	s13 =	simm.s32 $0x1;
	v14 =	vld [tilespmem:s15+$0x68A0];
	[tilespmem:s0+$0xE900] =	vst v15  }
0x364: {  	s13 =	simm.s32 @!p0 $0x0;
	v15 =	vld [tilespmem:s15+$0x6920];
	[tilespmem:s6+$0xE780] =	vst v8  }
0x365: {  	s6 =	sshll.u32 s13, $0x6;
	v8 =	vld [tilespmem:s15+$0x67B0];
	[tilespmem:s9+$0xE780] =	vst v6  }
0x366: {  	s13 =	sadd.s32 s6, s11;
	v6 =	vld [tilespmem:s15+$0x6830];
	[tilespmem:s7+$0xE780] =	vst v5  }
0x367: {  	s6 =	sor.u32 $0x200, s13;
	s7 =	sadd.s32 $0x10, s13;
	s17 =	sadd.s32 $0x20, s13;
	v5 =	vld [tilespmem:s15+$0x68B0];
	[tilespmem:s8+$0xE780] =	vst v4  }
0x368: {  	s18 =	sor.u32 $0x200, s7;
	s21 =	sor.u32 $0x280, s7;
	s14 =	sor.u32 $0x200, s17;
	v4 =	vld [tilespmem:s15+$0x6930];
	[tilespmem:s0+$0xE790] =	vst v11  }
0x369: {  	s22 =	sor.u32 $0x300, s7;
	s23 =	sor.u32 $0x380, s7;
	s16 =	sor.u32 $0x280, s17;
	v11 =	vld [tilespmem:s14+$0x6780];
	[tilespmem:s0+$0xE810] =	vst v10  }
0x36a: {  	s9 =	sor.u32 $0x280, s13;
	s7 =	sor.u32 $0x300, s13;
	s19 =	sor.u32 $0x300, s17;
	v10 =	vld [tilespmem:s16+$0x6780];
	[tilespmem:s0+$0xE890] =	vst v7  }
0x36b: {  	s25 =	sadd.s32 $0x30, s13;
	s8 =	sor.u32 $0x380, s13;
	s20 =	sor.u32 $0x380, s17;
	v7 =	vld [tilespmem:s19+$0x6780];
	[tilespmem:s0+$0xE910] =	vst v9  }
0x36c: {  	s13 =	sor.u32 $0x200, s25;
	s0 =	smov.u32 s15;
	v9 =	vld [tilespmem:s20+$0x6780];
	[tilespmem:s1+$0xE780] =	vst v3;
	s1 =	smov.u32 s18  }
0x36d: {  	s15 =	sor.u32 $0x280, s25;
	v3 =	vld [tilespmem:s13+$0x6780];
	[tilespmem:s2+$0xE780] =	vst v2;
	s2 =	smov.u32 s21  }
0x36e: {  	s17 =	sor.u32 $0x300, s25;
	v2 =	vld [tilespmem:s15+$0x6780];
	[tilespmem:s4+$0xE780] =	vst v1;
	s4 =	smov.u32 s22  }
0x36f: {  	s18 =	sor.u32 $0x380, s25;
	v1 =	vld [tilespmem:s17+$0x6780];
	[tilespmem:s5+$0xE780] =	vst v0;
	s5 =	smov.u32 s23  }
0x370: {  	v0 =	vld [tilespmem:s18+$0x6780]  }
0x371: {  	v12 =	vld.idx.msk [tilespmem:v12+s3+$0x0], $0xffff  }
0x372: {  	v13 =	vld.idx.msk [tilespmem:v13+s3+$0x0], $0xffff  }
0x373: {  	v14 =	vld.idx.msk [tilespmem:v14+s3+$0x0], $0xffff  }
0x374: {  	v15 =	vld.idx.msk [tilespmem:v15+s3+$0x0], $0xffff  }
0x375: {  	v8 =	vld.idx.msk [tilespmem:v8+s3+$0x0], $0xffff  }
0x376: {  	v6 =	vld.idx.msk [tilespmem:v6+s3+$0x0], $0xffff  }
0x377: {  	v5 =	vld.idx.msk [tilespmem:v5+s3+$0x0], $0xffff  }
0x378: {  	v4 =	vld.idx.msk [tilespmem:v4+s3+$0x0], $0xffff  }
0x379: {  	v11 =	vld.idx.msk [tilespmem:v11+s3+$0x0], $0xffff  }
0x37a: {  	v10 =	vld.idx.msk [tilespmem:v10+s3+$0x0], $0xffff  }
0x37b: {  	v7 =	vld.idx.msk [tilespmem:v7+s3+$0x0], $0xffff  }
0x37c: {  	s10 =	sadd.s32 $0x2, s10;
	v9 =	vld.idx.msk [tilespmem:v9+s3+$0x0], $0xffff  }
0x37d: {  	p1 =	slt.u32 s10, $0x3E;
	v3 =	vld.idx.msk [tilespmem:v3+s3+$0x0], $0xffff  }
0x37e: {  	v2 =	vld.idx.msk [tilespmem:v2+s3+$0x0], $0xffff  }
0x37f: {  	v1 =	vld.idx.msk [tilespmem:v1+s3+$0x0], $0xffff  }
0x380: {  	v0 =	vld.idx.msk [tilespmem:v0+s3+$0x0], $0xffff;
	[tilespmem:s0+$0xE7A0] =	vst v12  }
0x381: {  	v12 =	vld [tilespmem:s1+$0x6780];
	[tilespmem:s0+$0xE820] =	vst v13  }
0x382: {  	v13 =	vld [tilespmem:s2+$0x6780];
	[tilespmem:s0+$0xE8A0] =	vst v14  }
0x383: {  	v14 =	vld [tilespmem:s4+$0x6780];
	[tilespmem:s0+$0xE920] =	vst v15  }
0x384: {  	v15 =	vld [tilespmem:s5+$0x6780];
	[tilespmem:s14+$0xE780] =	vst v11  }
0x385: {  	v11 =	vld [tilespmem:s6+$0x6780];
	[tilespmem:s16+$0xE780] =	vst v10  }
0x386: {  	v10 =	vld [tilespmem:s9+$0x6780];
	[tilespmem:s19+$0xE780] =	vst v7  }
0x387: {  	v16 =	vld [tilespmem:s7+$0x6780];
	[tilespmem:s20+$0xE780] =	vst v9  }
0x388: {  	v17 =	vld [tilespmem:s8+$0x6780];
	[tilespmem:s0+$0xE7B0] =	vst v8  }
0x389: {  	v18 =	vld [tilespmem:s0+$0x6780];
	[tilespmem:s0+$0xE830] =	vst v6  }
0x38a: {  	v19 =	vld [tilespmem:s0+$0x6800];
	[tilespmem:s0+$0xE8B0] =	vst v5  }
0x38b: {  	v20 =	vld [tilespmem:s0+$0x6880];
	[tilespmem:s0+$0xE930] =	vst v4  }
0x38c: {  	v21 =	vld [tilespmem:s0+$0x6900];
	[tilespmem:s13+$0xE780] =	vst v3  }
0x38d: {  	v22 =	vld [tilespmem:s0+$0x6790];
	[tilespmem:s15+$0xE780] =	vst v2  }
0x38e: {  	v23 =	vld [tilespmem:s0+$0x6810];
	[tilespmem:s17+$0xE780] =	vst v1  }
0x38f: {  	v7 =	vld [tilespmem:s0+$0x6890];
	[tilespmem:s18+$0xE780] =	vst v0  }
0x390: {  	v9 =	vld [tilespmem:s0+$0x6910]  }
0x391: {  	v3 =	vld.idx.msk [tilespmem:v12+s3+$0x0], $0xffff  }
0x392: {  	v2 =	vld.idx.msk [tilespmem:v13+s3+$0x0], $0xffff  }
0x393: {  	v1 =	vld.idx.msk [tilespmem:v14+s3+$0x0], $0xffff  }
0x394: {  	v0 =	vld.idx.msk [tilespmem:v15+s3+$0x0], $0xffff  }
0x395: {  	v8 =	vld.idx.msk [tilespmem:v11+s3+$0x0], $0xffff  }
0x396: {  	v6 =	vld.idx.msk [tilespmem:v10+s3+$0x0], $0xffff  }
0x397: {  	v5 =	vld.idx.msk [tilespmem:v16+s3+$0x0], $0xffff  }
0x398: {  	v4 =	vld.idx.msk [tilespmem:v17+s3+$0x0], $0xffff  }
0x399: {  	v12 =	vld.idx.msk [tilespmem:v18+s3+$0x0], $0xffff  }
.Ltmp5:
0x39a: {  	v13 =	vld.idx.msk [tilespmem:v19+s3+$0x0], $0xffff;
	(pc) =	sbr.rel @p1 .LBB2_12-.Ltmp5, $4  }
0x39b: {  	v14 =	vld.idx.msk [tilespmem:v20+s3+$0x0], $0xffff  }
0x39c: {  	v15 =	vld.idx.msk [tilespmem:v21+s3+$0x0], $0xffff  }
0x39d: {  	v11 =	vld.idx.msk [tilespmem:v22+s3+$0x0], $0xffff  }
0x39e: {  	s12 =	sadd.s32 $0x40, s12;
	s11 =	sadd.s32 $0x200, s11;
	v10 =	vld.idx.msk [tilespmem:v23+s3+$0x0], $0xffff  }
0x39f: {  	_ =	sdelay $0x3  }
0x3a0: {  	v7 =	vld.idx.msk [tilespmem:v7+s3+$0x0], $0xffff  }
0x3a1: {  	v9 =	vld.idx.msk [tilespmem:v9+s3+$0x0], $0xffff;
	[tilespmem:s0+$0xE780] =	vst v12  }
0x3a2: {  	[tilespmem:s0+$0xE800] =	vst v13  }
0x3a3: {  	[tilespmem:s0+$0xE880] =	vst v14  }
0x3a4: {  	[tilespmem:s0+$0xE900] =	vst v15  }
0x3a5: {  	[tilespmem:s6+$0xE780] =	vst v8  }
0x3a6: {  	[tilespmem:s9+$0xE780] =	vst v6  }
0x3a7: {  	[tilespmem:s7+$0xE780] =	vst v5  }
0x3a8: {  	[tilespmem:s8+$0xE780] =	vst v4  }
0x3a9: {  	[tilespmem:s0+$0xE790] =	vst v11  }
0x3aa: {  	[tilespmem:s0+$0xE810] =	vst v10  }
0x3ab: {  	[tilespmem:s0+$0xE890] =	vst v7  }
0x3ac: {  	[tilespmem:s0+$0xE910] =	vst v9  }
0x3ad: {  	[tilespmem:s1+$0xE780] =	vst v3  }
0x3ae: {  	[tilespmem:s2+$0xE780] =	vst v2  }
0x3af: {  	[tilespmem:s4+$0xE780] =	vst v1  }
0x3b0: {  	[tilespmem:s5+$0xE780] =	vst v0  }
0x3b1: {  	s18 =	simm.s32 $0x0;
	s1 =	rddreg [dreg:$0x10]  }
0x3b2: {  	[hbm4b:s1+s18] =	stream.linear.scatter [tilespmem:s28], [sflag:$0x4], $0x4000, $0x38;
	[tilespmem:$0x12780] =	vst v63  }
0x3b3: {  	s20 =	simm.s32 $0x6780;
	s19 =	rddreg [dreg:$0x11]  }
0x3b4: {  	[tilespmem:s20], [sflag:$0x2] =	stream.linear.gather [hbm4b:s19+s18], $0x4000, $0x38;
	[tilespmem:$0x12780] =	vst v63  }
0x3b5: {  	_ =	swait.ge [sflag:s24], $0x4000  }
0x3b6: {  	[sflag:s24] =	ssyncset.done $0x0  }
0x3b7: {  	[sflag:s24] =	ssyncadd.s32 $0xFFFFC000  }
0x3b8: {  	_ =	swait.ge [sflag:s29], $0x4000  }
0x3b9: {  	s21 =	sand.u32 $0x40, s18;
	s0 =	sand.u32 $0x3C00, s18;
	[sflag:s29] =	ssyncset.done $0x0  }
0x3ba: {  	s0 =	sor.u32 s21, s0;
	[sflag:s29] =	ssyncadd.s32 $0xFFFFC000  }
0x3bb: {  	v0 =	vld [tilespmem:s0+$0x27A0]  }
0x3bc: {  	v1 =	vld [tilespmem:s0+$0x2820]  }
0x3bd: {  	p0 =	por $0x0, $0x0;
	s1 =	simm.s32 $0x1;
	v2 =	vld [tilespmem:s0+$0x28A0]  }
0x3be: {  	s1 =	simm.s32 @!p0 $0x0;
	v3 =	vld [tilespmem:s0+$0x2920]  }
0x3bf: {  	s1 =	sshll.u32 s1, $0x6;
	v4 =	vld [tilespmem:s0+$0x27B0]  }
0x3c0: {  	s22 =	sadd.s32 $0x0, s1;
	v5 =	vld [tilespmem:s0+$0x2830]  }
0x3c1: {  	s1 =	sadd.s32 $0x20, s22;
	v6 =	vld [tilespmem:s0+$0x28B0]  }
0x3c2: {  	s14 =	sor.u32 $0x200, s1;
	v7 =	vld [tilespmem:s0+$0x2930]  }
0x3c3: {  	s15 =	sor.u32 $0x280, s1;
	v8 =	vld [tilespmem:s14+$0x2780]  }
0x3c4: {  	s16 =	sor.u32 $0x300, s1;
	v9 =	vld [tilespmem:s15+$0x2780]  }
0x3c5: {  	s23 =	sadd.s32 $0x30, s22;
	s17 =	sor.u32 $0x380, s1;
	v10 =	vld [tilespmem:s16+$0x2780]  }
0x3c6: {  	s10 =	sor.u32 $0x200, s23;
	v11 =	vld [tilespmem:s17+$0x2780]  }
0x3c7: {  	s11 =	sor.u32 $0x280, s23;
	v12 =	vld [tilespmem:s10+$0x2780]  }
0x3c8: {  	s12 =	sor.u32 $0x300, s23;
	v13 =	vld [tilespmem:s11+$0x2780]  }
0x3c9: {  	s13 =	sor.u32 $0x380, s23;
	v14 =	vld [tilespmem:s12+$0x2780]  }
0x3ca: {  	s9 =	sor.u32 $0x280, s22;
	v15 =	vld [tilespmem:s13+$0x2780]  }
0x3cb: {  	s7 =	sor.u32 $0x300, s22;
	v23 =	vld [tilespmem:s9+$0x2780]  }
0x3cc: {  	s8 =	sor.u32 $0x380, s22;
	v24 =	vld [tilespmem:s7+$0x2780]  }
0x3cd: {  	v25 =	vld [tilespmem:s8+$0x2780]  }
0x3ce: {  	v26 =	vld [tilespmem:s0+$0x2780]  }
0x3cf: {  	v27 =	vld [tilespmem:s0+$0x2800]  }
0x3d0: {  	v28 =	vld [tilespmem:s0+$0x2880]  }
0x3d1: {  	v29 =	vld [tilespmem:s0+$0x2900]  }
0x3d2: {  	v30 =	vld [tilespmem:s0+$0x2790]  }
0x3d3: {  	v31 =	vld [tilespmem:s0+$0x2810]  }
0x3d4: {  	v0 =	vld.idx.msk [tilespmem:v0+s3+$0x0], $0xffff  }
0x3d5: {  	v1 =	vld.idx.msk [tilespmem:v1+s3+$0x0], $0xffff  }
0x3d6: {  	v2 =	vld.idx.msk [tilespmem:v2+s3+$0x0], $0xffff  }
0x3d7: {  	v16 =	vld.idx.msk [tilespmem:v3+s3+$0x0], $0xffff  }
0x3d8: {  	v4 =	vld.idx.msk [tilespmem:v4+s3+$0x0], $0xffff  }
0x3d9: {  	v17 =	vld.idx.msk [tilespmem:v5+s3+$0x0], $0xffff  }
0x3da: {  	v18 =	vld.idx.msk [tilespmem:v6+s3+$0x0], $0xffff  }
0x3db: {  	v19 =	vld.idx.msk [tilespmem:v7+s3+$0x0], $0xffff  }
0x3dc: {  	v5 =	vld.idx.msk [tilespmem:v8+s3+$0x0], $0xffff  }
0x3dd: {  	v6 =	vld.idx.msk [tilespmem:v9+s3+$0x0], $0xffff  }
0x3de: {  	v8 =	vld.idx.msk [tilespmem:v10+s3+$0x0], $0xffff  }
0x3df: {  	v10 =	vld.idx.msk [tilespmem:v11+s3+$0x0], $0xffff  }
0x3e0: {  	v11 =	vld.idx.msk [tilespmem:v12+s3+$0x0], $0xffff  }
0x3e1: {  	v20 =	vld.idx.msk [tilespmem:v13+s3+$0x0], $0xffff  }
0x3e2: {  	s25 =	sadd.s32 $0x10, s22;
	v21 =	vld.idx.msk [tilespmem:v14+s3+$0x0], $0xffff  }
0x3e3: {  	s1 =	sor.u32 $0x200, s25;
	v22 =	vld.idx.msk [tilespmem:v15+s3+$0x0], $0xffff  }
0x3e4: {  	s2 =	sor.u32 $0x280, s25;
	v3 =	vld [tilespmem:s1+$0x2780]  }
0x3e5: {  	s4 =	sor.u32 $0x300, s25;
	v12 =	vld [tilespmem:s2+$0x2780]  }
0x3e6: {  	s5 =	sor.u32 $0x380, s25;
	v13 =	vld [tilespmem:s4+$0x2780]  }
0x3e7: {  	s6 =	sor.u32 $0x200, s22;
	v14 =	vld [tilespmem:s5+$0x2780];
	[tilespmem:s0+$0xA7A0] =	vst v0  }
0x3e8: {  	v15 =	vld [tilespmem:s6+$0x2780];
	[tilespmem:s0+$0xA820] =	vst v1  }
0x3e9: {  	v7 =	vld [tilespmem:s0+$0x2890];
	[tilespmem:s0+$0xA8A0] =	vst v2  }
0x3ea: {  	v9 =	vld [tilespmem:s0+$0x2910];
	[tilespmem:s0+$0xA920] =	vst v16  }
0x3eb: {  	[tilespmem:s14+$0xA780] =	vst v5;
	v5 =	vld.idx.msk [tilespmem:v24+s3+$0x0], $0xffff  }
0x3ec: {  	[tilespmem:s15+$0xA780] =	vst v6;
	v6 =	vld.idx.msk [tilespmem:v23+s3+$0x0], $0xffff  }
0x3ed: {  	v3 =	vld.idx.msk [tilespmem:v3+s3+$0x0], $0xffff  }
0x3ee: {  	v2 =	vld.idx.msk [tilespmem:v12+s3+$0x0], $0xffff  }
0x3ef: {  	v1 =	vld.idx.msk [tilespmem:v13+s3+$0x0], $0xffff;
	[tilespmem:s16+$0xA780] =	vst v8  }
0x3f0: {  	v0 =	vld.idx.msk [tilespmem:v14+s3+$0x0], $0xffff;
	[tilespmem:s17+$0xA780] =	vst v10  }
0x3f1: {  	v8 =	vld.idx.msk [tilespmem:v15+s3+$0x0], $0xffff;
	[tilespmem:s0+$0xA7B0] =	vst v4  }
0x3f2: {  	v12 =	vld.idx.msk [tilespmem:v26+s3+$0x0], $0xffff;
	[tilespmem:s0+$0xA830] =	vst v17  }
0x3f3: {  	v13 =	vld.idx.msk [tilespmem:v27+s3+$0x0], $0xffff;
	[tilespmem:s0+$0xA8B0] =	vst v18  }
0x3f4: {  	v14 =	vld.idx.msk [tilespmem:v28+s3+$0x0], $0xffff;
	[tilespmem:s0+$0xA930] =	vst v19  }
0x3f5: {  	v15 =	vld.idx.msk [tilespmem:v29+s3+$0x0], $0xffff;
	[tilespmem:s10+$0xA780] =	vst v11  }
0x3f6: {  	v10 =	vld.idx.msk [tilespmem:v31+s3+$0x0], $0xffff;
	[tilespmem:s11+$0xA780] =	vst v20  }
0x3f7: {  	v4 =	vld.idx.msk [tilespmem:v25+s3+$0x0], $0xffff;
	[tilespmem:s12+$0xA780] =	vst v21  }
0x3f8: {  	v11 =	vld.idx.msk [tilespmem:v30+s3+$0x0], $0xffff;
	s10 =	simm.s32 $0x0;
	s11 =	simm.s32 $0x200;
	s12 =	simm.s32 $0x40;
	[tilespmem:s13+$0xA780] =	vst v22  }
.LBB2_14:
0x3f9: {  	s13 =	sand.u32 $0x40, s12;
	s14 =	sand.u32 $0x3C00, s11;
	v7 =	vld.idx.msk [tilespmem:v7+s3+$0x0], $0xffff  }
0x3fa: {  	s15 =	sor.u32 s13, s14;
	v9 =	vld.idx.msk [tilespmem:v9+s3+$0x0], $0xffff;
	[tilespmem:s0+$0xA780] =	vst v12  }
0x3fb: {  	v12 =	vld [tilespmem:s15+$0x27A0];
	[tilespmem:s0+$0xA800] =	vst v13  }
0x3fc: {  	v13 =	vld [tilespmem:s15+$0x2820];
	[tilespmem:s0+$0xA880] =	vst v14  }
0x3fd: {  	p0 =	por !p0, !p0;
	s13 =	simm.s32 $0x1;
	v14 =	vld [tilespmem:s15+$0x28A0];
	[tilespmem:s0+$0xA900] =	vst v15  }
0x3fe: {  	s13 =	simm.s32 @!p0 $0x0;
	v15 =	vld [tilespmem:s15+$0x2920];
	[tilespmem:s6+$0xA780] =	vst v8  }
0x3ff: {  	s6 =	sshll.u32 s13, $0x6;
	v8 =	vld [tilespmem:s15+$0x27B0];
	[tilespmem:s9+$0xA780] =	vst v6  }
0x400: {  	s13 =	sadd.s32 s6, s11;
	v6 =	vld [tilespmem:s15+$0x2830];
	[tilespmem:s7+$0xA780] =	vst v5  }
0x401: {  	s6 =	sor.u32 $0x200, s13;
	s7 =	sadd.s32 $0x10, s13;
	s17 =	sadd.s32 $0x20, s13;
	v5 =	vld [tilespmem:s15+$0x28B0];
	[tilespmem:s8+$0xA780] =	vst v4  }
0x402: {  	s18 =	sor.u32 $0x200, s7;
	s21 =	sor.u32 $0x280, s7;
	s14 =	sor.u32 $0x200, s17;
	v4 =	vld [tilespmem:s15+$0x2930];
	[tilespmem:s0+$0xA790] =	vst v11  }
0x403: {  	s22 =	sor.u32 $0x300, s7;
	s23 =	sor.u32 $0x380, s7;
	s16 =	sor.u32 $0x280, s17;
	v11 =	vld [tilespmem:s14+$0x2780];
	[tilespmem:s0+$0xA810] =	vst v10  }
0x404: {  	s9 =	sor.u32 $0x280, s13;
	s7 =	sor.u32 $0x300, s13;
	s19 =	sor.u32 $0x300, s17;
	v10 =	vld [tilespmem:s16+$0x2780];
	[tilespmem:s0+$0xA890] =	vst v7  }
0x405: {  	s25 =	sadd.s32 $0x30, s13;
	s8 =	sor.u32 $0x380, s13;
	s20 =	sor.u32 $0x380, s17;
	v7 =	vld [tilespmem:s19+$0x2780];
	[tilespmem:s0+$0xA910] =	vst v9  }
0x406: {  	s13 =	sor.u32 $0x200, s25;
	s0 =	smov.u32 s15;
	v9 =	vld [tilespmem:s20+$0x2780];
	[tilespmem:s1+$0xA780] =	vst v3;
	s1 =	smov.u32 s18  }
0x407: {  	s15 =	sor.u32 $0x280, s25;
	v3 =	vld [tilespmem:s13+$0x2780];
	[tilespmem:s2+$0xA780] =	vst v2;
	s2 =	smov.u32 s21  }
0x408: {  	s17 =	sor.u32 $0x300, s25;
	v2 =	vld [tilespmem:s15+$0x2780];
	[tilespmem:s4+$0xA780] =	vst v1;
	s4 =	smov.u32 s22  }
0x409: {  	s18 =	sor.u32 $0x380, s25;
	v1 =	vld [tilespmem:s17+$0x2780];
	[tilespmem:s5+$0xA780] =	vst v0;
	s5 =	smov.u32 s23  }
0x40a: {  	v0 =	vld [tilespmem:s18+$0x2780]  }
0x40b: {  	v12 =	vld.idx.msk [tilespmem:v12+s3+$0x0], $0xffff  }
0x40c: {  	v13 =	vld.idx.msk [tilespmem:v13+s3+$0x0], $0xffff  }
0x40d: {  	v14 =	vld.idx.msk [tilespmem:v14+s3+$0x0], $0xffff  }
0x40e: {  	v15 =	vld.idx.msk [tilespmem:v15+s3+$0x0], $0xffff  }
0x40f: {  	v8 =	vld.idx.msk [tilespmem:v8+s3+$0x0], $0xffff  }
0x410: {  	v6 =	vld.idx.msk [tilespmem:v6+s3+$0x0], $0xffff  }
0x411: {  	v5 =	vld.idx.msk [tilespmem:v5+s3+$0x0], $0xffff  }
0x412: {  	v4 =	vld.idx.msk [tilespmem:v4+s3+$0x0], $0xffff  }
0x413: {  	v11 =	vld.idx.msk [tilespmem:v11+s3+$0x0], $0xffff  }
0x414: {  	v10 =	vld.idx.msk [tilespmem:v10+s3+$0x0], $0xffff  }
0x415: {  	v7 =	vld.idx.msk [tilespmem:v7+s3+$0x0], $0xffff  }
0x416: {  	s10 =	sadd.s32 $0x2, s10;
	v9 =	vld.idx.msk [tilespmem:v9+s3+$0x0], $0xffff  }
0x417: {  	p1 =	slt.u32 s10, $0x3E;
	v3 =	vld.idx.msk [tilespmem:v3+s3+$0x0], $0xffff  }
0x418: {  	v2 =	vld.idx.msk [tilespmem:v2+s3+$0x0], $0xffff  }
0x419: {  	v1 =	vld.idx.msk [tilespmem:v1+s3+$0x0], $0xffff  }
0x41a: {  	v0 =	vld.idx.msk [tilespmem:v0+s3+$0x0], $0xffff;
	[tilespmem:s0+$0xA7A0] =	vst v12  }
0x41b: {  	v12 =	vld [tilespmem:s1+$0x2780];
	[tilespmem:s0+$0xA820] =	vst v13  }
0x41c: {  	v13 =	vld [tilespmem:s2+$0x2780];
	[tilespmem:s0+$0xA8A0] =	vst v14  }
0x41d: {  	v14 =	vld [tilespmem:s4+$0x2780];
	[tilespmem:s0+$0xA920] =	vst v15  }
0x41e: {  	v15 =	vld [tilespmem:s5+$0x2780];
	[tilespmem:s14+$0xA780] =	vst v11  }
0x41f: {  	v11 =	vld [tilespmem:s6+$0x2780];
	[tilespmem:s16+$0xA780] =	vst v10  }
0x420: {  	v10 =	vld [tilespmem:s9+$0x2780];
	[tilespmem:s19+$0xA780] =	vst v7  }
0x421: {  	v16 =	vld [tilespmem:s7+$0x2780];
	[tilespmem:s20+$0xA780] =	vst v9  }
0x422: {  	v17 =	vld [tilespmem:s8+$0x2780];
	[tilespmem:s0+$0xA7B0] =	vst v8  }
0x423: {  	v18 =	vld [tilespmem:s0+$0x2780];
	[tilespmem:s0+$0xA830] =	vst v6  }
0x424: {  	v19 =	vld [tilespmem:s0+$0x2800];
	[tilespmem:s0+$0xA8B0] =	vst v5  }
0x425: {  	v20 =	vld [tilespmem:s0+$0x2880];
	[tilespmem:s0+$0xA930] =	vst v4  }
0x426: {  	v21 =	vld [tilespmem:s0+$0x2900];
	[tilespmem:s13+$0xA780] =	vst v3  }
0x427: {  	v22 =	vld [tilespmem:s0+$0x2790];
	[tilespmem:s15+$0xA780] =	vst v2  }
0x428: {  	v23 =	vld [tilespmem:s0+$0x2810];
	[tilespmem:s17+$0xA780] =	vst v1  }
0x429: {  	v7 =	vld [tilespmem:s0+$0x2890];
	[tilespmem:s18+$0xA780] =	vst v0  }
0x42a: {  	v9 =	vld [tilespmem:s0+$0x2910]  }
0x42b: {  	v3 =	vld.idx.msk [tilespmem:v12+s3+$0x0], $0xffff  }
0x42c: {  	v2 =	vld.idx.msk [tilespmem:v13+s3+$0x0], $0xffff  }
0x42d: {  	v1 =	vld.idx.msk [tilespmem:v14+s3+$0x0], $0xffff  }
0x42e: {  	v0 =	vld.idx.msk [tilespmem:v15+s3+$0x0], $0xffff  }
0x42f: {  	v8 =	vld.idx.msk [tilespmem:v11+s3+$0x0], $0xffff  }
0x430: {  	v6 =	vld.idx.msk [tilespmem:v10+s3+$0x0], $0xffff  }
0x431: {  	v5 =	vld.idx.msk [tilespmem:v16+s3+$0x0], $0xffff  }
0x432: {  	v4 =	vld.idx.msk [tilespmem:v17+s3+$0x0], $0xffff  }
0x433: {  	v12 =	vld.idx.msk [tilespmem:v18+s3+$0x0], $0xffff  }
.Ltmp6:
0x434: {  	v13 =	vld.idx.msk [tilespmem:v19+s3+$0x0], $0xffff;
	(pc) =	sbr.rel @p1 .LBB2_14-.Ltmp6, $4  }
0x435: {  	v14 =	vld.idx.msk [tilespmem:v20+s3+$0x0], $0xffff  }
0x436: {  	v15 =	vld.idx.msk [tilespmem:v21+s3+$0x0], $0xffff  }
0x437: {  	v11 =	vld.idx.msk [tilespmem:v22+s3+$0x0], $0xffff  }
0x438: {  	s12 =	sadd.s32 $0x40, s12;
	s11 =	sadd.s32 $0x200, s11;
	v10 =	vld.idx.msk [tilespmem:v23+s3+$0x0], $0xffff  }
0x439: {  	_ =	sdelay $0x3  }
0x43a: {  	v7 =	vld.idx.msk [tilespmem:v7+s3+$0x0], $0xffff  }
0x43b: {  	v9 =	vld.idx.msk [tilespmem:v9+s3+$0x0], $0xffff;
	[tilespmem:s0+$0xA780] =	vst v12  }
0x43c: {  	[tilespmem:s0+$0xA800] =	vst v13  }
0x43d: {  	[tilespmem:s0+$0xA880] =	vst v14  }
0x43e: {  	[tilespmem:s0+$0xA900] =	vst v15  }
0x43f: {  	[tilespmem:s6+$0xA780] =	vst v8  }
0x440: {  	[tilespmem:s9+$0xA780] =	vst v6  }
0x441: {  	[tilespmem:s7+$0xA780] =	vst v5  }
0x442: {  	[tilespmem:s8+$0xA780] =	vst v4  }
0x443: {  	[tilespmem:s0+$0xA790] =	vst v11  }
0x444: {  	[tilespmem:s0+$0xA810] =	vst v10  }
0x445: {  	[tilespmem:s0+$0xA890] =	vst v7  }
0x446: {  	[tilespmem:s0+$0xA910] =	vst v9  }
0x447: {  	[tilespmem:s1+$0xA780] =	vst v3  }
0x448: {  	[tilespmem:s2+$0xA780] =	vst v2  }
0x449: {  	[tilespmem:s4+$0xA780] =	vst v1  }
0x44a: {  	[tilespmem:s5+$0xA780] =	vst v0  }
0x44b: {  	s19 =	simm.s32 $0x0;
	s20 =	simm.s32 $0xA780;
	s1 =	rddreg [dreg:$0x12]  }
0x44c: {  	[hbm4b:s1+s19] =	stream.linear.scatter [tilespmem:s20], [sflag:$0x3], $0x4000, $0x38;
	[tilespmem:$0x12780] =	vst v63  }
0x44d: {  	_ =	swait.ge [sflag:s26], $0x4000  }
0x44e: {  	[sflag:s26] =	ssyncset.done $0x0  }
0x44f: {  	[sflag:s26] =	ssyncadd.s32 $0xFFFFC000  }
0x450: {  	_ =	swait.ge [sflag:s30], $0x4000  }
0x451: {  	s21 =	sand.u32 $0x40, s19;
	s0 =	sand.u32 $0x3C00, s19;
	[sflag:s30] =	ssyncset.done $0x0  }
0x452: {  	s0 =	sor.u32 s21, s0;
	[sflag:s30] =	ssyncadd.s32 $0xFFFFC000  }
0x453: {  	v0 =	vld [tilespmem:s0+$0x67A0]  }
0x454: {  	v1 =	vld [tilespmem:s0+$0x6820]  }
0x455: {  	p0 =	por $0x0, $0x0;
	s1 =	simm.s32 $0x1;
	v2 =	vld [tilespmem:s0+$0x68A0]  }
0x456: {  	s1 =	simm.s32 @!p0 $0x0;
	v3 =	vld [tilespmem:s0+$0x6920]  }
0x457: {  	s1 =	sshll.u32 s1, $0x6;
	v4 =	vld [tilespmem:s0+$0x67B0]  }
0x458: {  	s22 =	sadd.s32 $0x0, s1;
	v5 =	vld [tilespmem:s0+$0x6830]  }
0x459: {  	s1 =	sadd.s32 $0x20, s22;
	v6 =	vld [tilespmem:s0+$0x68B0]  }
0x45a: {  	s14 =	sor.u32 $0x200, s1;
	v7 =	vld [tilespmem:s0+$0x6930]  }
0x45b: {  	s15 =	sor.u32 $0x280, s1;
	v8 =	vld [tilespmem:s14+$0x6780]  }
0x45c: {  	s16 =	sor.u32 $0x300, s1;
	v9 =	vld [tilespmem:s15+$0x6780]  }
0x45d: {  	s23 =	sadd.s32 $0x30, s22;
	s17 =	sor.u32 $0x380, s1;
	v10 =	vld [tilespmem:s16+$0x6780]  }
0x45e: {  	s10 =	sor.u32 $0x200, s23;
	v11 =	vld [tilespmem:s17+$0x6780]  }
0x45f: {  	s11 =	sor.u32 $0x280, s23;
	v12 =	vld [tilespmem:s10+$0x6780]  }
0x460: {  	s12 =	sor.u32 $0x300, s23;
	v13 =	vld [tilespmem:s11+$0x6780]  }
0x461: {  	s13 =	sor.u32 $0x380, s23;
	v14 =	vld [tilespmem:s12+$0x6780]  }
0x462: {  	s9 =	sor.u32 $0x280, s22;
	v15 =	vld [tilespmem:s13+$0x6780]  }
0x463: {  	s7 =	sor.u32 $0x300, s22;
	v23 =	vld [tilespmem:s9+$0x6780]  }
0x464: {  	s8 =	sor.u32 $0x380, s22;
	v24 =	vld [tilespmem:s7+$0x6780]  }
0x465: {  	v25 =	vld [tilespmem:s8+$0x6780]  }
0x466: {  	v26 =	vld [tilespmem:s0+$0x6780]  }
0x467: {  	v27 =	vld [tilespmem:s0+$0x6800]  }
0x468: {  	v28 =	vld [tilespmem:s0+$0x6880]  }
0x469: {  	v29 =	vld [tilespmem:s0+$0x6900]  }
0x46a: {  	v30 =	vld [tilespmem:s0+$0x6790]  }
0x46b: {  	v31 =	vld [tilespmem:s0+$0x6810]  }
0x46c: {  	v0 =	vld.idx.msk [tilespmem:v0+s3+$0x0], $0xffff  }
0x46d: {  	v1 =	vld.idx.msk [tilespmem:v1+s3+$0x0], $0xffff  }
0x46e: {  	v2 =	vld.idx.msk [tilespmem:v2+s3+$0x0], $0xffff  }
0x46f: {  	v16 =	vld.idx.msk [tilespmem:v3+s3+$0x0], $0xffff  }
0x470: {  	v4 =	vld.idx.msk [tilespmem:v4+s3+$0x0], $0xffff  }
0x471: {  	v17 =	vld.idx.msk [tilespmem:v5+s3+$0x0], $0xffff  }
0x472: {  	v18 =	vld.idx.msk [tilespmem:v6+s3+$0x0], $0xffff  }
0x473: {  	v19 =	vld.idx.msk [tilespmem:v7+s3+$0x0], $0xffff  }
0x474: {  	v5 =	vld.idx.msk [tilespmem:v8+s3+$0x0], $0xffff  }
0x475: {  	v6 =	vld.idx.msk [tilespmem:v9+s3+$0x0], $0xffff  }
0x476: {  	v8 =	vld.idx.msk [tilespmem:v10+s3+$0x0], $0xffff  }
0x477: {  	v10 =	vld.idx.msk [tilespmem:v11+s3+$0x0], $0xffff  }
0x478: {  	v11 =	vld.idx.msk [tilespmem:v12+s3+$0x0], $0xffff  }
0x479: {  	v20 =	vld.idx.msk [tilespmem:v13+s3+$0x0], $0xffff  }
0x47a: {  	s25 =	sadd.s32 $0x10, s22;
	v21 =	vld.idx.msk [tilespmem:v14+s3+$0x0], $0xffff  }
0x47b: {  	s1 =	sor.u32 $0x200, s25;
	v22 =	vld.idx.msk [tilespmem:v15+s3+$0x0], $0xffff  }
0x47c: {  	s2 =	sor.u32 $0x280, s25;
	v3 =	vld [tilespmem:s1+$0x6780]  }
0x47d: {  	s4 =	sor.u32 $0x300, s25;
	v12 =	vld [tilespmem:s2+$0x6780]  }
0x47e: {  	s5 =	sor.u32 $0x380, s25;
	v13 =	vld [tilespmem:s4+$0x6780]  }
0x47f: {  	s6 =	sor.u32 $0x200, s22;
	v14 =	vld [tilespmem:s5+$0x6780];
	[tilespmem:s0+$0xE7A0] =	vst v0  }
0x480: {  	v15 =	vld [tilespmem:s6+$0x6780];
	[tilespmem:s0+$0xE820] =	vst v1  }
0x481: {  	v7 =	vld [tilespmem:s0+$0x6890];
	[tilespmem:s0+$0xE8A0] =	vst v2  }
0x482: {  	v9 =	vld [tilespmem:s0+$0x6910];
	[tilespmem:s0+$0xE920] =	vst v16  }
0x483: {  	[tilespmem:s14+$0xE780] =	vst v5;
	v5 =	vld.idx.msk [tilespmem:v24+s3+$0x0], $0xffff  }
0x484: {  	[tilespmem:s15+$0xE780] =	vst v6;
	v6 =	vld.idx.msk [tilespmem:v23+s3+$0x0], $0xffff  }
0x485: {  	v3 =	vld.idx.msk [tilespmem:v3+s3+$0x0], $0xffff  }
0x486: {  	v2 =	vld.idx.msk [tilespmem:v12+s3+$0x0], $0xffff  }
0x487: {  	v1 =	vld.idx.msk [tilespmem:v13+s3+$0x0], $0xffff;
	[tilespmem:s16+$0xE780] =	vst v8  }
0x488: {  	v0 =	vld.idx.msk [tilespmem:v14+s3+$0x0], $0xffff;
	[tilespmem:s17+$0xE780] =	vst v10  }
0x489: {  	v8 =	vld.idx.msk [tilespmem:v15+s3+$0x0], $0xffff;
	[tilespmem:s0+$0xE7B0] =	vst v4  }
0x48a: {  	v12 =	vld.idx.msk [tilespmem:v26+s3+$0x0], $0xffff;
	[tilespmem:s0+$0xE830] =	vst v17  }
0x48b: {  	v13 =	vld.idx.msk [tilespmem:v27+s3+$0x0], $0xffff;
	[tilespmem:s0+$0xE8B0] =	vst v18  }
0x48c: {  	v14 =	vld.idx.msk [tilespmem:v28+s3+$0x0], $0xffff;
	[tilespmem:s0+$0xE930] =	vst v19  }
0x48d: {  	v15 =	vld.idx.msk [tilespmem:v29+s3+$0x0], $0xffff;
	[tilespmem:s10+$0xE780] =	vst v11  }
0x48e: {  	v10 =	vld.idx.msk [tilespmem:v31+s3+$0x0], $0xffff;
	[tilespmem:s11+$0xE780] =	vst v20  }
0x48f: {  	v4 =	vld.idx.msk [tilespmem:v25+s3+$0x0], $0xffff;
	[tilespmem:s12+$0xE780] =	vst v21  }
0x490: {  	v11 =	vld.idx.msk [tilespmem:v30+s3+$0x0], $0xffff;
	s10 =	simm.s32 $0x0;
	s11 =	simm.s32 $0x200;
	s12 =	simm.s32 $0x40;
	[tilespmem:s13+$0xE780] =	vst v22  }
.LBB2_16:
0x491: {  	s13 =	sand.u32 $0x40, s12;
	s14 =	sand.u32 $0x3C00, s11;
	v7 =	vld.idx.msk [tilespmem:v7+s3+$0x0], $0xffff  }
0x492: {  	s15 =	sor.u32 s13, s14;
	v9 =	vld.idx.msk [tilespmem:v9+s3+$0x0], $0xffff;
	[tilespmem:s0+$0xE780] =	vst v12  }
0x493: {  	v12 =	vld [tilespmem:s15+$0x67A0];
	[tilespmem:s0+$0xE800] =	vst v13  }
0x494: {  	v13 =	vld [tilespmem:s15+$0x6820];
	[tilespmem:s0+$0xE880] =	vst v14  }
0x495: {  	p0 =	por !p0, !p0;
	s13 =	simm.s32 $0x1;
	v14 =	vld [tilespmem:s15+$0x68A0];
	[tilespmem:s0+$0xE900] =	vst v15  }
0x496: {  	s13 =	simm.s32 @!p0 $0x0;
	v15 =	vld [tilespmem:s15+$0x6920];
	[tilespmem:s6+$0xE780] =	vst v8  }
0x497: {  	s6 =	sshll.u32 s13, $0x6;
	v8 =	vld [tilespmem:s15+$0x67B0];
	[tilespmem:s9+$0xE780] =	vst v6  }
0x498: {  	s13 =	sadd.s32 s6, s11;
	v6 =	vld [tilespmem:s15+$0x6830];
	[tilespmem:s7+$0xE780] =	vst v5  }
0x499: {  	s6 =	sor.u32 $0x200, s13;
	s7 =	sadd.s32 $0x10, s13;
	s17 =	sadd.s32 $0x20, s13;
	v5 =	vld [tilespmem:s15+$0x68B0];
	[tilespmem:s8+$0xE780] =	vst v4  }
0x49a: {  	s18 =	sor.u32 $0x200, s7;
	s21 =	sor.u32 $0x280, s7;
	s14 =	sor.u32 $0x200, s17;
	v4 =	vld [tilespmem:s15+$0x6930];
	[tilespmem:s0+$0xE790] =	vst v11  }
0x49b: {  	s22 =	sor.u32 $0x300, s7;
	s23 =	sor.u32 $0x380, s7;
	s16 =	sor.u32 $0x280, s17;
	v11 =	vld [tilespmem:s14+$0x6780];
	[tilespmem:s0+$0xE810] =	vst v10  }
0x49c: {  	s9 =	sor.u32 $0x280, s13;
	s7 =	sor.u32 $0x300, s13;
	s19 =	sor.u32 $0x300, s17;
	v10 =	vld [tilespmem:s16+$0x6780];
	[tilespmem:s0+$0xE890] =	vst v7  }
0x49d: {  	s25 =	sadd.s32 $0x30, s13;
	s8 =	sor.u32 $0x380, s13;
	s20 =	sor.u32 $0x380, s17;
	v7 =	vld [tilespmem:s19+$0x6780];
	[tilespmem:s0+$0xE910] =	vst v9  }
0x49e: {  	s13 =	sor.u32 $0x200, s25;
	s0 =	smov.u32 s15;
	v9 =	vld [tilespmem:s20+$0x6780];
	[tilespmem:s1+$0xE780] =	vst v3;
	s1 =	smov.u32 s18  }
0x49f: {  	s15 =	sor.u32 $0x280, s25;
	v3 =	vld [tilespmem:s13+$0x6780];
	[tilespmem:s2+$0xE780] =	vst v2;
	s2 =	smov.u32 s21  }
0x4a0: {  	s17 =	sor.u32 $0x300, s25;
	v2 =	vld [tilespmem:s15+$0x6780];
	[tilespmem:s4+$0xE780] =	vst v1;
	s4 =	smov.u32 s22  }
0x4a1: {  	s18 =	sor.u32 $0x380, s25;
	v1 =	vld [tilespmem:s17+$0x6780];
	[tilespmem:s5+$0xE780] =	vst v0;
	s5 =	smov.u32 s23  }
0x4a2: {  	v0 =	vld [tilespmem:s18+$0x6780]  }
0x4a3: {  	v12 =	vld.idx.msk [tilespmem:v12+s3+$0x0], $0xffff  }
0x4a4: {  	v13 =	vld.idx.msk [tilespmem:v13+s3+$0x0], $0xffff  }
0x4a5: {  	v14 =	vld.idx.msk [tilespmem:v14+s3+$0x0], $0xffff  }
0x4a6: {  	v15 =	vld.idx.msk [tilespmem:v15+s3+$0x0], $0xffff  }
0x4a7: {  	v8 =	vld.idx.msk [tilespmem:v8+s3+$0x0], $0xffff  }
0x4a8: {  	v6 =	vld.idx.msk [tilespmem:v6+s3+$0x0], $0xffff  }
0x4a9: {  	v5 =	vld.idx.msk [tilespmem:v5+s3+$0x0], $0xffff  }
0x4aa: {  	v4 =	vld.idx.msk [tilespmem:v4+s3+$0x0], $0xffff  }
0x4ab: {  	v11 =	vld.idx.msk [tilespmem:v11+s3+$0x0], $0xffff  }
0x4ac: {  	v10 =	vld.idx.msk [tilespmem:v10+s3+$0x0], $0xffff  }
0x4ad: {  	v7 =	vld.idx.msk [tilespmem:v7+s3+$0x0], $0xffff  }
0x4ae: {  	s10 =	sadd.s32 $0x2, s10;
	v9 =	vld.idx.msk [tilespmem:v9+s3+$0x0], $0xffff  }
0x4af: {  	p1 =	slt.u32 s10, $0x3E;
	v3 =	vld.idx.msk [tilespmem:v3+s3+$0x0], $0xffff  }
0x4b0: {  	v2 =	vld.idx.msk [tilespmem:v2+s3+$0x0], $0xffff  }
0x4b1: {  	v1 =	vld.idx.msk [tilespmem:v1+s3+$0x0], $0xffff  }
0x4b2: {  	v0 =	vld.idx.msk [tilespmem:v0+s3+$0x0], $0xffff;
	[tilespmem:s0+$0xE7A0] =	vst v12  }
0x4b3: {  	v12 =	vld [tilespmem:s1+$0x6780];
	[tilespmem:s0+$0xE820] =	vst v13  }
0x4b4: {  	v13 =	vld [tilespmem:s2+$0x6780];
	[tilespmem:s0+$0xE8A0] =	vst v14  }
0x4b5: {  	v14 =	vld [tilespmem:s4+$0x6780];
	[tilespmem:s0+$0xE920] =	vst v15  }
0x4b6: {  	v15 =	vld [tilespmem:s5+$0x6780];
	[tilespmem:s14+$0xE780] =	vst v11  }
0x4b7: {  	v11 =	vld [tilespmem:s6+$0x6780];
	[tilespmem:s16+$0xE780] =	vst v10  }
0x4b8: {  	v10 =	vld [tilespmem:s9+$0x6780];
	[tilespmem:s19+$0xE780] =	vst v7  }
0x4b9: {  	v16 =	vld [tilespmem:s7+$0x6780];
	[tilespmem:s20+$0xE780] =	vst v9  }
0x4ba: {  	v17 =	vld [tilespmem:s8+$0x6780];
	[tilespmem:s0+$0xE7B0] =	vst v8  }
0x4bb: {  	v18 =	vld [tilespmem:s0+$0x6780];
	[tilespmem:s0+$0xE830] =	vst v6  }
0x4bc: {  	v19 =	vld [tilespmem:s0+$0x6800];
	[tilespmem:s0+$0xE8B0] =	vst v5  }
0x4bd: {  	v20 =	vld [tilespmem:s0+$0x6880];
	[tilespmem:s0+$0xE930] =	vst v4  }
0x4be: {  	v21 =	vld [tilespmem:s0+$0x6900];
	[tilespmem:s13+$0xE780] =	vst v3  }
0x4bf: {  	v22 =	vld [tilespmem:s0+$0x6790];
	[tilespmem:s15+$0xE780] =	vst v2  }
0x4c0: {  	v23 =	vld [tilespmem:s0+$0x6810];
	[tilespmem:s17+$0xE780] =	vst v1  }
0x4c1: {  	v7 =	vld [tilespmem:s0+$0x6890];
	[tilespmem:s18+$0xE780] =	vst v0  }
0x4c2: {  	v9 =	vld [tilespmem:s0+$0x6910]  }
0x4c3: {  	v3 =	vld.idx.msk [tilespmem:v12+s3+$0x0], $0xffff  }
0x4c4: {  	v2 =	vld.idx.msk [tilespmem:v13+s3+$0x0], $0xffff  }
0x4c5: {  	v1 =	vld.idx.msk [tilespmem:v14+s3+$0x0], $0xffff  }
0x4c6: {  	v0 =	vld.idx.msk [tilespmem:v15+s3+$0x0], $0xffff  }
0x4c7: {  	v8 =	vld.idx.msk [tilespmem:v11+s3+$0x0], $0xffff  }
0x4c8: {  	v6 =	vld.idx.msk [tilespmem:v10+s3+$0x0], $0xffff  }
0x4c9: {  	v5 =	vld.idx.msk [tilespmem:v16+s3+$0x0], $0xffff  }
0x4ca: {  	v4 =	vld.idx.msk [tilespmem:v17+s3+$0x0], $0xffff  }
0x4cb: {  	v12 =	vld.idx.msk [tilespmem:v18+s3+$0x0], $0xffff  }
.Ltmp7:
0x4cc: {  	v13 =	vld.idx.msk [tilespmem:v19+s3+$0x0], $0xffff;
	(pc) =	sbr.rel @p1 .LBB2_16-.Ltmp7, $4  }
0x4cd: {  	v14 =	vld.idx.msk [tilespmem:v20+s3+$0x0], $0xffff  }
0x4ce: {  	v15 =	vld.idx.msk [tilespmem:v21+s3+$0x0], $0xffff  }
0x4cf: {  	v11 =	vld.idx.msk [tilespmem:v22+s3+$0x0], $0xffff  }
0x4d0: {  	s12 =	sadd.s32 $0x40, s12;
	s11 =	sadd.s32 $0x200, s11;
	v10 =	vld.idx.msk [tilespmem:v23+s3+$0x0], $0xffff  }
0x4d1: {  	_ =	sdelay $0x3  }
0x4d2: {  	v7 =	vld.idx.msk [tilespmem:v7+s3+$0x0], $0xffff  }
0x4d3: {  	v9 =	vld.idx.msk [tilespmem:v9+s3+$0x0], $0xffff;
	[tilespmem:s0+$0xE780] =	vst v12  }
0x4d4: {  	[tilespmem:s0+$0xE800] =	vst v13  }
0x4d5: {  	[tilespmem:s0+$0xE880] =	vst v14  }
0x4d6: {  	[tilespmem:s0+$0xE900] =	vst v15  }
0x4d7: {  	[tilespmem:s6+$0xE780] =	vst v8  }
0x4d8: {  	[tilespmem:s9+$0xE780] =	vst v6  }
0x4d9: {  	[tilespmem:s7+$0xE780] =	vst v5  }
0x4da: {  	[tilespmem:s8+$0xE780] =	vst v4  }
0x4db: {  	[tilespmem:s0+$0xE790] =	vst v11  }
0x4dc: {  	[tilespmem:s0+$0xE810] =	vst v10  }
0x4dd: {  	[tilespmem:s0+$0xE890] =	vst v7  }
0x4de: {  	[tilespmem:s0+$0xE910] =	vst v9  }
0x4df: {  	[tilespmem:s1+$0xE780] =	vst v3  }
0x4e0: {  	[tilespmem:s2+$0xE780] =	vst v2  }
0x4e1: {  	[tilespmem:s4+$0xE780] =	vst v1  }
0x4e2: {  	[tilespmem:s5+$0xE780] =	vst v0  }
0x4e3: {  	s0 =	rddreg [dreg:$0x13]  }
0x4e4: {  	[hbm4b:s0+s3] =	stream.linear.scatter [tilespmem:s28], [sflag:$0x4], $0x4000, $0x38;
	[tilespmem:$0x12780] =	vst v63  }
0x4e5: {  	_ =	swait.ge [sflag:s29], $0x4000  }
0x4e6: {  	[sflag:s29] =	ssyncset.done $0x0  }
0x4e7: {  	[sflag:s29] =	ssyncadd.s32 $0xFFFFC000  }
0x4e8: {  	_ =	swait.ge [sflag:s30], $0x4000  }
0x4e9: {  	s31 =	sadd.s32 $0x1, s31;
	s25 =	rddreg [dreg:$0x14]  }
0x4ea: {  	p0 =	sne.s32 s31, s25  }
.Ltmp8:
0x4eb: {  	_ = 	snop;
	(pc) =	sbr.rel @p0 .LBB2_1-.Ltmp8, $3  }
0x4ec: {  	_ =	sdelay $0x1  }
0x4ed: {  	[sflag:s30] =	ssyncset.done $0x0  }
0x4ee: {  	[sflag:s30] =	ssyncadd.s32 $0xFFFFC000  }
0x4ef: {  	_ =	sfence.sel $0x180000  }
0x4f0: {  	[bflag:$0x0] =	sbarrier.arrive $0xFFFF  }
0x4f1: {  	_ =	strace $0x90000047  }
0x4f2: {  	s0 =	stileid.u32;
	[bflag:$0x2] =	sbarrier.arrive $0xFFFF  }
0x4f3: {  	p0 =	sne.s32 s0, $0x0;
	s0 =	rddreg [dreg:$0x3]  }
0x4f4: {  	s0 =	sadd.s32 @!p0 $0x100000, s0  }
0x4f5: {  	[sflag:s0] =	ssyncadd.tile.s32 @!p0 $0x1;
	_ =	shalt  }
.Lfunc_end2:
_tile_overlayer_lowered:
.L_overlay_start_2:
0x4f6: {  	(tag) =	ssettag $0x2  }
0x4f7: {  	s0 =	rddreg [dreg:$0x0];
	s2 =	stileid.u32  }
0x4f8: {  	s1 =	rddreg [dreg:$0x1];
	p0 =	sne.s32 s2, $0x0  }
0x4f9: {  	s3 =	rddreg [dreg:$0x2];
	[bflag:$0x3] =	sbarrier.arrive $0xFFFF;
	s2 =	simm.s32 @!p0 $0x1C05  }
0x4fa: {  	[timem:s3], [sflag:s2] =	dma.local @!p0 [hbm:s0], s1  }
0x4fb: {  	s0 =	simm.s32 @!p0 $0x5  }
0x4fc: {  	_ =	swait.ge @!p0 [sflag:s0], s1  }
0x4fd: {  	s1 =	ssub.s32 @!p0 $0x0, s1;
	[sflag:s0] =	ssyncset.done @!p0 $0x0  }
0x4fe: {  	[sflag:s0] =	ssyncadd.s32 @!p0 s1  }
0x4ff: {  	[bflag:$0x3] =	sbarrier.arrive $0xFFFF  }
0x500: {  	_ =	shalt  }

</sc_bundles>
